<compile_context>
chip_gen: v7x
topology: tpu7x:2x2x1
jax: 0.10.2.dev20260603
libtpu: 0.0.44.dev20260713+nightly
codegen_flags: <defaults>
</compile_context>

<pallas_src>
import functools

import jax
import jax.numpy as jnp
from jax import lax
from jax.experimental import pallas as pl
from jax.experimental.pallas import tpu as pltpu
from jax.experimental.pallas import tpu_sc as plsc

L = 16
NC = 2
NS = 16
NW = NC * NS
CH = 128
K = 8


def _mesh():
    return plsc.VectorSubcoreMesh(
        core_axis_name="c", subcore_axis_name="s", num_cores=NC, num_subcores=NS)


_SC_PARAMS = pltpu.CompilerParams(use_tc_tiling_on_sc=False)


def _make_deg(n, nchunk):
    rpt = n // NS

    @functools.partial(
        pl.kernel,
        mesh=_mesh(),
        out_type=jax.ShapeDtypeStruct((NC, n, L), jnp.float32),
        scratch_types=[
            pltpu.VMEM((nchunk, CH), jnp.int32),
            pltpu.VMEM((rpt, L), jnp.float32),
            pltpu.VMEM_SHARED((n + CH, L), jnp.float32),
            pltpu.SemaphoreType.DMA,
        ],
        compiler_params=_SC_PARAMS,
    )
    def deg_kernel(dst_hbm, out_hbm, idx_v, ones_v, acc_sh, sem):
        c = lax.axis_index("c")
        s = lax.axis_index("s")
        w = s * NC + c

        def fill(i, _):
            ones_v[i] = jnp.full((L,), 1.0, jnp.float32)
            return 0

        lax.fori_loop(0, rpt, fill, 0)
        pltpu.sync_copy(dst_hbm.at[w], idx_v)
        pltpu.sync_copy(ones_v, acc_sh.at[pl.ds(s * rpt, rpt)])
        plsc.subcore_barrier()

        def fire(j, _):
            pltpu.async_copy(ones_v.at[pl.ds(0, CH)], acc_sh.at[idx_v.at[j]],
                             sem, add=True)
            return 0

        lax.fori_loop(0, nchunk, fire, 0)

        def drain(j, _):
            pltpu.make_async_copy(ones_v.at[pl.ds(0, CH)],
                                  acc_sh.at[idx_v.at[j]], sem).wait()
            return 0

        lax.fori_loop(0, nchunk, drain, 0)
        plsc.subcore_barrier()
        pltpu.sync_copy(acc_sh.at[pl.ds(s * rpt, rpt)],
                        out_hbm.at[c, pl.ds(s * rpt, rpt)])

    return deg_kernel


def _make_agg(n, nchunk):
    rpt = n // NS
    ngroups = nchunk // K
    assert nchunk % K == 0 and ngroups % 2 == 0

    @functools.partial(
        pl.kernel,
        mesh=_mesh(),
        out_type=jax.ShapeDtypeStruct((NC, n, L), jnp.float32),
        scratch_types=[
            pltpu.VMEM((nchunk, CH), jnp.int32),
            pltpu.VMEM((nchunk, CH), jnp.int32),
            pltpu.VMEM((2, K, CH, L), jnp.float32),
            pltpu.VMEM((rpt, L), jnp.float32),
            pltpu.VMEM_SHARED((n + CH, L), jnp.float32),
            pltpu.SemaphoreType.DMA,
            pltpu.SemaphoreType.DMA,
            pltpu.SemaphoreType.DMA,
            pltpu.SemaphoreType.DMA,
        ],
        compiler_params=_SC_PARAMS,
    )
    def agg_kernel(src_hbm, dst_hbm, hp_hbm, out_hbm,
                   sidx_v, didx_v, rows_v, init_v, acc_sh,
                   gsem0, gsem1, ssem0, ssem1):
        c = lax.axis_index("c")
        s = lax.axis_index("s")
        w = s * NC + c
        gsem = (gsem0, gsem1)
        ssem = (ssem0, ssem1)

        pltpu.sync_copy(src_hbm.at[w], sidx_v)
        pltpu.sync_copy(dst_hbm.at[w], didx_v)
        pltpu.sync_copy(hp_hbm.at[pl.ds(s * rpt, rpt)], init_v)
        pltpu.sync_copy(init_v, acc_sh.at[pl.ds(s * rpt, rpt)])
        plsc.subcore_barrier()

        for b in range(K):
            pltpu.async_copy(hp_hbm.at[sidx_v.at[b]], rows_v.at[0, b], gsem[0])

        def half(g, p):
            q = 1 - p

            @pl.when(g >= 1)
            def _():
                for b in range(K):
                    pltpu.make_async_copy(
                        rows_v.at[q, b], acc_sh.at[didx_v.at[(g - 1) * K + b]],
                        ssem[q]).wait()

            @pl.when(g + 1 < ngroups)
            def _():
                for b in range(K):
                    pltpu.async_copy(hp_hbm.at[sidx_v.at[(g + 1) * K + b]],
                                     rows_v.at[q, b], gsem[q])

            for b in range(K):
                pltpu.make_async_copy(hp_hbm.at[sidx_v.at[g * K + b]],
                                      rows_v.at[p, b], gsem[p]).wait()
            for b in range(K):
                pltpu.async_copy(rows_v.at[p, b],
                                 acc_sh.at[didx_v.at[g * K + b]],
                                 ssem[p], add=True)

        def pair(g2, _):
            half(2 * g2, 0)
            half(2 * g2 + 1, 1)
            return 0

        lax.fori_loop(0, ngroups // 2, pair, 0)
        for b in range(K):
            pltpu.make_async_copy(
                rows_v.at[1, b], acc_sh.at[didx_v.at[(ngroups - 1) * K + b]],
                ssem[1]).wait()
        plsc.subcore_barrier()
        pltpu.sync_copy(acc_sh.at[pl.ds(s * rpt, rpt)],
                        out_hbm.at[c, pl.ds(s * rpt, rpt)])

    return agg_kernel


def _dense1_body(xp_ref, w1s_ref, dega_ref, dinv_ref, hp_ref):
    deg = dega_ref[0] + dega_ref[1] - 1.0
    dinv = lax.rsqrt(deg)
    h = jnp.dot(xp_ref[...], w1s_ref[...], preferred_element_type=jnp.float32)
    dinv_ref[...] = dinv
    hp_ref[...] = h * dinv


def _dense2_body(acc_ref, hp_ref, dinv_ref, b1_ref, w2bd_ref, hp2_ref):
    agg = acc_ref[0] + acc_ref[1] - hp_ref[...]
    out1 = jnp.maximum(dinv_ref[...] * agg + b1_ref[...], 0.0)
    hp2_ref[...] = jnp.dot(out1, w2bd_ref[...],
                           preferred_element_type=jnp.float32) * dinv_ref[...]


def _dense3_body(c, acc_ref, hp2_ref, dinv_ref, b2_ref, out_ref):
    t = dinv_ref[...] * (acc_ref[0] + acc_ref[1] - hp2_ref[...])
    t3 = t.reshape(t.shape[0], 8, L)[:, :, :c]
    logits = t3 + b2_ref[...].reshape(1, 1, c)
    m = jnp.max(logits, axis=2, keepdims=True)
    lse = jnp.log(jnp.sum(jnp.exp(logits - m), axis=2, keepdims=True)) + m
    out_ref[...] = (logits - lse).reshape(t.shape[0], 8 * c)


def kernel(x, edge_index, W1, b1, W2, b2):
    n, d = x.shape
    h = W1.shape[1]
    c = W2.shape[1]
    e = edge_index.shape[1]
    assert h == L and n % NS == 0 and n % 8 == 0

    nchunk = -(-e // (NW * CH * K)) * K
    ep = nchunk * CH * NW
    pad_ar = jnp.arange(ep - e, dtype=jnp.int32)
    src_pad = jnp.minimum(pad_ar & 8191, n - 1)
    src = jnp.concatenate(
        [edge_index[0], src_pad]).reshape(NW, nchunk, CH)
    dst = jnp.concatenate(
        [edge_index[1], n + (pad_ar & (CH - 1))]).reshape(NW, nchunk, CH)

    deg_call = _make_deg(n, nchunk)
    agg_call = _make_agg(n, nchunk)

    dega = deg_call(dst)

    rp = n // 8
    f32 = jnp.float32
    eye8 = jnp.eye(8, dtype=f32)
    w1s = (eye8[:, None, :, None] * W1[None, :, None, :]).reshape(8 * d, 128)
    w2p = jnp.pad(W2, ((0, 0), (0, L - c)))
    w2bd = (eye8[:, None, :, None] * w2p[None, :, None, :]).reshape(128, 128)
    xp = x.reshape(rp, 8 * d)
    b1t = jnp.tile(b1, 8).reshape(1, 128)

    dinvp, hpp = pl.pallas_call(
        _dense1_body,
        out_shape=(jax.ShapeDtypeStruct((rp, 128), f32),
                   jax.ShapeDtypeStruct((rp, 128), f32)),
    )(xp, w1s, dega.reshape(NC, rp, 128))

    acc1 = agg_call(src, dst, hpp.reshape(n, L))

    hp2p = pl.pallas_call(
        _dense2_body,
        out_shape=jax.ShapeDtypeStruct((rp, 128), f32),
    )(acc1.reshape(NC, rp, 128), hpp, dinvp, b1t, w2bd)

    acc2 = agg_call(src, dst, hp2p.reshape(n, L))

    outp = pl.pallas_call(
        functools.partial(_dense3_body, c),
        out_shape=jax.ShapeDtypeStruct((rp, 8 * c), f32),
    )(acc2.reshape(NC, rp, 128), hp2p, dinvp, b2.reshape(1, c))
    return outp.reshape(n, c)

# --- scband reference (transcript-rebuilt; emitter-appended) ---
"""Pipeline reference for scband-net-11527692222534 (READ-ONLY COPY).

The authoritative reference and input builder live on the scoring server;
editing this copy changes nothing except your own understanding.
"""

import jax, jax.numpy as jnp
import numpy as np

N = 10000
E = 320000
D = 128
H = 16
C = 8


def setup_inputs(seed: int = 0) -> dict:
    key = jax.random.key(seed)
    k1, k2, k3, k4 = jax.random.split(key, 4)
    x = jax.random.normal(k1, (N, D), dtype=jnp.float32)
    edge_index = jax.random.randint(k2, (2, E), 0, N, dtype=jnp.int32)
    W1 = jax.random.normal(k3, (D, H), dtype=jnp.float32) * (1.0 / np.sqrt(D))
    b1 = jnp.zeros((H,), dtype=jnp.float32)
    W2 = jax.random.normal(k4, (H, C), dtype=jnp.float32) * (1.0 / np.sqrt(H))
    b2 = jnp.zeros((C,), dtype=jnp.float32)
    return {"x": x, "edge_index": edge_index, "W1": W1, "b1": b1, "W2": W2, "b2": b2}


def gcn_layer(x, edge_index, W, b):
    # Faithful GCNConv: add self-loops, symmetric normalization D^-1/2 (A+I) D^-1/2,
    # linear transform, scatter-add aggregation, bias.
    n = x.shape[0]
    loops = jnp.arange(n, dtype=edge_index.dtype)
    src = jnp.concatenate([edge_index[0], loops])
    dst = jnp.concatenate([edge_index[1], loops])
    deg = jax.ops.segment_sum(jnp.ones(src.shape[0], dtype=x.dtype), dst, num_segments=n)
    dinv = jnp.where(deg > 0, deg ** -0.5, 0.0)
    norm = dinv[src] * dinv[dst]
    h = x @ W
    msg = h[src] * norm[:, None]
    out = jax.ops.segment_sum(msg, dst, num_segments=n)
    return out + b


def reference(x, edge_index, W1, b1, W2, b2):
    h = gcn_layer(x, edge_index, W1, b1)
    h = jax.nn.relu(h)
    # dropout is identity in eval mode (training=False)
    h = gcn_layer(h, edge_index, W2, b2)
    return jax.nn.log_softmax(h, axis=1)

if __name__ == "__main__":
    import jax
    _d = setup_inputs()
    print(jax.jit(kernel)(*tuple(_d.values())))

</pallas_src>

<mosaic_0001>
#map = affine_map<(d0, d1) -> (0, 0, 0)>
module attributes {stable_mosaic.version = 14 : i64} {
  func.func @deg_kernel(%arg0: i32, %arg1: i32, %arg2: memref<32x80x128xi32, #tpu.memory_space<hbm>>, %arg3: memref<2x10000x16xf32, #tpu.memory_space<hbm>>, %arg4: memref<80x128xi32, #tpu.memory_space<vmem>>, %arg5: memref<625x16xf32, #tpu.memory_space<vmem>>, %arg6: memref<10128x16xf32, #tpu.memory_space<vmem_shared>>, %arg7: memref<!tpu.dma_semaphore, #tpu.memory_space<semaphore_mem>>) attributes {dimension_semantics = [#tpu.dimension_semantics<core_parallel>, #tpu.dimension_semantics<subcore_parallel>], iteration_bounds = array<i64: 2, 16>, scalar_prefetch = 0 : i64, scratch_operands = 4 : i64, tpu.core_type = #tpu.core_type<sc_vector_subcore>, window_params = [{transform_indices = #map}, {transform_indices = #map}]} {
    %mul3A = arith.constant 2 : i32
    %mul3A_0 = arith.muli %arg1, %mul3A : i32
    %add3A = arith.addi %mul3A_0, %arg0 : i32
    %scan3A = arith.constant 0 : i32
    %scan3A_1 = arith.constant 0 : i32
    %scan3A_2 = arith.constant 625 : i32
    %scan3A_3 = arith.addi %scan3A_1, %scan3A_2 : i32
    %scan3A_4 = arith.constant 1 : i32
    %scan3A_5 = scf.for %scan3A_28 = %scan3A_1 to %scan3A_3 step %scan3A_4 iter_args(%scan3A_29 = %scan3A) -> (i32)  : i32 {
      %broadcast_in_dim3A = arith.constant 1.000000e+00 : f32
      %broadcast_in_dim3A_30 = vector.broadcast %broadcast_in_dim3A : f32 to vector<16xf32>
      %swap3A = arith.index_cast %scan3A_28 : i32 to index
      %swap3A_31 = arith.constant 0 : index
      %swap3A_32 = tpu.vector_load %arg5[%swap3A, %swap3A_31] {strides = array<i32>} : memref<625x16xf32, #tpu.memory_space<vmem>>, vector<1x16xf32>,
      %swap3A_33 = vector.shape_cast %swap3A_32 : vector<1x16xf32> to vector<16xf32>
      %swap3A_34 = vector.shape_cast %broadcast_in_dim3A_30 : vector<16xf32> to vector<1x16xf32>
      tpu.vector_store %arg5[%swap3A, %swap3A_31], %swap3A_34 {strides = array<i32>} : memref<625x16xf32, #tpu.memory_space<vmem>>, vector<1x16xf32>,
      %scan3A_35 = arith.constant 0 : i32
      scf.yield %scan3A_35 : i32
    }
    %scan3A_6 = arith.constant 625 : i32
    "tpu.region"() ({
      %run_scoped3A = tpu.sem_alloc : memref<!tpu.dma_semaphore, #tpu.memory_space<semaphore_mem>>
      %dma_start3A = arith.constant 0 : i32
      %dma_start3A_28 = arith.constant 0 : i32
      %dma_start3A_29 = tpu.memref_slice %arg2[%add3A, %dma_start3A, %dma_start3A_28] : memref<32x80x128xi32, #tpu.memory_space<hbm>> -> memref<1x80x128xi32, #tpu.memory_space<hbm>>
      %dma_start3A_30 = tpu.memref_squeeze %dma_start3A_29 : memref<1x80x128xi32, #tpu.memory_space<hbm>> -> memref<80x128xi32, #tpu.memory_space<hbm>>
      %dma_start3A_31 = arith.constant 0 : i32
      %dma_start3A_32 = arith.constant 0 : i32
      %dma_start3A_33 = tpu.memref_slice %arg2[%add3A, %dma_start3A_31, %dma_start3A_32] : memref<32x80x128xi32, #tpu.memory_space<hbm>> -> memref<1x80x128xi32, #tpu.memory_space<hbm>>
      %dma_start3A_34 = tpu.memref_squeeze %dma_start3A_33 : memref<1x80x128xi32, #tpu.memory_space<hbm>> -> memref<80x128xi32, #tpu.memory_space<hbm>>
      tpu.enqueue_dma source(%dma_start3A_34 : memref<80x128xi32, #tpu.memory_space<hbm>>) target(%arg4 : memref<80x128xi32, #tpu.memory_space<vmem>>) target_semaphore(%run_scoped3A : memref<!tpu.dma_semaphore, #tpu.memory_space<semaphore_mem>>)
      %dma_wait3A = arith.constant 0 : i32
      %dma_wait3A_35 = arith.constant 0 : i32
      %dma_wait3A_36 = tpu.memref_slice %arg2[%add3A, %dma_wait3A, %dma_wait3A_35] : memref<32x80x128xi32, #tpu.memory_space<hbm>> -> memref<1x80x128xi32, #tpu.memory_space<hbm>>
      %dma_wait3A_37 = tpu.memref_squeeze %dma_wait3A_36 : memref<1x80x128xi32, #tpu.memory_space<hbm>> -> memref<80x128xi32, #tpu.memory_space<hbm>>
      %dma_wait3A_38 = arith.constant 0 : i32
      %dma_wait3A_39 = arith.constant 0 : i32
      %dma_wait3A_40 = tpu.memref_slice %arg2[%add3A, %dma_wait3A_38, %dma_wait3A_39] : memref<32x80x128xi32, #tpu.memory_space<hbm>> -> memref<1x80x128xi32, #tpu.memory_space<hbm>>
      %dma_wait3A_41 = tpu.memref_squeeze %dma_wait3A_40 : memref<1x80x128xi32, #tpu.memory_space<hbm>> -> memref<80x128xi32, #tpu.memory_space<hbm>>
      tpu.wait_dma2 semaphore(%run_scoped3A : memref<!tpu.dma_semaphore, #tpu.memory_space<semaphore_mem>>) src(%dma_wait3A_41 : memref<80x128xi32, #tpu.memory_space<hbm>>) dst(%arg4 : memref<80x128xi32, #tpu.memory_space<vmem>>)
      tpu.yield
    }) : () -> ()
    %mul3A_7 = arith.constant 625 : i32
    %mul3A_8 = arith.muli %arg1, %mul3A_7 : i32
    "tpu.region"() ({
      %run_scoped3A = tpu.sem_alloc : memref<!tpu.dma_semaphore, #tpu.memory_space<semaphore_mem>>
      %dma_start3A = arith.constant 0 : i32
      %dma_start3A_28 = tpu.memref_slice %arg6[%mul3A_8, %dma_start3A] : memref<10128x16xf32, #tpu.memory_space<vmem_shared>> -> memref<625x16xf32, #tpu.memory_space<vmem_shared>>
      %dma_start3A_29 = arith.constant 0 : i32
      %dma_start3A_30 = tpu.memref_slice %arg6[%mul3A_8, %dma_start3A_29] : memref<10128x16xf32, #tpu.memory_space<vmem_shared>> -> memref<625x16xf32, #tpu.memory_space<vmem_shared>>
      tpu.enqueue_dma source(%arg5 : memref<625x16xf32, #tpu.memory_space<vmem>>) target(%dma_start3A_30 : memref<625x16xf32, #tpu.memory_space<vmem_shared>>) target_semaphore(%run_scoped3A : memref<!tpu.dma_semaphore, #tpu.memory_space<semaphore_mem>>)
      %dma_wait3A = arith.constant 0 : i32
      %dma_wait3A_31 = tpu.memref_slice %arg6[%mul3A_8, %dma_wait3A] : memref<10128x16xf32, #tpu.memory_space<vmem_shared>> -> memref<625x16xf32, #tpu.memory_space<vmem_shared>>
      %dma_wait3A_32 = arith.constant 0 : i32
      %dma_wait3A_33 = tpu.memref_slice %arg6[%mul3A_8, %dma_wait3A_32] : memref<10128x16xf32, #tpu.memory_space<vmem_shared>> -> memref<625x16xf32, #tpu.memory_space<vmem_shared>>
      tpu.wait_dma2 semaphore(%run_scoped3A : memref<!tpu.dma_semaphore, #tpu.memory_space<semaphore_mem>>) src(%arg5 : memref<625x16xf32, #tpu.memory_space<vmem>>) dst(%dma_wait3A_33 : memref<625x16xf32, #tpu.memory_space<vmem_shared>>)
      tpu.yield
    }) : () -> ()
    %barrier3A = arith.constant 0 : index
    tpu.barrier barrier_id(%barrier3A)
    %scan3A_9 = arith.constant 0 : i32
    %scan3A_10 = arith.constant 0 : i32
    %scan3A_11 = arith.constant 80 : i32
    %scan3A_12 = arith.addi %scan3A_10, %scan3A_11 : i32
    %scan3A_13 = arith.constant 1 : i32
    %scan3A_14 = scf.for %scan3A_28 = %scan3A_10 to %scan3A_12 step %scan3A_13 iter_args(%scan3A_29 = %scan3A_9) -> (i32)  : i32 {
      %dma_start3A = arith.constant 0 : i32
      %dma_start3A_30 = arith.constant 0 : i32
      %dma_start3A_31 = tpu.memref_slice %arg5[%dma_start3A, %dma_start3A_30] : memref<625x16xf32, #tpu.memory_space<vmem>> -> memref<128x16xf32, #tpu.memory_space<vmem>>
      %dma_start3A_32 = arith.constant 0 : i32
      %dma_start3A_33 = tpu.memref_slice %arg4[%scan3A_28, %dma_start3A_32] : memref<80x128xi32, #tpu.memory_space<vmem>> -> memref<1x128xi32, #tpu.memory_space<vmem>>
      %dma_start3A_34 = tpu.memref_squeeze %dma_start3A_33 : memref<1x128xi32, #tpu.memory_space<vmem>> -> memref<128xi32, #tpu.memory_space<vmem>>
      %dma_start3A_35 = arith.constant 0 : i32
      %dma_start3A_36 = arith.constant 0 : i32
      %dma_start3A_37 = tpu.memref_slice %arg6[%dma_start3A_35, %dma_start3A_36] : memref<10128x16xf32, #tpu.memory_space<vmem_shared>> -> memref<10128x16xf32, #tpu.memory_space<vmem_shared>>
      tpu.enqueue_indirect_dma source(%dma_start3A_31 : memref<128x16xf32, #tpu.memory_space<vmem>>) target(%dma_start3A_37 : memref<10128x16xf32, #tpu.memory_space<vmem_shared>>) offsets(%dma_start3A_34 : memref<128xi32, #tpu.memory_space<vmem>>) semaphore(%arg7 : memref<!tpu.dma_semaphore, #tpu.memory_space<semaphore_mem>>) {add = true}
      %scan3A_38 = arith.constant 0 : i32
      scf.yield %scan3A_38 : i32
    }
    %scan3A_15 = arith.constant 80 : i32
    %scan3A_16 = arith.constant 0 : i32
    %scan3A_17 = arith.constant 0 : i32
    %scan3A_18 = arith.constant 80 : i32
    %scan3A_19 = arith.addi %scan3A_17, %scan3A_18 : i32
    %scan3A_20 = arith.constant 1 : i32
    %scan3A_21 = scf.for %scan3A_28 = %scan3A_17 to %scan3A_19 step %scan3A_20 iter_args(%scan3A_29 = %scan3A_16) -> (i32)  : i32 {
      %dma_wait3A = arith.constant 0 : i32
      %dma_wait3A_30 = arith.constant 0 : i32
      %dma_wait3A_31 = tpu.memref_slice %arg5[%dma_wait3A, %dma_wait3A_30] : memref<625x16xf32, #tpu.memory_space<vmem>> -> memref<128x16xf32, #tpu.memory_space<vmem>>
      %dma_wait3A_32 = arith.constant 0 : i32
      %dma_wait3A_33 = tpu.memref_slice %arg4[%scan3A_28, %dma_wait3A_32] : memref<80x128xi32, #tpu.memory_space<vmem>> -> memref<1x128xi32, #tpu.memory_space<vmem>>
      %dma_wait3A_34 = tpu.memref_squeeze %dma_wait3A_33 : memref<1x128xi32, #tpu.memory_space<vmem>> -> memref<128xi32, #tpu.memory_space<vmem>>
      %dma_wait3A_35 = arith.constant 0 : i32
      %dma_wait3A_36 = arith.constant 0 : i32
      %dma_wait3A_37 = tpu.memref_slice %arg6[%dma_wait3A_35, %dma_wait3A_36] : memref<10128x16xf32, #tpu.memory_space<vmem_shared>> -> memref<10128x16xf32, #tpu.memory_space<vmem_shared>>
      tpu.wait_indirect_dma semaphore(%arg7 : memref<!tpu.dma_semaphore, #tpu.memory_space<semaphore_mem>>) src(%dma_wait3A_31 : memref<128x16xf32, #tpu.memory_space<vmem>>) dst(%dma_wait3A_37 : memref<10128x16xf32, #tpu.memory_space<vmem_shared>>)
      %scan3A_38 = arith.constant 0 : i32
      scf.yield %scan3A_38 : i32
    }
    %scan3A_22 = arith.constant 80 : i32
    %barrier3A_23 = arith.constant 0 : index
    tpu.barrier barrier_id(%barrier3A_23)
    %mul3A_24 = arith.constant 625 : i32
    %mul3A_25 = arith.muli %arg1, %mul3A_24 : i32
    %mul3A_26 = arith.constant 625 : i32
    %mul3A_27 = arith.muli %arg1, %mul3A_26 : i32
    "tpu.region"() ({
      %run_scoped3A = tpu.sem_alloc : memref<!tpu.dma_semaphore, #tpu.memory_space<semaphore_mem>>
      %dma_start3A = arith.constant 0 : i32
      %dma_start3A_28 = tpu.memref_slice %arg3[%arg0, %mul3A_27, %dma_start3A] : memref<2x10000x16xf32, #tpu.memory_space<hbm>> -> memref<1x625x16xf32, #tpu.memory_space<hbm>>
      %dma_start3A_29 = tpu.memref_squeeze %dma_start3A_28 : memref<1x625x16xf32, #tpu.memory_space<hbm>> -> memref<625x16xf32, #tpu.memory_space<hbm>>
      %dma_start3A_30 = arith.constant 0 : i32
      %dma_start3A_31 = tpu.memref_slice %arg6[%mul3A_25, %dma_start3A_30] : memref<10128x16xf32, #tpu.memory_space<vmem_shared>> -> memref<625x16xf32, #tpu.memory_space<vmem_shared>>
      tpu.enqueue_dma source(%dma_start3A_31 : memref<625x16xf32, #tpu.memory_space<vmem_shared>>) target(%dma_start3A_29 : memref<625x16xf32, #tpu.memory_space<hbm>>) target_semaphore(%run_scoped3A : memref<!tpu.dma_semaphore, #tpu.memory_space<semaphore_mem>>)
      %dma_wait3A = arith.constant 0 : i32
      %dma_wait3A_32 = tpu.memref_slice %arg3[%arg0, %mul3A_27, %dma_wait3A] : memref<2x10000x16xf32, #tpu.memory_space<hbm>> -> memref<1x625x16xf32, #tpu.memory_space<hbm>>
      %dma_wait3A_33 = tpu.memref_squeeze %dma_wait3A_32 : memref<1x625x16xf32, #tpu.memory_space<hbm>> -> memref<625x16xf32, #tpu.memory_space<hbm>>
      %dma_wait3A_34 = arith.constant 0 : i32
      %dma_wait3A_35 = tpu.memref_slice %arg6[%mul3A_25, %dma_wait3A_34] : memref<10128x16xf32, #tpu.memory_space<vmem_shared>> -> memref<625x16xf32, #tpu.memory_space<vmem_shared>>
      tpu.wait_dma2 semaphore(%run_scoped3A : memref<!tpu.dma_semaphore, #tpu.memory_space<semaphore_mem>>) src(%dma_wait3A_35 : memref<625x16xf32, #tpu.memory_space<vmem_shared>>) dst(%dma_wait3A_33 : memref<625x16xf32, #tpu.memory_space<hbm>>)
      tpu.yield
    }) : () -> ()
    return
  }
}

#map = affine_map<(d0, d1) -> (0, 0, 0)>
#map1 = affine_map<(d0, d1) -> (0, 0)>
module attributes {stable_mosaic.version = 14 : i64} {
  func.func @agg_kernel(%arg0: i32, %arg1: i32, %arg2: memref<32x80x128xi32, #tpu.memory_space<hbm>>, %arg3: memref<32x80x128xi32, #tpu.memory_space<hbm>>, %arg4: memref<10000x16xf32, #tpu.memory_space<hbm>>, %arg5: memref<2x10000x16xf32, #tpu.memory_space<hbm>>, %arg6: memref<80x128xi32, #tpu.memory_space<vmem>>, %arg7: memref<80x128xi32, #tpu.memory_space<vmem>>, %arg8: memref<2x8x128x16xf32, #tpu.memory_space<vmem>>, %arg9: memref<625x16xf32, #tpu.memory_space<vmem>>, %arg10: memref<10128x16xf32, #tpu.memory_space<vmem_shared>>, %arg11: memref<!tpu.dma_semaphore, #tpu.memory_space<semaphore_mem>>, %arg12: memref<!tpu.dma_semaphore, #tpu.memory_space<semaphore_mem>>, %arg13: memref<!tpu.dma_semaphore, #tpu.memory_space<semaphore_mem>>, %arg14: memref<!tpu.dma_semaphore, #tpu.memory_space<semaphore_mem>>) attributes {dimension_semantics = [#tpu.dimension_semantics<core_parallel>, #tpu.dimension_semantics<subcore_parallel>], iteration_bounds = array<i64: 2, 16>, scalar_prefetch = 0 : i64, scratch_operands = 9 : i64, tpu.core_type = #tpu.core_type<sc_vector_subcore>, window_params = [{transform_indices = #map}, {transform_indices = #map}, {transform_indices = #map1}, {transform_indices = #map}]} {
    %mul3A = arith.constant 2 : i32
    %mul3A_0 = arith.muli %arg1, %mul3A : i32
    %add3A = arith.addi %mul3A_0, %arg0 : i32
    "tpu.region"() ({
      %run_scoped3A = tpu.sem_alloc : memref<!tpu.dma_semaphore, #tpu.memory_space<semaphore_mem>>
      %dma_start3A_222 = arith.constant 0 : i32
      %dma_start3A_223 = arith.constant 0 : i32
      %dma_start3A_224 = tpu.memref_slice %arg2[%add3A, %dma_start3A_222, %dma_start3A_223] : memref<32x80x128xi32, #tpu.memory_space<hbm>> -> memref<1x80x128xi32, #tpu.memory_space<hbm>>
      %dma_start3A_225 = tpu.memref_squeeze %dma_start3A_224 : memref<1x80x128xi32, #tpu.memory_space<hbm>> -> memref<80x128xi32, #tpu.memory_space<hbm>>
      %dma_start3A_226 = arith.constant 0 : i32
      %dma_start3A_227 = arith.constant 0 : i32
      %dma_start3A_228 = tpu.memref_slice %arg2[%add3A, %dma_start3A_226, %dma_start3A_227] : memref<32x80x128xi32, #tpu.memory_space<hbm>> -> memref<1x80x128xi32, #tpu.memory_space<hbm>>
      %dma_start3A_229 = tpu.memref_squeeze %dma_start3A_228 : memref<1x80x128xi32, #tpu.memory_space<hbm>> -> memref<80x128xi32, #tpu.memory_space<hbm>>
      tpu.enqueue_dma source(%dma_start3A_229 : memref<80x128xi32, #tpu.memory_space<hbm>>) target(%arg6 : memref<80x128xi32, #tpu.memory_space<vmem>>) target_semaphore(%run_scoped3A : memref<!tpu.dma_semaphore, #tpu.memory_space<semaphore_mem>>)
      %dma_wait3A_230 = arith.constant 0 : i32
      %dma_wait3A_231 = arith.constant 0 : i32
      %dma_wait3A_232 = tpu.memref_slice %arg2[%add3A, %dma_wait3A_230, %dma_wait3A_231] : memref<32x80x128xi32, #tpu.memory_space<hbm>> -> memref<1x80x128xi32, #tpu.memory_space<hbm>>
      %dma_wait3A_233 = tpu.memref_squeeze %dma_wait3A_232 : memref<1x80x128xi32, #tpu.memory_space<hbm>> -> memref<80x128xi32, #tpu.memory_space<hbm>>
      %dma_wait3A_234 = arith.constant 0 : i32
      %dma_wait3A_235 = arith.constant 0 : i32
      %dma_wait3A_236 = tpu.memref_slice %arg2[%add3A, %dma_wait3A_234, %dma_wait3A_235] : memref<32x80x128xi32, #tpu.memory_space<hbm>> -> memref<1x80x128xi32, #tpu.memory_space<hbm>>
      %dma_wait3A_237 = tpu.memref_squeeze %dma_wait3A_236 : memref<1x80x128xi32, #tpu.memory_space<hbm>> -> memref<80x128xi32, #tpu.memory_space<hbm>>
      tpu.wait_dma2 semaphore(%run_scoped3A : memref<!tpu.dma_semaphore, #tpu.memory_space<semaphore_mem>>) src(%dma_wait3A_237 : memref<80x128xi32, #tpu.memory_space<hbm>>) dst(%arg6 : memref<80x128xi32, #tpu.memory_space<vmem>>)
      tpu.yield
    }) : () -> ()
    "tpu.region"() ({
      %run_scoped3A = tpu.sem_alloc : memref<!tpu.dma_semaphore, #tpu.memory_space<semaphore_mem>>
      %dma_start3A_222 = arith.constant 0 : i32
      %dma_start3A_223 = arith.constant 0 : i32
      %dma_start3A_224 = tpu.memref_slice %arg3[%add3A, %dma_start3A_222, %dma_start3A_223] : memref<32x80x128xi32, #tpu.memory_space<hbm>> -> memref<1x80x128xi32, #tpu.memory_space<hbm>>
      %dma_start3A_225 = tpu.memref_squeeze %dma_start3A_224 : memref<1x80x128xi32, #tpu.memory_space<hbm>> -> memref<80x128xi32, #tpu.memory_space<hbm>>
      %dma_start3A_226 = arith.constant 0 : i32
      %dma_start3A_227 = arith.constant 0 : i32
      %dma_start3A_228 = tpu.memref_slice %arg3[%add3A, %dma_start3A_226, %dma_start3A_227] : memref<32x80x128xi32, #tpu.memory_space<hbm>> -> memref<1x80x128xi32, #tpu.memory_space<hbm>>
      %dma_start3A_229 = tpu.memref_squeeze %dma_start3A_228 : memref<1x80x128xi32, #tpu.memory_space<hbm>> -> memref<80x128xi32, #tpu.memory_space<hbm>>
      tpu.enqueue_dma source(%dma_start3A_229 : memref<80x128xi32, #tpu.memory_space<hbm>>) target(%arg7 : memref<80x128xi32, #tpu.memory_space<vmem>>) target_semaphore(%run_scoped3A : memref<!tpu.dma_semaphore, #tpu.memory_space<semaphore_mem>>)
      %dma_wait3A_230 = arith.constant 0 : i32
      %dma_wait3A_231 = arith.constant 0 : i32
      %dma_wait3A_232 = tpu.memref_slice %arg3[%add3A, %dma_wait3A_230, %dma_wait3A_231] : memref<32x80x128xi32, #tpu.memory_space<hbm>> -> memref<1x80x128xi32, #tpu.memory_space<hbm>>
      %dma_wait3A_233 = tpu.memref_squeeze %dma_wait3A_232 : memref<1x80x128xi32, #tpu.memory_space<hbm>> -> memref<80x128xi32, #tpu.memory_space<hbm>>
      %dma_wait3A_234 = arith.constant 0 : i32
      %dma_wait3A_235 = arith.constant 0 : i32
      %dma_wait3A_236 = tpu.memref_slice %arg3[%add3A, %dma_wait3A_234, %dma_wait3A_235] : memref<32x80x128xi32, #tpu.memory_space<hbm>> -> memref<1x80x128xi32, #tpu.memory_space<hbm>>
      %dma_wait3A_237 = tpu.memref_squeeze %dma_wait3A_236 : memref<1x80x128xi32, #tpu.memory_space<hbm>> -> memref<80x128xi32, #tpu.memory_space<hbm>>
      tpu.wait_dma2 semaphore(%run_scoped3A : memref<!tpu.dma_semaphore, #tpu.memory_space<semaphore_mem>>) src(%dma_wait3A_237 : memref<80x128xi32, #tpu.memory_space<hbm>>) dst(%arg7 : memref<80x128xi32, #tpu.memory_space<vmem>>)
      tpu.yield
    }) : () -> ()
    %mul3A_1 = arith.constant 625 : i32
    %mul3A_2 = arith.muli %arg1, %mul3A_1 : i32
    "tpu.region"() ({
      %run_scoped3A = tpu.sem_alloc : memref<!tpu.dma_semaphore, #tpu.memory_space<semaphore_mem>>
      %dma_start3A_222 = arith.constant 0 : i32
      %dma_start3A_223 = tpu.memref_slice %arg4[%mul3A_2, %dma_start3A_222] : memref<10000x16xf32, #tpu.memory_space<hbm>> -> memref<625x16xf32, #tpu.memory_space<hbm>>
      %dma_start3A_224 = arith.constant 0 : i32
      %dma_start3A_225 = tpu.memref_slice %arg4[%mul3A_2, %dma_start3A_224] : memref<10000x16xf32, #tpu.memory_space<hbm>> -> memref<625x16xf32, #tpu.memory_space<hbm>>
      tpu.enqueue_dma source(%dma_start3A_225 : memref<625x16xf32, #tpu.memory_space<hbm>>) target(%arg9 : memref<625x16xf32, #tpu.memory_space<vmem>>) target_semaphore(%run_scoped3A : memref<!tpu.dma_semaphore, #tpu.memory_space<semaphore_mem>>)
      %dma_wait3A_226 = arith.constant 0 : i32
      %dma_wait3A_227 = tpu.memref_slice %arg4[%mul3A_2, %dma_wait3A_226] : memref<10000x16xf32, #tpu.memory_space<hbm>> -> memref<625x16xf32, #tpu.memory_space<hbm>>
      %dma_wait3A_228 = arith.constant 0 : i32
      %dma_wait3A_229 = tpu.memref_slice %arg4[%mul3A_2, %dma_wait3A_228] : memref<10000x16xf32, #tpu.memory_space<hbm>> -> memref<625x16xf32, #tpu.memory_space<hbm>>
      tpu.wait_dma2 semaphore(%run_scoped3A : memref<!tpu.dma_semaphore, #tpu.memory_space<semaphore_mem>>) src(%dma_wait3A_229 : memref<625x16xf32, #tpu.memory_space<hbm>>) dst(%arg9 : memref<625x16xf32, #tpu.memory_space<vmem>>)
      tpu.yield
    }) : () -> ()
    %mul3A_3 = arith.constant 625 : i32
    %mul3A_4 = arith.muli %arg1, %mul3A_3 : i32
    "tpu.region"() ({
      %run_scoped3A = tpu.sem_alloc : memref<!tpu.dma_semaphore, #tpu.memory_space<semaphore_mem>>
      %dma_start3A_222 = arith.constant 0 : i32
      %dma_start3A_223 = tpu.memref_slice %arg10[%mul3A_4, %dma_start3A_222] : memref<10128x16xf32, #tpu.memory_space<vmem_shared>> -> memref<625x16xf32, #tpu.memory_space<vmem_shared>>
      %dma_start3A_224 = arith.constant 0 : i32
      %dma_start3A_225 = tpu.memref_slice %arg10[%mul3A_4, %dma_start3A_224] : memref<10128x16xf32, #tpu.memory_space<vmem_shared>> -> memref<625x16xf32, #tpu.memory_space<vmem_shared>>
      tpu.enqueue_dma source(%arg9 : memref<625x16xf32, #tpu.memory_space<vmem>>) target(%dma_start3A_225 : memref<625x16xf32, #tpu.memory_space<vmem_shared>>) target_semaphore(%run_scoped3A : memref<!tpu.dma_semaphore, #tpu.memory_space<semaphore_mem>>)
      %dma_wait3A_226 = arith.constant 0 : i32
      %dma_wait3A_227 = tpu.memref_slice %arg10[%mul3A_4, %dma_wait3A_226] : memref<10128x16xf32, #tpu.memory_space<vmem_shared>> -> memref<625x16xf32, #tpu.memory_space<vmem_shared>>
      %dma_wait3A_228 = arith.constant 0 : i32
      %dma_wait3A_229 = tpu.memref_slice %arg10[%mul3A_4, %dma_wait3A_228] : memref<10128x16xf32, #tpu.memory_space<vmem_shared>> -> memref<625x16xf32, #tpu.memory_space<vmem_shared>>
      tpu.wait_dma2 semaphore(%run_scoped3A : memref<!tpu.dma_semaphore, #tpu.memory_space<semaphore_mem>>) src(%arg9 : memref<625x16xf32, #tpu.memory_space<vmem>>) dst(%dma_wait3A_229 : memref<625x16xf32, #tpu.memory_space<vmem_shared>>)
      tpu.yield
    }) : () -> ()
    %barrier3A = arith.constant 0 : index
    tpu.barrier barrier_id(%barrier3A)
    %dma_start3A = arith.constant 0 : i32
    %dma_start3A_5 = arith.constant 0 : i32
    %dma_start3A_6 = arith.constant 0 : i32
    %dma_start3A_7 = arith.constant 0 : i32
    %dma_start3A_8 = arith.constant 0 : i32
    %dma_start3A_9 = tpu.memref_slice %arg8[%dma_start3A_5, %dma_start3A_6, %dma_start3A_7, %dma_start3A_8] : memref<2x8x128x16xf32, #tpu.memory_space<vmem>> -> memref<1x1x128x16xf32, #tpu.memory_space<vmem>>
    %dma_start3A_10 = tpu.memref_squeeze %dma_start3A_9 : memref<1x1x128x16xf32, #tpu.memory_space<vmem>> -> memref<128x16xf32, #tpu.memory_space<vmem>>
    %dma_start3A_11 = arith.constant 0 : i32
    %dma_start3A_12 = tpu.memref_slice %arg6[%dma_start3A, %dma_start3A_11] : memref<80x128xi32, #tpu.memory_space<vmem>> -> memref<1x128xi32, #tpu.memory_space<vmem>>
    %dma_start3A_13 = tpu.memref_squeeze %dma_start3A_12 : memref<1x128xi32, #tpu.memory_space<vmem>> -> memref<128xi32, #tpu.memory_space<vmem>>
    %dma_start3A_14 = arith.constant 0 : i32
    %dma_start3A_15 = arith.constant 0 : i32
    %dma_start3A_16 = tpu.memref_slice %arg4[%dma_start3A_14, %dma_start3A_15] : memref<10000x16xf32, #tpu.memory_space<hbm>> -> memref<10000x16xf32, #tpu.memory_space<hbm>>
    tpu.enqueue_indirect_dma source(%dma_start3A_16 : memref<10000x16xf32, #tpu.memory_space<hbm>>) target(%dma_start3A_10 : memref<128x16xf32, #tpu.memory_space<vmem>>) offsets(%dma_start3A_13 : memref<128xi32, #tpu.memory_space<vmem>>) semaphore(%arg11 : memref<!tpu.dma_semaphore, #tpu.memory_space<semaphore_mem>>)
    %dma_start3A_17 = arith.constant 1 : i32
    %dma_start3A_18 = arith.constant 0 : i32
    %dma_start3A_19 = arith.constant 1 : i32
    %dma_start3A_20 = arith.constant 0 : i32
    %dma_start3A_21 = arith.constant 0 : i32
    %dma_start3A_22 = tpu.memref_slice %arg8[%dma_start3A_18, %dma_start3A_19, %dma_start3A_20, %dma_start3A_21] : memref<2x8x128x16xf32, #tpu.memory_space<vmem>> -> memref<1x1x128x16xf32, #tpu.memory_space<vmem>>
    %dma_start3A_23 = tpu.memref_squeeze %dma_start3A_22 : memref<1x1x128x16xf32, #tpu.memory_space<vmem>> -> memref<128x16xf32, #tpu.memory_space<vmem>>
    %dma_start3A_24 = arith.constant 0 : i32
    %dma_start3A_25 = tpu.memref_slice %arg6[%dma_start3A_17, %dma_start3A_24] : memref<80x128xi32, #tpu.memory_space<vmem>> -> memref<1x128xi32, #tpu.memory_space<vmem>>
    %dma_start3A_26 = tpu.memref_squeeze %dma_start3A_25 : memref<1x128xi32, #tpu.memory_space<vmem>> -> memref<128xi32, #tpu.memory_space<vmem>>
    %dma_start3A_27 = arith.constant 0 : i32
    %dma_start3A_28 = arith.constant 0 : i32
    %dma_start3A_29 = tpu.memref_slice %arg4[%dma_start3A_27, %dma_start3A_28] : memref<10000x16xf32, #tpu.memory_space<hbm>> -> memref<10000x16xf32, #tpu.memory_space<hbm>>
    tpu.enqueue_indirect_dma source(%dma_start3A_29 : memref<10000x16xf32, #tpu.memory_space<hbm>>) target(%dma_start3A_23 : memref<128x16xf32, #tpu.memory_space<vmem>>) offsets(%dma_start3A_26 : memref<128xi32, #tpu.memory_space<vmem>>) semaphore(%arg11 : memref<!tpu.dma_semaphore, #tpu.memory_space<semaphore_mem>>)
    %dma_start3A_30 = arith.constant 2 : i32
    %dma_start3A_31 = arith.constant 0 : i32
    %dma_start3A_32 = arith.constant 2 : i32
    %dma_start3A_33 = arith.constant 0 : i32
    %dma_start3A_34 = arith.constant 0 : i32
    %dma_start3A_35 = tpu.memref_slice %arg8[%dma_start3A_31, %dma_start3A_32, %dma_start3A_33, %dma_start3A_34] : memref<2x8x128x16xf32, #tpu.memory_space<vmem>> -> memref<1x1x128x16xf32, #tpu.memory_space<vmem>>
    %dma_start3A_36 = tpu.memref_squeeze %dma_start3A_35 : memref<1x1x128x16xf32, #tpu.memory_space<vmem>> -> memref<128x16xf32, #tpu.memory_space<vmem>>
    %dma_start3A_37 = arith.constant 0 : i32
    %dma_start3A_38 = tpu.memref_slice %arg6[%dma_start3A_30, %dma_start3A_37] : memref<80x128xi32, #tpu.memory_space<vmem>> -> memref<1x128xi32, #tpu.memory_space<vmem>>
    %dma_start3A_39 = tpu.memref_squeeze %dma_start3A_38 : memref<1x128xi32, #tpu.memory_space<vmem>> -> memref<128xi32, #tpu.memory_space<vmem>>
    %dma_start3A_40 = arith.constant 0 : i32
    %dma_start3A_41 = arith.constant 0 : i32
    %dma_start3A_42 = tpu.memref_slice %arg4[%dma_start3A_40, %dma_start3A_41] : memref<10000x16xf32, #tpu.memory_space<hbm>> -> memref<10000x16xf32, #tpu.memory_space<hbm>>
    tpu.enqueue_indirect_dma source(%dma_start3A_42 : memref<10000x16xf32, #tpu.memory_space<hbm>>) target(%dma_start3A_36 : memref<128x16xf32, #tpu.memory_space<vmem>>) offsets(%dma_start3A_39 : memref<128xi32, #tpu.memory_space<vmem>>) semaphore(%arg11 : memref<!tpu.dma_semaphore, #tpu.memory_space<semaphore_mem>>)
    %dma_start3A_43 = arith.constant 3 : i32
    %dma_start3A_44 = arith.constant 0 : i32
    %dma_start3A_45 = arith.constant 3 : i32
    %dma_start3A_46 = arith.constant 0 : i32
    %dma_start3A_47 = arith.constant 0 : i32
    %dma_start3A_48 = tpu.memref_slice %arg8[%dma_start3A_44, %dma_start3A_45, %dma_start3A_46, %dma_start3A_47] : memref<2x8x128x16xf32, #tpu.memory_space<vmem>> -> memref<1x1x128x16xf32, #tpu.memory_space<vmem>>
    %dma_start3A_49 = tpu.memref_squeeze %dma_start3A_48 : memref<1x1x128x16xf32, #tpu.memory_space<vmem>> -> memref<128x16xf32, #tpu.memory_space<vmem>>
    %dma_start3A_50 = arith.constant 0 : i32
    %dma_start3A_51 = tpu.memref_slice %arg6[%dma_start3A_43, %dma_start3A_50] : memref<80x128xi32, #tpu.memory_space<vmem>> -> memref<1x128xi32, #tpu.memory_space<vmem>>
    %dma_start3A_52 = tpu.memref_squeeze %dma_start3A_51 : memref<1x128xi32, #tpu.memory_space<vmem>> -> memref<128xi32, #tpu.memory_space<vmem>>
    %dma_start3A_53 = arith.constant 0 : i32
    %dma_start3A_54 = arith.constant 0 : i32
    %dma_start3A_55 = tpu.memref_slice %arg4[%dma_start3A_53, %dma_start3A_54] : memref<10000x16xf32, #tpu.memory_space<hbm>> -> memref<10000x16xf32, #tpu.memory_space<hbm>>
    tpu.enqueue_indirect_dma source(%dma_start3A_55 : memref<10000x16xf32, #tpu.memory_space<hbm>>) target(%dma_start3A_49 : memref<128x16xf32, #tpu.memory_space<vmem>>) offsets(%dma_start3A_52 : memref<128xi32, #tpu.memory_space<vmem>>) semaphore(%arg11 : memref<!tpu.dma_semaphore, #tpu.memory_space<semaphore_mem>>)
    %dma_start3A_56 = arith.constant 4 : i32
    %dma_start3A_57 = arith.constant 0 : i32
    %dma_start3A_58 = arith.constant 4 : i32
    %dma_start3A_59 = arith.constant 0 : i32
    %dma_start3A_60 = arith.constant 0 : i32
    %dma_start3A_61 = tpu.memref_slice %arg8[%dma_start3A_57, %dma_start3A_58, %dma_start3A_59, %dma_start3A_60] : memref<2x8x128x16xf32, #tpu.memory_space<vmem>> -> memref<1x1x128x16xf32, #tpu.memory_space<vmem>>
    %dma_start3A_62 = tpu.memref_squeeze %dma_start3A_61 : memref<1x1x128x16xf32, #tpu.memory_space<vmem>> -> memref<128x16xf32, #tpu.memory_space<vmem>>
    %dma_start3A_63 = arith.constant 0 : i32
    %dma_start3A_64 = tpu.memref_slice %arg6[%dma_start3A_56, %dma_start3A_63] : memref<80x128xi32, #tpu.memory_space<vmem>> -> memref<1x128xi32, #tpu.memory_space<vmem>>
    %dma_start3A_65 = tpu.memref_squeeze %dma_start3A_64 : memref<1x128xi32, #tpu.memory_space<vmem>> -> memref<128xi32, #tpu.memory_space<vmem>>
    %dma_start3A_66 = arith.constant 0 : i32
    %dma_start3A_67 = arith.constant 0 : i32
    %dma_start3A_68 = tpu.memref_slice %arg4[%dma_start3A_66, %dma_start3A_67] : memref<10000x16xf32, #tpu.memory_space<hbm>> -> memref<10000x16xf32, #tpu.memory_space<hbm>>
    tpu.enqueue_indirect_dma source(%dma_start3A_68 : memref<10000x16xf32, #tpu.memory_space<hbm>>) target(%dma_start3A_62 : memref<128x16xf32, #tpu.memory_space<vmem>>) offsets(%dma_start3A_65 : memref<128xi32, #tpu.memory_space<vmem>>) semaphore(%arg11 : memref<!tpu.dma_semaphore, #tpu.memory_space<semaphore_mem>>)
    %dma_start3A_69 = arith.constant 5 : i32
    %dma_start3A_70 = arith.constant 0 : i32
    %dma_start3A_71 = arith.constant 5 : i32
    %dma_start3A_72 = arith.constant 0 : i32
    %dma_start3A_73 = arith.constant 0 : i32
    %dma_start3A_74 = tpu.memref_slice %arg8[%dma_start3A_70, %dma_start3A_71, %dma_start3A_72, %dma_start3A_73] : memref<2x8x128x16xf32, #tpu.memory_space<vmem>> -> memref<1x1x128x16xf32, #tpu.memory_space<vmem>>
    %dma_start3A_75 = tpu.memref_squeeze %dma_start3A_74 : memref<1x1x128x16xf32, #tpu.memory_space<vmem>> -> memref<128x16xf32, #tpu.memory_space<vmem>>
    %dma_start3A_76 = arith.constant 0 : i32
    %dma_start3A_77 = tpu.memref_slice %arg6[%dma_start3A_69, %dma_start3A_76] : memref<80x128xi32, #tpu.memory_space<vmem>> -> memref<1x128xi32, #tpu.memory_space<vmem>>
    %dma_start3A_78 = tpu.memref_squeeze %dma_start3A_77 : memref<1x128xi32, #tpu.memory_space<vmem>> -> memref<128xi32, #tpu.memory_space<vmem>>
    %dma_start3A_79 = arith.constant 0 : i32
    %dma_start3A_80 = arith.constant 0 : i32
    %dma_start3A_81 = tpu.memref_slice %arg4[%dma_start3A_79, %dma_start3A_80] : memref<10000x16xf32, #tpu.memory_space<hbm>> -> memref<10000x16xf32, #tpu.memory_space<hbm>>
    tpu.enqueue_indirect_dma source(%dma_start3A_81 : memref<10000x16xf32, #tpu.memory_space<hbm>>) target(%dma_start3A_75 : memref<128x16xf32, #tpu.memory_space<vmem>>) offsets(%dma_start3A_78 : memref<128xi32, #tpu.memory_space<vmem>>) semaphore(%arg11 : memref<!tpu.dma_semaphore, #tpu.memory_space<semaphore_mem>>)
    %dma_start3A_82 = arith.constant 6 : i32
    %dma_start3A_83 = arith.constant 0 : i32
    %dma_start3A_84 = arith.constant 6 : i32
    %dma_start3A_85 = arith.constant 0 : i32
    %dma_start3A_86 = arith.constant 0 : i32
    %dma_start3A_87 = tpu.memref_slice %arg8[%dma_start3A_83, %dma_start3A_84, %dma_start3A_85, %dma_start3A_86] : memref<2x8x128x16xf32, #tpu.memory_space<vmem>> -> memref<1x1x128x16xf32, #tpu.memory_space<vmem>>
    %dma_start3A_88 = tpu.memref_squeeze %dma_start3A_87 : memref<1x1x128x16xf32, #tpu.memory_space<vmem>> -> memref<128x16xf32, #tpu.memory_space<vmem>>
    %dma_start3A_89 = arith.constant 0 : i32
    %dma_start3A_90 = tpu.memref_slice %arg6[%dma_start3A_82, %dma_start3A_89] : memref<80x128xi32, #tpu.memory_space<vmem>> -> memref<1x128xi32, #tpu.memory_space<vmem>>
    %dma_start3A_91 = tpu.memref_squeeze %dma_start3A_90 : memref<1x128xi32, #tpu.memory_space<vmem>> -> memref<128xi32, #tpu.memory_space<vmem>>
    %dma_start3A_92 = arith.constant 0 : i32
    %dma_start3A_93 = arith.constant 0 : i32
    %dma_start3A_94 = tpu.memref_slice %arg4[%dma_start3A_92, %dma_start3A_93] : memref<10000x16xf32, #tpu.memory_space<hbm>> -> memref<10000x16xf32, #tpu.memory_space<hbm>>
    tpu.enqueue_indirect_dma source(%dma_start3A_94 : memref<10000x16xf32, #tpu.memory_space<hbm>>) target(%dma_start3A_88 : memref<128x16xf32, #tpu.memory_space<vmem>>) offsets(%dma_start3A_91 : memref<128xi32, #tpu.memory_space<vmem>>) semaphore(%arg11 : memref<!tpu.dma_semaphore, #tpu.memory_space<semaphore_mem>>)
    %dma_start3A_95 = arith.constant 7 : i32
    %dma_start3A_96 = arith.constant 0 : i32
    %dma_start3A_97 = arith.constant 7 : i32
    %dma_start3A_98 = arith.constant 0 : i32
    %dma_start3A_99 = arith.constant 0 : i32
    %dma_start3A_100 = tpu.memref_slice %arg8[%dma_start3A_96, %dma_start3A_97, %dma_start3A_98, %dma_start3A_99] : memref<2x8x128x16xf32, #tpu.memory_space<vmem>> -> memref<1x1x128x16xf32, #tpu.memory_space<vmem>>
    %dma_start3A_101 = tpu.memref_squeeze %dma_start3A_100 : memref<1x1x128x16xf32, #tpu.memory_space<vmem>> -> memref<128x16xf32, #tpu.memory_space<vmem>>
    %dma_start3A_102 = arith.constant 0 : i32
    %dma_start3A_103 = tpu.memref_slice %arg6[%dma_start3A_95, %dma_start3A_102] : memref<80x128xi32, #tpu.memory_space<vmem>> -> memref<1x128xi32, #tpu.memory_space<vmem>>
    %dma_start3A_104 = tpu.memref_squeeze %dma_start3A_103 : memref<1x128xi32, #tpu.memory_space<vmem>> -> memref<128xi32, #tpu.memory_space<vmem>>
    %dma_start3A_105 = arith.constant 0 : i32
    %dma_start3A_106 = arith.constant 0 : i32
    %dma_start3A_107 = tpu.memref_slice %arg4[%dma_start3A_105, %dma_start3A_106] : memref<10000x16xf32, #tpu.memory_space<hbm>> -> memref<10000x16xf32, #tpu.memory_space<hbm>>
    tpu.enqueue_indirect_dma source(%dma_start3A_107 : memref<10000x16xf32, #tpu.memory_space<hbm>>) target(%dma_start3A_101 : memref<128x16xf32, #tpu.memory_space<vmem>>) offsets(%dma_start3A_104 : memref<128xi32, #tpu.memory_space<vmem>>) semaphore(%arg11 : memref<!tpu.dma_semaphore, #tpu.memory_space<semaphore_mem>>)
    %scan3A = arith.constant 0 : i32
    %scan3A_108 = arith.constant 0 : i32
    %scan3A_109 = arith.constant 5 : i32
    %scan3A_110 = arith.addi %scan3A_108, %scan3A_109 : i32
    %scan3A_111 = arith.constant 1 : i32
    %scan3A_112 = scf.for %scan3A_222 = %scan3A_108 to %scan3A_110 step %scan3A_111 iter_args(%scan3A_223 = %scan3A) -> (i32)  : i32 {
      %mul3A_224 = arith.constant 2 : i32
      %mul3A_225 = arith.muli %mul3A_224, %scan3A_222 : i32
      %ge3A = arith.constant 1 : i32
      %ge3A_226 = arith.cmpi sge, %mul3A_225, %ge3A : i32
      %convert_element_type3A = arith.extui %ge3A_226 : i1 to i32
      %cond3A = arith.constant 0 : i32
      %cond3A_227 = arith.cmpi ne, %convert_element_type3A, %cond3A : i32
      scf.if %cond3A_227 {
        %sub3A = arith.constant 1 : i32
        %sub3A_763 = arith.subi %mul3A_225, %sub3A : i32
        %mul3A_764 = arith.constant 8 : i32
        %mul3A_765 = arith.muli %sub3A_763, %mul3A_764 : i32
        %add3A_766 = arith.constant 0 : i32
        %add3A_767 = arith.addi %mul3A_765, %add3A_766 : i32
        %dma_wait3A_768 = arith.constant 1 : i32
        %dma_wait3A_769 = arith.constant 0 : i32
        %dma_wait3A_770 = arith.constant 0 : i32
        %dma_wait3A_771 = arith.constant 0 : i32
        %dma_wait3A_772 = tpu.memref_slice %arg8[%dma_wait3A_768, %dma_wait3A_769, %dma_wait3A_770, %dma_wait3A_771] : memref<2x8x128x16xf32, #tpu.memory_space<vmem>> -> memref<1x1x128x16xf32, #tpu.memory_space<vmem>>
        %dma_wait3A_773 = tpu.memref_squeeze %dma_wait3A_772 : memref<1x1x128x16xf32, #tpu.memory_space<vmem>> -> memref<128x16xf32, #tpu.memory_space<vmem>>
        %dma_wait3A_774 = arith.constant 0 : i32
        %dma_wait3A_775 = tpu.memref_slice %arg7[%add3A_767, %dma_wait3A_774] : memref<80x128xi32, #tpu.memory_space<vmem>> -> memref<1x128xi32, #tpu.memory_space<vmem>>
        %dma_wait3A_776 = tpu.memref_squeeze %dma_wait3A_775 : memref<1x128xi32, #tpu.memory_space<vmem>> -> memref<128xi32, #tpu.memory_space<vmem>>
        %dma_wait3A_777 = arith.constant 0 : i32
        %dma_wait3A_778 = arith.constant 0 : i32
        %dma_wait3A_779 = tpu.memref_slice %arg10[%dma_wait3A_777, %dma_wait3A_778] : memref<10128x16xf32, #tpu.memory_space<vmem_shared>> -> memref<10128x16xf32, #tpu.memory_space<vmem_shared>>
        tpu.wait_indirect_dma semaphore(%arg14 : memref<!tpu.dma_semaphore, #tpu.memory_space<semaphore_mem>>) src(%dma_wait3A_773 : memref<128x16xf32, #tpu.memory_space<vmem>>) dst(%dma_wait3A_779 : memref<10128x16xf32, #tpu.memory_space<vmem_shared>>)
        %sub3A_780 = arith.constant 1 : i32
        %sub3A_781 = arith.subi %mul3A_225, %sub3A_780 : i32
        %mul3A_782 = arith.constant 8 : i32
        %mul3A_783 = arith.muli %sub3A_781, %mul3A_782 : i32
        %add3A_784 = arith.constant 1 : i32
        %add3A_785 = arith.addi %mul3A_783, %add3A_784 : i32
        %dma_wait3A_786 = arith.constant 1 : i32
        %dma_wait3A_787 = arith.constant 1 : i32
        %dma_wait3A_788 = arith.constant 0 : i32
        %dma_wait3A_789 = arith.constant 0 : i32
        %dma_wait3A_790 = tpu.memref_slice %arg8[%dma_wait3A_786, %dma_wait3A_787, %dma_wait3A_788, %dma_wait3A_789] : memref<2x8x128x16xf32, #tpu.memory_space<vmem>> -> memref<1x1x128x16xf32, #tpu.memory_space<vmem>>
        %dma_wait3A_791 = tpu.memref_squeeze %dma_wait3A_790 : memref<1x1x128x16xf32, #tpu.memory_space<vmem>> -> memref<128x16xf32, #tpu.memory_space<vmem>>
        %dma_wait3A_792 = arith.constant 0 : i32
        %dma_wait3A_793 = tpu.memref_slice %arg7[%add3A_785, %dma_wait3A_792] : memref<80x128xi32, #tpu.memory_space<vmem>> -> memref<1x128xi32, #tpu.memory_space<vmem>>
        %dma_wait3A_794 = tpu.memref_squeeze %dma_wait3A_793 : memref<1x128xi32, #tpu.memory_space<vmem>> -> memref<128xi32, #tpu.memory_space<vmem>>
        %dma_wait3A_795 = arith.constant 0 : i32
        %dma_wait3A_796 = arith.constant 0 : i32
        %dma_wait3A_797 = tpu.memref_slice %arg10[%dma_wait3A_795, %dma_wait3A_796] : memref<10128x16xf32, #tpu.memory_space<vmem_shared>> -> memref<10128x16xf32, #tpu.memory_space<vmem_shared>>
        tpu.wait_indirect_dma semaphore(%arg14 : memref<!tpu.dma_semaphore, #tpu.memory_space<semaphore_mem>>) src(%dma_wait3A_791 : memref<128x16xf32, #tpu.memory_space<vmem>>) dst(%dma_wait3A_797 : memref<10128x16xf32, #tpu.memory_space<vmem_shared>>)
        %sub3A_798 = arith.constant 1 : i32
        %sub3A_799 = arith.subi %mul3A_225, %sub3A_798 : i32
        %mul3A_800 = arith.constant 8 : i32
        %mul3A_801 = arith.muli %sub3A_799, %mul3A_800 : i32
        %add3A_802 = arith.constant 2 : i32
        %add3A_803 = arith.addi %mul3A_801, %add3A_802 : i32
        %dma_wait3A_804 = arith.constant 1 : i32
        %dma_wait3A_805 = arith.constant 2 : i32
        %dma_wait3A_806 = arith.constant 0 : i32
        %dma_wait3A_807 = arith.constant 0 : i32
        %dma_wait3A_808 = tpu.memref_slice %arg8[%dma_wait3A_804, %dma_wait3A_805, %dma_wait3A_806, %dma_wait3A_807] : memref<2x8x128x16xf32, #tpu.memory_space<vmem>> -> memref<1x1x128x16xf32, #tpu.memory_space<vmem>>
        %dma_wait3A_809 = tpu.memref_squeeze %dma_wait3A_808 : memref<1x1x128x16xf32, #tpu.memory_space<vmem>> -> memref<128x16xf32, #tpu.memory_space<vmem>>
        %dma_wait3A_810 = arith.constant 0 : i32
        %dma_wait3A_811 = tpu.memref_slice %arg7[%add3A_803, %dma_wait3A_810] : memref<80x128xi32, #tpu.memory_space<vmem>> -> memref<1x128xi32, #tpu.memory_space<vmem>>
        %dma_wait3A_812 = tpu.memref_squeeze %dma_wait3A_811 : memref<1x128xi32, #tpu.memory_space<vmem>> -> memref<128xi32, #tpu.memory_space<vmem>>
        %dma_wait3A_813 = arith.constant 0 : i32
        %dma_wait3A_814 = arith.constant 0 : i32
        %dma_wait3A_815 = tpu.memref_slice %arg10[%dma_wait3A_813, %dma_wait3A_814] : memref<10128x16xf32, #tpu.memory_space<vmem_shared>> -> memref<10128x16xf32, #tpu.memory_space<vmem_shared>>
        tpu.wait_indirect_dma semaphore(%arg14 : memref<!tpu.dma_semaphore, #tpu.memory_space<semaphore_mem>>) src(%dma_wait3A_809 : memref<128x16xf32, #tpu.memory_space<vmem>>) dst(%dma_wait3A_815 : memref<10128x16xf32, #tpu.memory_space<vmem_shared>>)
        %sub3A_816 = arith.constant 1 : i32
        %sub3A_817 = arith.subi %mul3A_225, %sub3A_816 : i32
        %mul3A_818 = arith.constant 8 : i32
        %mul3A_819 = arith.muli %sub3A_817, %mul3A_818 : i32
        %add3A_820 = arith.constant 3 : i32
        %add3A_821 = arith.addi %mul3A_819, %add3A_820 : i32
        %dma_wait3A_822 = arith.constant 1 : i32
        %dma_wait3A_823 = arith.constant 3 : i32
        %dma_wait3A_824 = arith.constant 0 : i32
        %dma_wait3A_825 = arith.constant 0 : i32
        %dma_wait3A_826 = tpu.memref_slice %arg8[%dma_wait3A_822, %dma_wait3A_823, %dma_wait3A_824, %dma_wait3A_825] : memref<2x8x128x16xf32, #tpu.memory_space<vmem>> -> memref<1x1x128x16xf32, #tpu.memory_space<vmem>>
        %dma_wait3A_827 = tpu.memref_squeeze %dma_wait3A_826 : memref<1x1x128x16xf32, #tpu.memory_space<vmem>> -> memref<128x16xf32, #tpu.memory_space<vmem>>
        %dma_wait3A_828 = arith.constant 0 : i32
        %dma_wait3A_829 = tpu.memref_slice %arg7[%add3A_821, %dma_wait3A_828] : memref<80x128xi32, #tpu.memory_space<vmem>> -> memref<1x128xi32, #tpu.memory_space<vmem>>
        %dma_wait3A_830 = tpu.memref_squeeze %dma_wait3A_829 : memref<1x128xi32, #tpu.memory_space<vmem>> -> memref<128xi32, #tpu.memory_space<vmem>>
        %dma_wait3A_831 = arith.constant 0 : i32
        %dma_wait3A_832 = arith.constant 0 : i32
        %dma_wait3A_833 = tpu.memref_slice %arg10[%dma_wait3A_831, %dma_wait3A_832] : memref<10128x16xf32, #tpu.memory_space<vmem_shared>> -> memref<10128x16xf32, #tpu.memory_space<vmem_shared>>
        tpu.wait_indirect_dma semaphore(%arg14 : memref<!tpu.dma_semaphore, #tpu.memory_space<semaphore_mem>>) src(%dma_wait3A_827 : memref<128x16xf32, #tpu.memory_space<vmem>>) dst(%dma_wait3A_833 : memref<10128x16xf32, #tpu.memory_space<vmem_shared>>)
        %sub3A_834 = arith.constant 1 : i32
        %sub3A_835 = arith.subi %mul3A_225, %sub3A_834 : i32
        %mul3A_836 = arith.constant 8 : i32
        %mul3A_837 = arith.muli %sub3A_835, %mul3A_836 : i32
        %add3A_838 = arith.constant 4 : i32
        %add3A_839 = arith.addi %mul3A_837, %add3A_838 : i32
        %dma_wait3A_840 = arith.constant 1 : i32
        %dma_wait3A_841 = arith.constant 4 : i32
        %dma_wait3A_842 = arith.constant 0 : i32
        %dma_wait3A_843 = arith.constant 0 : i32
        %dma_wait3A_844 = tpu.memref_slice %arg8[%dma_wait3A_840, %dma_wait3A_841, %dma_wait3A_842, %dma_wait3A_843] : memref<2x8x128x16xf32, #tpu.memory_space<vmem>> -> memref<1x1x128x16xf32, #tpu.memory_space<vmem>>
        %dma_wait3A_845 = tpu.memref_squeeze %dma_wait3A_844 : memref<1x1x128x16xf32, #tpu.memory_space<vmem>> -> memref<128x16xf32, #tpu.memory_space<vmem>>
        %dma_wait3A_846 = arith.constant 0 : i32
        %dma_wait3A_847 = tpu.memref_slice %arg7[%add3A_839, %dma_wait3A_846] : memref<80x128xi32, #tpu.memory_space<vmem>> -> memref<1x128xi32, #tpu.memory_space<vmem>>
        %dma_wait3A_848 = tpu.memref_squeeze %dma_wait3A_847 : memref<1x128xi32, #tpu.memory_space<vmem>> -> memref<128xi32, #tpu.memory_space<vmem>>
        %dma_wait3A_849 = arith.constant 0 : i32
        %dma_wait3A_850 = arith.constant 0 : i32
        %dma_wait3A_851 = tpu.memref_slice %arg10[%dma_wait3A_849, %dma_wait3A_850] : memref<10128x16xf32, #tpu.memory_space<vmem_shared>> -> memref<10128x16xf32, #tpu.memory_space<vmem_shared>>
        tpu.wait_indirect_dma semaphore(%arg14 : memref<!tpu.dma_semaphore, #tpu.memory_space<semaphore_mem>>) src(%dma_wait3A_845 : memref<128x16xf32, #tpu.memory_space<vmem>>) dst(%dma_wait3A_851 : memref<10128x16xf32, #tpu.memory_space<vmem_shared>>)
        %sub3A_852 = arith.constant 1 : i32
        %sub3A_853 = arith.subi %mul3A_225, %sub3A_852 : i32
        %mul3A_854 = arith.constant 8 : i32
        %mul3A_855 = arith.muli %sub3A_853, %mul3A_854 : i32
        %add3A_856 = arith.constant 5 : i32
        %add3A_857 = arith.addi %mul3A_855, %add3A_856 : i32
        %dma_wait3A_858 = arith.constant 1 : i32
        %dma_wait3A_859 = arith.constant 5 : i32
        %dma_wait3A_860 = arith.constant 0 : i32
        %dma_wait3A_861 = arith.constant 0 : i32
        %dma_wait3A_862 = tpu.memref_slice %arg8[%dma_wait3A_858, %dma_wait3A_859, %dma_wait3A_860, %dma_wait3A_861] : memref<2x8x128x16xf32, #tpu.memory_space<vmem>> -> memref<1x1x128x16xf32, #tpu.memory_space<vmem>>
        %dma_wait3A_863 = tpu.memref_squeeze %dma_wait3A_862 : memref<1x1x128x16xf32, #tpu.memory_space<vmem>> -> memref<128x16xf32, #tpu.memory_space<vmem>>
        %dma_wait3A_864 = arith.constant 0 : i32
        %dma_wait3A_865 = tpu.memref_slice %arg7[%add3A_857, %dma_wait3A_864] : memref<80x128xi32, #tpu.memory_space<vmem>> -> memref<1x128xi32, #tpu.memory_space<vmem>>
        %dma_wait3A_866 = tpu.memref_squeeze %dma_wait3A_865 : memref<1x128xi32, #tpu.memory_space<vmem>> -> memref<128xi32, #tpu.memory_space<vmem>>
        %dma_wait3A_867 = arith.constant 0 : i32
        %dma_wait3A_868 = arith.constant 0 : i32
        %dma_wait3A_869 = tpu.memref_slice %arg10[%dma_wait3A_867, %dma_wait3A_868] : memref<10128x16xf32, #tpu.memory_space<vmem_shared>> -> memref<10128x16xf32, #tpu.memory_space<vmem_shared>>
        tpu.wait_indirect_dma semaphore(%arg14 : memref<!tpu.dma_semaphore, #tpu.memory_space<semaphore_mem>>) src(%dma_wait3A_863 : memref<128x16xf32, #tpu.memory_space<vmem>>) dst(%dma_wait3A_869 : memref<10128x16xf32, #tpu.memory_space<vmem_shared>>)
        %sub3A_870 = arith.constant 1 : i32
        %sub3A_871 = arith.subi %mul3A_225, %sub3A_870 : i32
        %mul3A_872 = arith.constant 8 : i32
        %mul3A_873 = arith.muli %sub3A_871, %mul3A_872 : i32
        %add3A_874 = arith.constant 6 : i32
        %add3A_875 = arith.addi %mul3A_873, %add3A_874 : i32
        %dma_wait3A_876 = arith.constant 1 : i32
        %dma_wait3A_877 = arith.constant 6 : i32
        %dma_wait3A_878 = arith.constant 0 : i32
        %dma_wait3A_879 = arith.constant 0 : i32
        %dma_wait3A_880 = tpu.memref_slice %arg8[%dma_wait3A_876, %dma_wait3A_877, %dma_wait3A_878, %dma_wait3A_879] : memref<2x8x128x16xf32, #tpu.memory_space<vmem>> -> memref<1x1x128x16xf32, #tpu.memory_space<vmem>>
        %dma_wait3A_881 = tpu.memref_squeeze %dma_wait3A_880 : memref<1x1x128x16xf32, #tpu.memory_space<vmem>> -> memref<128x16xf32, #tpu.memory_space<vmem>>
        %dma_wait3A_882 = arith.constant 0 : i32
        %dma_wait3A_883 = tpu.memref_slice %arg7[%add3A_875, %dma_wait3A_882] : memref<80x128xi32, #tpu.memory_space<vmem>> -> memref<1x128xi32, #tpu.memory_space<vmem>>
        %dma_wait3A_884 = tpu.memref_squeeze %dma_wait3A_883 : memref<1x128xi32, #tpu.memory_space<vmem>> -> memref<128xi32, #tpu.memory_space<vmem>>
        %dma_wait3A_885 = arith.constant 0 : i32
        %dma_wait3A_886 = arith.constant 0 : i32
        %dma_wait3A_887 = tpu.memref_slice %arg10[%dma_wait3A_885, %dma_wait3A_886] : memref<10128x16xf32, #tpu.memory_space<vmem_shared>> -> memref<10128x16xf32, #tpu.memory_space<vmem_shared>>
        tpu.wait_indirect_dma semaphore(%arg14 : memref<!tpu.dma_semaphore, #tpu.memory_space<semaphore_mem>>) src(%dma_wait3A_881 : memref<128x16xf32, #tpu.memory_space<vmem>>) dst(%dma_wait3A_887 : memref<10128x16xf32, #tpu.memory_space<vmem_shared>>)
        %sub3A_888 = arith.constant 1 : i32
        %sub3A_889 = arith.subi %mul3A_225, %sub3A_888 : i32
        %mul3A_890 = arith.constant 8 : i32
        %mul3A_891 = arith.muli %sub3A_889, %mul3A_890 : i32
        %add3A_892 = arith.constant 7 : i32
        %add3A_893 = arith.addi %mul3A_891, %add3A_892 : i32
        %dma_wait3A_894 = arith.constant 1 : i32
        %dma_wait3A_895 = arith.constant 7 : i32
        %dma_wait3A_896 = arith.constant 0 : i32
        %dma_wait3A_897 = arith.constant 0 : i32
        %dma_wait3A_898 = tpu.memref_slice %arg8[%dma_wait3A_894, %dma_wait3A_895, %dma_wait3A_896, %dma_wait3A_897] : memref<2x8x128x16xf32, #tpu.memory_space<vmem>> -> memref<1x1x128x16xf32, #tpu.memory_space<vmem>>
        %dma_wait3A_899 = tpu.memref_squeeze %dma_wait3A_898 : memref<1x1x128x16xf32, #tpu.memory_space<vmem>> -> memref<128x16xf32, #tpu.memory_space<vmem>>
        %dma_wait3A_900 = arith.constant 0 : i32
        %dma_wait3A_901 = tpu.memref_slice %arg7[%add3A_893, %dma_wait3A_900] : memref<80x128xi32, #tpu.memory_space<vmem>> -> memref<1x128xi32, #tpu.memory_space<vmem>>
        %dma_wait3A_902 = tpu.memref_squeeze %dma_wait3A_901 : memref<1x128xi32, #tpu.memory_space<vmem>> -> memref<128xi32, #tpu.memory_space<vmem>>
        %dma_wait3A_903 = arith.constant 0 : i32
        %dma_wait3A_904 = arith.constant 0 : i32
        %dma_wait3A_905 = tpu.memref_slice %arg10[%dma_wait3A_903, %dma_wait3A_904] : memref<10128x16xf32, #tpu.memory_space<vmem_shared>> -> memref<10128x16xf32, #tpu.memory_space<vmem_shared>>
        tpu.wait_indirect_dma semaphore(%arg14 : memref<!tpu.dma_semaphore, #tpu.memory_space<semaphore_mem>>) src(%dma_wait3A_899 : memref<128x16xf32, #tpu.memory_space<vmem>>) dst(%dma_wait3A_905 : memref<10128x16xf32, #tpu.memory_space<vmem_shared>>)
      } else {
      }
      %add3A_228 = arith.constant 1 : i32
      %add3A_229 = arith.addi %mul3A_225, %add3A_228 : i32
      %lt3A = arith.constant 10 : i32
      %lt3A_230 = arith.cmpi slt, %add3A_229, %lt3A : i32
      %convert_element_type3A_231 = arith.extui %lt3A_230 : i1 to i32
      %cond3A_232 = arith.constant 0 : i32
      %cond3A_233 = arith.cmpi ne, %convert_element_type3A_231, %cond3A_232 : i32
      scf.if %cond3A_233 {
        %add3A_763 = arith.constant 1 : i32
        %add3A_764 = arith.addi %mul3A_225, %add3A_763 : i32
        %mul3A_765 = arith.constant 8 : i32
        %mul3A_766 = arith.muli %add3A_764, %mul3A_765 : i32
        %add3A_767 = arith.constant 0 : i32
        %add3A_768 = arith.addi %mul3A_766, %add3A_767 : i32
        %dma_start3A_769 = arith.constant 1 : i32
        %dma_start3A_770 = arith.constant 0 : i32
        %dma_start3A_771 = arith.constant 0 : i32
        %dma_start3A_772 = arith.constant 0 : i32
        %dma_start3A_773 = tpu.memref_slice %arg8[%dma_start3A_769, %dma_start3A_770, %dma_start3A_771, %dma_start3A_772] : memref<2x8x128x16xf32, #tpu.memory_space<vmem>> -> memref<1x1x128x16xf32, #tpu.memory_space<vmem>>
        %dma_start3A_774 = tpu.memref_squeeze %dma_start3A_773 : memref<1x1x128x16xf32, #tpu.memory_space<vmem>> -> memref<128x16xf32, #tpu.memory_space<vmem>>
        %dma_start3A_775 = arith.constant 0 : i32
        %dma_start3A_776 = tpu.memref_slice %arg6[%add3A_768, %dma_start3A_775] : memref<80x128xi32, #tpu.memory_space<vmem>> -> memref<1x128xi32, #tpu.memory_space<vmem>>
        %dma_start3A_777 = tpu.memref_squeeze %dma_start3A_776 : memref<1x128xi32, #tpu.memory_space<vmem>> -> memref<128xi32, #tpu.memory_space<vmem>>
        %dma_start3A_778 = arith.constant 0 : i32
        %dma_start3A_779 = arith.constant 0 : i32
        %dma_start3A_780 = tpu.memref_slice %arg4[%dma_start3A_778, %dma_start3A_779] : memref<10000x16xf32, #tpu.memory_space<hbm>> -> memref<10000x16xf32, #tpu.memory_space<hbm>>
        tpu.enqueue_indirect_dma source(%dma_start3A_780 : memref<10000x16xf32, #tpu.memory_space<hbm>>) target(%dma_start3A_774 : memref<128x16xf32, #tpu.memory_space<vmem>>) offsets(%dma_start3A_777 : memref<128xi32, #tpu.memory_space<vmem>>) semaphore(%arg12 : memref<!tpu.dma_semaphore, #tpu.memory_space<semaphore_mem>>)
        %add3A_781 = arith.constant 1 : i32
        %add3A_782 = arith.addi %mul3A_225, %add3A_781 : i32
        %mul3A_783 = arith.constant 8 : i32
        %mul3A_784 = arith.muli %add3A_782, %mul3A_783 : i32
        %add3A_785 = arith.constant 1 : i32
        %add3A_786 = arith.addi %mul3A_784, %add3A_785 : i32
        %dma_start3A_787 = arith.constant 1 : i32
        %dma_start3A_788 = arith.constant 1 : i32
        %dma_start3A_789 = arith.constant 0 : i32
        %dma_start3A_790 = arith.constant 0 : i32
        %dma_start3A_791 = tpu.memref_slice %arg8[%dma_start3A_787, %dma_start3A_788, %dma_start3A_789, %dma_start3A_790] : memref<2x8x128x16xf32, #tpu.memory_space<vmem>> -> memref<1x1x128x16xf32, #tpu.memory_space<vmem>>
        %dma_start3A_792 = tpu.memref_squeeze %dma_start3A_791 : memref<1x1x128x16xf32, #tpu.memory_space<vmem>> -> memref<128x16xf32, #tpu.memory_space<vmem>>
        %dma_start3A_793 = arith.constant 0 : i32
        %dma_start3A_794 = tpu.memref_slice %arg6[%add3A_786, %dma_start3A_793] : memref<80x128xi32, #tpu.memory_space<vmem>> -> memref<1x128xi32, #tpu.memory_space<vmem>>
        %dma_start3A_795 = tpu.memref_squeeze %dma_start3A_794 : memref<1x128xi32, #tpu.memory_space<vmem>> -> memref<128xi32, #tpu.memory_space<vmem>>
        %dma_start3A_796 = arith.constant 0 : i32
        %dma_start3A_797 = arith.constant 0 : i32
        %dma_start3A_798 = tpu.memref_slice %arg4[%dma_start3A_796, %dma_start3A_797] : memref<10000x16xf32, #tpu.memory_space<hbm>> -> memref<10000x16xf32, #tpu.memory_space<hbm>>
        tpu.enqueue_indirect_dma source(%dma_start3A_798 : memref<10000x16xf32, #tpu.memory_space<hbm>>) target(%dma_start3A_792 : memref<128x16xf32, #tpu.memory_space<vmem>>) offsets(%dma_start3A_795 : memref<128xi32, #tpu.memory_space<vmem>>) semaphore(%arg12 : memref<!tpu.dma_semaphore, #tpu.memory_space<semaphore_mem>>)
        %add3A_799 = arith.constant 1 : i32
        %add3A_800 = arith.addi %mul3A_225, %add3A_799 : i32
        %mul3A_801 = arith.constant 8 : i32
        %mul3A_802 = arith.muli %add3A_800, %mul3A_801 : i32
        %add3A_803 = arith.constant 2 : i32
        %add3A_804 = arith.addi %mul3A_802, %add3A_803 : i32
        %dma_start3A_805 = arith.constant 1 : i32
        %dma_start3A_806 = arith.constant 2 : i32
        %dma_start3A_807 = arith.constant 0 : i32
        %dma_start3A_808 = arith.constant 0 : i32
        %dma_start3A_809 = tpu.memref_slice %arg8[%dma_start3A_805, %dma_start3A_806, %dma_start3A_807, %dma_start3A_808] : memref<2x8x128x16xf32, #tpu.memory_space<vmem>> -> memref<1x1x128x16xf32, #tpu.memory_space<vmem>>
        %dma_start3A_810 = tpu.memref_squeeze %dma_start3A_809 : memref<1x1x128x16xf32, #tpu.memory_space<vmem>> -> memref<128x16xf32, #tpu.memory_space<vmem>>
        %dma_start3A_811 = arith.constant 0 : i32
        %dma_start3A_812 = tpu.memref_slice %arg6[%add3A_804, %dma_start3A_811] : memref<80x128xi32, #tpu.memory_space<vmem>> -> memref<1x128xi32, #tpu.memory_space<vmem>>
        %dma_start3A_813 = tpu.memref_squeeze %dma_start3A_812 : memref<1x128xi32, #tpu.memory_space<vmem>> -> memref<128xi32, #tpu.memory_space<vmem>>
        %dma_start3A_814 = arith.constant 0 : i32
        %dma_start3A_815 = arith.constant 0 : i32
        %dma_start3A_816 = tpu.memref_slice %arg4[%dma_start3A_814, %dma_start3A_815] : memref<10000x16xf32, #tpu.memory_space<hbm>> -> memref<10000x16xf32, #tpu.memory_space<hbm>>
        tpu.enqueue_indirect_dma source(%dma_start3A_816 : memref<10000x16xf32, #tpu.memory_space<hbm>>) target(%dma_start3A_810 : memref<128x16xf32, #tpu.memory_space<vmem>>) offsets(%dma_start3A_813 : memref<128xi32, #tpu.memory_space<vmem>>) semaphore(%arg12 : memref<!tpu.dma_semaphore, #tpu.memory_space<semaphore_mem>>)
        %add3A_817 = arith.constant 1 : i32
        %add3A_818 = arith.addi %mul3A_225, %add3A_817 : i32
        %mul3A_819 = arith.constant 8 : i32
        %mul3A_820 = arith.muli %add3A_818, %mul3A_819 : i32
        %add3A_821 = arith.constant 3 : i32
        %add3A_822 = arith.addi %mul3A_820, %add3A_821 : i32
        %dma_start3A_823 = arith.constant 1 : i32
        %dma_start3A_824 = arith.constant 3 : i32
        %dma_start3A_825 = arith.constant 0 : i32
        %dma_start3A_826 = arith.constant 0 : i32
        %dma_start3A_827 = tpu.memref_slice %arg8[%dma_start3A_823, %dma_start3A_824, %dma_start3A_825, %dma_start3A_826] : memref<2x8x128x16xf32, #tpu.memory_space<vmem>> -> memref<1x1x128x16xf32, #tpu.memory_space<vmem>>
        %dma_start3A_828 = tpu.memref_squeeze %dma_start3A_827 : memref<1x1x128x16xf32, #tpu.memory_space<vmem>> -> memref<128x16xf32, #tpu.memory_space<vmem>>
        %dma_start3A_829 = arith.constant 0 : i32
        %dma_start3A_830 = tpu.memref_slice %arg6[%add3A_822, %dma_start3A_829] : memref<80x128xi32, #tpu.memory_space<vmem>> -> memref<1x128xi32, #tpu.memory_space<vmem>>
        %dma_start3A_831 = tpu.memref_squeeze %dma_start3A_830 : memref<1x128xi32, #tpu.memory_space<vmem>> -> memref<128xi32, #tpu.memory_space<vmem>>
        %dma_start3A_832 = arith.constant 0 : i32
        %dma_start3A_833 = arith.constant 0 : i32
        %dma_start3A_834 = tpu.memref_slice %arg4[%dma_start3A_832, %dma_start3A_833] : memref<10000x16xf32, #tpu.memory_space<hbm>> -> memref<10000x16xf32, #tpu.memory_space<hbm>>
        tpu.enqueue_indirect_dma source(%dma_start3A_834 : memref<10000x16xf32, #tpu.memory_space<hbm>>) target(%dma_start3A_828 : memref<128x16xf32, #tpu.memory_space<vmem>>) offsets(%dma_start3A_831 : memref<128xi32, #tpu.memory_space<vmem>>) semaphore(%arg12 : memref<!tpu.dma_semaphore, #tpu.memory_space<semaphore_mem>>)
        %add3A_835 = arith.constant 1 : i32
        %add3A_836 = arith.addi %mul3A_225, %add3A_835 : i32
        %mul3A_837 = arith.constant 8 : i32
        %mul3A_838 = arith.muli %add3A_836, %mul3A_837 : i32
        %add3A_839 = arith.constant 4 : i32
        %add3A_840 = arith.addi %mul3A_838, %add3A_839 : i32
        %dma_start3A_841 = arith.constant 1 : i32
        %dma_start3A_842 = arith.constant 4 : i32
        %dma_start3A_843 = arith.constant 0 : i32
        %dma_start3A_844 = arith.constant 0 : i32
        %dma_start3A_845 = tpu.memref_slice %arg8[%dma_start3A_841, %dma_start3A_842, %dma_start3A_843, %dma_start3A_844] : memref<2x8x128x16xf32, #tpu.memory_space<vmem>> -> memref<1x1x128x16xf32, #tpu.memory_space<vmem>>
        %dma_start3A_846 = tpu.memref_squeeze %dma_start3A_845 : memref<1x1x128x16xf32, #tpu.memory_space<vmem>> -> memref<128x16xf32, #tpu.memory_space<vmem>>
        %dma_start3A_847 = arith.constant 0 : i32
        %dma_start3A_848 = tpu.memref_slice %arg6[%add3A_840, %dma_start3A_847] : memref<80x128xi32, #tpu.memory_space<vmem>> -> memref<1x128xi32, #tpu.memory_space<vmem>>
        %dma_start3A_849 = tpu.memref_squeeze %dma_start3A_848 : memref<1x128xi32, #tpu.memory_space<vmem>> -> memref<128xi32, #tpu.memory_space<vmem>>
        %dma_start3A_850 = arith.constant 0 : i32
        %dma_start3A_851 = arith.constant 0 : i32
        %dma_start3A_852 = tpu.memref_slice %arg4[%dma_start3A_850, %dma_start3A_851] : memref<10000x16xf32, #tpu.memory_space<hbm>> -> memref<10000x16xf32, #tpu.memory_space<hbm>>
        tpu.enqueue_indirect_dma source(%dma_start3A_852 : memref<10000x16xf32, #tpu.memory_space<hbm>>) target(%dma_start3A_846 : memref<128x16xf32, #tpu.memory_space<vmem>>) offsets(%dma_start3A_849 : memref<128xi32, #tpu.memory_space<vmem>>) semaphore(%arg12 : memref<!tpu.dma_semaphore, #tpu.memory_space<semaphore_mem>>)
        %add3A_853 = arith.constant 1 : i32
        %add3A_854 = arith.addi %mul3A_225, %add3A_853 : i32
        %mul3A_855 = arith.constant 8 : i32
        %mul3A_856 = arith.muli %add3A_854, %mul3A_855 : i32
        %add3A_857 = arith.constant 5 : i32
        %add3A_858 = arith.addi %mul3A_856, %add3A_857 : i32
        %dma_start3A_859 = arith.constant 1 : i32
        %dma_start3A_860 = arith.constant 5 : i32
        %dma_start3A_861 = arith.constant 0 : i32
        %dma_start3A_862 = arith.constant 0 : i32
        %dma_start3A_863 = tpu.memref_slice %arg8[%dma_start3A_859, %dma_start3A_860, %dma_start3A_861, %dma_start3A_862] : memref<2x8x128x16xf32, #tpu.memory_space<vmem>> -> memref<1x1x128x16xf32, #tpu.memory_space<vmem>>
        %dma_start3A_864 = tpu.memref_squeeze %dma_start3A_863 : memref<1x1x128x16xf32, #tpu.memory_space<vmem>> -> memref<128x16xf32, #tpu.memory_space<vmem>>
        %dma_start3A_865 = arith.constant 0 : i32
        %dma_start3A_866 = tpu.memref_slice %arg6[%add3A_858, %dma_start3A_865] : memref<80x128xi32, #tpu.memory_space<vmem>> -> memref<1x128xi32, #tpu.memory_space<vmem>>
        %dma_start3A_867 = tpu.memref_squeeze %dma_start3A_866 : memref<1x128xi32, #tpu.memory_space<vmem>> -> memref<128xi32, #tpu.memory_space<vmem>>
        %dma_start3A_868 = arith.constant 0 : i32
        %dma_start3A_869 = arith.constant 0 : i32
        %dma_start3A_870 = tpu.memref_slice %arg4[%dma_start3A_868, %dma_start3A_869] : memref<10000x16xf32, #tpu.memory_space<hbm>> -> memref<10000x16xf32, #tpu.memory_space<hbm>>
        tpu.enqueue_indirect_dma source(%dma_start3A_870 : memref<10000x16xf32, #tpu.memory_space<hbm>>) target(%dma_start3A_864 : memref<128x16xf32, #tpu.memory_space<vmem>>) offsets(%dma_start3A_867 : memref<128xi32, #tpu.memory_space<vmem>>) semaphore(%arg12 : memref<!tpu.dma_semaphore, #tpu.memory_space<semaphore_mem>>)
        %add3A_871 = arith.constant 1 : i32
        %add3A_872 = arith.addi %mul3A_225, %add3A_871 : i32
        %mul3A_873 = arith.constant 8 : i32
        %mul3A_874 = arith.muli %add3A_872, %mul3A_873 : i32
        %add3A_875 = arith.constant 6 : i32
        %add3A_876 = arith.addi %mul3A_874, %add3A_875 : i32
        %dma_start3A_877 = arith.constant 1 : i32
        %dma_start3A_878 = arith.constant 6 : i32
        %dma_start3A_879 = arith.constant 0 : i32
        %dma_start3A_880 = arith.constant 0 : i32
        %dma_start3A_881 = tpu.memref_slice %arg8[%dma_start3A_877, %dma_start3A_878, %dma_start3A_879, %dma_start3A_880] : memref<2x8x128x16xf32, #tpu.memory_space<vmem>> -> memref<1x1x128x16xf32, #tpu.memory_space<vmem>>
        %dma_start3A_882 = tpu.memref_squeeze %dma_start3A_881 : memref<1x1x128x16xf32, #tpu.memory_space<vmem>> -> memref<128x16xf32, #tpu.memory_space<vmem>>
        %dma_start3A_883 = arith.constant 0 : i32
        %dma_start3A_884 = tpu.memref_slice %arg6[%add3A_876, %dma_start3A_883] : memref<80x128xi32, #tpu.memory_space<vmem>> -> memref<1x128xi32, #tpu.memory_space<vmem>>
        %dma_start3A_885 = tpu.memref_squeeze %dma_start3A_884 : memref<1x128xi32, #tpu.memory_space<vmem>> -> memref<128xi32, #tpu.memory_space<vmem>>
        %dma_start3A_886 = arith.constant 0 : i32
        %dma_start3A_887 = arith.constant 0 : i32
        %dma_start3A_888 = tpu.memref_slice %arg4[%dma_start3A_886, %dma_start3A_887] : memref<10000x16xf32, #tpu.memory_space<hbm>> -> memref<10000x16xf32, #tpu.memory_space<hbm>>
        tpu.enqueue_indirect_dma source(%dma_start3A_888 : memref<10000x16xf32, #tpu.memory_space<hbm>>) target(%dma_start3A_882 : memref<128x16xf32, #tpu.memory_space<vmem>>) offsets(%dma_start3A_885 : memref<128xi32, #tpu.memory_space<vmem>>) semaphore(%arg12 : memref<!tpu.dma_semaphore, #tpu.memory_space<semaphore_mem>>)
        %add3A_889 = arith.constant 1 : i32
        %add3A_890 = arith.addi %mul3A_225, %add3A_889 : i32
        %mul3A_891 = arith.constant 8 : i32
        %mul3A_892 = arith.muli %add3A_890, %mul3A_891 : i32
        %add3A_893 = arith.constant 7 : i32
        %add3A_894 = arith.addi %mul3A_892, %add3A_893 : i32
        %dma_start3A_895 = arith.constant 1 : i32
        %dma_start3A_896 = arith.constant 7 : i32
        %dma_start3A_897 = arith.constant 0 : i32
        %dma_start3A_898 = arith.constant 0 : i32
        %dma_start3A_899 = tpu.memref_slice %arg8[%dma_start3A_895, %dma_start3A_896, %dma_start3A_897, %dma_start3A_898] : memref<2x8x128x16xf32, #tpu.memory_space<vmem>> -> memref<1x1x128x16xf32, #tpu.memory_space<vmem>>
        %dma_start3A_900 = tpu.memref_squeeze %dma_start3A_899 : memref<1x1x128x16xf32, #tpu.memory_space<vmem>> -> memref<128x16xf32, #tpu.memory_space<vmem>>
        %dma_start3A_901 = arith.constant 0 : i32
        %dma_start3A_902 = tpu.memref_slice %arg6[%add3A_894, %dma_start3A_901] : memref<80x128xi32, #tpu.memory_space<vmem>> -> memref<1x128xi32, #tpu.memory_space<vmem>>
        %dma_start3A_903 = tpu.memref_squeeze %dma_start3A_902 : memref<1x128xi32, #tpu.memory_space<vmem>> -> memref<128xi32, #tpu.memory_space<vmem>>
        %dma_start3A_904 = arith.constant 0 : i32
        %dma_start3A_905 = arith.constant 0 : i32
        %dma_start3A_906 = tpu.memref_slice %arg4[%dma_start3A_904, %dma_start3A_905] : memref<10000x16xf32, #tpu.memory_space<hbm>> -> memref<10000x16xf32, #tpu.memory_space<hbm>>
        tpu.enqueue_indirect_dma source(%dma_start3A_906 : memref<10000x16xf32, #tpu.memory_space<hbm>>) target(%dma_start3A_900 : memref<128x16xf32, #tpu.memory_space<vmem>>) offsets(%dma_start3A_903 : memref<128xi32, #tpu.memory_space<vmem>>) semaphore(%arg12 : memref<!tpu.dma_semaphore, #tpu.memory_space<semaphore_mem>>)
      } else {
      }
      %mul3A_234 = arith.constant 8 : i32
      %mul3A_235 = arith.muli %mul3A_225, %mul3A_234 : i32
      %add3A_236 = arith.constant 0 : i32
      %add3A_237 = arith.addi %mul3A_235, %add3A_236 : i32
      %dma_wait3A_238 = arith.constant 0 : i32
      %dma_wait3A_239 = arith.constant 0 : i32
      %dma_wait3A_240 = arith.constant 0 : i32
      %dma_wait3A_241 = arith.constant 0 : i32
      %dma_wait3A_242 = tpu.memref_slice %arg8[%dma_wait3A_238, %dma_wait3A_239, %dma_wait3A_240, %dma_wait3A_241] : memref<2x8x128x16xf32, #tpu.memory_space<vmem>> -> memref<1x1x128x16xf32, #tpu.memory_space<vmem>>
      %dma_wait3A_243 = tpu.memref_squeeze %dma_wait3A_242 : memref<1x1x128x16xf32, #tpu.memory_space<vmem>> -> memref<128x16xf32, #tpu.memory_space<vmem>>
      %dma_wait3A_244 = arith.constant 0 : i32
      %dma_wait3A_245 = tpu.memref_slice %arg6[%add3A_237, %dma_wait3A_244] : memref<80x128xi32, #tpu.memory_space<vmem>> -> memref<1x128xi32, #tpu.memory_space<vmem>>
      %dma_wait3A_246 = tpu.memref_squeeze %dma_wait3A_245 : memref<1x128xi32, #tpu.memory_space<vmem>> -> memref<128xi32, #tpu.memory_space<vmem>>
      %dma_wait3A_247 = arith.constant 0 : i32
      %dma_wait3A_248 = arith.constant 0 : i32
      %dma_wait3A_249 = tpu.memref_slice %arg4[%dma_wait3A_247, %dma_wait3A_248] : memref<10000x16xf32, #tpu.memory_space<hbm>> -> memref<10000x16xf32, #tpu.memory_space<hbm>>
      tpu.wait_indirect_dma semaphore(%arg11 : memref<!tpu.dma_semaphore, #tpu.memory_space<semaphore_mem>>) src(%dma_wait3A_249 : memref<10000x16xf32, #tpu.memory_space<hbm>>) dst(%dma_wait3A_243 : memref<128x16xf32, #tpu.memory_space<vmem>>)
      %mul3A_250 = arith.constant 8 : i32
      %mul3A_251 = arith.muli %mul3A_225, %mul3A_250 : i32
      %add3A_252 = arith.constant 1 : i32
      %add3A_253 = arith.addi %mul3A_251, %add3A_252 : i32
      %dma_wait3A_254 = arith.constant 0 : i32
      %dma_wait3A_255 = arith.constant 1 : i32
      %dma_wait3A_256 = arith.constant 0 : i32
      %dma_wait3A_257 = arith.constant 0 : i32
      %dma_wait3A_258 = tpu.memref_slice %arg8[%dma_wait3A_254, %dma_wait3A_255, %dma_wait3A_256, %dma_wait3A_257] : memref<2x8x128x16xf32, #tpu.memory_space<vmem>> -> memref<1x1x128x16xf32, #tpu.memory_space<vmem>>
      %dma_wait3A_259 = tpu.memref_squeeze %dma_wait3A_258 : memref<1x1x128x16xf32, #tpu.memory_space<vmem>> -> memref<128x16xf32, #tpu.memory_space<vmem>>
      %dma_wait3A_260 = arith.constant 0 : i32
      %dma_wait3A_261 = tpu.memref_slice %arg6[%add3A_253, %dma_wait3A_260] : memref<80x128xi32, #tpu.memory_space<vmem>> -> memref<1x128xi32, #tpu.memory_space<vmem>>
      %dma_wait3A_262 = tpu.memref_squeeze %dma_wait3A_261 : memref<1x128xi32, #tpu.memory_space<vmem>> -> memref<128xi32, #tpu.memory_space<vmem>>
      %dma_wait3A_263 = arith.constant 0 : i32
      %dma_wait3A_264 = arith.constant 0 : i32
      %dma_wait3A_265 = tpu.memref_slice %arg4[%dma_wait3A_263, %dma_wait3A_264] : memref<10000x16xf32, #tpu.memory_space<hbm>> -> memref<10000x16xf32, #tpu.memory_space<hbm>>
      tpu.wait_indirect_dma semaphore(%arg11 : memref<!tpu.dma_semaphore, #tpu.memory_space<semaphore_mem>>) src(%dma_wait3A_265 : memref<10000x16xf32, #tpu.memory_space<hbm>>) dst(%dma_wait3A_259 : memref<128x16xf32, #tpu.memory_space<vmem>>)
      %mul3A_266 = arith.constant 8 : i32
      %mul3A_267 = arith.muli %mul3A_225, %mul3A_266 : i32
      %add3A_268 = arith.constant 2 : i32
      %add3A_269 = arith.addi %mul3A_267, %add3A_268 : i32
      %dma_wait3A_270 = arith.constant 0 : i32
      %dma_wait3A_271 = arith.constant 2 : i32
      %dma_wait3A_272 = arith.constant 0 : i32
      %dma_wait3A_273 = arith.constant 0 : i32
      %dma_wait3A_274 = tpu.memref_slice %arg8[%dma_wait3A_270, %dma_wait3A_271, %dma_wait3A_272, %dma_wait3A_273] : memref<2x8x128x16xf32, #tpu.memory_space<vmem>> -> memref<1x1x128x16xf32, #tpu.memory_space<vmem>>
      %dma_wait3A_275 = tpu.memref_squeeze %dma_wait3A_274 : memref<1x1x128x16xf32, #tpu.memory_space<vmem>> -> memref<128x16xf32, #tpu.memory_space<vmem>>
      %dma_wait3A_276 = arith.constant 0 : i32
      %dma_wait3A_277 = tpu.memref_slice %arg6[%add3A_269, %dma_wait3A_276] : memref<80x128xi32, #tpu.memory_space<vmem>> -> memref<1x128xi32, #tpu.memory_space<vmem>>
      %dma_wait3A_278 = tpu.memref_squeeze %dma_wait3A_277 : memref<1x128xi32, #tpu.memory_space<vmem>> -> memref<128xi32, #tpu.memory_space<vmem>>
      %dma_wait3A_279 = arith.constant 0 : i32
      %dma_wait3A_280 = arith.constant 0 : i32
      %dma_wait3A_281 = tpu.memref_slice %arg4[%dma_wait3A_279, %dma_wait3A_280] : memref<10000x16xf32, #tpu.memory_space<hbm>> -> memref<10000x16xf32, #tpu.memory_space<hbm>>
      tpu.wait_indirect_dma semaphore(%arg11 : memref<!tpu.dma_semaphore, #tpu.memory_space<semaphore_mem>>) src(%dma_wait3A_281 : memref<10000x16xf32, #tpu.memory_space<hbm>>) dst(%dma_wait3A_275 : memref<128x16xf32, #tpu.memory_space<vmem>>)
      %mul3A_282 = arith.constant 8 : i32
      %mul3A_283 = arith.muli %mul3A_225, %mul3A_282 : i32
      %add3A_284 = arith.constant 3 : i32
      %add3A_285 = arith.addi %mul3A_283, %add3A_284 : i32
      %dma_wait3A_286 = arith.constant 0 : i32
      %dma_wait3A_287 = arith.constant 3 : i32
      %dma_wait3A_288 = arith.constant 0 : i32
      %dma_wait3A_289 = arith.constant 0 : i32
      %dma_wait3A_290 = tpu.memref_slice %arg8[%dma_wait3A_286, %dma_wait3A_287, %dma_wait3A_288, %dma_wait3A_289] : memref<2x8x128x16xf32, #tpu.memory_space<vmem>> -> memref<1x1x128x16xf32, #tpu.memory_space<vmem>>
      %dma_wait3A_291 = tpu.memref_squeeze %dma_wait3A_290 : memref<1x1x128x16xf32, #tpu.memory_space<vmem>> -> memref<128x16xf32, #tpu.memory_space<vmem>>
      %dma_wait3A_292 = arith.constant 0 : i32
      %dma_wait3A_293 = tpu.memref_slice %arg6[%add3A_285, %dma_wait3A_292] : memref<80x128xi32, #tpu.memory_space<vmem>> -> memref<1x128xi32, #tpu.memory_space<vmem>>
      %dma_wait3A_294 = tpu.memref_squeeze %dma_wait3A_293 : memref<1x128xi32, #tpu.memory_space<vmem>> -> memref<128xi32, #tpu.memory_space<vmem>>
      %dma_wait3A_295 = arith.constant 0 : i32
      %dma_wait3A_296 = arith.constant 0 : i32
      %dma_wait3A_297 = tpu.memref_slice %arg4[%dma_wait3A_295, %dma_wait3A_296] : memref<10000x16xf32, #tpu.memory_space<hbm>> -> memref<10000x16xf32, #tpu.memory_space<hbm>>
      tpu.wait_indirect_dma semaphore(%arg11 : memref<!tpu.dma_semaphore, #tpu.memory_space<semaphore_mem>>) src(%dma_wait3A_297 : memref<10000x16xf32, #tpu.memory_space<hbm>>) dst(%dma_wait3A_291 : memref<128x16xf32, #tpu.memory_space<vmem>>)
      %mul3A_298 = arith.constant 8 : i32
      %mul3A_299 = arith.muli %mul3A_225, %mul3A_298 : i32
      %add3A_300 = arith.constant 4 : i32
      %add3A_301 = arith.addi %mul3A_299, %add3A_300 : i32
      %dma_wait3A_302 = arith.constant 0 : i32
      %dma_wait3A_303 = arith.constant 4 : i32
      %dma_wait3A_304 = arith.constant 0 : i32
      %dma_wait3A_305 = arith.constant 0 : i32
      %dma_wait3A_306 = tpu.memref_slice %arg8[%dma_wait3A_302, %dma_wait3A_303, %dma_wait3A_304, %dma_wait3A_305] : memref<2x8x128x16xf32, #tpu.memory_space<vmem>> -> memref<1x1x128x16xf32, #tpu.memory_space<vmem>>
      %dma_wait3A_307 = tpu.memref_squeeze %dma_wait3A_306 : memref<1x1x128x16xf32, #tpu.memory_space<vmem>> -> memref<128x16xf32, #tpu.memory_space<vmem>>
      %dma_wait3A_308 = arith.constant 0 : i32
      %dma_wait3A_309 = tpu.memref_slice %arg6[%add3A_301, %dma_wait3A_308] : memref<80x128xi32, #tpu.memory_space<vmem>> -> memref<1x128xi32, #tpu.memory_space<vmem>>
      %dma_wait3A_310 = tpu.memref_squeeze %dma_wait3A_309 : memref<1x128xi32, #tpu.memory_space<vmem>> -> memref<128xi32, #tpu.memory_space<vmem>>
      %dma_wait3A_311 = arith.constant 0 : i32
      %dma_wait3A_312 = arith.constant 0 : i32
      %dma_wait3A_313 = tpu.memref_slice %arg4[%dma_wait3A_311, %dma_wait3A_312] : memref<10000x16xf32, #tpu.memory_space<hbm>> -> memref<10000x16xf32, #tpu.memory_space<hbm>>
      tpu.wait_indirect_dma semaphore(%arg11 : memref<!tpu.dma_semaphore, #tpu.memory_space<semaphore_mem>>) src(%dma_wait3A_313 : memref<10000x16xf32, #tpu.memory_space<hbm>>) dst(%dma_wait3A_307 : memref<128x16xf32, #tpu.memory_space<vmem>>)
      %mul3A_314 = arith.constant 8 : i32
      %mul3A_315 = arith.muli %mul3A_225, %mul3A_314 : i32
      %add3A_316 = arith.constant 5 : i32
      %add3A_317 = arith.addi %mul3A_315, %add3A_316 : i32
      %dma_wait3A_318 = arith.constant 0 : i32
      %dma_wait3A_319 = arith.constant 5 : i32
      %dma_wait3A_320 = arith.constant 0 : i32
      %dma_wait3A_321 = arith.constant 0 : i32
      %dma_wait3A_322 = tpu.memref_slice %arg8[%dma_wait3A_318, %dma_wait3A_319, %dma_wait3A_320, %dma_wait3A_321] : memref<2x8x128x16xf32, #tpu.memory_space<vmem>> -> memref<1x1x128x16xf32, #tpu.memory_space<vmem>>
      %dma_wait3A_323 = tpu.memref_squeeze %dma_wait3A_322 : memref<1x1x128x16xf32, #tpu.memory_space<vmem>> -> memref<128x16xf32, #tpu.memory_space<vmem>>
      %dma_wait3A_324 = arith.constant 0 : i32
      %dma_wait3A_325 = tpu.memref_slice %arg6[%add3A_317, %dma_wait3A_324] : memref<80x128xi32, #tpu.memory_space<vmem>> -> memref<1x128xi32, #tpu.memory_space<vmem>>
      %dma_wait3A_326 = tpu.memref_squeeze %dma_wait3A_325 : memref<1x128xi32, #tpu.memory_space<vmem>> -> memref<128xi32, #tpu.memory_space<vmem>>
      %dma_wait3A_327 = arith.constant 0 : i32
      %dma_wait3A_328 = arith.constant 0 : i32
      %dma_wait3A_329 = tpu.memref_slice %arg4[%dma_wait3A_327, %dma_wait3A_328] : memref<10000x16xf32, #tpu.memory_space<hbm>> -> memref<10000x16xf32, #tpu.memory_space<hbm>>
      tpu.wait_indirect_dma semaphore(%arg11 : memref<!tpu.dma_semaphore, #tpu.memory_space<semaphore_mem>>) src(%dma_wait3A_329 : memref<10000x16xf32, #tpu.memory_space<hbm>>) dst(%dma_wait3A_323 : memref<128x16xf32, #tpu.memory_space<vmem>>)
      %mul3A_330 = arith.constant 8 : i32
      %mul3A_331 = arith.muli %mul3A_225, %mul3A_330 : i32
      %add3A_332 = arith.constant 6 : i32
      %add3A_333 = arith.addi %mul3A_331, %add3A_332 : i32
      %dma_wait3A_334 = arith.constant 0 : i32
      %dma_wait3A_335 = arith.constant 6 : i32
      %dma_wait3A_336 = arith.constant 0 : i32
      %dma_wait3A_337 = arith.constant 0 : i32
      %dma_wait3A_338 = tpu.memref_slice %arg8[%dma_wait3A_334, %dma_wait3A_335, %dma_wait3A_336, %dma_wait3A_337] : memref<2x8x128x16xf32, #tpu.memory_space<vmem>> -> memref<1x1x128x16xf32, #tpu.memory_space<vmem>>
      %dma_wait3A_339 = tpu.memref_squeeze %dma_wait3A_338 : memref<1x1x128x16xf32, #tpu.memory_space<vmem>> -> memref<128x16xf32, #tpu.memory_space<vmem>>
      %dma_wait3A_340 = arith.constant 0 : i32
      %dma_wait3A_341 = tpu.memref_slice %arg6[%add3A_333, %dma_wait3A_340] : memref<80x128xi32, #tpu.memory_space<vmem>> -> memref<1x128xi32, #tpu.memory_space<vmem>>
      %dma_wait3A_342 = tpu.memref_squeeze %dma_wait3A_341 : memref<1x128xi32, #tpu.memory_space<vmem>> -> memref<128xi32, #tpu.memory_space<vmem>>
      %dma_wait3A_343 = arith.constant 0 : i32
      %dma_wait3A_344 = arith.constant 0 : i32
      %dma_wait3A_345 = tpu.memref_slice %arg4[%dma_wait3A_343, %dma_wait3A_344] : memref<10000x16xf32, #tpu.memory_space<hbm>> -> memref<10000x16xf32, #tpu.memory_space<hbm>>
      tpu.wait_indirect_dma semaphore(%arg11 : memref<!tpu.dma_semaphore, #tpu.memory_space<semaphore_mem>>) src(%dma_wait3A_345 : memref<10000x16xf32, #tpu.memory_space<hbm>>) dst(%dma_wait3A_339 : memref<128x16xf32, #tpu.memory_space<vmem>>)
      %mul3A_346 = arith.constant 8 : i32
      %mul3A_347 = arith.muli %mul3A_225, %mul3A_346 : i32
      %add3A_348 = arith.constant 7 : i32
      %add3A_349 = arith.addi %mul3A_347, %add3A_348 : i32
      %dma_wait3A_350 = arith.constant 0 : i32
      %dma_wait3A_351 = arith.constant 7 : i32
      %dma_wait3A_352 = arith.constant 0 : i32
      %dma_wait3A_353 = arith.constant 0 : i32
      %dma_wait3A_354 = tpu.memref_slice %arg8[%dma_wait3A_350, %dma_wait3A_351, %dma_wait3A_352, %dma_wait3A_353] : memref<2x8x128x16xf32, #tpu.memory_space<vmem>> -> memref<1x1x128x16xf32, #tpu.memory_space<vmem>>
      %dma_wait3A_355 = tpu.memref_squeeze %dma_wait3A_354 : memref<1x1x128x16xf32, #tpu.memory_space<vmem>> -> memref<128x16xf32, #tpu.memory_space<vmem>>
      %dma_wait3A_356 = arith.constant 0 : i32
      %dma_wait3A_357 = tpu.memref_slice %arg6[%add3A_349, %dma_wait3A_356] : memref<80x128xi32, #tpu.memory_space<vmem>> -> memref<1x128xi32, #tpu.memory_space<vmem>>
      %dma_wait3A_358 = tpu.memref_squeeze %dma_wait3A_357 : memref<1x128xi32, #tpu.memory_space<vmem>> -> memref<128xi32, #tpu.memory_space<vmem>>
      %dma_wait3A_359 = arith.constant 0 : i32
      %dma_wait3A_360 = arith.constant 0 : i32
      %dma_wait3A_361 = tpu.memref_slice %arg4[%dma_wait3A_359, %dma_wait3A_360] : memref<10000x16xf32, #tpu.memory_space<hbm>> -> memref<10000x16xf32, #tpu.memory_space<hbm>>
      tpu.wait_indirect_dma semaphore(%arg11 : memref<!tpu.dma_semaphore, #tpu.memory_space<semaphore_mem>>) src(%dma_wait3A_361 : memref<10000x16xf32, #tpu.memory_space<hbm>>) dst(%dma_wait3A_355 : memref<128x16xf32, #tpu.memory_space<vmem>>)
      %mul3A_362 = arith.constant 8 : i32
      %mul3A_363 = arith.muli %mul3A_225, %mul3A_362 : i32
      %add3A_364 = arith.constant 0 : i32
      %add3A_365 = arith.addi %mul3A_363, %add3A_364 : i32
      %dma_start3A_366 = arith.constant 0 : i32
      %dma_start3A_367 = arith.constant 0 : i32
      %dma_start3A_368 = arith.constant 0 : i32
      %dma_start3A_369 = arith.constant 0 : i32
      %dma_start3A_370 = tpu.memref_slice %arg8[%dma_start3A_366, %dma_start3A_367, %dma_start3A_368, %dma_start3A_369] : memref<2x8x128x16xf32, #tpu.memory_space<vmem>> -> memref<1x1x128x16xf32, #tpu.memory_space<vmem>>
      %dma_start3A_371 = tpu.memref_squeeze %dma_start3A_370 : memref<1x1x128x16xf32, #tpu.memory_space<vmem>> -> memref<128x16xf32, #tpu.memory_space<vmem>>
      %dma_start3A_372 = arith.constant 0 : i32
      %dma_start3A_373 = tpu.memref_slice %arg7[%add3A_365, %dma_start3A_372] : memref<80x128xi32, #tpu.memory_space<vmem>> -> memref<1x128xi32, #tpu.memory_space<vmem>>
      %dma_start3A_374 = tpu.memref_squeeze %dma_start3A_373 : memref<1x128xi32, #tpu.memory_space<vmem>> -> memref<128xi32, #tpu.memory_space<vmem>>
      %dma_start3A_375 = arith.constant 0 : i32
      %dma_start3A_376 = arith.constant 0 : i32
      %dma_start3A_377 = tpu.memref_slice %arg10[%dma_start3A_375, %dma_start3A_376] : memref<10128x16xf32, #tpu.memory_space<vmem_shared>> -> memref<10128x16xf32, #tpu.memory_space<vmem_shared>>
      tpu.enqueue_indirect_dma source(%dma_start3A_371 : memref<128x16xf32, #tpu.memory_space<vmem>>) target(%dma_start3A_377 : memref<10128x16xf32, #tpu.memory_space<vmem_shared>>) offsets(%dma_start3A_374 : memref<128xi32, #tpu.memory_space<vmem>>) semaphore(%arg13 : memref<!tpu.dma_semaphore, #tpu.memory_space<semaphore_mem>>) {add = true}
      %mul3A_378 = arith.constant 8 : i32
      %mul3A_379 = arith.muli %mul3A_225, %mul3A_378 : i32
      %add3A_380 = arith.constant 1 : i32
      %add3A_381 = arith.addi %mul3A_379, %add3A_380 : i32
      %dma_start3A_382 = arith.constant 0 : i32
      %dma_start3A_383 = arith.constant 1 : i32
      %dma_start3A_384 = arith.constant 0 : i32
      %dma_start3A_385 = arith.constant 0 : i32
      %dma_start3A_386 = tpu.memref_slice %arg8[%dma_start3A_382, %dma_start3A_383, %dma_start3A_384, %dma_start3A_385] : memref<2x8x128x16xf32, #tpu.memory_space<vmem>> -> memref<1x1x128x16xf32, #tpu.memory_space<vmem>>
      %dma_start3A_387 = tpu.memref_squeeze %dma_start3A_386 : memref<1x1x128x16xf32, #tpu.memory_space<vmem>> -> memref<128x16xf32, #tpu.memory_space<vmem>>
      %dma_start3A_388 = arith.constant 0 : i32
      %dma_start3A_389 = tpu.memref_slice %arg7[%add3A_381, %dma_start3A_388] : memref<80x128xi32, #tpu.memory_space<vmem>> -> memref<1x128xi32, #tpu.memory_space<vmem>>
      %dma_start3A_390 = tpu.memref_squeeze %dma_start3A_389 : memref<1x128xi32, #tpu.memory_space<vmem>> -> memref<128xi32, #tpu.memory_space<vmem>>
      %dma_start3A_391 = arith.constant 0 : i32
      %dma_start3A_392 = arith.constant 0 : i32
      %dma_start3A_393 = tpu.memref_slice %arg10[%dma_start3A_391, %dma_start3A_392] : memref<10128x16xf32, #tpu.memory_space<vmem_shared>> -> memref<10128x16xf32, #tpu.memory_space<vmem_shared>>
      tpu.enqueue_indirect_dma source(%dma_start3A_387 : memref<128x16xf32, #tpu.memory_space<vmem>>) target(%dma_start3A_393 : memref<10128x16xf32, #tpu.memory_space<vmem_shared>>) offsets(%dma_start3A_390 : memref<128xi32, #tpu.memory_space<vmem>>) semaphore(%arg13 : memref<!tpu.dma_semaphore, #tpu.memory_space<semaphore_mem>>) {add = true}
      %mul3A_394 = arith.constant 8 : i32
      %mul3A_395 = arith.muli %mul3A_225, %mul3A_394 : i32
      %add3A_396 = arith.constant 2 : i32
      %add3A_397 = arith.addi %mul3A_395, %add3A_396 : i32
      %dma_start3A_398 = arith.constant 0 : i32
      %dma_start3A_399 = arith.constant 2 : i32
      %dma_start3A_400 = arith.constant 0 : i32
      %dma_start3A_401 = arith.constant 0 : i32
      %dma_start3A_402 = tpu.memref_slice %arg8[%dma_start3A_398, %dma_start3A_399, %dma_start3A_400, %dma_start3A_401] : memref<2x8x128x16xf32, #tpu.memory_space<vmem>> -> memref<1x1x128x16xf32, #tpu.memory_space<vmem>>
      %dma_start3A_403 = tpu.memref_squeeze %dma_start3A_402 : memref<1x1x128x16xf32, #tpu.memory_space<vmem>> -> memref<128x16xf32, #tpu.memory_space<vmem>>
      %dma_start3A_404 = arith.constant 0 : i32
      %dma_start3A_405 = tpu.memref_slice %arg7[%add3A_397, %dma_start3A_404] : memref<80x128xi32, #tpu.memory_space<vmem>> -> memref<1x128xi32, #tpu.memory_space<vmem>>
      %dma_start3A_406 = tpu.memref_squeeze %dma_start3A_405 : memref<1x128xi32, #tpu.memory_space<vmem>> -> memref<128xi32, #tpu.memory_space<vmem>>
      %dma_start3A_407 = arith.constant 0 : i32
      %dma_start3A_408 = arith.constant 0 : i32
      %dma_start3A_409 = tpu.memref_slice %arg10[%dma_start3A_407, %dma_start3A_408] : memref<10128x16xf32, #tpu.memory_space<vmem_shared>> -> memref<10128x16xf32, #tpu.memory_space<vmem_shared>>
      tpu.enqueue_indirect_dma source(%dma_start3A_403 : memref<128x16xf32, #tpu.memory_space<vmem>>) target(%dma_start3A_409 : memref<10128x16xf32, #tpu.memory_space<vmem_shared>>) offsets(%dma_start3A_406 : memref<128xi32, #tpu.memory_space<vmem>>) semaphore(%arg13 : memref<!tpu.dma_semaphore, #tpu.memory_space<semaphore_mem>>) {add = true}
      %mul3A_410 = arith.constant 8 : i32
      %mul3A_411 = arith.muli %mul3A_225, %mul3A_410 : i32
      %add3A_412 = arith.constant 3 : i32
      %add3A_413 = arith.addi %mul3A_411, %add3A_412 : i32
      %dma_start3A_414 = arith.constant 0 : i32
      %dma_start3A_415 = arith.constant 3 : i32
      %dma_start3A_416 = arith.constant 0 : i32
      %dma_start3A_417 = arith.constant 0 : i32
      %dma_start3A_418 = tpu.memref_slice %arg8[%dma_start3A_414, %dma_start3A_415, %dma_start3A_416, %dma_start3A_417] : memref<2x8x128x16xf32, #tpu.memory_space<vmem>> -> memref<1x1x128x16xf32, #tpu.memory_space<vmem>>
      %dma_start3A_419 = tpu.memref_squeeze %dma_start3A_418 : memref<1x1x128x16xf32, #tpu.memory_space<vmem>> -> memref<128x16xf32, #tpu.memory_space<vmem>>
      %dma_start3A_420 = arith.constant 0 : i32
      %dma_start3A_421 = tpu.memref_slice %arg7[%add3A_413, %dma_start3A_420] : memref<80x128xi32, #tpu.memory_space<vmem>> -> memref<1x128xi32, #tpu.memory_space<vmem>>
      %dma_start3A_422 = tpu.memref_squeeze %dma_start3A_421 : memref<1x128xi32, #tpu.memory_space<vmem>> -> memref<128xi32, #tpu.memory_space<vmem>>
      %dma_start3A_423 = arith.constant 0 : i32
      %dma_start3A_424 = arith.constant 0 : i32
      %dma_start3A_425 = tpu.memref_slice %arg10[%dma_start3A_423, %dma_start3A_424] : memref<10128x16xf32, #tpu.memory_space<vmem_shared>> -> memref<10128x16xf32, #tpu.memory_space<vmem_shared>>
      tpu.enqueue_indirect_dma source(%dma_start3A_419 : memref<128x16xf32, #tpu.memory_space<vmem>>) target(%dma_start3A_425 : memref<10128x16xf32, #tpu.memory_space<vmem_shared>>) offsets(%dma_start3A_422 : memref<128xi32, #tpu.memory_space<vmem>>) semaphore(%arg13 : memref<!tpu.dma_semaphore, #tpu.memory_space<semaphore_mem>>) {add = true}
      %mul3A_426 = arith.constant 8 : i32
      %mul3A_427 = arith.muli %mul3A_225, %mul3A_426 : i32
      %add3A_428 = arith.constant 4 : i32
      %add3A_429 = arith.addi %mul3A_427, %add3A_428 : i32
      %dma_start3A_430 = arith.constant 0 : i32
      %dma_start3A_431 = arith.constant 4 : i32
      %dma_start3A_432 = arith.constant 0 : i32
      %dma_start3A_433 = arith.constant 0 : i32
      %dma_start3A_434 = tpu.memref_slice %arg8[%dma_start3A_430, %dma_start3A_431, %dma_start3A_432, %dma_start3A_433] : memref<2x8x128x16xf32, #tpu.memory_space<vmem>> -> memref<1x1x128x16xf32, #tpu.memory_space<vmem>>
      %dma_start3A_435 = tpu.memref_squeeze %dma_start3A_434 : memref<1x1x128x16xf32, #tpu.memory_space<vmem>> -> memref<128x16xf32, #tpu.memory_space<vmem>>
      %dma_start3A_436 = arith.constant 0 : i32
      %dma_start3A_437 = tpu.memref_slice %arg7[%add3A_429, %dma_start3A_436] : memref<80x128xi32, #tpu.memory_space<vmem>> -> memref<1x128xi32, #tpu.memory_space<vmem>>
      %dma_start3A_438 = tpu.memref_squeeze %dma_start3A_437 : memref<1x128xi32, #tpu.memory_space<vmem>> -> memref<128xi32, #tpu.memory_space<vmem>>
      %dma_start3A_439 = arith.constant 0 : i32
      %dma_start3A_440 = arith.constant 0 : i32
      %dma_start3A_441 = tpu.memref_slice %arg10[%dma_start3A_439, %dma_start3A_440] : memref<10128x16xf32, #tpu.memory_space<vmem_shared>> -> memref<10128x16xf32, #tpu.memory_space<vmem_shared>>
      tpu.enqueue_indirect_dma source(%dma_start3A_435 : memref<128x16xf32, #tpu.memory_space<vmem>>) target(%dma_start3A_441 : memref<10128x16xf32, #tpu.memory_space<vmem_shared>>) offsets(%dma_start3A_438 : memref<128xi32, #tpu.memory_space<vmem>>) semaphore(%arg13 : memref<!tpu.dma_semaphore, #tpu.memory_space<semaphore_mem>>) {add = true}
      %mul3A_442 = arith.constant 8 : i32
      %mul3A_443 = arith.muli %mul3A_225, %mul3A_442 : i32
      %add3A_444 = arith.constant 5 : i32
      %add3A_445 = arith.addi %mul3A_443, %add3A_444 : i32
      %dma_start3A_446 = arith.constant 0 : i32
      %dma_start3A_447 = arith.constant 5 : i32
      %dma_start3A_448 = arith.constant 0 : i32
      %dma_start3A_449 = arith.constant 0 : i32
      %dma_start3A_450 = tpu.memref_slice %arg8[%dma_start3A_446, %dma_start3A_447, %dma_start3A_448, %dma_start3A_449] : memref<2x8x128x16xf32, #tpu.memory_space<vmem>> -> memref<1x1x128x16xf32, #tpu.memory_space<vmem>>
      %dma_start3A_451 = tpu.memref_squeeze %dma_start3A_450 : memref<1x1x128x16xf32, #tpu.memory_space<vmem>> -> memref<128x16xf32, #tpu.memory_space<vmem>>
      %dma_start3A_452 = arith.constant 0 : i32
      %dma_start3A_453 = tpu.memref_slice %arg7[%add3A_445, %dma_start3A_452] : memref<80x128xi32, #tpu.memory_space<vmem>> -> memref<1x128xi32, #tpu.memory_space<vmem>>
      %dma_start3A_454 = tpu.memref_squeeze %dma_start3A_453 : memref<1x128xi32, #tpu.memory_space<vmem>> -> memref<128xi32, #tpu.memory_space<vmem>>
      %dma_start3A_455 = arith.constant 0 : i32
      %dma_start3A_456 = arith.constant 0 : i32
      %dma_start3A_457 = tpu.memref_slice %arg10[%dma_start3A_455, %dma_start3A_456] : memref<10128x16xf32, #tpu.memory_space<vmem_shared>> -> memref<10128x16xf32, #tpu.memory_space<vmem_shared>>
      tpu.enqueue_indirect_dma source(%dma_start3A_451 : memref<128x16xf32, #tpu.memory_space<vmem>>) target(%dma_start3A_457 : memref<10128x16xf32, #tpu.memory_space<vmem_shared>>) offsets(%dma_start3A_454 : memref<128xi32, #tpu.memory_space<vmem>>) semaphore(%arg13 : memref<!tpu.dma_semaphore, #tpu.memory_space<semaphore_mem>>) {add = true}
      %mul3A_458 = arith.constant 8 : i32
      %mul3A_459 = arith.muli %mul3A_225, %mul3A_458 : i32
      %add3A_460 = arith.constant 6 : i32
      %add3A_461 = arith.addi %mul3A_459, %add3A_460 : i32
      %dma_start3A_462 = arith.constant 0 : i32
      %dma_start3A_463 = arith.constant 6 : i32
      %dma_start3A_464 = arith.constant 0 : i32
      %dma_start3A_465 = arith.constant 0 : i32
      %dma_start3A_466 = tpu.memref_slice %arg8[%dma_start3A_462, %dma_start3A_463, %dma_start3A_464, %dma_start3A_465] : memref<2x8x128x16xf32, #tpu.memory_space<vmem>> -> memref<1x1x128x16xf32, #tpu.memory_space<vmem>>
      %dma_start3A_467 = tpu.memref_squeeze %dma_start3A_466 : memref<1x1x128x16xf32, #tpu.memory_space<vmem>> -> memref<128x16xf32, #tpu.memory_space<vmem>>
      %dma_start3A_468 = arith.constant 0 : i32
      %dma_start3A_469 = tpu.memref_slice %arg7[%add3A_461, %dma_start3A_468] : memref<80x128xi32, #tpu.memory_space<vmem>> -> memref<1x128xi32, #tpu.memory_space<vmem>>
      %dma_start3A_470 = tpu.memref_squeeze %dma_start3A_469 : memref<1x128xi32, #tpu.memory_space<vmem>> -> memref<128xi32, #tpu.memory_space<vmem>>
      %dma_start3A_471 = arith.constant 0 : i32
      %dma_start3A_472 = arith.constant 0 : i32
      %dma_start3A_473 = tpu.memref_slice %arg10[%dma_start3A_471, %dma_start3A_472] : memref<10128x16xf32, #tpu.memory_space<vmem_shared>> -> memref<10128x16xf32, #tpu.memory_space<vmem_shared>>
      tpu.enqueue_indirect_dma source(%dma_start3A_467 : memref<128x16xf32, #tpu.memory_space<vmem>>) target(%dma_start3A_473 : memref<10128x16xf32, #tpu.memory_space<vmem_shared>>) offsets(%dma_start3A_470 : memref<128xi32, #tpu.memory_space<vmem>>) semaphore(%arg13 : memref<!tpu.dma_semaphore, #tpu.memory_space<semaphore_mem>>) {add = true}
      %mul3A_474 = arith.constant 8 : i32
      %mul3A_475 = arith.muli %mul3A_225, %mul3A_474 : i32
      %add3A_476 = arith.constant 7 : i32
      %add3A_477 = arith.addi %mul3A_475, %add3A_476 : i32
      %dma_start3A_478 = arith.constant 0 : i32
      %dma_start3A_479 = arith.constant 7 : i32
      %dma_start3A_480 = arith.constant 0 : i32
      %dma_start3A_481 = arith.constant 0 : i32
      %dma_start3A_482 = tpu.memref_slice %arg8[%dma_start3A_478, %dma_start3A_479, %dma_start3A_480, %dma_start3A_481] : memref<2x8x128x16xf32, #tpu.memory_space<vmem>> -> memref<1x1x128x16xf32, #tpu.memory_space<vmem>>
      %dma_start3A_483 = tpu.memref_squeeze %dma_start3A_482 : memref<1x1x128x16xf32, #tpu.memory_space<vmem>> -> memref<128x16xf32, #tpu.memory_space<vmem>>
      %dma_start3A_484 = arith.constant 0 : i32
      %dma_start3A_485 = tpu.memref_slice %arg7[%add3A_477, %dma_start3A_484] : memref<80x128xi32, #tpu.memory_space<vmem>> -> memref<1x128xi32, #tpu.memory_space<vmem>>
      %dma_start3A_486 = tpu.memref_squeeze %dma_start3A_485 : memref<1x128xi32, #tpu.memory_space<vmem>> -> memref<128xi32, #tpu.memory_space<vmem>>
      %dma_start3A_487 = arith.constant 0 : i32
      %dma_start3A_488 = arith.constant 0 : i32
      %dma_start3A_489 = tpu.memref_slice %arg10[%dma_start3A_487, %dma_start3A_488] : memref<10128x16xf32, #tpu.memory_space<vmem_shared>> -> memref<10128x16xf32, #tpu.memory_space<vmem_shared>>
      tpu.enqueue_indirect_dma source(%dma_start3A_483 : memref<128x16xf32, #tpu.memory_space<vmem>>) target(%dma_start3A_489 : memref<10128x16xf32, #tpu.memory_space<vmem_shared>>) offsets(%dma_start3A_486 : memref<128xi32, #tpu.memory_space<vmem>>) semaphore(%arg13 : memref<!tpu.dma_semaphore, #tpu.memory_space<semaphore_mem>>) {add = true}
      %mul3A_490 = arith.constant 2 : i32
      %mul3A_491 = arith.muli %mul3A_490, %scan3A_222 : i32
      %add3A_492 = arith.constant 1 : i32
      %add3A_493 = arith.addi %mul3A_491, %add3A_492 : i32
      %ge3A_494 = arith.constant 1 : i32
      %ge3A_495 = arith.cmpi sge, %add3A_493, %ge3A_494 : i32
      %convert_element_type3A_496 = arith.extui %ge3A_495 : i1 to i32
      %cond3A_497 = arith.constant 0 : i32
      %cond3A_498 = arith.cmpi ne, %convert_element_type3A_496, %cond3A_497 : i32
      scf.if %cond3A_498 {
        %sub3A = arith.constant 1 : i32
        %sub3A_763 = arith.subi %add3A_493, %sub3A : i32
        %mul3A_764 = arith.constant 8 : i32
        %mul3A_765 = arith.muli %sub3A_763, %mul3A_764 : i32
        %add3A_766 = arith.constant 0 : i32
        %add3A_767 = arith.addi %mul3A_765, %add3A_766 : i32
        %dma_wait3A_768 = arith.constant 0 : i32
        %dma_wait3A_769 = arith.constant 0 : i32
        %dma_wait3A_770 = arith.constant 0 : i32
        %dma_wait3A_771 = arith.constant 0 : i32
        %dma_wait3A_772 = tpu.memref_slice %arg8[%dma_wait3A_768, %dma_wait3A_769, %dma_wait3A_770, %dma_wait3A_771] : memref<2x8x128x16xf32, #tpu.memory_space<vmem>> -> memref<1x1x128x16xf32, #tpu.memory_space<vmem>>
        %dma_wait3A_773 = tpu.memref_squeeze %dma_wait3A_772 : memref<1x1x128x16xf32, #tpu.memory_space<vmem>> -> memref<128x16xf32, #tpu.memory_space<vmem>>
        %dma_wait3A_774 = arith.constant 0 : i32
        %dma_wait3A_775 = tpu.memref_slice %arg7[%add3A_767, %dma_wait3A_774] : memref<80x128xi32, #tpu.memory_space<vmem>> -> memref<1x128xi32, #tpu.memory_space<vmem>>
        %dma_wait3A_776 = tpu.memref_squeeze %dma_wait3A_775 : memref<1x128xi32, #tpu.memory_space<vmem>> -> memref<128xi32, #tpu.memory_space<vmem>>
        %dma_wait3A_777 = arith.constant 0 : i32
        %dma_wait3A_778 = arith.constant 0 : i32
        %dma_wait3A_779 = tpu.memref_slice %arg10[%dma_wait3A_777, %dma_wait3A_778] : memref<10128x16xf32, #tpu.memory_space<vmem_shared>> -> memref<10128x16xf32, #tpu.memory_space<vmem_shared>>
        tpu.wait_indirect_dma semaphore(%arg13 : memref<!tpu.dma_semaphore, #tpu.memory_space<semaphore_mem>>) src(%dma_wait3A_773 : memref<128x16xf32, #tpu.memory_space<vmem>>) dst(%dma_wait3A_779 : memref<10128x16xf32, #tpu.memory_space<vmem_shared>>)
        %sub3A_780 = arith.constant 1 : i32
        %sub3A_781 = arith.subi %add3A_493, %sub3A_780 : i32
        %mul3A_782 = arith.constant 8 : i32
        %mul3A_783 = arith.muli %sub3A_781, %mul3A_782 : i32
        %add3A_784 = arith.constant 1 : i32
        %add3A_785 = arith.addi %mul3A_783, %add3A_784 : i32
        %dma_wait3A_786 = arith.constant 0 : i32
        %dma_wait3A_787 = arith.constant 1 : i32
        %dma_wait3A_788 = arith.constant 0 : i32
        %dma_wait3A_789 = arith.constant 0 : i32
        %dma_wait3A_790 = tpu.memref_slice %arg8[%dma_wait3A_786, %dma_wait3A_787, %dma_wait3A_788, %dma_wait3A_789] : memref<2x8x128x16xf32, #tpu.memory_space<vmem>> -> memref<1x1x128x16xf32, #tpu.memory_space<vmem>>
        %dma_wait3A_791 = tpu.memref_squeeze %dma_wait3A_790 : memref<1x1x128x16xf32, #tpu.memory_space<vmem>> -> memref<128x16xf32, #tpu.memory_space<vmem>>
        %dma_wait3A_792 = arith.constant 0 : i32
        %dma_wait3A_793 = tpu.memref_slice %arg7[%add3A_785, %dma_wait3A_792] : memref<80x128xi32, #tpu.memory_space<vmem>> -> memref<1x128xi32, #tpu.memory_space<vmem>>
        %dma_wait3A_794 = tpu.memref_squeeze %dma_wait3A_793 : memref<1x128xi32, #tpu.memory_space<vmem>> -> memref<128xi32, #tpu.memory_space<vmem>>
        %dma_wait3A_795 = arith.constant 0 : i32
        %dma_wait3A_796 = arith.constant 0 : i32
        %dma_wait3A_797 = tpu.memref_slice %arg10[%dma_wait3A_795, %dma_wait3A_796] : memref<10128x16xf32, #tpu.memory_space<vmem_shared>> -> memref<10128x16xf32, #tpu.memory_space<vmem_shared>>
        tpu.wait_indirect_dma semaphore(%arg13 : memref<!tpu.dma_semaphore, #tpu.memory_space<semaphore_mem>>) src(%dma_wait3A_791 : memref<128x16xf32, #tpu.memory_space<vmem>>) dst(%dma_wait3A_797 : memref<10128x16xf32, #tpu.memory_space<vmem_shared>>)
        %sub3A_798 = arith.constant 1 : i32
        %sub3A_799 = arith.subi %add3A_493, %sub3A_798 : i32
        %mul3A_800 = arith.constant 8 : i32
        %mul3A_801 = arith.muli %sub3A_799, %mul3A_800 : i32
        %add3A_802 = arith.constant 2 : i32
        %add3A_803 = arith.addi %mul3A_801, %add3A_802 : i32
        %dma_wait3A_804 = arith.constant 0 : i32
        %dma_wait3A_805 = arith.constant 2 : i32
        %dma_wait3A_806 = arith.constant 0 : i32
        %dma_wait3A_807 = arith.constant 0 : i32
        %dma_wait3A_808 = tpu.memref_slice %arg8[%dma_wait3A_804, %dma_wait3A_805, %dma_wait3A_806, %dma_wait3A_807] : memref<2x8x128x16xf32, #tpu.memory_space<vmem>> -> memref<1x1x128x16xf32, #tpu.memory_space<vmem>>
        %dma_wait3A_809 = tpu.memref_squeeze %dma_wait3A_808 : memref<1x1x128x16xf32, #tpu.memory_space<vmem>> -> memref<128x16xf32, #tpu.memory_space<vmem>>
        %dma_wait3A_810 = arith.constant 0 : i32
        %dma_wait3A_811 = tpu.memref_slice %arg7[%add3A_803, %dma_wait3A_810] : memref<80x128xi32, #tpu.memory_space<vmem>> -> memref<1x128xi32, #tpu.memory_space<vmem>>
        %dma_wait3A_812 = tpu.memref_squeeze %dma_wait3A_811 : memref<1x128xi32, #tpu.memory_space<vmem>> -> memref<128xi32, #tpu.memory_space<vmem>>
        %dma_wait3A_813 = arith.constant 0 : i32
        %dma_wait3A_814 = arith.constant 0 : i32
        %dma_wait3A_815 = tpu.memref_slice %arg10[%dma_wait3A_813, %dma_wait3A_814] : memref<10128x16xf32, #tpu.memory_space<vmem_shared>> -> memref<10128x16xf32, #tpu.memory_space<vmem_shared>>
        tpu.wait_indirect_dma semaphore(%arg13 : memref<!tpu.dma_semaphore, #tpu.memory_space<semaphore_mem>>) src(%dma_wait3A_809 : memref<128x16xf32, #tpu.memory_space<vmem>>) dst(%dma_wait3A_815 : memref<10128x16xf32, #tpu.memory_space<vmem_shared>>)
        %sub3A_816 = arith.constant 1 : i32
        %sub3A_817 = arith.subi %add3A_493, %sub3A_816 : i32
        %mul3A_818 = arith.constant 8 : i32
        %mul3A_819 = arith.muli %sub3A_817, %mul3A_818 : i32
        %add3A_820 = arith.constant 3 : i32
        %add3A_821 = arith.addi %mul3A_819, %add3A_820 : i32
        %dma_wait3A_822 = arith.constant 0 : i32
        %dma_wait3A_823 = arith.constant 3 : i32
        %dma_wait3A_824 = arith.constant 0 : i32
        %dma_wait3A_825 = arith.constant 0 : i32
        %dma_wait3A_826 = tpu.memref_slice %arg8[%dma_wait3A_822, %dma_wait3A_823, %dma_wait3A_824, %dma_wait3A_825] : memref<2x8x128x16xf32, #tpu.memory_space<vmem>> -> memref<1x1x128x16xf32, #tpu.memory_space<vmem>>
        %dma_wait3A_827 = tpu.memref_squeeze %dma_wait3A_826 : memref<1x1x128x16xf32, #tpu.memory_space<vmem>> -> memref<128x16xf32, #tpu.memory_space<vmem>>
        %dma_wait3A_828 = arith.constant 0 : i32
        %dma_wait3A_829 = tpu.memref_slice %arg7[%add3A_821, %dma_wait3A_828] : memref<80x128xi32, #tpu.memory_space<vmem>> -> memref<1x128xi32, #tpu.memory_space<vmem>>
        %dma_wait3A_830 = tpu.memref_squeeze %dma_wait3A_829 : memref<1x128xi32, #tpu.memory_space<vmem>> -> memref<128xi32, #tpu.memory_space<vmem>>
        %dma_wait3A_831 = arith.constant 0 : i32
        %dma_wait3A_832 = arith.constant 0 : i32
        %dma_wait3A_833 = tpu.memref_slice %arg10[%dma_wait3A_831, %dma_wait3A_832] : memref<10128x16xf32, #tpu.memory_space<vmem_shared>> -> memref<10128x16xf32, #tpu.memory_space<vmem_shared>>
        tpu.wait_indirect_dma semaphore(%arg13 : memref<!tpu.dma_semaphore, #tpu.memory_space<semaphore_mem>>) src(%dma_wait3A_827 : memref<128x16xf32, #tpu.memory_space<vmem>>) dst(%dma_wait3A_833 : memref<10128x16xf32, #tpu.memory_space<vmem_shared>>)
        %sub3A_834 = arith.constant 1 : i32
        %sub3A_835 = arith.subi %add3A_493, %sub3A_834 : i32
        %mul3A_836 = arith.constant 8 : i32
        %mul3A_837 = arith.muli %sub3A_835, %mul3A_836 : i32
        %add3A_838 = arith.constant 4 : i32
        %add3A_839 = arith.addi %mul3A_837, %add3A_838 : i32
        %dma_wait3A_840 = arith.constant 0 : i32
        %dma_wait3A_841 = arith.constant 4 : i32
        %dma_wait3A_842 = arith.constant 0 : i32
        %dma_wait3A_843 = arith.constant 0 : i32
        %dma_wait3A_844 = tpu.memref_slice %arg8[%dma_wait3A_840, %dma_wait3A_841, %dma_wait3A_842, %dma_wait3A_843] : memref<2x8x128x16xf32, #tpu.memory_space<vmem>> -> memref<1x1x128x16xf32, #tpu.memory_space<vmem>>
        %dma_wait3A_845 = tpu.memref_squeeze %dma_wait3A_844 : memref<1x1x128x16xf32, #tpu.memory_space<vmem>> -> memref<128x16xf32, #tpu.memory_space<vmem>>
        %dma_wait3A_846 = arith.constant 0 : i32
        %dma_wait3A_847 = tpu.memref_slice %arg7[%add3A_839, %dma_wait3A_846] : memref<80x128xi32, #tpu.memory_space<vmem>> -> memref<1x128xi32, #tpu.memory_space<vmem>>
        %dma_wait3A_848 = tpu.memref_squeeze %dma_wait3A_847 : memref<1x128xi32, #tpu.memory_space<vmem>> -> memref<128xi32, #tpu.memory_space<vmem>>
        %dma_wait3A_849 = arith.constant 0 : i32
        %dma_wait3A_850 = arith.constant 0 : i32
        %dma_wait3A_851 = tpu.memref_slice %arg10[%dma_wait3A_849, %dma_wait3A_850] : memref<10128x16xf32, #tpu.memory_space<vmem_shared>> -> memref<10128x16xf32, #tpu.memory_space<vmem_shared>>
        tpu.wait_indirect_dma semaphore(%arg13 : memref<!tpu.dma_semaphore, #tpu.memory_space<semaphore_mem>>) src(%dma_wait3A_845 : memref<128x16xf32, #tpu.memory_space<vmem>>) dst(%dma_wait3A_851 : memref<10128x16xf32, #tpu.memory_space<vmem_shared>>)
        %sub3A_852 = arith.constant 1 : i32
        %sub3A_853 = arith.subi %add3A_493, %sub3A_852 : i32
        %mul3A_854 = arith.constant 8 : i32
        %mul3A_855 = arith.muli %sub3A_853, %mul3A_854 : i32
        %add3A_856 = arith.constant 5 : i32
        %add3A_857 = arith.addi %mul3A_855, %add3A_856 : i32
        %dma_wait3A_858 = arith.constant 0 : i32
        %dma_wait3A_859 = arith.constant 5 : i32
        %dma_wait3A_860 = arith.constant 0 : i32
        %dma_wait3A_861 = arith.constant 0 : i32
        %dma_wait3A_862 = tpu.memref_slice %arg8[%dma_wait3A_858, %dma_wait3A_859, %dma_wait3A_860, %dma_wait3A_861] : memref<2x8x128x16xf32, #tpu.memory_space<vmem>> -> memref<1x1x128x16xf32, #tpu.memory_space<vmem>>
        %dma_wait3A_863 = tpu.memref_squeeze %dma_wait3A_862 : memref<1x1x128x16xf32, #tpu.memory_space<vmem>> -> memref<128x16xf32, #tpu.memory_space<vmem>>
        %dma_wait3A_864 = arith.constant 0 : i32
        %dma_wait3A_865 = tpu.memref_slice %arg7[%add3A_857, %dma_wait3A_864] : memref<80x128xi32, #tpu.memory_space<vmem>> -> memref<1x128xi32, #tpu.memory_space<vmem>>
        %dma_wait3A_866 = tpu.memref_squeeze %dma_wait3A_865 : memref<1x128xi32, #tpu.memory_space<vmem>> -> memref<128xi32, #tpu.memory_space<vmem>>
        %dma_wait3A_867 = arith.constant 0 : i32
        %dma_wait3A_868 = arith.constant 0 : i32
        %dma_wait3A_869 = tpu.memref_slice %arg10[%dma_wait3A_867, %dma_wait3A_868] : memref<10128x16xf32, #tpu.memory_space<vmem_shared>> -> memref<10128x16xf32, #tpu.memory_space<vmem_shared>>
        tpu.wait_indirect_dma semaphore(%arg13 : memref<!tpu.dma_semaphore, #tpu.memory_space<semaphore_mem>>) src(%dma_wait3A_863 : memref<128x16xf32, #tpu.memory_space<vmem>>) dst(%dma_wait3A_869 : memref<10128x16xf32, #tpu.memory_space<vmem_shared>>)
        %sub3A_870 = arith.constant 1 : i32
        %sub3A_871 = arith.subi %add3A_493, %sub3A_870 : i32
        %mul3A_872 = arith.constant 8 : i32
        %mul3A_873 = arith.muli %sub3A_871, %mul3A_872 : i32
        %add3A_874 = arith.constant 6 : i32
        %add3A_875 = arith.addi %mul3A_873, %add3A_874 : i32
        %dma_wait3A_876 = arith.constant 0 : i32
        %dma_wait3A_877 = arith.constant 6 : i32
        %dma_wait3A_878 = arith.constant 0 : i32
        %dma_wait3A_879 = arith.constant 0 : i32
        %dma_wait3A_880 = tpu.memref_slice %arg8[%dma_wait3A_876, %dma_wait3A_877, %dma_wait3A_878, %dma_wait3A_879] : memref<2x8x128x16xf32, #tpu.memory_space<vmem>> -> memref<1x1x128x16xf32, #tpu.memory_space<vmem>>
        %dma_wait3A_881 = tpu.memref_squeeze %dma_wait3A_880 : memref<1x1x128x16xf32, #tpu.memory_space<vmem>> -> memref<128x16xf32, #tpu.memory_space<vmem>>
        %dma_wait3A_882 = arith.constant 0 : i32
        %dma_wait3A_883 = tpu.memref_slice %arg7[%add3A_875, %dma_wait3A_882] : memref<80x128xi32, #tpu.memory_space<vmem>> -> memref<1x128xi32, #tpu.memory_space<vmem>>
        %dma_wait3A_884 = tpu.memref_squeeze %dma_wait3A_883 : memref<1x128xi32, #tpu.memory_space<vmem>> -> memref<128xi32, #tpu.memory_space<vmem>>
        %dma_wait3A_885 = arith.constant 0 : i32
        %dma_wait3A_886 = arith.constant 0 : i32
        %dma_wait3A_887 = tpu.memref_slice %arg10[%dma_wait3A_885, %dma_wait3A_886] : memref<10128x16xf32, #tpu.memory_space<vmem_shared>> -> memref<10128x16xf32, #tpu.memory_space<vmem_shared>>
        tpu.wait_indirect_dma semaphore(%arg13 : memref<!tpu.dma_semaphore, #tpu.memory_space<semaphore_mem>>) src(%dma_wait3A_881 : memref<128x16xf32, #tpu.memory_space<vmem>>) dst(%dma_wait3A_887 : memref<10128x16xf32, #tpu.memory_space<vmem_shared>>)
        %sub3A_888 = arith.constant 1 : i32
        %sub3A_889 = arith.subi %add3A_493, %sub3A_888 : i32
        %mul3A_890 = arith.constant 8 : i32
        %mul3A_891 = arith.muli %sub3A_889, %mul3A_890 : i32
        %add3A_892 = arith.constant 7 : i32
        %add3A_893 = arith.addi %mul3A_891, %add3A_892 : i32
        %dma_wait3A_894 = arith.constant 0 : i32
        %dma_wait3A_895 = arith.constant 7 : i32
        %dma_wait3A_896 = arith.constant 0 : i32
        %dma_wait3A_897 = arith.constant 0 : i32
        %dma_wait3A_898 = tpu.memref_slice %arg8[%dma_wait3A_894, %dma_wait3A_895, %dma_wait3A_896, %dma_wait3A_897] : memref<2x8x128x16xf32, #tpu.memory_space<vmem>> -> memref<1x1x128x16xf32, #tpu.memory_space<vmem>>
        %dma_wait3A_899 = tpu.memref_squeeze %dma_wait3A_898 : memref<1x1x128x16xf32, #tpu.memory_space<vmem>> -> memref<128x16xf32, #tpu.memory_space<vmem>>
        %dma_wait3A_900 = arith.constant 0 : i32
        %dma_wait3A_901 = tpu.memref_slice %arg7[%add3A_893, %dma_wait3A_900] : memref<80x128xi32, #tpu.memory_space<vmem>> -> memref<1x128xi32, #tpu.memory_space<vmem>>
        %dma_wait3A_902 = tpu.memref_squeeze %dma_wait3A_901 : memref<1x128xi32, #tpu.memory_space<vmem>> -> memref<128xi32, #tpu.memory_space<vmem>>
        %dma_wait3A_903 = arith.constant 0 : i32
        %dma_wait3A_904 = arith.constant 0 : i32
        %dma_wait3A_905 = tpu.memref_slice %arg10[%dma_wait3A_903, %dma_wait3A_904] : memref<10128x16xf32, #tpu.memory_space<vmem_shared>> -> memref<10128x16xf32, #tpu.memory_space<vmem_shared>>
        tpu.wait_indirect_dma semaphore(%arg13 : memref<!tpu.dma_semaphore, #tpu.memory_space<semaphore_mem>>) src(%dma_wait3A_899 : memref<128x16xf32, #tpu.memory_space<vmem>>) dst(%dma_wait3A_905 : memref<10128x16xf32, #tpu.memory_space<vmem_shared>>)
      } else {
      }
      %add3A_499 = arith.constant 1 : i32
      %add3A_500 = arith.addi %add3A_493, %add3A_499 : i32
      %lt3A_501 = arith.constant 10 : i32
      %lt3A_502 = arith.cmpi slt, %add3A_500, %lt3A_501 : i32
      %convert_element_type3A_503 = arith.extui %lt3A_502 : i1 to i32
      %cond3A_504 = arith.constant 0 : i32
      %cond3A_505 = arith.cmpi ne, %convert_element_type3A_503, %cond3A_504 : i32
      scf.if %cond3A_505 {
        %add3A_763 = arith.constant 1 : i32
        %add3A_764 = arith.addi %add3A_493, %add3A_763 : i32
        %mul3A_765 = arith.constant 8 : i32
        %mul3A_766 = arith.muli %add3A_764, %mul3A_765 : i32
        %add3A_767 = arith.constant 0 : i32
        %add3A_768 = arith.addi %mul3A_766, %add3A_767 : i32
        %dma_start3A_769 = arith.constant 0 : i32
        %dma_start3A_770 = arith.constant 0 : i32
        %dma_start3A_771 = arith.constant 0 : i32
        %dma_start3A_772 = arith.constant 0 : i32
        %dma_start3A_773 = tpu.memref_slice %arg8[%dma_start3A_769, %dma_start3A_770, %dma_start3A_771, %dma_start3A_772] : memref<2x8x128x16xf32, #tpu.memory_space<vmem>> -> memref<1x1x128x16xf32, #tpu.memory_space<vmem>>
        %dma_start3A_774 = tpu.memref_squeeze %dma_start3A_773 : memref<1x1x128x16xf32, #tpu.memory_space<vmem>> -> memref<128x16xf32, #tpu.memory_space<vmem>>
        %dma_start3A_775 = arith.constant 0 : i32
        %dma_start3A_776 = tpu.memref_slice %arg6[%add3A_768, %dma_start3A_775] : memref<80x128xi32, #tpu.memory_space<vmem>> -> memref<1x128xi32, #tpu.memory_space<vmem>>
        %dma_start3A_777 = tpu.memref_squeeze %dma_start3A_776 : memref<1x128xi32, #tpu.memory_space<vmem>> -> memref<128xi32, #tpu.memory_space<vmem>>
        %dma_start3A_778 = arith.constant 0 : i32
        %dma_start3A_779 = arith.constant 0 : i32
        %dma_start3A_780 = tpu.memref_slice %arg4[%dma_start3A_778, %dma_start3A_779] : memref<10000x16xf32, #tpu.memory_space<hbm>> -> memref<10000x16xf32, #tpu.memory_space<hbm>>
        tpu.enqueue_indirect_dma source(%dma_start3A_780 : memref<10000x16xf32, #tpu.memory_space<hbm>>) target(%dma_start3A_774 : memref<128x16xf32, #tpu.memory_space<vmem>>) offsets(%dma_start3A_777 : memref<128xi32, #tpu.memory_space<vmem>>) semaphore(%arg11 : memref<!tpu.dma_semaphore, #tpu.memory_space<semaphore_mem>>)
        %add3A_781 = arith.constant 1 : i32
        %add3A_782 = arith.addi %add3A_493, %add3A_781 : i32
        %mul3A_783 = arith.constant 8 : i32
        %mul3A_784 = arith.muli %add3A_782, %mul3A_783 : i32
        %add3A_785 = arith.constant 1 : i32
        %add3A_786 = arith.addi %mul3A_784, %add3A_785 : i32
        %dma_start3A_787 = arith.constant 0 : i32
        %dma_start3A_788 = arith.constant 1 : i32
        %dma_start3A_789 = arith.constant 0 : i32
        %dma_start3A_790 = arith.constant 0 : i32
        %dma_start3A_791 = tpu.memref_slice %arg8[%dma_start3A_787, %dma_start3A_788, %dma_start3A_789, %dma_start3A_790] : memref<2x8x128x16xf32, #tpu.memory_space<vmem>> -> memref<1x1x128x16xf32, #tpu.memory_space<vmem>>
        %dma_start3A_792 = tpu.memref_squeeze %dma_start3A_791 : memref<1x1x128x16xf32, #tpu.memory_space<vmem>> -> memref<128x16xf32, #tpu.memory_space<vmem>>
        %dma_start3A_793 = arith.constant 0 : i32
        %dma_start3A_794 = tpu.memref_slice %arg6[%add3A_786, %dma_start3A_793] : memref<80x128xi32, #tpu.memory_space<vmem>> -> memref<1x128xi32, #tpu.memory_space<vmem>>
        %dma_start3A_795 = tpu.memref_squeeze %dma_start3A_794 : memref<1x128xi32, #tpu.memory_space<vmem>> -> memref<128xi32, #tpu.memory_space<vmem>>
        %dma_start3A_796 = arith.constant 0 : i32
        %dma_start3A_797 = arith.constant 0 : i32
        %dma_start3A_798 = tpu.memref_slice %arg4[%dma_start3A_796, %dma_start3A_797] : memref<10000x16xf32, #tpu.memory_space<hbm>> -> memref<10000x16xf32, #tpu.memory_space<hbm>>
        tpu.enqueue_indirect_dma source(%dma_start3A_798 : memref<10000x16xf32, #tpu.memory_space<hbm>>) target(%dma_start3A_792 : memref<128x16xf32, #tpu.memory_space<vmem>>) offsets(%dma_start3A_795 : memref<128xi32, #tpu.memory_space<vmem>>) semaphore(%arg11 : memref<!tpu.dma_semaphore, #tpu.memory_space<semaphore_mem>>)
        %add3A_799 = arith.constant 1 : i32
        %add3A_800 = arith.addi %add3A_493, %add3A_799 : i32
        %mul3A_801 = arith.constant 8 : i32
        %mul3A_802 = arith.muli %add3A_800, %mul3A_801 : i32
        %add3A_803 = arith.constant 2 : i32
        %add3A_804 = arith.addi %mul3A_802, %add3A_803 : i32
        %dma_start3A_805 = arith.constant 0 : i32
        %dma_start3A_806 = arith.constant 2 : i32
        %dma_start3A_807 = arith.constant 0 : i32
        %dma_start3A_808 = arith.constant 0 : i32
        %dma_start3A_809 = tpu.memref_slice %arg8[%dma_start3A_805, %dma_start3A_806, %dma_start3A_807, %dma_start3A_808] : memref<2x8x128x16xf32, #tpu.memory_space<vmem>> -> memref<1x1x128x16xf32, #tpu.memory_space<vmem>>
        %dma_start3A_810 = tpu.memref_squeeze %dma_start3A_809 : memref<1x1x128x16xf32, #tpu.memory_space<vmem>> -> memref<128x16xf32, #tpu.memory_space<vmem>>
        %dma_start3A_811 = arith.constant 0 : i32
        %dma_start3A_812 = tpu.memref_slice %arg6[%add3A_804, %dma_start3A_811] : memref<80x128xi32, #tpu.memory_space<vmem>> -> memref<1x128xi32, #tpu.memory_space<vmem>>
        %dma_start3A_813 = tpu.memref_squeeze %dma_start3A_812 : memref<1x128xi32, #tpu.memory_space<vmem>> -> memref<128xi32, #tpu.memory_space<vmem>>
        %dma_start3A_814 = arith.constant 0 : i32
        %dma_start3A_815 = arith.constant 0 : i32
        %dma_start3A_816 = tpu.memref_slice %arg4[%dma_start3A_814, %dma_start3A_815] : memref<10000x16xf32, #tpu.memory_space<hbm>> -> memref<10000x16xf32, #tpu.memory_space<hbm>>
        tpu.enqueue_indirect_dma source(%dma_start3A_816 : memref<10000x16xf32, #tpu.memory_space<hbm>>) target(%dma_start3A_810 : memref<128x16xf32, #tpu.memory_space<vmem>>) offsets(%dma_start3A_813 : memref<128xi32, #tpu.memory_space<vmem>>) semaphore(%arg11 : memref<!tpu.dma_semaphore, #tpu.memory_space<semaphore_mem>>)
        %add3A_817 = arith.constant 1 : i32
        %add3A_818 = arith.addi %add3A_493, %add3A_817 : i32
        %mul3A_819 = arith.constant 8 : i32
        %mul3A_820 = arith.muli %add3A_818, %mul3A_819 : i32
        %add3A_821 = arith.constant 3 : i32
        %add3A_822 = arith.addi %mul3A_820, %add3A_821 : i32
        %dma_start3A_823 = arith.constant 0 : i32
        %dma_start3A_824 = arith.constant 3 : i32
        %dma_start3A_825 = arith.constant 0 : i32
        %dma_start3A_826 = arith.constant 0 : i32
        %dma_start3A_827 = tpu.memref_slice %arg8[%dma_start3A_823, %dma_start3A_824, %dma_start3A_825, %dma_start3A_826] : memref<2x8x128x16xf32, #tpu.memory_space<vmem>> -> memref<1x1x128x16xf32, #tpu.memory_space<vmem>>
        %dma_start3A_828 = tpu.memref_squeeze %dma_start3A_827 : memref<1x1x128x16xf32, #tpu.memory_space<vmem>> -> memref<128x16xf32, #tpu.memory_space<vmem>>
        %dma_start3A_829 = arith.constant 0 : i32
        %dma_start3A_830 = tpu.memref_slice %arg6[%add3A_822, %dma_start3A_829] : memref<80x128xi32, #tpu.memory_space<vmem>> -> memref<1x128xi32, #tpu.memory_space<vmem>>
        %dma_start3A_831 = tpu.memref_squeeze %dma_start3A_830 : memref<1x128xi32, #tpu.memory_space<vmem>> -> memref<128xi32, #tpu.memory_space<vmem>>
        %dma_start3A_832 = arith.constant 0 : i32
        %dma_start3A_833 = arith.constant 0 : i32
        %dma_start3A_834 = tpu.memref_slice %arg4[%dma_start3A_832, %dma_start3A_833] : memref<10000x16xf32, #tpu.memory_space<hbm>> -> memref<10000x16xf32, #tpu.memory_space<hbm>>
        tpu.enqueue_indirect_dma source(%dma_start3A_834 : memref<10000x16xf32, #tpu.memory_space<hbm>>) target(%dma_start3A_828 : memref<128x16xf32, #tpu.memory_space<vmem>>) offsets(%dma_start3A_831 : memref<128xi32, #tpu.memory_space<vmem>>) semaphore(%arg11 : memref<!tpu.dma_semaphore, #tpu.memory_space<semaphore_mem>>)
        %add3A_835 = arith.constant 1 : i32
        %add3A_836 = arith.addi %add3A_493, %add3A_835 : i32
        %mul3A_837 = arith.constant 8 : i32
        %mul3A_838 = arith.muli %add3A_836, %mul3A_837 : i32
        %add3A_839 = arith.constant 4 : i32
        %add3A_840 = arith.addi %mul3A_838, %add3A_839 : i32
        %dma_start3A_841 = arith.constant 0 : i32
        %dma_start3A_842 = arith.constant 4 : i32
        %dma_start3A_843 = arith.constant 0 : i32
        %dma_start3A_844 = arith.constant 0 : i32
        %dma_start3A_845 = tpu.memref_slice %arg8[%dma_start3A_841, %dma_start3A_842, %dma_start3A_843, %dma_start3A_844] : memref<2x8x128x16xf32, #tpu.memory_space<vmem>> -> memref<1x1x128x16xf32, #tpu.memory_space<vmem>>
        %dma_start3A_846 = tpu.memref_squeeze %dma_start3A_845 : memref<1x1x128x16xf32, #tpu.memory_space<vmem>> -> memref<128x16xf32, #tpu.memory_space<vmem>>
        %dma_start3A_847 = arith.constant 0 : i32
        %dma_start3A_848 = tpu.memref_slice %arg6[%add3A_840, %dma_start3A_847] : memref<80x128xi32, #tpu.memory_space<vmem>> -> memref<1x128xi32, #tpu.memory_space<vmem>>
        %dma_start3A_849 = tpu.memref_squeeze %dma_start3A_848 : memref<1x128xi32, #tpu.memory_space<vmem>> -> memref<128xi32, #tpu.memory_space<vmem>>
        %dma_start3A_850 = arith.constant 0 : i32
        %dma_start3A_851 = arith.constant 0 : i32
        %dma_start3A_852 = tpu.memref_slice %arg4[%dma_start3A_850, %dma_start3A_851] : memref<10000x16xf32, #tpu.memory_space<hbm>> -> memref<10000x16xf32, #tpu.memory_space<hbm>>
        tpu.enqueue_indirect_dma source(%dma_start3A_852 : memref<10000x16xf32, #tpu.memory_space<hbm>>) target(%dma_start3A_846 : memref<128x16xf32, #tpu.memory_space<vmem>>) offsets(%dma_start3A_849 : memref<128xi32, #tpu.memory_space<vmem>>) semaphore(%arg11 : memref<!tpu.dma_semaphore, #tpu.memory_space<semaphore_mem>>)
        %add3A_853 = arith.constant 1 : i32
        %add3A_854 = arith.addi %add3A_493, %add3A_853 : i32
        %mul3A_855 = arith.constant 8 : i32
        %mul3A_856 = arith.muli %add3A_854, %mul3A_855 : i32
        %add3A_857 = arith.constant 5 : i32
        %add3A_858 = arith.addi %mul3A_856, %add3A_857 : i32
        %dma_start3A_859 = arith.constant 0 : i32
        %dma_start3A_860 = arith.constant 5 : i32
        %dma_start3A_861 = arith.constant 0 : i32
        %dma_start3A_862 = arith.constant 0 : i32
        %dma_start3A_863 = tpu.memref_slice %arg8[%dma_start3A_859, %dma_start3A_860, %dma_start3A_861, %dma_start3A_862] : memref<2x8x128x16xf32, #tpu.memory_space<vmem>> -> memref<1x1x128x16xf32, #tpu.memory_space<vmem>>
        %dma_start3A_864 = tpu.memref_squeeze %dma_start3A_863 : memref<1x1x128x16xf32, #tpu.memory_space<vmem>> -> memref<128x16xf32, #tpu.memory_space<vmem>>
        %dma_start3A_865 = arith.constant 0 : i32
        %dma_start3A_866 = tpu.memref_slice %arg6[%add3A_858, %dma_start3A_865] : memref<80x128xi32, #tpu.memory_space<vmem>> -> memref<1x128xi32, #tpu.memory_space<vmem>>
        %dma_start3A_867 = tpu.memref_squeeze %dma_start3A_866 : memref<1x128xi32, #tpu.memory_space<vmem>> -> memref<128xi32, #tpu.memory_space<vmem>>
        %dma_start3A_868 = arith.constant 0 : i32
        %dma_start3A_869 = arith.constant 0 : i32
        %dma_start3A_870 = tpu.memref_slice %arg4[%dma_start3A_868, %dma_start3A_869] : memref<10000x16xf32, #tpu.memory_space<hbm>> -> memref<10000x16xf32, #tpu.memory_space<hbm>>
        tpu.enqueue_indirect_dma source(%dma_start3A_870 : memref<10000x16xf32, #tpu.memory_space<hbm>>) target(%dma_start3A_864 : memref<128x16xf32, #tpu.memory_space<vmem>>) offsets(%dma_start3A_867 : memref<128xi32, #tpu.memory_space<vmem>>) semaphore(%arg11 : memref<!tpu.dma_semaphore, #tpu.memory_space<semaphore_mem>>)
        %add3A_871 = arith.constant 1 : i32
        %add3A_872 = arith.addi %add3A_493, %add3A_871 : i32
        %mul3A_873 = arith.constant 8 : i32
        %mul3A_874 = arith.muli %add3A_872, %mul3A_873 : i32
        %add3A_875 = arith.constant 6 : i32
        %add3A_876 = arith.addi %mul3A_874, %add3A_875 : i32
        %dma_start3A_877 = arith.constant 0 : i32
        %dma_start3A_878 = arith.constant 6 : i32
        %dma_start3A_879 = arith.constant 0 : i32
        %dma_start3A_880 = arith.constant 0 : i32
        %dma_start3A_881 = tpu.memref_slice %arg8[%dma_start3A_877, %dma_start3A_878, %dma_start3A_879, %dma_start3A_880] : memref<2x8x128x16xf32, #tpu.memory_space<vmem>> -> memref<1x1x128x16xf32, #tpu.memory_space<vmem>>
        %dma_start3A_882 = tpu.memref_squeeze %dma_start3A_881 : memref<1x1x128x16xf32, #tpu.memory_space<vmem>> -> memref<128x16xf32, #tpu.memory_space<vmem>>
        %dma_start3A_883 = arith.constant 0 : i32
        %dma_start3A_884 = tpu.memref_slice %arg6[%add3A_876, %dma_start3A_883] : memref<80x128xi32, #tpu.memory_space<vmem>> -> memref<1x128xi32, #tpu.memory_space<vmem>>
        %dma_start3A_885 = tpu.memref_squeeze %dma_start3A_884 : memref<1x128xi32, #tpu.memory_space<vmem>> -> memref<128xi32, #tpu.memory_space<vmem>>
        %dma_start3A_886 = arith.constant 0 : i32
        %dma_start3A_887 = arith.constant 0 : i32
        %dma_start3A_888 = tpu.memref_slice %arg4[%dma_start3A_886, %dma_start3A_887] : memref<10000x16xf32, #tpu.memory_space<hbm>> -> memref<10000x16xf32, #tpu.memory_space<hbm>>
        tpu.enqueue_indirect_dma source(%dma_start3A_888 : memref<10000x16xf32, #tpu.memory_space<hbm>>) target(%dma_start3A_882 : memref<128x16xf32, #tpu.memory_space<vmem>>) offsets(%dma_start3A_885 : memref<128xi32, #tpu.memory_space<vmem>>) semaphore(%arg11 : memref<!tpu.dma_semaphore, #tpu.memory_space<semaphore_mem>>)
        %add3A_889 = arith.constant 1 : i32
        %add3A_890 = arith.addi %add3A_493, %add3A_889 : i32
        %mul3A_891 = arith.constant 8 : i32
        %mul3A_892 = arith.muli %add3A_890, %mul3A_891 : i32
        %add3A_893 = arith.constant 7 : i32
        %add3A_894 = arith.addi %mul3A_892, %add3A_893 : i32
        %dma_start3A_895 = arith.constant 0 : i32
        %dma_start3A_896 = arith.constant 7 : i32
        %dma_start3A_897 = arith.constant 0 : i32
        %dma_start3A_898 = arith.constant 0 : i32
        %dma_start3A_899 = tpu.memref_slice %arg8[%dma_start3A_895, %dma_start3A_896, %dma_start3A_897, %dma_start3A_898] : memref<2x8x128x16xf32, #tpu.memory_space<vmem>> -> memref<1x1x128x16xf32, #tpu.memory_space<vmem>>
        %dma_start3A_900 = tpu.memref_squeeze %dma_start3A_899 : memref<1x1x128x16xf32, #tpu.memory_space<vmem>> -> memref<128x16xf32, #tpu.memory_space<vmem>>
        %dma_start3A_901 = arith.constant 0 : i32
        %dma_start3A_902 = tpu.memref_slice %arg6[%add3A_894, %dma_start3A_901] : memref<80x128xi32, #tpu.memory_space<vmem>> -> memref<1x128xi32, #tpu.memory_space<vmem>>
        %dma_start3A_903 = tpu.memref_squeeze %dma_start3A_902 : memref<1x128xi32, #tpu.memory_space<vmem>> -> memref<128xi32, #tpu.memory_space<vmem>>
        %dma_start3A_904 = arith.constant 0 : i32
        %dma_start3A_905 = arith.constant 0 : i32
        %dma_start3A_906 = tpu.memref_slice %arg4[%dma_start3A_904, %dma_start3A_905] : memref<10000x16xf32, #tpu.memory_space<hbm>> -> memref<10000x16xf32, #tpu.memory_space<hbm>>
        tpu.enqueue_indirect_dma source(%dma_start3A_906 : memref<10000x16xf32, #tpu.memory_space<hbm>>) target(%dma_start3A_900 : memref<128x16xf32, #tpu.memory_space<vmem>>) offsets(%dma_start3A_903 : memref<128xi32, #tpu.memory_space<vmem>>) semaphore(%arg11 : memref<!tpu.dma_semaphore, #tpu.memory_space<semaphore_mem>>)
      } else {
      }
      %mul3A_506 = arith.constant 8 : i32
      %mul3A_507 = arith.muli %add3A_493, %mul3A_506 : i32
      %add3A_508 = arith.constant 0 : i32
      %add3A_509 = arith.addi %mul3A_507, %add3A_508 : i32
      %dma_wait3A_510 = arith.constant 1 : i32
      %dma_wait3A_511 = arith.constant 0 : i32
      %dma_wait3A_512 = arith.constant 0 : i32
      %dma_wait3A_513 = arith.constant 0 : i32
      %dma_wait3A_514 = tpu.memref_slice %arg8[%dma_wait3A_510, %dma_wait3A_511, %dma_wait3A_512, %dma_wait3A_513] : memref<2x8x128x16xf32, #tpu.memory_space<vmem>> -> memref<1x1x128x16xf32, #tpu.memory_space<vmem>>
      %dma_wait3A_515 = tpu.memref_squeeze %dma_wait3A_514 : memref<1x1x128x16xf32, #tpu.memory_space<vmem>> -> memref<128x16xf32, #tpu.memory_space<vmem>>
      %dma_wait3A_516 = arith.constant 0 : i32
      %dma_wait3A_517 = tpu.memref_slice %arg6[%add3A_509, %dma_wait3A_516] : memref<80x128xi32, #tpu.memory_space<vmem>> -> memref<1x128xi32, #tpu.memory_space<vmem>>
      %dma_wait3A_518 = tpu.memref_squeeze %dma_wait3A_517 : memref<1x128xi32, #tpu.memory_space<vmem>> -> memref<128xi32, #tpu.memory_space<vmem>>
      %dma_wait3A_519 = arith.constant 0 : i32
      %dma_wait3A_520 = arith.constant 0 : i32
      %dma_wait3A_521 = tpu.memref_slice %arg4[%dma_wait3A_519, %dma_wait3A_520] : memref<10000x16xf32, #tpu.memory_space<hbm>> -> memref<10000x16xf32, #tpu.memory_space<hbm>>
      tpu.wait_indirect_dma semaphore(%arg12 : memref<!tpu.dma_semaphore, #tpu.memory_space<semaphore_mem>>) src(%dma_wait3A_521 : memref<10000x16xf32, #tpu.memory_space<hbm>>) dst(%dma_wait3A_515 : memref<128x16xf32, #tpu.memory_space<vmem>>)
      %mul3A_522 = arith.constant 8 : i32
      %mul3A_523 = arith.muli %add3A_493, %mul3A_522 : i32
      %add3A_524 = arith.constant 1 : i32
      %add3A_525 = arith.addi %mul3A_523, %add3A_524 : i32
      %dma_wait3A_526 = arith.constant 1 : i32
      %dma_wait3A_527 = arith.constant 1 : i32
      %dma_wait3A_528 = arith.constant 0 : i32
      %dma_wait3A_529 = arith.constant 0 : i32
      %dma_wait3A_530 = tpu.memref_slice %arg8[%dma_wait3A_526, %dma_wait3A_527, %dma_wait3A_528, %dma_wait3A_529] : memref<2x8x128x16xf32, #tpu.memory_space<vmem>> -> memref<1x1x128x16xf32, #tpu.memory_space<vmem>>
      %dma_wait3A_531 = tpu.memref_squeeze %dma_wait3A_530 : memref<1x1x128x16xf32, #tpu.memory_space<vmem>> -> memref<128x16xf32, #tpu.memory_space<vmem>>
      %dma_wait3A_532 = arith.constant 0 : i32
      %dma_wait3A_533 = tpu.memref_slice %arg6[%add3A_525, %dma_wait3A_532] : memref<80x128xi32, #tpu.memory_space<vmem>> -> memref<1x128xi32, #tpu.memory_space<vmem>>
      %dma_wait3A_534 = tpu.memref_squeeze %dma_wait3A_533 : memref<1x128xi32, #tpu.memory_space<vmem>> -> memref<128xi32, #tpu.memory_space<vmem>>
      %dma_wait3A_535 = arith.constant 0 : i32
      %dma_wait3A_536 = arith.constant 0 : i32
      %dma_wait3A_537 = tpu.memref_slice %arg4[%dma_wait3A_535, %dma_wait3A_536] : memref<10000x16xf32, #tpu.memory_space<hbm>> -> memref<10000x16xf32, #tpu.memory_space<hbm>>
      tpu.wait_indirect_dma semaphore(%arg12 : memref<!tpu.dma_semaphore, #tpu.memory_space<semaphore_mem>>) src(%dma_wait3A_537 : memref<10000x16xf32, #tpu.memory_space<hbm>>) dst(%dma_wait3A_531 : memref<128x16xf32, #tpu.memory_space<vmem>>)
      %mul3A_538 = arith.constant 8 : i32
      %mul3A_539 = arith.muli %add3A_493, %mul3A_538 : i32
      %add3A_540 = arith.constant 2 : i32
      %add3A_541 = arith.addi %mul3A_539, %add3A_540 : i32
      %dma_wait3A_542 = arith.constant 1 : i32
      %dma_wait3A_543 = arith.constant 2 : i32
      %dma_wait3A_544 = arith.constant 0 : i32
      %dma_wait3A_545 = arith.constant 0 : i32
      %dma_wait3A_546 = tpu.memref_slice %arg8[%dma_wait3A_542, %dma_wait3A_543, %dma_wait3A_544, %dma_wait3A_545] : memref<2x8x128x16xf32, #tpu.memory_space<vmem>> -> memref<1x1x128x16xf32, #tpu.memory_space<vmem>>
      %dma_wait3A_547 = tpu.memref_squeeze %dma_wait3A_546 : memref<1x1x128x16xf32, #tpu.memory_space<vmem>> -> memref<128x16xf32, #tpu.memory_space<vmem>>
      %dma_wait3A_548 = arith.constant 0 : i32
      %dma_wait3A_549 = tpu.memref_slice %arg6[%add3A_541, %dma_wait3A_548] : memref<80x128xi32, #tpu.memory_space<vmem>> -> memref<1x128xi32, #tpu.memory_space<vmem>>
      %dma_wait3A_550 = tpu.memref_squeeze %dma_wait3A_549 : memref<1x128xi32, #tpu.memory_space<vmem>> -> memref<128xi32, #tpu.memory_space<vmem>>
      %dma_wait3A_551 = arith.constant 0 : i32
      %dma_wait3A_552 = arith.constant 0 : i32
      %dma_wait3A_553 = tpu.memref_slice %arg4[%dma_wait3A_551, %dma_wait3A_552] : memref<10000x16xf32, #tpu.memory_space<hbm>> -> memref<10000x16xf32, #tpu.memory_space<hbm>>
      tpu.wait_indirect_dma semaphore(%arg12 : memref<!tpu.dma_semaphore, #tpu.memory_space<semaphore_mem>>) src(%dma_wait3A_553 : memref<10000x16xf32, #tpu.memory_space<hbm>>) dst(%dma_wait3A_547 : memref<128x16xf32, #tpu.memory_space<vmem>>)
      %mul3A_554 = arith.constant 8 : i32
      %mul3A_555 = arith.muli %add3A_493, %mul3A_554 : i32
      %add3A_556 = arith.constant 3 : i32
      %add3A_557 = arith.addi %mul3A_555, %add3A_556 : i32
      %dma_wait3A_558 = arith.constant 1 : i32
      %dma_wait3A_559 = arith.constant 3 : i32
      %dma_wait3A_560 = arith.constant 0 : i32
      %dma_wait3A_561 = arith.constant 0 : i32
      %dma_wait3A_562 = tpu.memref_slice %arg8[%dma_wait3A_558, %dma_wait3A_559, %dma_wait3A_560, %dma_wait3A_561] : memref<2x8x128x16xf32, #tpu.memory_space<vmem>> -> memref<1x1x128x16xf32, #tpu.memory_space<vmem>>
      %dma_wait3A_563 = tpu.memref_squeeze %dma_wait3A_562 : memref<1x1x128x16xf32, #tpu.memory_space<vmem>> -> memref<128x16xf32, #tpu.memory_space<vmem>>
      %dma_wait3A_564 = arith.constant 0 : i32
      %dma_wait3A_565 = tpu.memref_slice %arg6[%add3A_557, %dma_wait3A_564] : memref<80x128xi32, #tpu.memory_space<vmem>> -> memref<1x128xi32, #tpu.memory_space<vmem>>
      %dma_wait3A_566 = tpu.memref_squeeze %dma_wait3A_565 : memref<1x128xi32, #tpu.memory_space<vmem>> -> memref<128xi32, #tpu.memory_space<vmem>>
      %dma_wait3A_567 = arith.constant 0 : i32
      %dma_wait3A_568 = arith.constant 0 : i32
      %dma_wait3A_569 = tpu.memref_slice %arg4[%dma_wait3A_567, %dma_wait3A_568] : memref<10000x16xf32, #tpu.memory_space<hbm>> -> memref<10000x16xf32, #tpu.memory_space<hbm>>
      tpu.wait_indirect_dma semaphore(%arg12 : memref<!tpu.dma_semaphore, #tpu.memory_space<semaphore_mem>>) src(%dma_wait3A_569 : memref<10000x16xf32, #tpu.memory_space<hbm>>) dst(%dma_wait3A_563 : memref<128x16xf32, #tpu.memory_space<vmem>>)
      %mul3A_570 = arith.constant 8 : i32
      %mul3A_571 = arith.muli %add3A_493, %mul3A_570 : i32
      %add3A_572 = arith.constant 4 : i32
      %add3A_573 = arith.addi %mul3A_571, %add3A_572 : i32
      %dma_wait3A_574 = arith.constant 1 : i32
      %dma_wait3A_575 = arith.constant 4 : i32
      %dma_wait3A_576 = arith.constant 0 : i32
      %dma_wait3A_577 = arith.constant 0 : i32
      %dma_wait3A_578 = tpu.memref_slice %arg8[%dma_wait3A_574, %dma_wait3A_575, %dma_wait3A_576, %dma_wait3A_577] : memref<2x8x128x16xf32, #tpu.memory_space<vmem>> -> memref<1x1x128x16xf32, #tpu.memory_space<vmem>>
      %dma_wait3A_579 = tpu.memref_squeeze %dma_wait3A_578 : memref<1x1x128x16xf32, #tpu.memory_space<vmem>> -> memref<128x16xf32, #tpu.memory_space<vmem>>
      %dma_wait3A_580 = arith.constant 0 : i32
      %dma_wait3A_581 = tpu.memref_slice %arg6[%add3A_573, %dma_wait3A_580] : memref<80x128xi32, #tpu.memory_space<vmem>> -> memref<1x128xi32, #tpu.memory_space<vmem>>
      %dma_wait3A_582 = tpu.memref_squeeze %dma_wait3A_581 : memref<1x128xi32, #tpu.memory_space<vmem>> -> memref<128xi32, #tpu.memory_space<vmem>>
      %dma_wait3A_583 = arith.constant 0 : i32
      %dma_wait3A_584 = arith.constant 0 : i32
      %dma_wait3A_585 = tpu.memref_slice %arg4[%dma_wait3A_583, %dma_wait3A_584] : memref<10000x16xf32, #tpu.memory_space<hbm>> -> memref<10000x16xf32, #tpu.memory_space<hbm>>
      tpu.wait_indirect_dma semaphore(%arg12 : memref<!tpu.dma_semaphore, #tpu.memory_space<semaphore_mem>>) src(%dma_wait3A_585 : memref<10000x16xf32, #tpu.memory_space<hbm>>) dst(%dma_wait3A_579 : memref<128x16xf32, #tpu.memory_space<vmem>>)
      %mul3A_586 = arith.constant 8 : i32
      %mul3A_587 = arith.muli %add3A_493, %mul3A_586 : i32
      %add3A_588 = arith.constant 5 : i32
      %add3A_589 = arith.addi %mul3A_587, %add3A_588 : i32
      %dma_wait3A_590 = arith.constant 1 : i32
      %dma_wait3A_591 = arith.constant 5 : i32
      %dma_wait3A_592 = arith.constant 0 : i32
      %dma_wait3A_593 = arith.constant 0 : i32
      %dma_wait3A_594 = tpu.memref_slice %arg8[%dma_wait3A_590, %dma_wait3A_591, %dma_wait3A_592, %dma_wait3A_593] : memref<2x8x128x16xf32, #tpu.memory_space<vmem>> -> memref<1x1x128x16xf32, #tpu.memory_space<vmem>>
      %dma_wait3A_595 = tpu.memref_squeeze %dma_wait3A_594 : memref<1x1x128x16xf32, #tpu.memory_space<vmem>> -> memref<128x16xf32, #tpu.memory_space<vmem>>
      %dma_wait3A_596 = arith.constant 0 : i32
      %dma_wait3A_597 = tpu.memref_slice %arg6[%add3A_589, %dma_wait3A_596] : memref<80x128xi32, #tpu.memory_space<vmem>> -> memref<1x128xi32, #tpu.memory_space<vmem>>
      %dma_wait3A_598 = tpu.memref_squeeze %dma_wait3A_597 : memref<1x128xi32, #tpu.memory_space<vmem>> -> memref<128xi32, #tpu.memory_space<vmem>>
      %dma_wait3A_599 = arith.constant 0 : i32
      %dma_wait3A_600 = arith.constant 0 : i32
      %dma_wait3A_601 = tpu.memref_slice %arg4[%dma_wait3A_599, %dma_wait3A_600] : memref<10000x16xf32, #tpu.memory_space<hbm>> -> memref<10000x16xf32, #tpu.memory_space<hbm>>
      tpu.wait_indirect_dma semaphore(%arg12 : memref<!tpu.dma_semaphore, #tpu.memory_space<semaphore_mem>>) src(%dma_wait3A_601 : memref<10000x16xf32, #tpu.memory_space<hbm>>) dst(%dma_wait3A_595 : memref<128x16xf32, #tpu.memory_space<vmem>>)
      %mul3A_602 = arith.constant 8 : i32
      %mul3A_603 = arith.muli %add3A_493, %mul3A_602 : i32
      %add3A_604 = arith.constant 6 : i32
      %add3A_605 = arith.addi %mul3A_603, %add3A_604 : i32
      %dma_wait3A_606 = arith.constant 1 : i32
      %dma_wait3A_607 = arith.constant 6 : i32
      %dma_wait3A_608 = arith.constant 0 : i32
      %dma_wait3A_609 = arith.constant 0 : i32
      %dma_wait3A_610 = tpu.memref_slice %arg8[%dma_wait3A_606, %dma_wait3A_607, %dma_wait3A_608, %dma_wait3A_609] : memref<2x8x128x16xf32, #tpu.memory_space<vmem>> -> memref<1x1x128x16xf32, #tpu.memory_space<vmem>>
      %dma_wait3A_611 = tpu.memref_squeeze %dma_wait3A_610 : memref<1x1x128x16xf32, #tpu.memory_space<vmem>> -> memref<128x16xf32, #tpu.memory_space<vmem>>
      %dma_wait3A_612 = arith.constant 0 : i32
      %dma_wait3A_613 = tpu.memref_slice %arg6[%add3A_605, %dma_wait3A_612] : memref<80x128xi32, #tpu.memory_space<vmem>> -> memref<1x128xi32, #tpu.memory_space<vmem>>
      %dma_wait3A_614 = tpu.memref_squeeze %dma_wait3A_613 : memref<1x128xi32, #tpu.memory_space<vmem>> -> memref<128xi32, #tpu.memory_space<vmem>>
      %dma_wait3A_615 = arith.constant 0 : i32
      %dma_wait3A_616 = arith.constant 0 : i32
      %dma_wait3A_617 = tpu.memref_slice %arg4[%dma_wait3A_615, %dma_wait3A_616] : memref<10000x16xf32, #tpu.memory_space<hbm>> -> memref<10000x16xf32, #tpu.memory_space<hbm>>
      tpu.wait_indirect_dma semaphore(%arg12 : memref<!tpu.dma_semaphore, #tpu.memory_space<semaphore_mem>>) src(%dma_wait3A_617 : memref<10000x16xf32, #tpu.memory_space<hbm>>) dst(%dma_wait3A_611 : memref<128x16xf32, #tpu.memory_space<vmem>>)
      %mul3A_618 = arith.constant 8 : i32
      %mul3A_619 = arith.muli %add3A_493, %mul3A_618 : i32
      %add3A_620 = arith.constant 7 : i32
      %add3A_621 = arith.addi %mul3A_619, %add3A_620 : i32
      %dma_wait3A_622 = arith.constant 1 : i32
      %dma_wait3A_623 = arith.constant 7 : i32
      %dma_wait3A_624 = arith.constant 0 : i32
      %dma_wait3A_625 = arith.constant 0 : i32
      %dma_wait3A_626 = tpu.memref_slice %arg8[%dma_wait3A_622, %dma_wait3A_623, %dma_wait3A_624, %dma_wait3A_625] : memref<2x8x128x16xf32, #tpu.memory_space<vmem>> -> memref<1x1x128x16xf32, #tpu.memory_space<vmem>>
      %dma_wait3A_627 = tpu.memref_squeeze %dma_wait3A_626 : memref<1x1x128x16xf32, #tpu.memory_space<vmem>> -> memref<128x16xf32, #tpu.memory_space<vmem>>
      %dma_wait3A_628 = arith.constant 0 : i32
      %dma_wait3A_629 = tpu.memref_slice %arg6[%add3A_621, %dma_wait3A_628] : memref<80x128xi32, #tpu.memory_space<vmem>> -> memref<1x128xi32, #tpu.memory_space<vmem>>
      %dma_wait3A_630 = tpu.memref_squeeze %dma_wait3A_629 : memref<1x128xi32, #tpu.memory_space<vmem>> -> memref<128xi32, #tpu.memory_space<vmem>>
      %dma_wait3A_631 = arith.constant 0 : i32
      %dma_wait3A_632 = arith.constant 0 : i32
      %dma_wait3A_633 = tpu.memref_slice %arg4[%dma_wait3A_631, %dma_wait3A_632] : memref<10000x16xf32, #tpu.memory_space<hbm>> -> memref<10000x16xf32, #tpu.memory_space<hbm>>
      tpu.wait_indirect_dma semaphore(%arg12 : memref<!tpu.dma_semaphore, #tpu.memory_space<semaphore_mem>>) src(%dma_wait3A_633 : memref<10000x16xf32, #tpu.memory_space<hbm>>) dst(%dma_wait3A_627 : memref<128x16xf32, #tpu.memory_space<vmem>>)
      %mul3A_634 = arith.constant 8 : i32
      %mul3A_635 = arith.muli %add3A_493, %mul3A_634 : i32
      %add3A_636 = arith.constant 0 : i32
      %add3A_637 = arith.addi %mul3A_635, %add3A_636 : i32
      %dma_start3A_638 = arith.constant 1 : i32
      %dma_start3A_639 = arith.constant 0 : i32
      %dma_start3A_640 = arith.constant 0 : i32
      %dma_start3A_641 = arith.constant 0 : i32
      %dma_start3A_642 = tpu.memref_slice %arg8[%dma_start3A_638, %dma_start3A_639, %dma_start3A_640, %dma_start3A_641] : memref<2x8x128x16xf32, #tpu.memory_space<vmem>> -> memref<1x1x128x16xf32, #tpu.memory_space<vmem>>
      %dma_start3A_643 = tpu.memref_squeeze %dma_start3A_642 : memref<1x1x128x16xf32, #tpu.memory_space<vmem>> -> memref<128x16xf32, #tpu.memory_space<vmem>>
      %dma_start3A_644 = arith.constant 0 : i32
      %dma_start3A_645 = tpu.memref_slice %arg7[%add3A_637, %dma_start3A_644] : memref<80x128xi32, #tpu.memory_space<vmem>> -> memref<1x128xi32, #tpu.memory_space<vmem>>
      %dma_start3A_646 = tpu.memref_squeeze %dma_start3A_645 : memref<1x128xi32, #tpu.memory_space<vmem>> -> memref<128xi32, #tpu.memory_space<vmem>>
      %dma_start3A_647 = arith.constant 0 : i32
      %dma_start3A_648 = arith.constant 0 : i32
      %dma_start3A_649 = tpu.memref_slice %arg10[%dma_start3A_647, %dma_start3A_648] : memref<10128x16xf32, #tpu.memory_space<vmem_shared>> -> memref<10128x16xf32, #tpu.memory_space<vmem_shared>>
      tpu.enqueue_indirect_dma source(%dma_start3A_643 : memref<128x16xf32, #tpu.memory_space<vmem>>) target(%dma_start3A_649 : memref<10128x16xf32, #tpu.memory_space<vmem_shared>>) offsets(%dma_start3A_646 : memref<128xi32, #tpu.memory_space<vmem>>) semaphore(%arg14 : memref<!tpu.dma_semaphore, #tpu.memory_space<semaphore_mem>>) {add = true}
      %mul3A_650 = arith.constant 8 : i32
      %mul3A_651 = arith.muli %add3A_493, %mul3A_650 : i32
      %add3A_652 = arith.constant 1 : i32
      %add3A_653 = arith.addi %mul3A_651, %add3A_652 : i32
      %dma_start3A_654 = arith.constant 1 : i32
      %dma_start3A_655 = arith.constant 1 : i32
      %dma_start3A_656 = arith.constant 0 : i32
      %dma_start3A_657 = arith.constant 0 : i32
      %dma_start3A_658 = tpu.memref_slice %arg8[%dma_start3A_654, %dma_start3A_655, %dma_start3A_656, %dma_start3A_657] : memref<2x8x128x16xf32, #tpu.memory_space<vmem>> -> memref<1x1x128x16xf32, #tpu.memory_space<vmem>>
      %dma_start3A_659 = tpu.memref_squeeze %dma_start3A_658 : memref<1x1x128x16xf32, #tpu.memory_space<vmem>> -> memref<128x16xf32, #tpu.memory_space<vmem>>
      %dma_start3A_660 = arith.constant 0 : i32
      %dma_start3A_661 = tpu.memref_slice %arg7[%add3A_653, %dma_start3A_660] : memref<80x128xi32, #tpu.memory_space<vmem>> -> memref<1x128xi32, #tpu.memory_space<vmem>>
      %dma_start3A_662 = tpu.memref_squeeze %dma_start3A_661 : memref<1x128xi32, #tpu.memory_space<vmem>> -> memref<128xi32, #tpu.memory_space<vmem>>
      %dma_start3A_663 = arith.constant 0 : i32
      %dma_start3A_664 = arith.constant 0 : i32
      %dma_start3A_665 = tpu.memref_slice %arg10[%dma_start3A_663, %dma_start3A_664] : memref<10128x16xf32, #tpu.memory_space<vmem_shared>> -> memref<10128x16xf32, #tpu.memory_space<vmem_shared>>
      tpu.enqueue_indirect_dma source(%dma_start3A_659 : memref<128x16xf32, #tpu.memory_space<vmem>>) target(%dma_start3A_665 : memref<10128x16xf32, #tpu.memory_space<vmem_shared>>) offsets(%dma_start3A_662 : memref<128xi32, #tpu.memory_space<vmem>>) semaphore(%arg14 : memref<!tpu.dma_semaphore, #tpu.memory_space<semaphore_mem>>) {add = true}
      %mul3A_666 = arith.constant 8 : i32
      %mul3A_667 = arith.muli %add3A_493, %mul3A_666 : i32
      %add3A_668 = arith.constant 2 : i32
      %add3A_669 = arith.addi %mul3A_667, %add3A_668 : i32
      %dma_start3A_670 = arith.constant 1 : i32
      %dma_start3A_671 = arith.constant 2 : i32
      %dma_start3A_672 = arith.constant 0 : i32
      %dma_start3A_673 = arith.constant 0 : i32
      %dma_start3A_674 = tpu.memref_slice %arg8[%dma_start3A_670, %dma_start3A_671, %dma_start3A_672, %dma_start3A_673] : memref<2x8x128x16xf32, #tpu.memory_space<vmem>> -> memref<1x1x128x16xf32, #tpu.memory_space<vmem>>
      %dma_start3A_675 = tpu.memref_squeeze %dma_start3A_674 : memref<1x1x128x16xf32, #tpu.memory_space<vmem>> -> memref<128x16xf32, #tpu.memory_space<vmem>>
      %dma_start3A_676 = arith.constant 0 : i32
      %dma_start3A_677 = tpu.memref_slice %arg7[%add3A_669, %dma_start3A_676] : memref<80x128xi32, #tpu.memory_space<vmem>> -> memref<1x128xi32, #tpu.memory_space<vmem>>
      %dma_start3A_678 = tpu.memref_squeeze %dma_start3A_677 : memref<1x128xi32, #tpu.memory_space<vmem>> -> memref<128xi32, #tpu.memory_space<vmem>>
      %dma_start3A_679 = arith.constant 0 : i32
      %dma_start3A_680 = arith.constant 0 : i32
      %dma_start3A_681 = tpu.memref_slice %arg10[%dma_start3A_679, %dma_start3A_680] : memref<10128x16xf32, #tpu.memory_space<vmem_shared>> -> memref<10128x16xf32, #tpu.memory_space<vmem_shared>>
      tpu.enqueue_indirect_dma source(%dma_start3A_675 : memref<128x16xf32, #tpu.memory_space<vmem>>) target(%dma_start3A_681 : memref<10128x16xf32, #tpu.memory_space<vmem_shared>>) offsets(%dma_start3A_678 : memref<128xi32, #tpu.memory_space<vmem>>) semaphore(%arg14 : memref<!tpu.dma_semaphore, #tpu.memory_space<semaphore_mem>>) {add = true}
      %mul3A_682 = arith.constant 8 : i32
      %mul3A_683 = arith.muli %add3A_493, %mul3A_682 : i32
      %add3A_684 = arith.constant 3 : i32
      %add3A_685 = arith.addi %mul3A_683, %add3A_684 : i32
      %dma_start3A_686 = arith.constant 1 : i32
      %dma_start3A_687 = arith.constant 3 : i32
      %dma_start3A_688 = arith.constant 0 : i32
      %dma_start3A_689 = arith.constant 0 : i32
      %dma_start3A_690 = tpu.memref_slice %arg8[%dma_start3A_686, %dma_start3A_687, %dma_start3A_688, %dma_start3A_689] : memref<2x8x128x16xf32, #tpu.memory_space<vmem>> -> memref<1x1x128x16xf32, #tpu.memory_space<vmem>>
      %dma_start3A_691 = tpu.memref_squeeze %dma_start3A_690 : memref<1x1x128x16xf32, #tpu.memory_space<vmem>> -> memref<128x16xf32, #tpu.memory_space<vmem>>
      %dma_start3A_692 = arith.constant 0 : i32
      %dma_start3A_693 = tpu.memref_slice %arg7[%add3A_685, %dma_start3A_692] : memref<80x128xi32, #tpu.memory_space<vmem>> -> memref<1x128xi32, #tpu.memory_space<vmem>>
      %dma_start3A_694 = tpu.memref_squeeze %dma_start3A_693 : memref<1x128xi32, #tpu.memory_space<vmem>> -> memref<128xi32, #tpu.memory_space<vmem>>
      %dma_start3A_695 = arith.constant 0 : i32
      %dma_start3A_696 = arith.constant 0 : i32
      %dma_start3A_697 = tpu.memref_slice %arg10[%dma_start3A_695, %dma_start3A_696] : memref<10128x16xf32, #tpu.memory_space<vmem_shared>> -> memref<10128x16xf32, #tpu.memory_space<vmem_shared>>
      tpu.enqueue_indirect_dma source(%dma_start3A_691 : memref<128x16xf32, #tpu.memory_space<vmem>>) target(%dma_start3A_697 : memref<10128x16xf32, #tpu.memory_space<vmem_shared>>) offsets(%dma_start3A_694 : memref<128xi32, #tpu.memory_space<vmem>>) semaphore(%arg14 : memref<!tpu.dma_semaphore, #tpu.memory_space<semaphore_mem>>) {add = true}
      %mul3A_698 = arith.constant 8 : i32
      %mul3A_699 = arith.muli %add3A_493, %mul3A_698 : i32
      %add3A_700 = arith.constant 4 : i32
      %add3A_701 = arith.addi %mul3A_699, %add3A_700 : i32
      %dma_start3A_702 = arith.constant 1 : i32
      %dma_start3A_703 = arith.constant 4 : i32
      %dma_start3A_704 = arith.constant 0 : i32
      %dma_start3A_705 = arith.constant 0 : i32
      %dma_start3A_706 = tpu.memref_slice %arg8[%dma_start3A_702, %dma_start3A_703, %dma_start3A_704, %dma_start3A_705] : memref<2x8x128x16xf32, #tpu.memory_space<vmem>> -> memref<1x1x128x16xf32, #tpu.memory_space<vmem>>
      %dma_start3A_707 = tpu.memref_squeeze %dma_start3A_706 : memref<1x1x128x16xf32, #tpu.memory_space<vmem>> -> memref<128x16xf32, #tpu.memory_space<vmem>>
      %dma_start3A_708 = arith.constant 0 : i32
      %dma_start3A_709 = tpu.memref_slice %arg7[%add3A_701, %dma_start3A_708] : memref<80x128xi32, #tpu.memory_space<vmem>> -> memref<1x128xi32, #tpu.memory_space<vmem>>
      %dma_start3A_710 = tpu.memref_squeeze %dma_start3A_709 : memref<1x128xi32, #tpu.memory_space<vmem>> -> memref<128xi32, #tpu.memory_space<vmem>>
      %dma_start3A_711 = arith.constant 0 : i32
      %dma_start3A_712 = arith.constant 0 : i32
      %dma_start3A_713 = tpu.memref_slice %arg10[%dma_start3A_711, %dma_start3A_712] : memref<10128x16xf32, #tpu.memory_space<vmem_shared>> -> memref<10128x16xf32, #tpu.memory_space<vmem_shared>>
      tpu.enqueue_indirect_dma source(%dma_start3A_707 : memref<128x16xf32, #tpu.memory_space<vmem>>) target(%dma_start3A_713 : memref<10128x16xf32, #tpu.memory_space<vmem_shared>>) offsets(%dma_start3A_710 : memref<128xi32, #tpu.memory_space<vmem>>) semaphore(%arg14 : memref<!tpu.dma_semaphore, #tpu.memory_space<semaphore_mem>>) {add = true}
      %mul3A_714 = arith.constant 8 : i32
      %mul3A_715 = arith.muli %add3A_493, %mul3A_714 : i32
      %add3A_716 = arith.constant 5 : i32
      %add3A_717 = arith.addi %mul3A_715, %add3A_716 : i32
      %dma_start3A_718 = arith.constant 1 : i32
      %dma_start3A_719 = arith.constant 5 : i32
      %dma_start3A_720 = arith.constant 0 : i32
      %dma_start3A_721 = arith.constant 0 : i32
      %dma_start3A_722 = tpu.memref_slice %arg8[%dma_start3A_718, %dma_start3A_719, %dma_start3A_720, %dma_start3A_721] : memref<2x8x128x16xf32, #tpu.memory_space<vmem>> -> memref<1x1x128x16xf32, #tpu.memory_space<vmem>>
      %dma_start3A_723 = tpu.memref_squeeze %dma_start3A_722 : memref<1x1x128x16xf32, #tpu.memory_space<vmem>> -> memref<128x16xf32, #tpu.memory_space<vmem>>
      %dma_start3A_724 = arith.constant 0 : i32
      %dma_start3A_725 = tpu.memref_slice %arg7[%add3A_717, %dma_start3A_724] : memref<80x128xi32, #tpu.memory_space<vmem>> -> memref<1x128xi32, #tpu.memory_space<vmem>>
      %dma_start3A_726 = tpu.memref_squeeze %dma_start3A_725 : memref<1x128xi32, #tpu.memory_space<vmem>> -> memref<128xi32, #tpu.memory_space<vmem>>
      %dma_start3A_727 = arith.constant 0 : i32
      %dma_start3A_728 = arith.constant 0 : i32
      %dma_start3A_729 = tpu.memref_slice %arg10[%dma_start3A_727, %dma_start3A_728] : memref<10128x16xf32, #tpu.memory_space<vmem_shared>> -> memref<10128x16xf32, #tpu.memory_space<vmem_shared>>
      tpu.enqueue_indirect_dma source(%dma_start3A_723 : memref<128x16xf32, #tpu.memory_space<vmem>>) target(%dma_start3A_729 : memref<10128x16xf32, #tpu.memory_space<vmem_shared>>) offsets(%dma_start3A_726 : memref<128xi32, #tpu.memory_space<vmem>>) semaphore(%arg14 : memref<!tpu.dma_semaphore, #tpu.memory_space<semaphore_mem>>) {add = true}
      %mul3A_730 = arith.constant 8 : i32
      %mul3A_731 = arith.muli %add3A_493, %mul3A_730 : i32
      %add3A_732 = arith.constant 6 : i32
      %add3A_733 = arith.addi %mul3A_731, %add3A_732 : i32
      %dma_start3A_734 = arith.constant 1 : i32
      %dma_start3A_735 = arith.constant 6 : i32
      %dma_start3A_736 = arith.constant 0 : i32
      %dma_start3A_737 = arith.constant 0 : i32
      %dma_start3A_738 = tpu.memref_slice %arg8[%dma_start3A_734, %dma_start3A_735, %dma_start3A_736, %dma_start3A_737] : memref<2x8x128x16xf32, #tpu.memory_space<vmem>> -> memref<1x1x128x16xf32, #tpu.memory_space<vmem>>
      %dma_start3A_739 = tpu.memref_squeeze %dma_start3A_738 : memref<1x1x128x16xf32, #tpu.memory_space<vmem>> -> memref<128x16xf32, #tpu.memory_space<vmem>>
      %dma_start3A_740 = arith.constant 0 : i32
      %dma_start3A_741 = tpu.memref_slice %arg7[%add3A_733, %dma_start3A_740] : memref<80x128xi32, #tpu.memory_space<vmem>> -> memref<1x128xi32, #tpu.memory_space<vmem>>
      %dma_start3A_742 = tpu.memref_squeeze %dma_start3A_741 : memref<1x128xi32, #tpu.memory_space<vmem>> -> memref<128xi32, #tpu.memory_space<vmem>>
      %dma_start3A_743 = arith.constant 0 : i32
      %dma_start3A_744 = arith.constant 0 : i32
      %dma_start3A_745 = tpu.memref_slice %arg10[%dma_start3A_743, %dma_start3A_744] : memref<10128x16xf32, #tpu.memory_space<vmem_shared>> -> memref<10128x16xf32, #tpu.memory_space<vmem_shared>>
      tpu.enqueue_indirect_dma source(%dma_start3A_739 : memref<128x16xf32, #tpu.memory_space<vmem>>) target(%dma_start3A_745 : memref<10128x16xf32, #tpu.memory_space<vmem_shared>>) offsets(%dma_start3A_742 : memref<128xi32, #tpu.memory_space<vmem>>) semaphore(%arg14 : memref<!tpu.dma_semaphore, #tpu.memory_space<semaphore_mem>>) {add = true}
      %mul3A_746 = arith.constant 8 : i32
      %mul3A_747 = arith.muli %add3A_493, %mul3A_746 : i32
      %add3A_748 = arith.constant 7 : i32
      %add3A_749 = arith.addi %mul3A_747, %add3A_748 : i32
      %dma_start3A_750 = arith.constant 1 : i32
      %dma_start3A_751 = arith.constant 7 : i32
      %dma_start3A_752 = arith.constant 0 : i32
      %dma_start3A_753 = arith.constant 0 : i32
      %dma_start3A_754 = tpu.memref_slice %arg8[%dma_start3A_750, %dma_start3A_751, %dma_start3A_752, %dma_start3A_753] : memref<2x8x128x16xf32, #tpu.memory_space<vmem>> -> memref<1x1x128x16xf32, #tpu.memory_space<vmem>>
      %dma_start3A_755 = tpu.memref_squeeze %dma_start3A_754 : memref<1x1x128x16xf32, #tpu.memory_space<vmem>> -> memref<128x16xf32, #tpu.memory_space<vmem>>
      %dma_start3A_756 = arith.constant 0 : i32
      %dma_start3A_757 = tpu.memref_slice %arg7[%add3A_749, %dma_start3A_756] : memref<80x128xi32, #tpu.memory_space<vmem>> -> memref<1x128xi32, #tpu.memory_space<vmem>>
      %dma_start3A_758 = tpu.memref_squeeze %dma_start3A_757 : memref<1x128xi32, #tpu.memory_space<vmem>> -> memref<128xi32, #tpu.memory_space<vmem>>
      %dma_start3A_759 = arith.constant 0 : i32
      %dma_start3A_760 = arith.constant 0 : i32
      %dma_start3A_761 = tpu.memref_slice %arg10[%dma_start3A_759, %dma_start3A_760] : memref<10128x16xf32, #tpu.memory_space<vmem_shared>> -> memref<10128x16xf32, #tpu.memory_space<vmem_shared>>
      tpu.enqueue_indirect_dma source(%dma_start3A_755 : memref<128x16xf32, #tpu.memory_space<vmem>>) target(%dma_start3A_761 : memref<10128x16xf32, #tpu.memory_space<vmem_shared>>) offsets(%dma_start3A_758 : memref<128xi32, #tpu.memory_space<vmem>>) semaphore(%arg14 : memref<!tpu.dma_semaphore, #tpu.memory_space<semaphore_mem>>) {add = true}
      %scan3A_762 = arith.constant 0 : i32
      scf.yield %scan3A_762 : i32
    }
    %scan3A_113 = arith.constant 5 : i32
    %dma_wait3A = arith.constant 1 : i32
    %dma_wait3A_114 = arith.constant 0 : i32
    %dma_wait3A_115 = arith.constant 72 : i32
    %dma_wait3A_116 = arith.constant 0 : i32
    %dma_wait3A_117 = arith.constant 0 : i32
    %dma_wait3A_118 = tpu.memref_slice %arg8[%dma_wait3A, %dma_wait3A_114, %dma_wait3A_116, %dma_wait3A_117] : memref<2x8x128x16xf32, #tpu.memory_space<vmem>> -> memref<1x1x128x16xf32, #tpu.memory_space<vmem>>
    %dma_wait3A_119 = tpu.memref_squeeze %dma_wait3A_118 : memref<1x1x128x16xf32, #tpu.memory_space<vmem>> -> memref<128x16xf32, #tpu.memory_space<vmem>>
    %dma_wait3A_120 = arith.constant 0 : i32
    %dma_wait3A_121 = tpu.memref_slice %arg7[%dma_wait3A_115, %dma_wait3A_120] : memref<80x128xi32, #tpu.memory_space<vmem>> -> memref<1x128xi32, #tpu.memory_space<vmem>>
    %dma_wait3A_122 = tpu.memref_squeeze %dma_wait3A_121 : memref<1x128xi32, #tpu.memory_space<vmem>> -> memref<128xi32, #tpu.memory_space<vmem>>
    %dma_wait3A_123 = arith.constant 0 : i32
    %dma_wait3A_124 = arith.constant 0 : i32
    %dma_wait3A_125 = tpu.memref_slice %arg10[%dma_wait3A_123, %dma_wait3A_124] : memref<10128x16xf32, #tpu.memory_space<vmem_shared>> -> memref<10128x16xf32, #tpu.memory_space<vmem_shared>>
    tpu.wait_indirect_dma semaphore(%arg14 : memref<!tpu.dma_semaphore, #tpu.memory_space<semaphore_mem>>) src(%dma_wait3A_119 : memref<128x16xf32, #tpu.memory_space<vmem>>) dst(%dma_wait3A_125 : memref<10128x16xf32, #tpu.memory_space<vmem_shared>>)
    %dma_wait3A_126 = arith.constant 1 : i32
    %dma_wait3A_127 = arith.constant 1 : i32
    %dma_wait3A_128 = arith.constant 73 : i32
    %dma_wait3A_129 = arith.constant 0 : i32
    %dma_wait3A_130 = arith.constant 0 : i32
    %dma_wait3A_131 = tpu.memref_slice %arg8[%dma_wait3A_126, %dma_wait3A_127, %dma_wait3A_129, %dma_wait3A_130] : memref<2x8x128x16xf32, #tpu.memory_space<vmem>> -> memref<1x1x128x16xf32, #tpu.memory_space<vmem>>
    %dma_wait3A_132 = tpu.memref_squeeze %dma_wait3A_131 : memref<1x1x128x16xf32, #tpu.memory_space<vmem>> -> memref<128x16xf32, #tpu.memory_space<vmem>>
    %dma_wait3A_133 = arith.constant 0 : i32
    %dma_wait3A_134 = tpu.memref_slice %arg7[%dma_wait3A_128, %dma_wait3A_133] : memref<80x128xi32, #tpu.memory_space<vmem>> -> memref<1x128xi32, #tpu.memory_space<vmem>>
    %dma_wait3A_135 = tpu.memref_squeeze %dma_wait3A_134 : memref<1x128xi32, #tpu.memory_space<vmem>> -> memref<128xi32, #tpu.memory_space<vmem>>
    %dma_wait3A_136 = arith.constant 0 : i32
    %dma_wait3A_137 = arith.constant 0 : i32
    %dma_wait3A_138 = tpu.memref_slice %arg10[%dma_wait3A_136, %dma_wait3A_137] : memref<10128x16xf32, #tpu.memory_space<vmem_shared>> -> memref<10128x16xf32, #tpu.memory_space<vmem_shared>>
    tpu.wait_indirect_dma semaphore(%arg14 : memref<!tpu.dma_semaphore, #tpu.memory_space<semaphore_mem>>) src(%dma_wait3A_132 : memref<128x16xf32, #tpu.memory_space<vmem>>) dst(%dma_wait3A_138 : memref<10128x16xf32, #tpu.memory_space<vmem_shared>>)
    %dma_wait3A_139 = arith.constant 1 : i32
    %dma_wait3A_140 = arith.constant 2 : i32
    %dma_wait3A_141 = arith.constant 74 : i32
    %dma_wait3A_142 = arith.constant 0 : i32
    %dma_wait3A_143 = arith.constant 0 : i32
    %dma_wait3A_144 = tpu.memref_slice %arg8[%dma_wait3A_139, %dma_wait3A_140, %dma_wait3A_142, %dma_wait3A_143] : memref<2x8x128x16xf32, #tpu.memory_space<vmem>> -> memref<1x1x128x16xf32, #tpu.memory_space<vmem>>
    %dma_wait3A_145 = tpu.memref_squeeze %dma_wait3A_144 : memref<1x1x128x16xf32, #tpu.memory_space<vmem>> -> memref<128x16xf32, #tpu.memory_space<vmem>>
    %dma_wait3A_146 = arith.constant 0 : i32
    %dma_wait3A_147 = tpu.memref_slice %arg7[%dma_wait3A_141, %dma_wait3A_146] : memref<80x128xi32, #tpu.memory_space<vmem>> -> memref<1x128xi32, #tpu.memory_space<vmem>>
    %dma_wait3A_148 = tpu.memref_squeeze %dma_wait3A_147 : memref<1x128xi32, #tpu.memory_space<vmem>> -> memref<128xi32, #tpu.memory_space<vmem>>
    %dma_wait3A_149 = arith.constant 0 : i32
    %dma_wait3A_150 = arith.constant 0 : i32
    %dma_wait3A_151 = tpu.memref_slice %arg10[%dma_wait3A_149, %dma_wait3A_150] : memref<10128x16xf32, #tpu.memory_space<vmem_shared>> -> memref<10128x16xf32, #tpu.memory_space<vmem_shared>>
    tpu.wait_indirect_dma semaphore(%arg14 : memref<!tpu.dma_semaphore, #tpu.memory_space<semaphore_mem>>) src(%dma_wait3A_145 : memref<128x16xf32, #tpu.memory_space<vmem>>) dst(%dma_wait3A_151 : memref<10128x16xf32, #tpu.memory_space<vmem_shared>>)
    %dma_wait3A_152 = arith.constant 1 : i32
    %dma_wait3A_153 = arith.constant 3 : i32
    %dma_wait3A_154 = arith.constant 75 : i32
    %dma_wait3A_155 = arith.constant 0 : i32
    %dma_wait3A_156 = arith.constant 0 : i32
    %dma_wait3A_157 = tpu.memref_slice %arg8[%dma_wait3A_152, %dma_wait3A_153, %dma_wait3A_155, %dma_wait3A_156] : memref<2x8x128x16xf32, #tpu.memory_space<vmem>> -> memref<1x1x128x16xf32, #tpu.memory_space<vmem>>
    %dma_wait3A_158 = tpu.memref_squeeze %dma_wait3A_157 : memref<1x1x128x16xf32, #tpu.memory_space<vmem>> -> memref<128x16xf32, #tpu.memory_space<vmem>>
    %dma_wait3A_159 = arith.constant 0 : i32
    %dma_wait3A_160 = tpu.memref_slice %arg7[%dma_wait3A_154, %dma_wait3A_159] : memref<80x128xi32, #tpu.memory_space<vmem>> -> memref<1x128xi32, #tpu.memory_space<vmem>>
    %dma_wait3A_161 = tpu.memref_squeeze %dma_wait3A_160 : memref<1x128xi32, #tpu.memory_space<vmem>> -> memref<128xi32, #tpu.memory_space<vmem>>
    %dma_wait3A_162 = arith.constant 0 : i32
    %dma_wait3A_163 = arith.constant 0 : i32
    %dma_wait3A_164 = tpu.memref_slice %arg10[%dma_wait3A_162, %dma_wait3A_163] : memref<10128x16xf32, #tpu.memory_space<vmem_shared>> -> memref<10128x16xf32, #tpu.memory_space<vmem_shared>>
    tpu.wait_indirect_dma semaphore(%arg14 : memref<!tpu.dma_semaphore, #tpu.memory_space<semaphore_mem>>) src(%dma_wait3A_158 : memref<128x16xf32, #tpu.memory_space<vmem>>) dst(%dma_wait3A_164 : memref<10128x16xf32, #tpu.memory_space<vmem_shared>>)
    %dma_wait3A_165 = arith.constant 1 : i32
    %dma_wait3A_166 = arith.constant 4 : i32
    %dma_wait3A_167 = arith.constant 76 : i32
    %dma_wait3A_168 = arith.constant 0 : i32
    %dma_wait3A_169 = arith.constant 0 : i32
    %dma_wait3A_170 = tpu.memref_slice %arg8[%dma_wait3A_165, %dma_wait3A_166, %dma_wait3A_168, %dma_wait3A_169] : memref<2x8x128x16xf32, #tpu.memory_space<vmem>> -> memref<1x1x128x16xf32, #tpu.memory_space<vmem>>
    %dma_wait3A_171 = tpu.memref_squeeze %dma_wait3A_170 : memref<1x1x128x16xf32, #tpu.memory_space<vmem>> -> memref<128x16xf32, #tpu.memory_space<vmem>>
    %dma_wait3A_172 = arith.constant 0 : i32
    %dma_wait3A_173 = tpu.memref_slice %arg7[%dma_wait3A_167, %dma_wait3A_172] : memref<80x128xi32, #tpu.memory_space<vmem>> -> memref<1x128xi32, #tpu.memory_space<vmem>>
    %dma_wait3A_174 = tpu.memref_squeeze %dma_wait3A_173 : memref<1x128xi32, #tpu.memory_space<vmem>> -> memref<128xi32, #tpu.memory_space<vmem>>
    %dma_wait3A_175 = arith.constant 0 : i32
    %dma_wait3A_176 = arith.constant 0 : i32
    %dma_wait3A_177 = tpu.memref_slice %arg10[%dma_wait3A_175, %dma_wait3A_176] : memref<10128x16xf32, #tpu.memory_space<vmem_shared>> -> memref<10128x16xf32, #tpu.memory_space<vmem_shared>>
    tpu.wait_indirect_dma semaphore(%arg14 : memref<!tpu.dma_semaphore, #tpu.memory_space<semaphore_mem>>) src(%dma_wait3A_171 : memref<128x16xf32, #tpu.memory_space<vmem>>) dst(%dma_wait3A_177 : memref<10128x16xf32, #tpu.memory_space<vmem_shared>>)
    %dma_wait3A_178 = arith.constant 1 : i32
    %dma_wait3A_179 = arith.constant 5 : i32
    %dma_wait3A_180 = arith.constant 77 : i32
    %dma_wait3A_181 = arith.constant 0 : i32
    %dma_wait3A_182 = arith.constant 0 : i32
    %dma_wait3A_183 = tpu.memref_slice %arg8[%dma_wait3A_178, %dma_wait3A_179, %dma_wait3A_181, %dma_wait3A_182] : memref<2x8x128x16xf32, #tpu.memory_space<vmem>> -> memref<1x1x128x16xf32, #tpu.memory_space<vmem>>
    %dma_wait3A_184 = tpu.memref_squeeze %dma_wait3A_183 : memref<1x1x128x16xf32, #tpu.memory_space<vmem>> -> memref<128x16xf32, #tpu.memory_space<vmem>>
    %dma_wait3A_185 = arith.constant 0 : i32
    %dma_wait3A_186 = tpu.memref_slice %arg7[%dma_wait3A_180, %dma_wait3A_185] : memref<80x128xi32, #tpu.memory_space<vmem>> -> memref<1x128xi32, #tpu.memory_space<vmem>>
    %dma_wait3A_187 = tpu.memref_squeeze %dma_wait3A_186 : memref<1x128xi32, #tpu.memory_space<vmem>> -> memref<128xi32, #tpu.memory_space<vmem>>
    %dma_wait3A_188 = arith.constant 0 : i32
    %dma_wait3A_189 = arith.constant 0 : i32
    %dma_wait3A_190 = tpu.memref_slice %arg10[%dma_wait3A_188, %dma_wait3A_189] : memref<10128x16xf32, #tpu.memory_space<vmem_shared>> -> memref<10128x16xf32, #tpu.memory_space<vmem_shared>>
    tpu.wait_indirect_dma semaphore(%arg14 : memref<!tpu.dma_semaphore, #tpu.memory_space<semaphore_mem>>) src(%dma_wait3A_184 : memref<128x16xf32, #tpu.memory_space<vmem>>) dst(%dma_wait3A_190 : memref<10128x16xf32, #tpu.memory_space<vmem_shared>>)
    %dma_wait3A_191 = arith.constant 1 : i32
    %dma_wait3A_192 = arith.constant 6 : i32
    %dma_wait3A_193 = arith.constant 78 : i32
    %dma_wait3A_194 = arith.constant 0 : i32
    %dma_wait3A_195 = arith.constant 0 : i32
    %dma_wait3A_196 = tpu.memref_slice %arg8[%dma_wait3A_191, %dma_wait3A_192, %dma_wait3A_194, %dma_wait3A_195] : memref<2x8x128x16xf32, #tpu.memory_space<vmem>> -> memref<1x1x128x16xf32, #tpu.memory_space<vmem>>
    %dma_wait3A_197 = tpu.memref_squeeze %dma_wait3A_196 : memref<1x1x128x16xf32, #tpu.memory_space<vmem>> -> memref<128x16xf32, #tpu.memory_space<vmem>>
    %dma_wait3A_198 = arith.constant 0 : i32
    %dma_wait3A_199 = tpu.memref_slice %arg7[%dma_wait3A_193, %dma_wait3A_198] : memref<80x128xi32, #tpu.memory_space<vmem>> -> memref<1x128xi32, #tpu.memory_space<vmem>>
    %dma_wait3A_200 = tpu.memref_squeeze %dma_wait3A_199 : memref<1x128xi32, #tpu.memory_space<vmem>> -> memref<128xi32, #tpu.memory_space<vmem>>
    %dma_wait3A_201 = arith.constant 0 : i32
    %dma_wait3A_202 = arith.constant 0 : i32
    %dma_wait3A_203 = tpu.memref_slice %arg10[%dma_wait3A_201, %dma_wait3A_202] : memref<10128x16xf32, #tpu.memory_space<vmem_shared>> -> memref<10128x16xf32, #tpu.memory_space<vmem_shared>>
    tpu.wait_indirect_dma semaphore(%arg14 : memref<!tpu.dma_semaphore, #tpu.memory_space<semaphore_mem>>) src(%dma_wait3A_197 : memref<128x16xf32, #tpu.memory_space<vmem>>) dst(%dma_wait3A_203 : memref<10128x16xf32, #tpu.memory_space<vmem_shared>>)
    %dma_wait3A_204 = arith.constant 1 : i32
    %dma_wait3A_205 = arith.constant 7 : i32
    %dma_wait3A_206 = arith.constant 79 : i32
    %dma_wait3A_207 = arith.constant 0 : i32
    %dma_wait3A_208 = arith.constant 0 : i32
    %dma_wait3A_209 = tpu.memref_slice %arg8[%dma_wait3A_204, %dma_wait3A_205, %dma_wait3A_207, %dma_wait3A_208] : memref<2x8x128x16xf32, #tpu.memory_space<vmem>> -> memref<1x1x128x16xf32, #tpu.memory_space<vmem>>
    %dma_wait3A_210 = tpu.memref_squeeze %dma_wait3A_209 : memref<1x1x128x16xf32, #tpu.memory_space<vmem>> -> memref<128x16xf32, #tpu.memory_space<vmem>>
    %dma_wait3A_211 = arith.constant 0 : i32
    %dma_wait3A_212 = tpu.memref_slice %arg7[%dma_wait3A_206, %dma_wait3A_211] : memref<80x128xi32, #tpu.memory_space<vmem>> -> memref<1x128xi32, #tpu.memory_space<vmem>>
    %dma_wait3A_213 = tpu.memref_squeeze %dma_wait3A_212 : memref<1x128xi32, #tpu.memory_space<vmem>> -> memref<128xi32, #tpu.memory_space<vmem>>
    %dma_wait3A_214 = arith.constant 0 : i32
    %dma_wait3A_215 = arith.constant 0 : i32
    %dma_wait3A_216 = tpu.memref_slice %arg10[%dma_wait3A_214, %dma_wait3A_215] : memref<10128x16xf32, #tpu.memory_space<vmem_shared>> -> memref<10128x16xf32, #tpu.memory_space<vmem_shared>>
    tpu.wait_indirect_dma semaphore(%arg14 : memref<!tpu.dma_semaphore, #tpu.memory_space<semaphore_mem>>) src(%dma_wait3A_210 : memref<128x16xf32, #tpu.memory_space<vmem>>) dst(%dma_wait3A_216 : memref<10128x16xf32, #tpu.memory_space<vmem_shared>>)
    %barrier3A_217 = arith.constant 0 : index
    tpu.barrier barrier_id(%barrier3A_217)
    %mul3A_218 = arith.constant 625 : i32
    %mul3A_219 = arith.muli %arg1, %mul3A_218 : i32
    %mul3A_220 = arith.constant 625 : i32
    %mul3A_221 = arith.muli %arg1, %mul3A_220 : i32
    "tpu.region"() ({
      %run_scoped3A = tpu.sem_alloc : memref<!tpu.dma_semaphore, #tpu.memory_space<semaphore_mem>>
      %dma_start3A_222 = arith.constant 0 : i32
      %dma_start3A_223 = tpu.memref_slice %arg5[%arg0, %mul3A_221, %dma_start3A_222] : memref<2x10000x16xf32, #tpu.memory_space<hbm>> -> memref<1x625x16xf32, #tpu.memory_space<hbm>>
      %dma_start3A_224 = tpu.memref_squeeze %dma_start3A_223 : memref<1x625x16xf32, #tpu.memory_space<hbm>> -> memref<625x16xf32, #tpu.memory_space<hbm>>
      %dma_start3A_225 = arith.constant 0 : i32
      %dma_start3A_226 = tpu.memref_slice %arg10[%mul3A_219, %dma_start3A_225] : memref<10128x16xf32, #tpu.memory_space<vmem_shared>> -> memref<625x16xf32, #tpu.memory_space<vmem_shared>>
      tpu.enqueue_dma source(%dma_start3A_226 : memref<625x16xf32, #tpu.memory_space<vmem_shared>>) target(%dma_start3A_224 : memref<625x16xf32, #tpu.memory_space<hbm>>) target_semaphore(%run_scoped3A : memref<!tpu.dma_semaphore, #tpu.memory_space<semaphore_mem>>)
      %dma_wait3A_227 = arith.constant 0 : i32
      %dma_wait3A_228 = tpu.memref_slice %arg5[%arg0, %mul3A_221, %dma_wait3A_227] : memref<2x10000x16xf32, #tpu.memory_space<hbm>> -> memref<1x625x16xf32, #tpu.memory_space<hbm>>
      %dma_wait3A_229 = tpu.memref_squeeze %dma_wait3A_228 : memref<1x625x16xf32, #tpu.memory_space<hbm>> -> memref<625x16xf32, #tpu.memory_space<hbm>>
      %dma_wait3A_230 = arith.constant 0 : i32
      %dma_wait3A_231 = tpu.memref_slice %arg10[%mul3A_219, %dma_wait3A_230] : memref<10128x16xf32, #tpu.memory_space<vmem_shared>> -> memref<625x16xf32, #tpu.memory_space<vmem_shared>>
      tpu.wait_dma2 semaphore(%run_scoped3A : memref<!tpu.dma_semaphore, #tpu.memory_space<semaphore_mem>>) src(%dma_wait3A_231 : memref<625x16xf32, #tpu.memory_space<vmem_shared>>) dst(%dma_wait3A_229 : memref<625x16xf32, #tpu.memory_space<hbm>>)
      tpu.yield
    }) : () -> ()
    return
  }
}

#map = affine_map<(d0, d1) -> (0, 0, 0)>
#map1 = affine_map<(d0, d1) -> (0, 0)>
module attributes {stable_mosaic.version = 14 : i64} {
  func.func @agg_kernel(%arg0: i32, %arg1: i32, %arg2: memref<32x80x128xi32, #tpu.memory_space<hbm>>, %arg3: memref<32x80x128xi32, #tpu.memory_space<hbm>>, %arg4: memref<10000x16xf32, #tpu.memory_space<hbm>>, %arg5: memref<2x10000x16xf32, #tpu.memory_space<hbm>>, %arg6: memref<80x128xi32, #tpu.memory_space<vmem>>, %arg7: memref<80x128xi32, #tpu.memory_space<vmem>>, %arg8: memref<2x8x128x16xf32, #tpu.memory_space<vmem>>, %arg9: memref<625x16xf32, #tpu.memory_space<vmem>>, %arg10: memref<10128x16xf32, #tpu.memory_space<vmem_shared>>, %arg11: memref<!tpu.dma_semaphore, #tpu.memory_space<semaphore_mem>>, %arg12: memref<!tpu.dma_semaphore, #tpu.memory_space<semaphore_mem>>, %arg13: memref<!tpu.dma_semaphore, #tpu.memory_space<semaphore_mem>>, %arg14: memref<!tpu.dma_semaphore, #tpu.memory_space<semaphore_mem>>) attributes {dimension_semantics = [#tpu.dimension_semantics<core_parallel>, #tpu.dimension_semantics<subcore_parallel>], iteration_bounds = array<i64: 2, 16>, scalar_prefetch = 0 : i64, scratch_operands = 9 : i64, tpu.core_type = #tpu.core_type<sc_vector_subcore>, window_params = [{transform_indices = #map}, {transform_indices = #map}, {transform_indices = #map1}, {transform_indices = #map}]} {
    %mul3A = arith.constant 2 : i32
    %mul3A_0 = arith.muli %arg1, %mul3A : i32
    %add3A = arith.addi %mul3A_0, %arg0 : i32
    "tpu.region"() ({
      %run_scoped3A = tpu.sem_alloc : memref<!tpu.dma_semaphore, #tpu.memory_space<semaphore_mem>>
      %dma_start3A_222 = arith.constant 0 : i32
      %dma_start3A_223 = arith.constant 0 : i32
      %dma_start3A_224 = tpu.memref_slice %arg2[%add3A, %dma_start3A_222, %dma_start3A_223] : memref<32x80x128xi32, #tpu.memory_space<hbm>> -> memref<1x80x128xi32, #tpu.memory_space<hbm>>
      %dma_start3A_225 = tpu.memref_squeeze %dma_start3A_224 : memref<1x80x128xi32, #tpu.memory_space<hbm>> -> memref<80x128xi32, #tpu.memory_space<hbm>>
      %dma_start3A_226 = arith.constant 0 : i32
      %dma_start3A_227 = arith.constant 0 : i32
      %dma_start3A_228 = tpu.memref_slice %arg2[%add3A, %dma_start3A_226, %dma_start3A_227] : memref<32x80x128xi32, #tpu.memory_space<hbm>> -> memref<1x80x128xi32, #tpu.memory_space<hbm>>
      %dma_start3A_229 = tpu.memref_squeeze %dma_start3A_228 : memref<1x80x128xi32, #tpu.memory_space<hbm>> -> memref<80x128xi32, #tpu.memory_space<hbm>>
      tpu.enqueue_dma source(%dma_start3A_229 : memref<80x128xi32, #tpu.memory_space<hbm>>) target(%arg6 : memref<80x128xi32, #tpu.memory_space<vmem>>) target_semaphore(%run_scoped3A : memref<!tpu.dma_semaphore, #tpu.memory_space<semaphore_mem>>)
      %dma_wait3A_230 = arith.constant 0 : i32
      %dma_wait3A_231 = arith.constant 0 : i32
      %dma_wait3A_232 = tpu.memref_slice %arg2[%add3A, %dma_wait3A_230, %dma_wait3A_231] : memref<32x80x128xi32, #tpu.memory_space<hbm>> -> memref<1x80x128xi32, #tpu.memory_space<hbm>>
      %dma_wait3A_233 = tpu.memref_squeeze %dma_wait3A_232 : memref<1x80x128xi32, #tpu.memory_space<hbm>> -> memref<80x128xi32, #tpu.memory_space<hbm>>
      %dma_wait3A_234 = arith.constant 0 : i32
      %dma_wait3A_235 = arith.constant 0 : i32
      %dma_wait3A_236 = tpu.memref_slice %arg2[%add3A, %dma_wait3A_234, %dma_wait3A_235] : memref<32x80x128xi32, #tpu.memory_space<hbm>> -> memref<1x80x128xi32, #tpu.memory_space<hbm>>
      %dma_wait3A_237 = tpu.memref_squeeze %dma_wait3A_236 : memref<1x80x128xi32, #tpu.memory_space<hbm>> -> memref<80x128xi32, #tpu.memory_space<hbm>>
      tpu.wait_dma2 semaphore(%run_scoped3A : memref<!tpu.dma_semaphore, #tpu.memory_space<semaphore_mem>>) src(%dma_wait3A_237 : memref<80x128xi32, #tpu.memory_space<hbm>>) dst(%arg6 : memref<80x128xi32, #tpu.memory_space<vmem>>)
      tpu.yield
    }) : () -> ()
    "tpu.region"() ({
      %run_scoped3A = tpu.sem_alloc : memref<!tpu.dma_semaphore, #tpu.memory_space<semaphore_mem>>
      %dma_start3A_222 = arith.constant 0 : i32
      %dma_start3A_223 = arith.constant 0 : i32
      %dma_start3A_224 = tpu.memref_slice %arg3[%add3A, %dma_start3A_222, %dma_start3A_223] : memref<32x80x128xi32, #tpu.memory_space<hbm>> -> memref<1x80x128xi32, #tpu.memory_space<hbm>>
      %dma_start3A_225 = tpu.memref_squeeze %dma_start3A_224 : memref<1x80x128xi32, #tpu.memory_space<hbm>> -> memref<80x128xi32, #tpu.memory_space<hbm>>
      %dma_start3A_226 = arith.constant 0 : i32
      %dma_start3A_227 = arith.constant 0 : i32
      %dma_start3A_228 = tpu.memref_slice %arg3[%add3A, %dma_start3A_226, %dma_start3A_227] : memref<32x80x128xi32, #tpu.memory_space<hbm>> -> memref<1x80x128xi32, #tpu.memory_space<hbm>>
      %dma_start3A_229 = tpu.memref_squeeze %dma_start3A_228 : memref<1x80x128xi32, #tpu.memory_space<hbm>> -> memref<80x128xi32, #tpu.memory_space<hbm>>
      tpu.enqueue_dma source(%dma_start3A_229 : memref<80x128xi32, #tpu.memory_space<hbm>>) target(%arg7 : memref<80x128xi32, #tpu.memory_space<vmem>>) target_semaphore(%run_scoped3A : memref<!tpu.dma_semaphore, #tpu.memory_space<semaphore_mem>>)
      %dma_wait3A_230 = arith.constant 0 : i32
      %dma_wait3A_231 = arith.constant 0 : i32
      %dma_wait3A_232 = tpu.memref_slice %arg3[%add3A, %dma_wait3A_230, %dma_wait3A_231] : memref<32x80x128xi32, #tpu.memory_space<hbm>> -> memref<1x80x128xi32, #tpu.memory_space<hbm>>
      %dma_wait3A_233 = tpu.memref_squeeze %dma_wait3A_232 : memref<1x80x128xi32, #tpu.memory_space<hbm>> -> memref<80x128xi32, #tpu.memory_space<hbm>>
      %dma_wait3A_234 = arith.constant 0 : i32
      %dma_wait3A_235 = arith.constant 0 : i32
      %dma_wait3A_236 = tpu.memref_slice %arg3[%add3A, %dma_wait3A_234, %dma_wait3A_235] : memref<32x80x128xi32, #tpu.memory_space<hbm>> -> memref<1x80x128xi32, #tpu.memory_space<hbm>>
      %dma_wait3A_237 = tpu.memref_squeeze %dma_wait3A_236 : memref<1x80x128xi32, #tpu.memory_space<hbm>> -> memref<80x128xi32, #tpu.memory_space<hbm>>
      tpu.wait_dma2 semaphore(%run_scoped3A : memref<!tpu.dma_semaphore, #tpu.memory_space<semaphore_mem>>) src(%dma_wait3A_237 : memref<80x128xi32, #tpu.memory_space<hbm>>) dst(%arg7 : memref<80x128xi32, #tpu.memory_space<vmem>>)
      tpu.yield
    }) : () -> ()
    %mul3A_1 = arith.constant 625 : i32
    %mul3A_2 = arith.muli %arg1, %mul3A_1 : i32
    "tpu.region"() ({
      %run_scoped3A = tpu.sem_alloc : memref<!tpu.dma_semaphore, #tpu.memory_space<semaphore_mem>>
      %dma_start3A_222 = arith.constant 0 : i32
      %dma_start3A_223 = tpu.memref_slice %arg4[%mul3A_2, %dma_start3A_222] : memref<10000x16xf32, #tpu.memory_space<hbm>> -> memref<625x16xf32, #tpu.memory_space<hbm>>
      %dma_start3A_224 = arith.constant 0 : i32
      %dma_start3A_225 = tpu.memref_slice %arg4[%mul3A_2, %dma_start3A_224] : memref<10000x16xf32, #tpu.memory_space<hbm>> -> memref<625x16xf32, #tpu.memory_space<hbm>>
      tpu.enqueue_dma source(%dma_start3A_225 : memref<625x16xf32, #tpu.memory_space<hbm>>) target(%arg9 : memref<625x16xf32, #tpu.memory_space<vmem>>) target_semaphore(%run_scoped3A : memref<!tpu.dma_semaphore, #tpu.memory_space<semaphore_mem>>)
      %dma_wait3A_226 = arith.constant 0 : i32
      %dma_wait3A_227 = tpu.memref_slice %arg4[%mul3A_2, %dma_wait3A_226] : memref<10000x16xf32, #tpu.memory_space<hbm>> -> memref<625x16xf32, #tpu.memory_space<hbm>>
      %dma_wait3A_228 = arith.constant 0 : i32
      %dma_wait3A_229 = tpu.memref_slice %arg4[%mul3A_2, %dma_wait3A_228] : memref<10000x16xf32, #tpu.memory_space<hbm>> -> memref<625x16xf32, #tpu.memory_space<hbm>>
      tpu.wait_dma2 semaphore(%run_scoped3A : memref<!tpu.dma_semaphore, #tpu.memory_space<semaphore_mem>>) src(%dma_wait3A_229 : memref<625x16xf32, #tpu.memory_space<hbm>>) dst(%arg9 : memref<625x16xf32, #tpu.memory_space<vmem>>)
      tpu.yield
    }) : () -> ()
    %mul3A_3 = arith.constant 625 : i32
    %mul3A_4 = arith.muli %arg1, %mul3A_3 : i32
    "tpu.region"() ({
      %run_scoped3A = tpu.sem_alloc : memref<!tpu.dma_semaphore, #tpu.memory_space<semaphore_mem>>
      %dma_start3A_222 = arith.constant 0 : i32
      %dma_start3A_223 = tpu.memref_slice %arg10[%mul3A_4, %dma_start3A_222] : memref<10128x16xf32, #tpu.memory_space<vmem_shared>> -> memref<625x16xf32, #tpu.memory_space<vmem_shared>>
      %dma_start3A_224 = arith.constant 0 : i32
      %dma_start3A_225 = tpu.memref_slice %arg10[%mul3A_4, %dma_start3A_224] : memref<10128x16xf32, #tpu.memory_space<vmem_shared>> -> memref<625x16xf32, #tpu.memory_space<vmem_shared>>
      tpu.enqueue_dma source(%arg9 : memref<625x16xf32, #tpu.memory_space<vmem>>) target(%dma_start3A_225 : memref<625x16xf32, #tpu.memory_space<vmem_shared>>) target_semaphore(%run_scoped3A : memref<!tpu.dma_semaphore, #tpu.memory_space<semaphore_mem>>)
      %dma_wait3A_226 = arith.constant 0 : i32
      %dma_wait3A_227 = tpu.memref_slice %arg10[%mul3A_4, %dma_wait3A_226] : memref<10128x16xf32, #tpu.memory_space<vmem_shared>> -> memref<625x16xf32, #tpu.memory_space<vmem_shared>>
      %dma_wait3A_228 = arith.constant 0 : i32
      %dma_wait3A_229 = tpu.memref_slice %arg10[%mul3A_4, %dma_wait3A_228] : memref<10128x16xf32, #tpu.memory_space<vmem_shared>> -> memref<625x16xf32, #tpu.memory_space<vmem_shared>>
      tpu.wait_dma2 semaphore(%run_scoped3A : memref<!tpu.dma_semaphore, #tpu.memory_space<semaphore_mem>>) src(%arg9 : memref<625x16xf32, #tpu.memory_space<vmem>>) dst(%dma_wait3A_229 : memref<625x16xf32, #tpu.memory_space<vmem_shared>>)
      tpu.yield
    }) : () -> ()
    %barrier3A = arith.constant 0 : index
    tpu.barrier barrier_id(%barrier3A)
    %dma_start3A = arith.constant 0 : i32
    %dma_start3A_5 = arith.constant 0 : i32
    %dma_start3A_6 = arith.constant 0 : i32
    %dma_start3A_7 = arith.constant 0 : i32
    %dma_start3A_8 = arith.constant 0 : i32
    %dma_start3A_9 = tpu.memref_slice %arg8[%dma_start3A_5, %dma_start3A_6, %dma_start3A_7, %dma_start3A_8] : memref<2x8x128x16xf32, #tpu.memory_space<vmem>> -> memref<1x1x128x16xf32, #tpu.memory_space<vmem>>
    %dma_start3A_10 = tpu.memref_squeeze %dma_start3A_9 : memref<1x1x128x16xf32, #tpu.memory_space<vmem>> -> memref<128x16xf32, #tpu.memory_space<vmem>>
    %dma_start3A_11 = arith.constant 0 : i32
    %dma_start3A_12 = tpu.memref_slice %arg6[%dma_start3A, %dma_start3A_11] : memref<80x128xi32, #tpu.memory_space<vmem>> -> memref<1x128xi32, #tpu.memory_space<vmem>>
    %dma_start3A_13 = tpu.memref_squeeze %dma_start3A_12 : memref<1x128xi32, #tpu.memory_space<vmem>> -> memref<128xi32, #tpu.memory_space<vmem>>
    %dma_start3A_14 = arith.constant 0 : i32
    %dma_start3A_15 = arith.constant 0 : i32
    %dma_start3A_16 = tpu.memref_slice %arg4[%dma_start3A_14, %dma_start3A_15] : memref<10000x16xf32, #tpu.memory_space<hbm>> -> memref<10000x16xf32, #tpu.memory_space<hbm>>
    tpu.enqueue_indirect_dma source(%dma_start3A_16 : memref<10000x16xf32, #tpu.memory_space<hbm>>) target(%dma_start3A_10 : memref<128x16xf32, #tpu.memory_space<vmem>>) offsets(%dma_start3A_13 : memref<128xi32, #tpu.memory_space<vmem>>) semaphore(%arg11 : memref<!tpu.dma_semaphore, #tpu.memory_space<semaphore_mem>>)
    %dma_start3A_17 = arith.constant 1 : i32
    %dma_start3A_18 = arith.constant 0 : i32
    %dma_start3A_19 = arith.constant 1 : i32
    %dma_start3A_20 = arith.constant 0 : i32
    %dma_start3A_21 = arith.constant 0 : i32
    %dma_start3A_22 = tpu.memref_slice %arg8[%dma_start3A_18, %dma_start3A_19, %dma_start3A_20, %dma_start3A_21] : memref<2x8x128x16xf32, #tpu.memory_space<vmem>> -> memref<1x1x128x16xf32, #tpu.memory_space<vmem>>
    %dma_start3A_23 = tpu.memref_squeeze %dma_start3A_22 : memref<1x1x128x16xf32, #tpu.memory_space<vmem>> -> memref<128x16xf32, #tpu.memory_space<vmem>>
    %dma_start3A_24 = arith.constant 0 : i32
    %dma_start3A_25 = tpu.memref_slice %arg6[%dma_start3A_17, %dma_start3A_24] : memref<80x128xi32, #tpu.memory_space<vmem>> -> memref<1x128xi32, #tpu.memory_space<vmem>>
    %dma_start3A_26 = tpu.memref_squeeze %dma_start3A_25 : memref<1x128xi32, #tpu.memory_space<vmem>> -> memref<128xi32, #tpu.memory_space<vmem>>
    %dma_start3A_27 = arith.constant 0 : i32
    %dma_start3A_28 = arith.constant 0 : i32
    %dma_start3A_29 = tpu.memref_slice %arg4[%dma_start3A_27, %dma_start3A_28] : memref<10000x16xf32, #tpu.memory_space<hbm>> -> memref<10000x16xf32, #tpu.memory_space<hbm>>
    tpu.enqueue_indirect_dma source(%dma_start3A_29 : memref<10000x16xf32, #tpu.memory_space<hbm>>) target(%dma_start3A_23 : memref<128x16xf32, #tpu.memory_space<vmem>>) offsets(%dma_start3A_26 : memref<128xi32, #tpu.memory_space<vmem>>) semaphore(%arg11 : memref<!tpu.dma_semaphore, #tpu.memory_space<semaphore_mem>>)
    %dma_start3A_30 = arith.constant 2 : i32
    %dma_start3A_31 = arith.constant 0 : i32
    %dma_start3A_32 = arith.constant 2 : i32
    %dma_start3A_33 = arith.constant 0 : i32
    %dma_start3A_34 = arith.constant 0 : i32
    %dma_start3A_35 = tpu.memref_slice %arg8[%dma_start3A_31, %dma_start3A_32, %dma_start3A_33, %dma_start3A_34] : memref<2x8x128x16xf32, #tpu.memory_space<vmem>> -> memref<1x1x128x16xf32, #tpu.memory_space<vmem>>
    %dma_start3A_36 = tpu.memref_squeeze %dma_start3A_35 : memref<1x1x128x16xf32, #tpu.memory_space<vmem>> -> memref<128x16xf32, #tpu.memory_space<vmem>>
    %dma_start3A_37 = arith.constant 0 : i32
    %dma_start3A_38 = tpu.memref_slice %arg6[%dma_start3A_30, %dma_start3A_37] : memref<80x128xi32, #tpu.memory_space<vmem>> -> memref<1x128xi32, #tpu.memory_space<vmem>>
    %dma_start3A_39 = tpu.memref_squeeze %dma_start3A_38 : memref<1x128xi32, #tpu.memory_space<vmem>> -> memref<128xi32, #tpu.memory_space<vmem>>
    %dma_start3A_40 = arith.constant 0 : i32
    %dma_start3A_41 = arith.constant 0 : i32
    %dma_start3A_42 = tpu.memref_slice %arg4[%dma_start3A_40, %dma_start3A_41] : memref<10000x16xf32, #tpu.memory_space<hbm>> -> memref<10000x16xf32, #tpu.memory_space<hbm>>
    tpu.enqueue_indirect_dma source(%dma_start3A_42 : memref<10000x16xf32, #tpu.memory_space<hbm>>) target(%dma_start3A_36 : memref<128x16xf32, #tpu.memory_space<vmem>>) offsets(%dma_start3A_39 : memref<128xi32, #tpu.memory_space<vmem>>) semaphore(%arg11 : memref<!tpu.dma_semaphore, #tpu.memory_space<semaphore_mem>>)
    %dma_start3A_43 = arith.constant 3 : i32
    %dma_start3A_44 = arith.constant 0 : i32
    %dma_start3A_45 = arith.constant 3 : i32
    %dma_start3A_46 = arith.constant 0 : i32
    %dma_start3A_47 = arith.constant 0 : i32
    %dma_start3A_48 = tpu.memref_slice %arg8[%dma_start3A_44, %dma_start3A_45, %dma_start3A_46, %dma_start3A_47] : memref<2x8x128x16xf32, #tpu.memory_space<vmem>> -> memref<1x1x128x16xf32, #tpu.memory_space<vmem>>
    %dma_start3A_49 = tpu.memref_squeeze %dma_start3A_48 : memref<1x1x128x16xf32, #tpu.memory_space<vmem>> -> memref<128x16xf32, #tpu.memory_space<vmem>>
    %dma_start3A_50 = arith.constant 0 : i32
    %dma_start3A_51 = tpu.memref_slice %arg6[%dma_start3A_43, %dma_start3A_50] : memref<80x128xi32, #tpu.memory_space<vmem>> -> memref<1x128xi32, #tpu.memory_space<vmem>>
    %dma_start3A_52 = tpu.memref_squeeze %dma_start3A_51 : memref<1x128xi32, #tpu.memory_space<vmem>> -> memref<128xi32, #tpu.memory_space<vmem>>
    %dma_start3A_53 = arith.constant 0 : i32
    %dma_start3A_54 = arith.constant 0 : i32
    %dma_start3A_55 = tpu.memref_slice %arg4[%dma_start3A_53, %dma_start3A_54] : memref<10000x16xf32, #tpu.memory_space<hbm>> -> memref<10000x16xf32, #tpu.memory_space<hbm>>
    tpu.enqueue_indirect_dma source(%dma_start3A_55 : memref<10000x16xf32, #tpu.memory_space<hbm>>) target(%dma_start3A_49 : memref<128x16xf32, #tpu.memory_space<vmem>>) offsets(%dma_start3A_52 : memref<128xi32, #tpu.memory_space<vmem>>) semaphore(%arg11 : memref<!tpu.dma_semaphore, #tpu.memory_space<semaphore_mem>>)
    %dma_start3A_56 = arith.constant 4 : i32
    %dma_start3A_57 = arith.constant 0 : i32
    %dma_start3A_58 = arith.constant 4 : i32
    %dma_start3A_59 = arith.constant 0 : i32
    %dma_start3A_60 = arith.constant 0 : i32
    %dma_start3A_61 = tpu.memref_slice %arg8[%dma_start3A_57, %dma_start3A_58, %dma_start3A_59, %dma_start3A_60] : memref<2x8x128x16xf32, #tpu.memory_space<vmem>> -> memref<1x1x128x16xf32, #tpu.memory_space<vmem>>
    %dma_start3A_62 = tpu.memref_squeeze %dma_start3A_61 : memref<1x1x128x16xf32, #tpu.memory_space<vmem>> -> memref<128x16xf32, #tpu.memory_space<vmem>>
    %dma_start3A_63 = arith.constant 0 : i32
    %dma_start3A_64 = tpu.memref_slice %arg6[%dma_start3A_56, %dma_start3A_63] : memref<80x128xi32, #tpu.memory_space<vmem>> -> memref<1x128xi32, #tpu.memory_space<vmem>>
    %dma_start3A_65 = tpu.memref_squeeze %dma_start3A_64 : memref<1x128xi32, #tpu.memory_space<vmem>> -> memref<128xi32, #tpu.memory_space<vmem>>
    %dma_start3A_66 = arith.constant 0 : i32
    %dma_start3A_67 = arith.constant 0 : i32
    %dma_start3A_68 = tpu.memref_slice %arg4[%dma_start3A_66, %dma_start3A_67] : memref<10000x16xf32, #tpu.memory_space<hbm>> -> memref<10000x16xf32, #tpu.memory_space<hbm>>
    tpu.enqueue_indirect_dma source(%dma_start3A_68 : memref<10000x16xf32, #tpu.memory_space<hbm>>) target(%dma_start3A_62 : memref<128x16xf32, #tpu.memory_space<vmem>>) offsets(%dma_start3A_65 : memref<128xi32, #tpu.memory_space<vmem>>) semaphore(%arg11 : memref<!tpu.dma_semaphore, #tpu.memory_space<semaphore_mem>>)
    %dma_start3A_69 = arith.constant 5 : i32
    %dma_start3A_70 = arith.constant 0 : i32
    %dma_start3A_71 = arith.constant 5 : i32
    %dma_start3A_72 = arith.constant 0 : i32
    %dma_start3A_73 = arith.constant 0 : i32
    %dma_start3A_74 = tpu.memref_slice %arg8[%dma_start3A_70, %dma_start3A_71, %dma_start3A_72, %dma_start3A_73] : memref<2x8x128x16xf32, #tpu.memory_space<vmem>> -> memref<1x1x128x16xf32, #tpu.memory_space<vmem>>
    %dma_start3A_75 = tpu.memref_squeeze %dma_start3A_74 : memref<1x1x128x16xf32, #tpu.memory_space<vmem>> -> memref<128x16xf32, #tpu.memory_space<vmem>>
    %dma_start3A_76 = arith.constant 0 : i32
    %dma_start3A_77 = tpu.memref_slice %arg6[%dma_start3A_69, %dma_start3A_76] : memref<80x128xi32, #tpu.memory_space<vmem>> -> memref<1x128xi32, #tpu.memory_space<vmem>>
    %dma_start3A_78 = tpu.memref_squeeze %dma_start3A_77 : memref<1x128xi32, #tpu.memory_space<vmem>> -> memref<128xi32, #tpu.memory_space<vmem>>
    %dma_start3A_79 = arith.constant 0 : i32
    %dma_start3A_80 = arith.constant 0 : i32
    %dma_start3A_81 = tpu.memref_slice %arg4[%dma_start3A_79, %dma_start3A_80] : memref<10000x16xf32, #tpu.memory_space<hbm>> -> memref<10000x16xf32, #tpu.memory_space<hbm>>
    tpu.enqueue_indirect_dma source(%dma_start3A_81 : memref<10000x16xf32, #tpu.memory_space<hbm>>) target(%dma_start3A_75 : memref<128x16xf32, #tpu.memory_space<vmem>>) offsets(%dma_start3A_78 : memref<128xi32, #tpu.memory_space<vmem>>) semaphore(%arg11 : memref<!tpu.dma_semaphore, #tpu.memory_space<semaphore_mem>>)
    %dma_start3A_82 = arith.constant 6 : i32
    %dma_start3A_83 = arith.constant 0 : i32
    %dma_start3A_84 = arith.constant 6 : i32
    %dma_start3A_85 = arith.constant 0 : i32
    %dma_start3A_86 = arith.constant 0 : i32
    %dma_start3A_87 = tpu.memref_slice %arg8[%dma_start3A_83, %dma_start3A_84, %dma_start3A_85, %dma_start3A_86] : memref<2x8x128x16xf32, #tpu.memory_space<vmem>> -> memref<1x1x128x16xf32, #tpu.memory_space<vmem>>
    %dma_start3A_88 = tpu.memref_squeeze %dma_start3A_87 : memref<1x1x128x16xf32, #tpu.memory_space<vmem>> -> memref<128x16xf32, #tpu.memory_space<vmem>>
    %dma_start3A_89 = arith.constant 0 : i32
    %dma_start3A_90 = tpu.memref_slice %arg6[%dma_start3A_82, %dma_start3A_89] : memref<80x128xi32, #tpu.memory_space<vmem>> -> memref<1x128xi32, #tpu.memory_space<vmem>>
    %dma_start3A_91 = tpu.memref_squeeze %dma_start3A_90 : memref<1x128xi32, #tpu.memory_space<vmem>> -> memref<128xi32, #tpu.memory_space<vmem>>
    %dma_start3A_92 = arith.constant 0 : i32
    %dma_start3A_93 = arith.constant 0 : i32
    %dma_start3A_94 = tpu.memref_slice %arg4[%dma_start3A_92, %dma_start3A_93] : memref<10000x16xf32, #tpu.memory_space<hbm>> -> memref<10000x16xf32, #tpu.memory_space<hbm>>
    tpu.enqueue_indirect_dma source(%dma_start3A_94 : memref<10000x16xf32, #tpu.memory_space<hbm>>) target(%dma_start3A_88 : memref<128x16xf32, #tpu.memory_space<vmem>>) offsets(%dma_start3A_91 : memref<128xi32, #tpu.memory_space<vmem>>) semaphore(%arg11 : memref<!tpu.dma_semaphore, #tpu.memory_space<semaphore_mem>>)
    %dma_start3A_95 = arith.constant 7 : i32
    %dma_start3A_96 = arith.constant 0 : i32
    %dma_start3A_97 = arith.constant 7 : i32
    %dma_start3A_98 = arith.constant 0 : i32
    %dma_start3A_99 = arith.constant 0 : i32
    %dma_start3A_100 = tpu.memref_slice %arg8[%dma_start3A_96, %dma_start3A_97, %dma_start3A_98, %dma_start3A_99] : memref<2x8x128x16xf32, #tpu.memory_space<vmem>> -> memref<1x1x128x16xf32, #tpu.memory_space<vmem>>
    %dma_start3A_101 = tpu.memref_squeeze %dma_start3A_100 : memref<1x1x128x16xf32, #tpu.memory_space<vmem>> -> memref<128x16xf32, #tpu.memory_space<vmem>>
    %dma_start3A_102 = arith.constant 0 : i32
    %dma_start3A_103 = tpu.memref_slice %arg6[%dma_start3A_95, %dma_start3A_102] : memref<80x128xi32, #tpu.memory_space<vmem>> -> memref<1x128xi32, #tpu.memory_space<vmem>>
    %dma_start3A_104 = tpu.memref_squeeze %dma_start3A_103 : memref<1x128xi32, #tpu.memory_space<vmem>> -> memref<128xi32, #tpu.memory_space<vmem>>
    %dma_start3A_105 = arith.constant 0 : i32
    %dma_start3A_106 = arith.constant 0 : i32
    %dma_start3A_107 = tpu.memref_slice %arg4[%dma_start3A_105, %dma_start3A_106] : memref<10000x16xf32, #tpu.memory_space<hbm>> -> memref<10000x16xf32, #tpu.memory_space<hbm>>
    tpu.enqueue_indirect_dma source(%dma_start3A_107 : memref<10000x16xf32, #tpu.memory_space<hbm>>) target(%dma_start3A_101 : memref<128x16xf32, #tpu.memory_space<vmem>>) offsets(%dma_start3A_104 : memref<128xi32, #tpu.memory_space<vmem>>) semaphore(%arg11 : memref<!tpu.dma_semaphore, #tpu.memory_space<semaphore_mem>>)
    %scan3A = arith.constant 0 : i32
    %scan3A_108 = arith.constant 0 : i32
    %scan3A_109 = arith.constant 5 : i32
    %scan3A_110 = arith.addi %scan3A_108, %scan3A_109 : i32
    %scan3A_111 = arith.constant 1 : i32
    %scan3A_112 = scf.for %scan3A_222 = %scan3A_108 to %scan3A_110 step %scan3A_111 iter_args(%scan3A_223 = %scan3A) -> (i32)  : i32 {
      %mul3A_224 = arith.constant 2 : i32
      %mul3A_225 = arith.muli %mul3A_224, %scan3A_222 : i32
      %ge3A = arith.constant 1 : i32
      %ge3A_226 = arith.cmpi sge, %mul3A_225, %ge3A : i32
      %convert_element_type3A = arith.extui %ge3A_226 : i1 to i32
      %cond3A = arith.constant 0 : i32
      %cond3A_227 = arith.cmpi ne, %convert_element_type3A, %cond3A : i32
      scf.if %cond3A_227 {
        %sub3A = arith.constant 1 : i32
        %sub3A_763 = arith.subi %mul3A_225, %sub3A : i32
        %mul3A_764 = arith.constant 8 : i32
        %mul3A_765 = arith.muli %sub3A_763, %mul3A_764 : i32
        %add3A_766 = arith.constant 0 : i32
        %add3A_767 = arith.addi %mul3A_765, %add3A_766 : i32
        %dma_wait3A_768 = arith.constant 1 : i32
        %dma_wait3A_769 = arith.constant 0 : i32
        %dma_wait3A_770 = arith.constant 0 : i32
        %dma_wait3A_771 = arith.constant 0 : i32
        %dma_wait3A_772 = tpu.memref_slice %arg8[%dma_wait3A_768, %dma_wait3A_769, %dma_wait3A_770, %dma_wait3A_771] : memref<2x8x128x16xf32, #tpu.memory_space<vmem>> -> memref<1x1x128x16xf32, #tpu.memory_space<vmem>>
        %dma_wait3A_773 = tpu.memref_squeeze %dma_wait3A_772 : memref<1x1x128x16xf32, #tpu.memory_space<vmem>> -> memref<128x16xf32, #tpu.memory_space<vmem>>
        %dma_wait3A_774 = arith.constant 0 : i32
        %dma_wait3A_775 = tpu.memref_slice %arg7[%add3A_767, %dma_wait3A_774] : memref<80x128xi32, #tpu.memory_space<vmem>> -> memref<1x128xi32, #tpu.memory_space<vmem>>
        %dma_wait3A_776 = tpu.memref_squeeze %dma_wait3A_775 : memref<1x128xi32, #tpu.memory_space<vmem>> -> memref<128xi32, #tpu.memory_space<vmem>>
        %dma_wait3A_777 = arith.constant 0 : i32
        %dma_wait3A_778 = arith.constant 0 : i32
        %dma_wait3A_779 = tpu.memref_slice %arg10[%dma_wait3A_777, %dma_wait3A_778] : memref<10128x16xf32, #tpu.memory_space<vmem_shared>> -> memref<10128x16xf32, #tpu.memory_space<vmem_shared>>
        tpu.wait_indirect_dma semaphore(%arg14 : memref<!tpu.dma_semaphore, #tpu.memory_space<semaphore_mem>>) src(%dma_wait3A_773 : memref<128x16xf32, #tpu.memory_space<vmem>>) dst(%dma_wait3A_779 : memref<10128x16xf32, #tpu.memory_space<vmem_shared>>)
        %sub3A_780 = arith.constant 1 : i32
        %sub3A_781 = arith.subi %mul3A_225, %sub3A_780 : i32
        %mul3A_782 = arith.constant 8 : i32
        %mul3A_783 = arith.muli %sub3A_781, %mul3A_782 : i32
        %add3A_784 = arith.constant 1 : i32
        %add3A_785 = arith.addi %mul3A_783, %add3A_784 : i32
        %dma_wait3A_786 = arith.constant 1 : i32
        %dma_wait3A_787 = arith.constant 1 : i32
        %dma_wait3A_788 = arith.constant 0 : i32
        %dma_wait3A_789 = arith.constant 0 : i32
        %dma_wait3A_790 = tpu.memref_slice %arg8[%dma_wait3A_786, %dma_wait3A_787, %dma_wait3A_788, %dma_wait3A_789] : memref<2x8x128x16xf32, #tpu.memory_space<vmem>> -> memref<1x1x128x16xf32, #tpu.memory_space<vmem>>
        %dma_wait3A_791 = tpu.memref_squeeze %dma_wait3A_790 : memref<1x1x128x16xf32, #tpu.memory_space<vmem>> -> memref<128x16xf32, #tpu.memory_space<vmem>>
        %dma_wait3A_792 = arith.constant 0 : i32
        %dma_wait3A_793 = tpu.memref_slice %arg7[%add3A_785, %dma_wait3A_792] : memref<80x128xi32, #tpu.memory_space<vmem>> -> memref<1x128xi32, #tpu.memory_space<vmem>>
        %dma_wait3A_794 = tpu.memref_squeeze %dma_wait3A_793 : memref<1x128xi32, #tpu.memory_space<vmem>> -> memref<128xi32, #tpu.memory_space<vmem>>
        %dma_wait3A_795 = arith.constant 0 : i32
        %dma_wait3A_796 = arith.constant 0 : i32
        %dma_wait3A_797 = tpu.memref_slice %arg10[%dma_wait3A_795, %dma_wait3A_796] : memref<10128x16xf32, #tpu.memory_space<vmem_shared>> -> memref<10128x16xf32, #tpu.memory_space<vmem_shared>>
        tpu.wait_indirect_dma semaphore(%arg14 : memref<!tpu.dma_semaphore, #tpu.memory_space<semaphore_mem>>) src(%dma_wait3A_791 : memref<128x16xf32, #tpu.memory_space<vmem>>) dst(%dma_wait3A_797 : memref<10128x16xf32, #tpu.memory_space<vmem_shared>>)
        %sub3A_798 = arith.constant 1 : i32
        %sub3A_799 = arith.subi %mul3A_225, %sub3A_798 : i32
        %mul3A_800 = arith.constant 8 : i32
        %mul3A_801 = arith.muli %sub3A_799, %mul3A_800 : i32
        %add3A_802 = arith.constant 2 : i32
        %add3A_803 = arith.addi %mul3A_801, %add3A_802 : i32
        %dma_wait3A_804 = arith.constant 1 : i32
        %dma_wait3A_805 = arith.constant 2 : i32
        %dma_wait3A_806 = arith.constant 0 : i32
        %dma_wait3A_807 = arith.constant 0 : i32
        %dma_wait3A_808 = tpu.memref_slice %arg8[%dma_wait3A_804, %dma_wait3A_805, %dma_wait3A_806, %dma_wait3A_807] : memref<2x8x128x16xf32, #tpu.memory_space<vmem>> -> memref<1x1x128x16xf32, #tpu.memory_space<vmem>>
        %dma_wait3A_809 = tpu.memref_squeeze %dma_wait3A_808 : memref<1x1x128x16xf32, #tpu.memory_space<vmem>> -> memref<128x16xf32, #tpu.memory_space<vmem>>
        %dma_wait3A_810 = arith.constant 0 : i32
        %dma_wait3A_811 = tpu.memref_slice %arg7[%add3A_803, %dma_wait3A_810] : memref<80x128xi32, #tpu.memory_space<vmem>> -> memref<1x128xi32, #tpu.memory_space<vmem>>
        %dma_wait3A_812 = tpu.memref_squeeze %dma_wait3A_811 : memref<1x128xi32, #tpu.memory_space<vmem>> -> memref<128xi32, #tpu.memory_space<vmem>>
        %dma_wait3A_813 = arith.constant 0 : i32
        %dma_wait3A_814 = arith.constant 0 : i32
        %dma_wait3A_815 = tpu.memref_slice %arg10[%dma_wait3A_813, %dma_wait3A_814] : memref<10128x16xf32, #tpu.memory_space<vmem_shared>> -> memref<10128x16xf32, #tpu.memory_space<vmem_shared>>
        tpu.wait_indirect_dma semaphore(%arg14 : memref<!tpu.dma_semaphore, #tpu.memory_space<semaphore_mem>>) src(%dma_wait3A_809 : memref<128x16xf32, #tpu.memory_space<vmem>>) dst(%dma_wait3A_815 : memref<10128x16xf32, #tpu.memory_space<vmem_shared>>)
        %sub3A_816 = arith.constant 1 : i32
        %sub3A_817 = arith.subi %mul3A_225, %sub3A_816 : i32
        %mul3A_818 = arith.constant 8 : i32
        %mul3A_819 = arith.muli %sub3A_817, %mul3A_818 : i32
        %add3A_820 = arith.constant 3 : i32
        %add3A_821 = arith.addi %mul3A_819, %add3A_820 : i32
        %dma_wait3A_822 = arith.constant 1 : i32
        %dma_wait3A_823 = arith.constant 3 : i32
        %dma_wait3A_824 = arith.constant 0 : i32
        %dma_wait3A_825 = arith.constant 0 : i32
        %dma_wait3A_826 = tpu.memref_slice %arg8[%dma_wait3A_822, %dma_wait3A_823, %dma_wait3A_824, %dma_wait3A_825] : memref<2x8x128x16xf32, #tpu.memory_space<vmem>> -> memref<1x1x128x16xf32, #tpu.memory_space<vmem>>
        %dma_wait3A_827 = tpu.memref_squeeze %dma_wait3A_826 : memref<1x1x128x16xf32, #tpu.memory_space<vmem>> -> memref<128x16xf32, #tpu.memory_space<vmem>>
        %dma_wait3A_828 = arith.constant 0 : i32
        %dma_wait3A_829 = tpu.memref_slice %arg7[%add3A_821, %dma_wait3A_828] : memref<80x128xi32, #tpu.memory_space<vmem>> -> memref<1x128xi32, #tpu.memory_space<vmem>>
        %dma_wait3A_830 = tpu.memref_squeeze %dma_wait3A_829 : memref<1x128xi32, #tpu.memory_space<vmem>> -> memref<128xi32, #tpu.memory_space<vmem>>
        %dma_wait3A_831 = arith.constant 0 : i32
        %dma_wait3A_832 = arith.constant 0 : i32
        %dma_wait3A_833 = tpu.memref_slice %arg10[%dma_wait3A_831, %dma_wait3A_832] : memref<10128x16xf32, #tpu.memory_space<vmem_shared>> -> memref<10128x16xf32, #tpu.memory_space<vmem_shared>>
        tpu.wait_indirect_dma semaphore(%arg14 : memref<!tpu.dma_semaphore, #tpu.memory_space<semaphore_mem>>) src(%dma_wait3A_827 : memref<128x16xf32, #tpu.memory_space<vmem>>) dst(%dma_wait3A_833 : memref<10128x16xf32, #tpu.memory_space<vmem_shared>>)
        %sub3A_834 = arith.constant 1 : i32
        %sub3A_835 = arith.subi %mul3A_225, %sub3A_834 : i32
        %mul3A_836 = arith.constant 8 : i32
        %mul3A_837 = arith.muli %sub3A_835, %mul3A_836 : i32
        %add3A_838 = arith.constant 4 : i32
        %add3A_839 = arith.addi %mul3A_837, %add3A_838 : i32
        %dma_wait3A_840 = arith.constant 1 : i32
        %dma_wait3A_841 = arith.constant 4 : i32
        %dma_wait3A_842 = arith.constant 0 : i32
        %dma_wait3A_843 = arith.constant 0 : i32
        %dma_wait3A_844 = tpu.memref_slice %arg8[%dma_wait3A_840, %dma_wait3A_841, %dma_wait3A_842, %dma_wait3A_843] : memref<2x8x128x16xf32, #tpu.memory_space<vmem>> -> memref<1x1x128x16xf32, #tpu.memory_space<vmem>>
        %dma_wait3A_845 = tpu.memref_squeeze %dma_wait3A_844 : memref<1x1x128x16xf32, #tpu.memory_space<vmem>> -> memref<128x16xf32, #tpu.memory_space<vmem>>
        %dma_wait3A_846 = arith.constant 0 : i32
        %dma_wait3A_847 = tpu.memref_slice %arg7[%add3A_839, %dma_wait3A_846] : memref<80x128xi32, #tpu.memory_space<vmem>> -> memref<1x128xi32, #tpu.memory_space<vmem>>
        %dma_wait3A_848 = tpu.memref_squeeze %dma_wait3A_847 : memref<1x128xi32, #tpu.memory_space<vmem>> -> memref<128xi32, #tpu.memory_space<vmem>>
        %dma_wait3A_849 = arith.constant 0 : i32
        %dma_wait3A_850 = arith.constant 0 : i32
        %dma_wait3A_851 = tpu.memref_slice %arg10[%dma_wait3A_849, %dma_wait3A_850] : memref<10128x16xf32, #tpu.memory_space<vmem_shared>> -> memref<10128x16xf32, #tpu.memory_space<vmem_shared>>
        tpu.wait_indirect_dma semaphore(%arg14 : memref<!tpu.dma_semaphore, #tpu.memory_space<semaphore_mem>>) src(%dma_wait3A_845 : memref<128x16xf32, #tpu.memory_space<vmem>>) dst(%dma_wait3A_851 : memref<10128x16xf32, #tpu.memory_space<vmem_shared>>)
        %sub3A_852 = arith.constant 1 : i32
        %sub3A_853 = arith.subi %mul3A_225, %sub3A_852 : i32
        %mul3A_854 = arith.constant 8 : i32
        %mul3A_855 = arith.muli %sub3A_853, %mul3A_854 : i32
        %add3A_856 = arith.constant 5 : i32
        %add3A_857 = arith.addi %mul3A_855, %add3A_856 : i32
        %dma_wait3A_858 = arith.constant 1 : i32
        %dma_wait3A_859 = arith.constant 5 : i32
        %dma_wait3A_860 = arith.constant 0 : i32
        %dma_wait3A_861 = arith.constant 0 : i32
        %dma_wait3A_862 = tpu.memref_slice %arg8[%dma_wait3A_858, %dma_wait3A_859, %dma_wait3A_860, %dma_wait3A_861] : memref<2x8x128x16xf32, #tpu.memory_space<vmem>> -> memref<1x1x128x16xf32, #tpu.memory_space<vmem>>
        %dma_wait3A_863 = tpu.memref_squeeze %dma_wait3A_862 : memref<1x1x128x16xf32, #tpu.memory_space<vmem>> -> memref<128x16xf32, #tpu.memory_space<vmem>>
        %dma_wait3A_864 = arith.constant 0 : i32
        %dma_wait3A_865 = tpu.memref_slice %arg7[%add3A_857, %dma_wait3A_864] : memref<80x128xi32, #tpu.memory_space<vmem>> -> memref<1x128xi32, #tpu.memory_space<vmem>>
        %dma_wait3A_866 = tpu.memref_squeeze %dma_wait3A_865 : memref<1x128xi32, #tpu.memory_space<vmem>> -> memref<128xi32, #tpu.memory_space<vmem>>
        %dma_wait3A_867 = arith.constant 0 : i32
        %dma_wait3A_868 = arith.constant 0 : i32
        %dma_wait3A_869 = tpu.memref_slice %arg10[%dma_wait3A_867, %dma_wait3A_868] : memref<10128x16xf32, #tpu.memory_space<vmem_shared>> -> memref<10128x16xf32, #tpu.memory_space<vmem_shared>>
        tpu.wait_indirect_dma semaphore(%arg14 : memref<!tpu.dma_semaphore, #tpu.memory_space<semaphore_mem>>) src(%dma_wait3A_863 : memref<128x16xf32, #tpu.memory_space<vmem>>) dst(%dma_wait3A_869 : memref<10128x16xf32, #tpu.memory_space<vmem_shared>>)
        %sub3A_870 = arith.constant 1 : i32
        %sub3A_871 = arith.subi %mul3A_225, %sub3A_870 : i32
        %mul3A_872 = arith.constant 8 : i32
        %mul3A_873 = arith.muli %sub3A_871, %mul3A_872 : i32
        %add3A_874 = arith.constant 6 : i32
        %add3A_875 = arith.addi %mul3A_873, %add3A_874 : i32
        %dma_wait3A_876 = arith.constant 1 : i32
        %dma_wait3A_877 = arith.constant 6 : i32
        %dma_wait3A_878 = arith.constant 0 : i32
        %dma_wait3A_879 = arith.constant 0 : i32
        %dma_wait3A_880 = tpu.memref_slice %arg8[%dma_wait3A_876, %dma_wait3A_877, %dma_wait3A_878, %dma_wait3A_879] : memref<2x8x128x16xf32, #tpu.memory_space<vmem>> -> memref<1x1x128x16xf32, #tpu.memory_space<vmem>>
        %dma_wait3A_881 = tpu.memref_squeeze %dma_wait3A_880 : memref<1x1x128x16xf32, #tpu.memory_space<vmem>> -> memref<128x16xf32, #tpu.memory_space<vmem>>
        %dma_wait3A_882 = arith.constant 0 : i32
        %dma_wait3A_883 = tpu.memref_slice %arg7[%add3A_875, %dma_wait3A_882] : memref<80x128xi32, #tpu.memory_space<vmem>> -> memref<1x128xi32, #tpu.memory_space<vmem>>
        %dma_wait3A_884 = tpu.memref_squeeze %dma_wait3A_883 : memref<1x128xi32, #tpu.memory_space<vmem>> -> memref<128xi32, #tpu.memory_space<vmem>>
        %dma_wait3A_885 = arith.constant 0 : i32
        %dma_wait3A_886 = arith.constant 0 : i32
        %dma_wait3A_887 = tpu.memref_slice %arg10[%dma_wait3A_885, %dma_wait3A_886] : memref<10128x16xf32, #tpu.memory_space<vmem_shared>> -> memref<10128x16xf32, #tpu.memory_space<vmem_shared>>
        tpu.wait_indirect_dma semaphore(%arg14 : memref<!tpu.dma_semaphore, #tpu.memory_space<semaphore_mem>>) src(%dma_wait3A_881 : memref<128x16xf32, #tpu.memory_space<vmem>>) dst(%dma_wait3A_887 : memref<10128x16xf32, #tpu.memory_space<vmem_shared>>)
        %sub3A_888 = arith.constant 1 : i32
        %sub3A_889 = arith.subi %mul3A_225, %sub3A_888 : i32
        %mul3A_890 = arith.constant 8 : i32
        %mul3A_891 = arith.muli %sub3A_889, %mul3A_890 : i32
        %add3A_892 = arith.constant 7 : i32
        %add3A_893 = arith.addi %mul3A_891, %add3A_892 : i32
        %dma_wait3A_894 = arith.constant 1 : i32
        %dma_wait3A_895 = arith.constant 7 : i32
        %dma_wait3A_896 = arith.constant 0 : i32
        %dma_wait3A_897 = arith.constant 0 : i32
        %dma_wait3A_898 = tpu.memref_slice %arg8[%dma_wait3A_894, %dma_wait3A_895, %dma_wait3A_896, %dma_wait3A_897] : memref<2x8x128x16xf32, #tpu.memory_space<vmem>> -> memref<1x1x128x16xf32, #tpu.memory_space<vmem>>
        %dma_wait3A_899 = tpu.memref_squeeze %dma_wait3A_898 : memref<1x1x128x16xf32, #tpu.memory_space<vmem>> -> memref<128x16xf32, #tpu.memory_space<vmem>>
        %dma_wait3A_900 = arith.constant 0 : i32
        %dma_wait3A_901 = tpu.memref_slice %arg7[%add3A_893, %dma_wait3A_900] : memref<80x128xi32, #tpu.memory_space<vmem>> -> memref<1x128xi32, #tpu.memory_space<vmem>>
        %dma_wait3A_902 = tpu.memref_squeeze %dma_wait3A_901 : memref<1x128xi32, #tpu.memory_space<vmem>> -> memref<128xi32, #tpu.memory_space<vmem>>
        %dma_wait3A_903 = arith.constant 0 : i32
        %dma_wait3A_904 = arith.constant 0 : i32
        %dma_wait3A_905 = tpu.memref_slice %arg10[%dma_wait3A_903, %dma_wait3A_904] : memref<10128x16xf32, #tpu.memory_space<vmem_shared>> -> memref<10128x16xf32, #tpu.memory_space<vmem_shared>>
        tpu.wait_indirect_dma semaphore(%arg14 : memref<!tpu.dma_semaphore, #tpu.memory_space<semaphore_mem>>) src(%dma_wait3A_899 : memref<128x16xf32, #tpu.memory_space<vmem>>) dst(%dma_wait3A_905 : memref<10128x16xf32, #tpu.memory_space<vmem_shared>>)
      } else {
      }
      %add3A_228 = arith.constant 1 : i32
      %add3A_229 = arith.addi %mul3A_225, %add3A_228 : i32
      %lt3A = arith.constant 10 : i32
      %lt3A_230 = arith.cmpi slt, %add3A_229, %lt3A : i32
      %convert_element_type3A_231 = arith.extui %lt3A_230 : i1 to i32
      %cond3A_232 = arith.constant 0 : i32
      %cond3A_233 = arith.cmpi ne, %convert_element_type3A_231, %cond3A_232 : i32
      scf.if %cond3A_233 {
        %add3A_763 = arith.constant 1 : i32
        %add3A_764 = arith.addi %mul3A_225, %add3A_763 : i32
        %mul3A_765 = arith.constant 8 : i32
        %mul3A_766 = arith.muli %add3A_764, %mul3A_765 : i32
        %add3A_767 = arith.constant 0 : i32
        %add3A_768 = arith.addi %mul3A_766, %add3A_767 : i32
        %dma_start3A_769 = arith.constant 1 : i32
        %dma_start3A_770 = arith.constant 0 : i32
        %dma_start3A_771 = arith.constant 0 : i32
        %dma_start3A_772 = arith.constant 0 : i32
        %dma_start3A_773 = tpu.memref_slice %arg8[%dma_start3A_769, %dma_start3A_770, %dma_start3A_771, %dma_start3A_772] : memref<2x8x128x16xf32, #tpu.memory_space<vmem>> -> memref<1x1x128x16xf32, #tpu.memory_space<vmem>>
        %dma_start3A_774 = tpu.memref_squeeze %dma_start3A_773 : memref<1x1x128x16xf32, #tpu.memory_space<vmem>> -> memref<128x16xf32, #tpu.memory_space<vmem>>
        %dma_start3A_775 = arith.constant 0 : i32
        %dma_start3A_776 = tpu.memref_slice %arg6[%add3A_768, %dma_start3A_775] : memref<80x128xi32, #tpu.memory_space<vmem>> -> memref<1x128xi32, #tpu.memory_space<vmem>>
        %dma_start3A_777 = tpu.memref_squeeze %dma_start3A_776 : memref<1x128xi32, #tpu.memory_space<vmem>> -> memref<128xi32, #tpu.memory_space<vmem>>
        %dma_start3A_778 = arith.constant 0 : i32
        %dma_start3A_779 = arith.constant 0 : i32
        %dma_start3A_780 = tpu.memref_slice %arg4[%dma_start3A_778, %dma_start3A_779] : memref<10000x16xf32, #tpu.memory_space<hbm>> -> memref<10000x16xf32, #tpu.memory_space<hbm>>
        tpu.enqueue_indirect_dma source(%dma_start3A_780 : memref<10000x16xf32, #tpu.memory_space<hbm>>) target(%dma_start3A_774 : memref<128x16xf32, #tpu.memory_space<vmem>>) offsets(%dma_start3A_777 : memref<128xi32, #tpu.memory_space<vmem>>) semaphore(%arg12 : memref<!tpu.dma_semaphore, #tpu.memory_space<semaphore_mem>>)
        %add3A_781 = arith.constant 1 : i32
        %add3A_782 = arith.addi %mul3A_225, %add3A_781 : i32
        %mul3A_783 = arith.constant 8 : i32
        %mul3A_784 = arith.muli %add3A_782, %mul3A_783 : i32
        %add3A_785 = arith.constant 1 : i32
        %add3A_786 = arith.addi %mul3A_784, %add3A_785 : i32
        %dma_start3A_787 = arith.constant 1 : i32
        %dma_start3A_788 = arith.constant 1 : i32
        %dma_start3A_789 = arith.constant 0 : i32
        %dma_start3A_790 = arith.constant 0 : i32
        %dma_start3A_791 = tpu.memref_slice %arg8[%dma_start3A_787, %dma_start3A_788, %dma_start3A_789, %dma_start3A_790] : memref<2x8x128x16xf32, #tpu.memory_space<vmem>> -> memref<1x1x128x16xf32, #tpu.memory_space<vmem>>
        %dma_start3A_792 = tpu.memref_squeeze %dma_start3A_791 : memref<1x1x128x16xf32, #tpu.memory_space<vmem>> -> memref<128x16xf32, #tpu.memory_space<vmem>>
        %dma_start3A_793 = arith.constant 0 : i32
        %dma_start3A_794 = tpu.memref_slice %arg6[%add3A_786, %dma_start3A_793] : memref<80x128xi32, #tpu.memory_space<vmem>> -> memref<1x128xi32, #tpu.memory_space<vmem>>
        %dma_start3A_795 = tpu.memref_squeeze %dma_start3A_794 : memref<1x128xi32, #tpu.memory_space<vmem>> -> memref<128xi32, #tpu.memory_space<vmem>>
        %dma_start3A_796 = arith.constant 0 : i32
        %dma_start3A_797 = arith.constant 0 : i32
        %dma_start3A_798 = tpu.memref_slice %arg4[%dma_start3A_796, %dma_start3A_797] : memref<10000x16xf32, #tpu.memory_space<hbm>> -> memref<10000x16xf32, #tpu.memory_space<hbm>>
        tpu.enqueue_indirect_dma source(%dma_start3A_798 : memref<10000x16xf32, #tpu.memory_space<hbm>>) target(%dma_start3A_792 : memref<128x16xf32, #tpu.memory_space<vmem>>) offsets(%dma_start3A_795 : memref<128xi32, #tpu.memory_space<vmem>>) semaphore(%arg12 : memref<!tpu.dma_semaphore, #tpu.memory_space<semaphore_mem>>)
        %add3A_799 = arith.constant 1 : i32
        %add3A_800 = arith.addi %mul3A_225, %add3A_799 : i32
        %mul3A_801 = arith.constant 8 : i32
        %mul3A_802 = arith.muli %add3A_800, %mul3A_801 : i32
        %add3A_803 = arith.constant 2 : i32
        %add3A_804 = arith.addi %mul3A_802, %add3A_803 : i32
        %dma_start3A_805 = arith.constant 1 : i32
        %dma_start3A_806 = arith.constant 2 : i32
        %dma_start3A_807 = arith.constant 0 : i32
        %dma_start3A_808 = arith.constant 0 : i32
        %dma_start3A_809 = tpu.memref_slice %arg8[%dma_start3A_805, %dma_start3A_806, %dma_start3A_807, %dma_start3A_808] : memref<2x8x128x16xf32, #tpu.memory_space<vmem>> -> memref<1x1x128x16xf32, #tpu.memory_space<vmem>>
        %dma_start3A_810 = tpu.memref_squeeze %dma_start3A_809 : memref<1x1x128x16xf32, #tpu.memory_space<vmem>> -> memref<128x16xf32, #tpu.memory_space<vmem>>
        %dma_start3A_811 = arith.constant 0 : i32
        %dma_start3A_812 = tpu.memref_slice %arg6[%add3A_804, %dma_start3A_811] : memref<80x128xi32, #tpu.memory_space<vmem>> -> memref<1x128xi32, #tpu.memory_space<vmem>>
        %dma_start3A_813 = tpu.memref_squeeze %dma_start3A_812 : memref<1x128xi32, #tpu.memory_space<vmem>> -> memref<128xi32, #tpu.memory_space<vmem>>
        %dma_start3A_814 = arith.constant 0 : i32
        %dma_start3A_815 = arith.constant 0 : i32
        %dma_start3A_816 = tpu.memref_slice %arg4[%dma_start3A_814, %dma_start3A_815] : memref<10000x16xf32, #tpu.memory_space<hbm>> -> memref<10000x16xf32, #tpu.memory_space<hbm>>
        tpu.enqueue_indirect_dma source(%dma_start3A_816 : memref<10000x16xf32, #tpu.memory_space<hbm>>) target(%dma_start3A_810 : memref<128x16xf32, #tpu.memory_space<vmem>>) offsets(%dma_start3A_813 : memref<128xi32, #tpu.memory_space<vmem>>) semaphore(%arg12 : memref<!tpu.dma_semaphore, #tpu.memory_space<semaphore_mem>>)
        %add3A_817 = arith.constant 1 : i32
        %add3A_818 = arith.addi %mul3A_225, %add3A_817 : i32
        %mul3A_819 = arith.constant 8 : i32
        %mul3A_820 = arith.muli %add3A_818, %mul3A_819 : i32
        %add3A_821 = arith.constant 3 : i32
        %add3A_822 = arith.addi %mul3A_820, %add3A_821 : i32
        %dma_start3A_823 = arith.constant 1 : i32
        %dma_start3A_824 = arith.constant 3 : i32
        %dma_start3A_825 = arith.constant 0 : i32
        %dma_start3A_826 = arith.constant 0 : i32
        %dma_start3A_827 = tpu.memref_slice %arg8[%dma_start3A_823, %dma_start3A_824, %dma_start3A_825, %dma_start3A_826] : memref<2x8x128x16xf32, #tpu.memory_space<vmem>> -> memref<1x1x128x16xf32, #tpu.memory_space<vmem>>
        %dma_start3A_828 = tpu.memref_squeeze %dma_start3A_827 : memref<1x1x128x16xf32, #tpu.memory_space<vmem>> -> memref<128x16xf32, #tpu.memory_space<vmem>>
        %dma_start3A_829 = arith.constant 0 : i32
        %dma_start3A_830 = tpu.memref_slice %arg6[%add3A_822, %dma_start3A_829] : memref<80x128xi32, #tpu.memory_space<vmem>> -> memref<1x128xi32, #tpu.memory_space<vmem>>
        %dma_start3A_831 = tpu.memref_squeeze %dma_start3A_830 : memref<1x128xi32, #tpu.memory_space<vmem>> -> memref<128xi32, #tpu.memory_space<vmem>>
        %dma_start3A_832 = arith.constant 0 : i32
        %dma_start3A_833 = arith.constant 0 : i32
        %dma_start3A_834 = tpu.memref_slice %arg4[%dma_start3A_832, %dma_start3A_833] : memref<10000x16xf32, #tpu.memory_space<hbm>> -> memref<10000x16xf32, #tpu.memory_space<hbm>>
        tpu.enqueue_indirect_dma source(%dma_start3A_834 : memref<10000x16xf32, #tpu.memory_space<hbm>>) target(%dma_start3A_828 : memref<128x16xf32, #tpu.memory_space<vmem>>) offsets(%dma_start3A_831 : memref<128xi32, #tpu.memory_space<vmem>>) semaphore(%arg12 : memref<!tpu.dma_semaphore, #tpu.memory_space<semaphore_mem>>)
        %add3A_835 = arith.constant 1 : i32
        %add3A_836 = arith.addi %mul3A_225, %add3A_835 : i32
        %mul3A_837 = arith.constant 8 : i32
        %mul3A_838 = arith.muli %add3A_836, %mul3A_837 : i32
        %add3A_839 = arith.constant 4 : i32
        %add3A_840 = arith.addi %mul3A_838, %add3A_839 : i32
        %dma_start3A_841 = arith.constant 1 : i32
        %dma_start3A_842 = arith.constant 4 : i32
        %dma_start3A_843 = arith.constant 0 : i32
        %dma_start3A_844 = arith.constant 0 : i32
        %dma_start3A_845 = tpu.memref_slice %arg8[%dma_start3A_841, %dma_start3A_842, %dma_start3A_843, %dma_start3A_844] : memref<2x8x128x16xf32, #tpu.memory_space<vmem>> -> memref<1x1x128x16xf32, #tpu.memory_space<vmem>>
        %dma_start3A_846 = tpu.memref_squeeze %dma_start3A_845 : memref<1x1x128x16xf32, #tpu.memory_space<vmem>> -> memref<128x16xf32, #tpu.memory_space<vmem>>
        %dma_start3A_847 = arith.constant 0 : i32
        %dma_start3A_848 = tpu.memref_slice %arg6[%add3A_840, %dma_start3A_847] : memref<80x128xi32, #tpu.memory_space<vmem>> -> memref<1x128xi32, #tpu.memory_space<vmem>>
        %dma_start3A_849 = tpu.memref_squeeze %dma_start3A_848 : memref<1x128xi32, #tpu.memory_space<vmem>> -> memref<128xi32, #tpu.memory_space<vmem>>
        %dma_start3A_850 = arith.constant 0 : i32
        %dma_start3A_851 = arith.constant 0 : i32
        %dma_start3A_852 = tpu.memref_slice %arg4[%dma_start3A_850, %dma_start3A_851] : memref<10000x16xf32, #tpu.memory_space<hbm>> -> memref<10000x16xf32, #tpu.memory_space<hbm>>
        tpu.enqueue_indirect_dma source(%dma_start3A_852 : memref<10000x16xf32, #tpu.memory_space<hbm>>) target(%dma_start3A_846 : memref<128x16xf32, #tpu.memory_space<vmem>>) offsets(%dma_start3A_849 : memref<128xi32, #tpu.memory_space<vmem>>) semaphore(%arg12 : memref<!tpu.dma_semaphore, #tpu.memory_space<semaphore_mem>>)
        %add3A_853 = arith.constant 1 : i32
        %add3A_854 = arith.addi %mul3A_225, %add3A_853 : i32
        %mul3A_855 = arith.constant 8 : i32
        %mul3A_856 = arith.muli %add3A_854, %mul3A_855 : i32
        %add3A_857 = arith.constant 5 : i32
        %add3A_858 = arith.addi %mul3A_856, %add3A_857 : i32
        %dma_start3A_859 = arith.constant 1 : i32
        %dma_start3A_860 = arith.constant 5 : i32
        %dma_start3A_861 = arith.constant 0 : i32
        %dma_start3A_862 = arith.constant 0 : i32
        %dma_start3A_863 = tpu.memref_slice %arg8[%dma_start3A_859, %dma_start3A_860, %dma_start3A_861, %dma_start3A_862] : memref<2x8x128x16xf32, #tpu.memory_space<vmem>> -> memref<1x1x128x16xf32, #tpu.memory_space<vmem>>
        %dma_start3A_864 = tpu.memref_squeeze %dma_start3A_863 : memref<1x1x128x16xf32, #tpu.memory_space<vmem>> -> memref<128x16xf32, #tpu.memory_space<vmem>>
        %dma_start3A_865 = arith.constant 0 : i32
        %dma_start3A_866 = tpu.memref_slice %arg6[%add3A_858, %dma_start3A_865] : memref<80x128xi32, #tpu.memory_space<vmem>> -> memref<1x128xi32, #tpu.memory_space<vmem>>
        %dma_start3A_867 = tpu.memref_squeeze %dma_start3A_866 : memref<1x128xi32, #tpu.memory_space<vmem>> -> memref<128xi32, #tpu.memory_space<vmem>>
        %dma_start3A_868 = arith.constant 0 : i32
        %dma_start3A_869 = arith.constant 0 : i32
        %dma_start3A_870 = tpu.memref_slice %arg4[%dma_start3A_868, %dma_start3A_869] : memref<10000x16xf32, #tpu.memory_space<hbm>> -> memref<10000x16xf32, #tpu.memory_space<hbm>>
        tpu.enqueue_indirect_dma source(%dma_start3A_870 : memref<10000x16xf32, #tpu.memory_space<hbm>>) target(%dma_start3A_864 : memref<128x16xf32, #tpu.memory_space<vmem>>) offsets(%dma_start3A_867 : memref<128xi32, #tpu.memory_space<vmem>>) semaphore(%arg12 : memref<!tpu.dma_semaphore, #tpu.memory_space<semaphore_mem>>)
        %add3A_871 = arith.constant 1 : i32
        %add3A_872 = arith.addi %mul3A_225, %add3A_871 : i32
        %mul3A_873 = arith.constant 8 : i32
        %mul3A_874 = arith.muli %add3A_872, %mul3A_873 : i32
        %add3A_875 = arith.constant 6 : i32
        %add3A_876 = arith.addi %mul3A_874, %add3A_875 : i32
        %dma_start3A_877 = arith.constant 1 : i32
        %dma_start3A_878 = arith.constant 6 : i32
        %dma_start3A_879 = arith.constant 0 : i32
        %dma_start3A_880 = arith.constant 0 : i32
        %dma_start3A_881 = tpu.memref_slice %arg8[%dma_start3A_877, %dma_start3A_878, %dma_start3A_879, %dma_start3A_880] : memref<2x8x128x16xf32, #tpu.memory_space<vmem>> -> memref<1x1x128x16xf32, #tpu.memory_space<vmem>>
        %dma_start3A_882 = tpu.memref_squeeze %dma_start3A_881 : memref<1x1x128x16xf32, #tpu.memory_space<vmem>> -> memref<128x16xf32, #tpu.memory_space<vmem>>
        %dma_start3A_883 = arith.constant 0 : i32
        %dma_start3A_884 = tpu.memref_slice %arg6[%add3A_876, %dma_start3A_883] : memref<80x128xi32, #tpu.memory_space<vmem>> -> memref<1x128xi32, #tpu.memory_space<vmem>>
        %dma_start3A_885 = tpu.memref_squeeze %dma_start3A_884 : memref<1x128xi32, #tpu.memory_space<vmem>> -> memref<128xi32, #tpu.memory_space<vmem>>
        %dma_start3A_886 = arith.constant 0 : i32
        %dma_start3A_887 = arith.constant 0 : i32
        %dma_start3A_888 = tpu.memref_slice %arg4[%dma_start3A_886, %dma_start3A_887] : memref<10000x16xf32, #tpu.memory_space<hbm>> -> memref<10000x16xf32, #tpu.memory_space<hbm>>
        tpu.enqueue_indirect_dma source(%dma_start3A_888 : memref<10000x16xf32, #tpu.memory_space<hbm>>) target(%dma_start3A_882 : memref<128x16xf32, #tpu.memory_space<vmem>>) offsets(%dma_start3A_885 : memref<128xi32, #tpu.memory_space<vmem>>) semaphore(%arg12 : memref<!tpu.dma_semaphore, #tpu.memory_space<semaphore_mem>>)
        %add3A_889 = arith.constant 1 : i32
        %add3A_890 = arith.addi %mul3A_225, %add3A_889 : i32
        %mul3A_891 = arith.constant 8 : i32
        %mul3A_892 = arith.muli %add3A_890, %mul3A_891 : i32
        %add3A_893 = arith.constant 7 : i32
        %add3A_894 = arith.addi %mul3A_892, %add3A_893 : i32
        %dma_start3A_895 = arith.constant 1 : i32
        %dma_start3A_896 = arith.constant 7 : i32
        %dma_start3A_897 = arith.constant 0 : i32
        %dma_start3A_898 = arith.constant 0 : i32
        %dma_start3A_899 = tpu.memref_slice %arg8[%dma_start3A_895, %dma_start3A_896, %dma_start3A_897, %dma_start3A_898] : memref<2x8x128x16xf32, #tpu.memory_space<vmem>> -> memref<1x1x128x16xf32, #tpu.memory_space<vmem>>
        %dma_start3A_900 = tpu.memref_squeeze %dma_start3A_899 : memref<1x1x128x16xf32, #tpu.memory_space<vmem>> -> memref<128x16xf32, #tpu.memory_space<vmem>>
        %dma_start3A_901 = arith.constant 0 : i32
        %dma_start3A_902 = tpu.memref_slice %arg6[%add3A_894, %dma_start3A_901] : memref<80x128xi32, #tpu.memory_space<vmem>> -> memref<1x128xi32, #tpu.memory_space<vmem>>
        %dma_start3A_903 = tpu.memref_squeeze %dma_start3A_902 : memref<1x128xi32, #tpu.memory_space<vmem>> -> memref<128xi32, #tpu.memory_space<vmem>>
        %dma_start3A_904 = arith.constant 0 : i32
        %dma_start3A_905 = arith.constant 0 : i32
        %dma_start3A_906 = tpu.memref_slice %arg4[%dma_start3A_904, %dma_start3A_905] : memref<10000x16xf32, #tpu.memory_space<hbm>> -> memref<10000x16xf32, #tpu.memory_space<hbm>>
        tpu.enqueue_indirect_dma source(%dma_start3A_906 : memref<10000x16xf32, #tpu.memory_space<hbm>>) target(%dma_start3A_900 : memref<128x16xf32, #tpu.memory_space<vmem>>) offsets(%dma_start3A_903 : memref<128xi32, #tpu.memory_space<vmem>>) semaphore(%arg12 : memref<!tpu.dma_semaphore, #tpu.memory_space<semaphore_mem>>)
      } else {
      }
      %mul3A_234 = arith.constant 8 : i32
      %mul3A_235 = arith.muli %mul3A_225, %mul3A_234 : i32
      %add3A_236 = arith.constant 0 : i32
      %add3A_237 = arith.addi %mul3A_235, %add3A_236 : i32
      %dma_wait3A_238 = arith.constant 0 : i32
      %dma_wait3A_239 = arith.constant 0 : i32
      %dma_wait3A_240 = arith.constant 0 : i32
      %dma_wait3A_241 = arith.constant 0 : i32
      %dma_wait3A_242 = tpu.memref_slice %arg8[%dma_wait3A_238, %dma_wait3A_239, %dma_wait3A_240, %dma_wait3A_241] : memref<2x8x128x16xf32, #tpu.memory_space<vmem>> -> memref<1x1x128x16xf32, #tpu.memory_space<vmem>>
      %dma_wait3A_243 = tpu.memref_squeeze %dma_wait3A_242 : memref<1x1x128x16xf32, #tpu.memory_space<vmem>> -> memref<128x16xf32, #tpu.memory_space<vmem>>
      %dma_wait3A_244 = arith.constant 0 : i32
      %dma_wait3A_245 = tpu.memref_slice %arg6[%add3A_237, %dma_wait3A_244] : memref<80x128xi32, #tpu.memory_space<vmem>> -> memref<1x128xi32, #tpu.memory_space<vmem>>
      %dma_wait3A_246 = tpu.memref_squeeze %dma_wait3A_245 : memref<1x128xi32, #tpu.memory_space<vmem>> -> memref<128xi32, #tpu.memory_space<vmem>>
      %dma_wait3A_247 = arith.constant 0 : i32
      %dma_wait3A_248 = arith.constant 0 : i32
      %dma_wait3A_249 = tpu.memref_slice %arg4[%dma_wait3A_247, %dma_wait3A_248] : memref<10000x16xf32, #tpu.memory_space<hbm>> -> memref<10000x16xf32, #tpu.memory_space<hbm>>
      tpu.wait_indirect_dma semaphore(%arg11 : memref<!tpu.dma_semaphore, #tpu.memory_space<semaphore_mem>>) src(%dma_wait3A_249 : memref<10000x16xf32, #tpu.memory_space<hbm>>) dst(%dma_wait3A_243 : memref<128x16xf32, #tpu.memory_space<vmem>>)
      %mul3A_250 = arith.constant 8 : i32
      %mul3A_251 = arith.muli %mul3A_225, %mul3A_250 : i32
      %add3A_252 = arith.constant 1 : i32
      %add3A_253 = arith.addi %mul3A_251, %add3A_252 : i32
      %dma_wait3A_254 = arith.constant 0 : i32
      %dma_wait3A_255 = arith.constant 1 : i32
      %dma_wait3A_256 = arith.constant 0 : i32
      %dma_wait3A_257 = arith.constant 0 : i32
      %dma_wait3A_258 = tpu.memref_slice %arg8[%dma_wait3A_254, %dma_wait3A_255, %dma_wait3A_256, %dma_wait3A_257] : memref<2x8x128x16xf32, #tpu.memory_space<vmem>> -> memref<1x1x128x16xf32, #tpu.memory_space<vmem>>
      %dma_wait3A_259 = tpu.memref_squeeze %dma_wait3A_258 : memref<1x1x128x16xf32, #tpu.memory_space<vmem>> -> memref<128x16xf32, #tpu.memory_space<vmem>>
      %dma_wait3A_260 = arith.constant 0 : i32
      %dma_wait3A_261 = tpu.memref_slice %arg6[%add3A_253, %dma_wait3A_260] : memref<80x128xi32, #tpu.memory_space<vmem>> -> memref<1x128xi32, #tpu.memory_space<vmem>>
      %dma_wait3A_262 = tpu.memref_squeeze %dma_wait3A_261 : memref<1x128xi32, #tpu.memory_space<vmem>> -> memref<128xi32, #tpu.memory_space<vmem>>
      %dma_wait3A_263 = arith.constant 0 : i32
      %dma_wait3A_264 = arith.constant 0 : i32
      %dma_wait3A_265 = tpu.memref_slice %arg4[%dma_wait3A_263, %dma_wait3A_264] : memref<10000x16xf32, #tpu.memory_space<hbm>> -> memref<10000x16xf32, #tpu.memory_space<hbm>>
      tpu.wait_indirect_dma semaphore(%arg11 : memref<!tpu.dma_semaphore, #tpu.memory_space<semaphore_mem>>) src(%dma_wait3A_265 : memref<10000x16xf32, #tpu.memory_space<hbm>>) dst(%dma_wait3A_259 : memref<128x16xf32, #tpu.memory_space<vmem>>)
      %mul3A_266 = arith.constant 8 : i32
      %mul3A_267 = arith.muli %mul3A_225, %mul3A_266 : i32
      %add3A_268 = arith.constant 2 : i32
      %add3A_269 = arith.addi %mul3A_267, %add3A_268 : i32
      %dma_wait3A_270 = arith.constant 0 : i32
      %dma_wait3A_271 = arith.constant 2 : i32
      %dma_wait3A_272 = arith.constant 0 : i32
      %dma_wait3A_273 = arith.constant 0 : i32
      %dma_wait3A_274 = tpu.memref_slice %arg8[%dma_wait3A_270, %dma_wait3A_271, %dma_wait3A_272, %dma_wait3A_273] : memref<2x8x128x16xf32, #tpu.memory_space<vmem>> -> memref<1x1x128x16xf32, #tpu.memory_space<vmem>>
      %dma_wait3A_275 = tpu.memref_squeeze %dma_wait3A_274 : memref<1x1x128x16xf32, #tpu.memory_space<vmem>> -> memref<128x16xf32, #tpu.memory_space<vmem>>
      %dma_wait3A_276 = arith.constant 0 : i32
      %dma_wait3A_277 = tpu.memref_slice %arg6[%add3A_269, %dma_wait3A_276] : memref<80x128xi32, #tpu.memory_space<vmem>> -> memref<1x128xi32, #tpu.memory_space<vmem>>
      %dma_wait3A_278 = tpu.memref_squeeze %dma_wait3A_277 : memref<1x128xi32, #tpu.memory_space<vmem>> -> memref<128xi32, #tpu.memory_space<vmem>>
      %dma_wait3A_279 = arith.constant 0 : i32
      %dma_wait3A_280 = arith.constant 0 : i32
      %dma_wait3A_281 = tpu.memref_slice %arg4[%dma_wait3A_279, %dma_wait3A_280] : memref<10000x16xf32, #tpu.memory_space<hbm>> -> memref<10000x16xf32, #tpu.memory_space<hbm>>
      tpu.wait_indirect_dma semaphore(%arg11 : memref<!tpu.dma_semaphore, #tpu.memory_space<semaphore_mem>>) src(%dma_wait3A_281 : memref<10000x16xf32, #tpu.memory_space<hbm>>) dst(%dma_wait3A_275 : memref<128x16xf32, #tpu.memory_space<vmem>>)
      %mul3A_282 = arith.constant 8 : i32
      %mul3A_283 = arith.muli %mul3A_225, %mul3A_282 : i32
      %add3A_284 = arith.constant 3 : i32
      %add3A_285 = arith.addi %mul3A_283, %add3A_284 : i32
      %dma_wait3A_286 = arith.constant 0 : i32
      %dma_wait3A_287 = arith.constant 3 : i32
      %dma_wait3A_288 = arith.constant 0 : i32
      %dma_wait3A_289 = arith.constant 0 : i32
      %dma_wait3A_290 = tpu.memref_slice %arg8[%dma_wait3A_286, %dma_wait3A_287, %dma_wait3A_288, %dma_wait3A_289] : memref<2x8x128x16xf32, #tpu.memory_space<vmem>> -> memref<1x1x128x16xf32, #tpu.memory_space<vmem>>
      %dma_wait3A_291 = tpu.memref_squeeze %dma_wait3A_290 : memref<1x1x128x16xf32, #tpu.memory_space<vmem>> -> memref<128x16xf32, #tpu.memory_space<vmem>>
      %dma_wait3A_292 = arith.constant 0 : i32
      %dma_wait3A_293 = tpu.memref_slice %arg6[%add3A_285, %dma_wait3A_292] : memref<80x128xi32, #tpu.memory_space<vmem>> -> memref<1x128xi32, #tpu.memory_space<vmem>>
      %dma_wait3A_294 = tpu.memref_squeeze %dma_wait3A_293 : memref<1x128xi32, #tpu.memory_space<vmem>> -> memref<128xi32, #tpu.memory_space<vmem>>
      %dma_wait3A_295 = arith.constant 0 : i32
      %dma_wait3A_296 = arith.constant 0 : i32
      %dma_wait3A_297 = tpu.memref_slice %arg4[%dma_wait3A_295, %dma_wait3A_296] : memref<10000x16xf32, #tpu.memory_space<hbm>> -> memref<10000x16xf32, #tpu.memory_space<hbm>>
      tpu.wait_indirect_dma semaphore(%arg11 : memref<!tpu.dma_semaphore, #tpu.memory_space<semaphore_mem>>) src(%dma_wait3A_297 : memref<10000x16xf32, #tpu.memory_space<hbm>>) dst(%dma_wait3A_291 : memref<128x16xf32, #tpu.memory_space<vmem>>)
      %mul3A_298 = arith.constant 8 : i32
      %mul3A_299 = arith.muli %mul3A_225, %mul3A_298 : i32
      %add3A_300 = arith.constant 4 : i32
      %add3A_301 = arith.addi %mul3A_299, %add3A_300 : i32
      %dma_wait3A_302 = arith.constant 0 : i32
      %dma_wait3A_303 = arith.constant 4 : i32
      %dma_wait3A_304 = arith.constant 0 : i32
      %dma_wait3A_305 = arith.constant 0 : i32
      %dma_wait3A_306 = tpu.memref_slice %arg8[%dma_wait3A_302, %dma_wait3A_303, %dma_wait3A_304, %dma_wait3A_305] : memref<2x8x128x16xf32, #tpu.memory_space<vmem>> -> memref<1x1x128x16xf32, #tpu.memory_space<vmem>>
      %dma_wait3A_307 = tpu.memref_squeeze %dma_wait3A_306 : memref<1x1x128x16xf32, #tpu.memory_space<vmem>> -> memref<128x16xf32, #tpu.memory_space<vmem>>
      %dma_wait3A_308 = arith.constant 0 : i32
      %dma_wait3A_309 = tpu.memref_slice %arg6[%add3A_301, %dma_wait3A_308] : memref<80x128xi32, #tpu.memory_space<vmem>> -> memref<1x128xi32, #tpu.memory_space<vmem>>
      %dma_wait3A_310 = tpu.memref_squeeze %dma_wait3A_309 : memref<1x128xi32, #tpu.memory_space<vmem>> -> memref<128xi32, #tpu.memory_space<vmem>>
      %dma_wait3A_311 = arith.constant 0 : i32
      %dma_wait3A_312 = arith.constant 0 : i32
      %dma_wait3A_313 = tpu.memref_slice %arg4[%dma_wait3A_311, %dma_wait3A_312] : memref<10000x16xf32, #tpu.memory_space<hbm>> -> memref<10000x16xf32, #tpu.memory_space<hbm>>
      tpu.wait_indirect_dma semaphore(%arg11 : memref<!tpu.dma_semaphore, #tpu.memory_space<semaphore_mem>>) src(%dma_wait3A_313 : memref<10000x16xf32, #tpu.memory_space<hbm>>) dst(%dma_wait3A_307 : memref<128x16xf32, #tpu.memory_space<vmem>>)
      %mul3A_314 = arith.constant 8 : i32
      %mul3A_315 = arith.muli %mul3A_225, %mul3A_314 : i32
      %add3A_316 = arith.constant 5 : i32
      %add3A_317 = arith.addi %mul3A_315, %add3A_316 : i32
      %dma_wait3A_318 = arith.constant 0 : i32
      %dma_wait3A_319 = arith.constant 5 : i32
      %dma_wait3A_320 = arith.constant 0 : i32
      %dma_wait3A_321 = arith.constant 0 : i32
      %dma_wait3A_322 = tpu.memref_slice %arg8[%dma_wait3A_318, %dma_wait3A_319, %dma_wait3A_320, %dma_wait3A_321] : memref<2x8x128x16xf32, #tpu.memory_space<vmem>> -> memref<1x1x128x16xf32, #tpu.memory_space<vmem>>
      %dma_wait3A_323 = tpu.memref_squeeze %dma_wait3A_322 : memref<1x1x128x16xf32, #tpu.memory_space<vmem>> -> memref<128x16xf32, #tpu.memory_space<vmem>>
      %dma_wait3A_324 = arith.constant 0 : i32
      %dma_wait3A_325 = tpu.memref_slice %arg6[%add3A_317, %dma_wait3A_324] : memref<80x128xi32, #tpu.memory_space<vmem>> -> memref<1x128xi32, #tpu.memory_space<vmem>>
      %dma_wait3A_326 = tpu.memref_squeeze %dma_wait3A_325 : memref<1x128xi32, #tpu.memory_space<vmem>> -> memref<128xi32, #tpu.memory_space<vmem>>
      %dma_wait3A_327 = arith.constant 0 : i32
      %dma_wait3A_328 = arith.constant 0 : i32
      %dma_wait3A_329 = tpu.memref_slice %arg4[%dma_wait3A_327, %dma_wait3A_328] : memref<10000x16xf32, #tpu.memory_space<hbm>> -> memref<10000x16xf32, #tpu.memory_space<hbm>>
      tpu.wait_indirect_dma semaphore(%arg11 : memref<!tpu.dma_semaphore, #tpu.memory_space<semaphore_mem>>) src(%dma_wait3A_329 : memref<10000x16xf32, #tpu.memory_space<hbm>>) dst(%dma_wait3A_323 : memref<128x16xf32, #tpu.memory_space<vmem>>)
      %mul3A_330 = arith.constant 8 : i32
      %mul3A_331 = arith.muli %mul3A_225, %mul3A_330 : i32
      %add3A_332 = arith.constant 6 : i32
      %add3A_333 = arith.addi %mul3A_331, %add3A_332 : i32
      %dma_wait3A_334 = arith.constant 0 : i32
      %dma_wait3A_335 = arith.constant 6 : i32
      %dma_wait3A_336 = arith.constant 0 : i32
      %dma_wait3A_337 = arith.constant 0 : i32
      %dma_wait3A_338 = tpu.memref_slice %arg8[%dma_wait3A_334, %dma_wait3A_335, %dma_wait3A_336, %dma_wait3A_337] : memref<2x8x128x16xf32, #tpu.memory_space<vmem>> -> memref<1x1x128x16xf32, #tpu.memory_space<vmem>>
      %dma_wait3A_339 = tpu.memref_squeeze %dma_wait3A_338 : memref<1x1x128x16xf32, #tpu.memory_space<vmem>> -> memref<128x16xf32, #tpu.memory_space<vmem>>
      %dma_wait3A_340 = arith.constant 0 : i32
      %dma_wait3A_341 = tpu.memref_slice %arg6[%add3A_333, %dma_wait3A_340] : memref<80x128xi32, #tpu.memory_space<vmem>> -> memref<1x128xi32, #tpu.memory_space<vmem>>
      %dma_wait3A_342 = tpu.memref_squeeze %dma_wait3A_341 : memref<1x128xi32, #tpu.memory_space<vmem>> -> memref<128xi32, #tpu.memory_space<vmem>>
      %dma_wait3A_343 = arith.constant 0 : i32
      %dma_wait3A_344 = arith.constant 0 : i32
      %dma_wait3A_345 = tpu.memref_slice %arg4[%dma_wait3A_343, %dma_wait3A_344] : memref<10000x16xf32, #tpu.memory_space<hbm>> -> memref<10000x16xf32, #tpu.memory_space<hbm>>
      tpu.wait_indirect_dma semaphore(%arg11 : memref<!tpu.dma_semaphore, #tpu.memory_space<semaphore_mem>>) src(%dma_wait3A_345 : memref<10000x16xf32, #tpu.memory_space<hbm>>) dst(%dma_wait3A_339 : memref<128x16xf32, #tpu.memory_space<vmem>>)
      %mul3A_346 = arith.constant 8 : i32
      %mul3A_347 = arith.muli %mul3A_225, %mul3A_346 : i32
      %add3A_348 = arith.constant 7 : i32
      %add3A_349 = arith.addi %mul3A_347, %add3A_348 : i32
      %dma_wait3A_350 = arith.constant 0 : i32
      %dma_wait3A_351 = arith.constant 7 : i32
      %dma_wait3A_352 = arith.constant 0 : i32
      %dma_wait3A_353 = arith.constant 0 : i32
      %dma_wait3A_354 = tpu.memref_slice %arg8[%dma_wait3A_350, %dma_wait3A_351, %dma_wait3A_352, %dma_wait3A_353] : memref<2x8x128x16xf32, #tpu.memory_space<vmem>> -> memref<1x1x128x16xf32, #tpu.memory_space<vmem>>
      %dma_wait3A_355 = tpu.memref_squeeze %dma_wait3A_354 : memref<1x1x128x16xf32, #tpu.memory_space<vmem>> -> memref<128x16xf32, #tpu.memory_space<vmem>>
      %dma_wait3A_356 = arith.constant 0 : i32
      %dma_wait3A_357 = tpu.memref_slice %arg6[%add3A_349, %dma_wait3A_356] : memref<80x128xi32, #tpu.memory_space<vmem>> -> memref<1x128xi32, #tpu.memory_space<vmem>>
      %dma_wait3A_358 = tpu.memref_squeeze %dma_wait3A_357 : memref<1x128xi32, #tpu.memory_space<vmem>> -> memref<128xi32, #tpu.memory_space<vmem>>
      %dma_wait3A_359 = arith.constant 0 : i32
      %dma_wait3A_360 = arith.constant 0 : i32
      %dma_wait3A_361 = tpu.memref_slice %arg4[%dma_wait3A_359, %dma_wait3A_360] : memref<10000x16xf32, #tpu.memory_space<hbm>> -> memref<10000x16xf32, #tpu.memory_space<hbm>>
      tpu.wait_indirect_dma semaphore(%arg11 : memref<!tpu.dma_semaphore, #tpu.memory_space<semaphore_mem>>) src(%dma_wait3A_361 : memref<10000x16xf32, #tpu.memory_space<hbm>>) dst(%dma_wait3A_355 : memref<128x16xf32, #tpu.memory_space<vmem>>)
      %mul3A_362 = arith.constant 8 : i32
      %mul3A_363 = arith.muli %mul3A_225, %mul3A_362 : i32
      %add3A_364 = arith.constant 0 : i32
      %add3A_365 = arith.addi %mul3A_363, %add3A_364 : i32
      %dma_start3A_366 = arith.constant 0 : i32
      %dma_start3A_367 = arith.constant 0 : i32
      %dma_start3A_368 = arith.constant 0 : i32
      %dma_start3A_369 = arith.constant 0 : i32
      %dma_start3A_370 = tpu.memref_slice %arg8[%dma_start3A_366, %dma_start3A_367, %dma_start3A_368, %dma_start3A_369] : memref<2x8x128x16xf32, #tpu.memory_space<vmem>> -> memref<1x1x128x16xf32, #tpu.memory_space<vmem>>
      %dma_start3A_371 = tpu.memref_squeeze %dma_start3A_370 : memref<1x1x128x16xf32, #tpu.memory_space<vmem>> -> memref<128x16xf32, #tpu.memory_space<vmem>>
      %dma_start3A_372 = arith.constant 0 : i32
      %dma_start3A_373 = tpu.memref_slice %arg7[%add3A_365, %dma_start3A_372] : memref<80x128xi32, #tpu.memory_space<vmem>> -> memref<1x128xi32, #tpu.memory_space<vmem>>
      %dma_start3A_374 = tpu.memref_squeeze %dma_start3A_373 : memref<1x128xi32, #tpu.memory_space<vmem>> -> memref<128xi32, #tpu.memory_space<vmem>>
      %dma_start3A_375 = arith.constant 0 : i32
      %dma_start3A_376 = arith.constant 0 : i32
      %dma_start3A_377 = tpu.memref_slice %arg10[%dma_start3A_375, %dma_start3A_376] : memref<10128x16xf32, #tpu.memory_space<vmem_shared>> -> memref<10128x16xf32, #tpu.memory_space<vmem_shared>>
      tpu.enqueue_indirect_dma source(%dma_start3A_371 : memref<128x16xf32, #tpu.memory_space<vmem>>) target(%dma_start3A_377 : memref<10128x16xf32, #tpu.memory_space<vmem_shared>>) offsets(%dma_start3A_374 : memref<128xi32, #tpu.memory_space<vmem>>) semaphore(%arg13 : memref<!tpu.dma_semaphore, #tpu.memory_space<semaphore_mem>>) {add = true}
      %mul3A_378 = arith.constant 8 : i32
      %mul3A_379 = arith.muli %mul3A_225, %mul3A_378 : i32
      %add3A_380 = arith.constant 1 : i32
      %add3A_381 = arith.addi %mul3A_379, %add3A_380 : i32
      %dma_start3A_382 = arith.constant 0 : i32
      %dma_start3A_383 = arith.constant 1 : i32
      %dma_start3A_384 = arith.constant 0 : i32
      %dma_start3A_385 = arith.constant 0 : i32
      %dma_start3A_386 = tpu.memref_slice %arg8[%dma_start3A_382, %dma_start3A_383, %dma_start3A_384, %dma_start3A_385] : memref<2x8x128x16xf32, #tpu.memory_space<vmem>> -> memref<1x1x128x16xf32, #tpu.memory_space<vmem>>
      %dma_start3A_387 = tpu.memref_squeeze %dma_start3A_386 : memref<1x1x128x16xf32, #tpu.memory_space<vmem>> -> memref<128x16xf32, #tpu.memory_space<vmem>>
      %dma_start3A_388 = arith.constant 0 : i32
      %dma_start3A_389 = tpu.memref_slice %arg7[%add3A_381, %dma_start3A_388] : memref<80x128xi32, #tpu.memory_space<vmem>> -> memref<1x128xi32, #tpu.memory_space<vmem>>
      %dma_start3A_390 = tpu.memref_squeeze %dma_start3A_389 : memref<1x128xi32, #tpu.memory_space<vmem>> -> memref<128xi32, #tpu.memory_space<vmem>>
      %dma_start3A_391 = arith.constant 0 : i32
      %dma_start3A_392 = arith.constant 0 : i32
      %dma_start3A_393 = tpu.memref_slice %arg10[%dma_start3A_391, %dma_start3A_392] : memref<10128x16xf32, #tpu.memory_space<vmem_shared>> -> memref<10128x16xf32, #tpu.memory_space<vmem_shared>>
      tpu.enqueue_indirect_dma source(%dma_start3A_387 : memref<128x16xf32, #tpu.memory_space<vmem>>) target(%dma_start3A_393 : memref<10128x16xf32, #tpu.memory_space<vmem_shared>>) offsets(%dma_start3A_390 : memref<128xi32, #tpu.memory_space<vmem>>) semaphore(%arg13 : memref<!tpu.dma_semaphore, #tpu.memory_space<semaphore_mem>>) {add = true}
      %mul3A_394 = arith.constant 8 : i32
      %mul3A_395 = arith.muli %mul3A_225, %mul3A_394 : i32
      %add3A_396 = arith.constant 2 : i32
      %add3A_397 = arith.addi %mul3A_395, %add3A_396 : i32
      %dma_start3A_398 = arith.constant 0 : i32
      %dma_start3A_399 = arith.constant 2 : i32
      %dma_start3A_400 = arith.constant 0 : i32
      %dma_start3A_401 = arith.constant 0 : i32
      %dma_start3A_402 = tpu.memref_slice %arg8[%dma_start3A_398, %dma_start3A_399, %dma_start3A_400, %dma_start3A_401] : memref<2x8x128x16xf32, #tpu.memory_space<vmem>> -> memref<1x1x128x16xf32, #tpu.memory_space<vmem>>
      %dma_start3A_403 = tpu.memref_squeeze %dma_start3A_402 : memref<1x1x128x16xf32, #tpu.memory_space<vmem>> -> memref<128x16xf32, #tpu.memory_space<vmem>>
      %dma_start3A_404 = arith.constant 0 : i32
      %dma_start3A_405 = tpu.memref_slice %arg7[%add3A_397, %dma_start3A_404] : memref<80x128xi32, #tpu.memory_space<vmem>> -> memref<1x128xi32, #tpu.memory_space<vmem>>
      %dma_start3A_406 = tpu.memref_squeeze %dma_start3A_405 : memref<1x128xi32, #tpu.memory_space<vmem>> -> memref<128xi32, #tpu.memory_space<vmem>>
      %dma_start3A_407 = arith.constant 0 : i32
      %dma_start3A_408 = arith.constant 0 : i32
      %dma_start3A_409 = tpu.memref_slice %arg10[%dma_start3A_407, %dma_start3A_408] : memref<10128x16xf32, #tpu.memory_space<vmem_shared>> -> memref<10128x16xf32, #tpu.memory_space<vmem_shared>>
      tpu.enqueue_indirect_dma source(%dma_start3A_403 : memref<128x16xf32, #tpu.memory_space<vmem>>) target(%dma_start3A_409 : memref<10128x16xf32, #tpu.memory_space<vmem_shared>>) offsets(%dma_start3A_406 : memref<128xi32, #tpu.memory_space<vmem>>) semaphore(%arg13 : memref<!tpu.dma_semaphore, #tpu.memory_space<semaphore_mem>>) {add = true}
      %mul3A_410 = arith.constant 8 : i32
      %mul3A_411 = arith.muli %mul3A_225, %mul3A_410 : i32
      %add3A_412 = arith.constant 3 : i32
      %add3A_413 = arith.addi %mul3A_411, %add3A_412 : i32
      %dma_start3A_414 = arith.constant 0 : i32
      %dma_start3A_415 = arith.constant 3 : i32
      %dma_start3A_416 = arith.constant 0 : i32
      %dma_start3A_417 = arith.constant 0 : i32
      %dma_start3A_418 = tpu.memref_slice %arg8[%dma_start3A_414, %dma_start3A_415, %dma_start3A_416, %dma_start3A_417] : memref<2x8x128x16xf32, #tpu.memory_space<vmem>> -> memref<1x1x128x16xf32, #tpu.memory_space<vmem>>
      %dma_start3A_419 = tpu.memref_squeeze %dma_start3A_418 : memref<1x1x128x16xf32, #tpu.memory_space<vmem>> -> memref<128x16xf32, #tpu.memory_space<vmem>>
      %dma_start3A_420 = arith.constant 0 : i32
      %dma_start3A_421 = tpu.memref_slice %arg7[%add3A_413, %dma_start3A_420] : memref<80x128xi32, #tpu.memory_space<vmem>> -> memref<1x128xi32, #tpu.memory_space<vmem>>
      %dma_start3A_422 = tpu.memref_squeeze %dma_start3A_421 : memref<1x128xi32, #tpu.memory_space<vmem>> -> memref<128xi32, #tpu.memory_space<vmem>>
      %dma_start3A_423 = arith.constant 0 : i32
      %dma_start3A_424 = arith.constant 0 : i32
      %dma_start3A_425 = tpu.memref_slice %arg10[%dma_start3A_423, %dma_start3A_424] : memref<10128x16xf32, #tpu.memory_space<vmem_shared>> -> memref<10128x16xf32, #tpu.memory_space<vmem_shared>>
      tpu.enqueue_indirect_dma source(%dma_start3A_419 : memref<128x16xf32, #tpu.memory_space<vmem>>) target(%dma_start3A_425 : memref<10128x16xf32, #tpu.memory_space<vmem_shared>>) offsets(%dma_start3A_422 : memref<128xi32, #tpu.memory_space<vmem>>) semaphore(%arg13 : memref<!tpu.dma_semaphore, #tpu.memory_space<semaphore_mem>>) {add = true}
      %mul3A_426 = arith.constant 8 : i32
      %mul3A_427 = arith.muli %mul3A_225, %mul3A_426 : i32
      %add3A_428 = arith.constant 4 : i32
      %add3A_429 = arith.addi %mul3A_427, %add3A_428 : i32
      %dma_start3A_430 = arith.constant 0 : i32
      %dma_start3A_431 = arith.constant 4 : i32
      %dma_start3A_432 = arith.constant 0 : i32
      %dma_start3A_433 = arith.constant 0 : i32
      %dma_start3A_434 = tpu.memref_slice %arg8[%dma_start3A_430, %dma_start3A_431, %dma_start3A_432, %dma_start3A_433] : memref<2x8x128x16xf32, #tpu.memory_space<vmem>> -> memref<1x1x128x16xf32, #tpu.memory_space<vmem>>
      %dma_start3A_435 = tpu.memref_squeeze %dma_start3A_434 : memref<1x1x128x16xf32, #tpu.memory_space<vmem>> -> memref<128x16xf32, #tpu.memory_space<vmem>>
      %dma_start3A_436 = arith.constant 0 : i32
      %dma_start3A_437 = tpu.memref_slice %arg7[%add3A_429, %dma_start3A_436] : memref<80x128xi32, #tpu.memory_space<vmem>> -> memref<1x128xi32, #tpu.memory_space<vmem>>
      %dma_start3A_438 = tpu.memref_squeeze %dma_start3A_437 : memref<1x128xi32, #tpu.memory_space<vmem>> -> memref<128xi32, #tpu.memory_space<vmem>>
      %dma_start3A_439 = arith.constant 0 : i32
      %dma_start3A_440 = arith.constant 0 : i32
      %dma_start3A_441 = tpu.memref_slice %arg10[%dma_start3A_439, %dma_start3A_440] : memref<10128x16xf32, #tpu.memory_space<vmem_shared>> -> memref<10128x16xf32, #tpu.memory_space<vmem_shared>>
      tpu.enqueue_indirect_dma source(%dma_start3A_435 : memref<128x16xf32, #tpu.memory_space<vmem>>) target(%dma_start3A_441 : memref<10128x16xf32, #tpu.memory_space<vmem_shared>>) offsets(%dma_start3A_438 : memref<128xi32, #tpu.memory_space<vmem>>) semaphore(%arg13 : memref<!tpu.dma_semaphore, #tpu.memory_space<semaphore_mem>>) {add = true}
      %mul3A_442 = arith.constant 8 : i32
      %mul3A_443 = arith.muli %mul3A_225, %mul3A_442 : i32
      %add3A_444 = arith.constant 5 : i32
      %add3A_445 = arith.addi %mul3A_443, %add3A_444 : i32
      %dma_start3A_446 = arith.constant 0 : i32
      %dma_start3A_447 = arith.constant 5 : i32
      %dma_start3A_448 = arith.constant 0 : i32
      %dma_start3A_449 = arith.constant 0 : i32
      %dma_start3A_450 = tpu.memref_slice %arg8[%dma_start3A_446, %dma_start3A_447, %dma_start3A_448, %dma_start3A_449] : memref<2x8x128x16xf32, #tpu.memory_space<vmem>> -> memref<1x1x128x16xf32, #tpu.memory_space<vmem>>
      %dma_start3A_451 = tpu.memref_squeeze %dma_start3A_450 : memref<1x1x128x16xf32, #tpu.memory_space<vmem>> -> memref<128x16xf32, #tpu.memory_space<vmem>>
      %dma_start3A_452 = arith.constant 0 : i32
      %dma_start3A_453 = tpu.memref_slice %arg7[%add3A_445, %dma_start3A_452] : memref<80x128xi32, #tpu.memory_space<vmem>> -> memref<1x128xi32, #tpu.memory_space<vmem>>
      %dma_start3A_454 = tpu.memref_squeeze %dma_start3A_453 : memref<1x128xi32, #tpu.memory_space<vmem>> -> memref<128xi32, #tpu.memory_space<vmem>>
      %dma_start3A_455 = arith.constant 0 : i32
      %dma_start3A_456 = arith.constant 0 : i32
      %dma_start3A_457 = tpu.memref_slice %arg10[%dma_start3A_455, %dma_start3A_456] : memref<10128x16xf32, #tpu.memory_space<vmem_shared>> -> memref<10128x16xf32, #tpu.memory_space<vmem_shared>>
      tpu.enqueue_indirect_dma source(%dma_start3A_451 : memref<128x16xf32, #tpu.memory_space<vmem>>) target(%dma_start3A_457 : memref<10128x16xf32, #tpu.memory_space<vmem_shared>>) offsets(%dma_start3A_454 : memref<128xi32, #tpu.memory_space<vmem>>) semaphore(%arg13 : memref<!tpu.dma_semaphore, #tpu.memory_space<semaphore_mem>>) {add = true}
      %mul3A_458 = arith.constant 8 : i32
      %mul3A_459 = arith.muli %mul3A_225, %mul3A_458 : i32
      %add3A_460 = arith.constant 6 : i32
      %add3A_461 = arith.addi %mul3A_459, %add3A_460 : i32
      %dma_start3A_462 = arith.constant 0 : i32
      %dma_start3A_463 = arith.constant 6 : i32
      %dma_start3A_464 = arith.constant 0 : i32
      %dma_start3A_465 = arith.constant 0 : i32
      %dma_start3A_466 = tpu.memref_slice %arg8[%dma_start3A_462, %dma_start3A_463, %dma_start3A_464, %dma_start3A_465] : memref<2x8x128x16xf32, #tpu.memory_space<vmem>> -> memref<1x1x128x16xf32, #tpu.memory_space<vmem>>
      %dma_start3A_467 = tpu.memref_squeeze %dma_start3A_466 : memref<1x1x128x16xf32, #tpu.memory_space<vmem>> -> memref<128x16xf32, #tpu.memory_space<vmem>>
      %dma_start3A_468 = arith.constant 0 : i32
      %dma_start3A_469 = tpu.memref_slice %arg7[%add3A_461, %dma_start3A_468] : memref<80x128xi32, #tpu.memory_space<vmem>> -> memref<1x128xi32, #tpu.memory_space<vmem>>
      %dma_start3A_470 = tpu.memref_squeeze %dma_start3A_469 : memref<1x128xi32, #tpu.memory_space<vmem>> -> memref<128xi32, #tpu.memory_space<vmem>>
      %dma_start3A_471 = arith.constant 0 : i32
      %dma_start3A_472 = arith.constant 0 : i32
      %dma_start3A_473 = tpu.memref_slice %arg10[%dma_start3A_471, %dma_start3A_472] : memref<10128x16xf32, #tpu.memory_space<vmem_shared>> -> memref<10128x16xf32, #tpu.memory_space<vmem_shared>>
      tpu.enqueue_indirect_dma source(%dma_start3A_467 : memref<128x16xf32, #tpu.memory_space<vmem>>) target(%dma_start3A_473 : memref<10128x16xf32, #tpu.memory_space<vmem_shared>>) offsets(%dma_start3A_470 : memref<128xi32, #tpu.memory_space<vmem>>) semaphore(%arg13 : memref<!tpu.dma_semaphore, #tpu.memory_space<semaphore_mem>>) {add = true}
      %mul3A_474 = arith.constant 8 : i32
      %mul3A_475 = arith.muli %mul3A_225, %mul3A_474 : i32
      %add3A_476 = arith.constant 7 : i32
      %add3A_477 = arith.addi %mul3A_475, %add3A_476 : i32
      %dma_start3A_478 = arith.constant 0 : i32
      %dma_start3A_479 = arith.constant 7 : i32
      %dma_start3A_480 = arith.constant 0 : i32
      %dma_start3A_481 = arith.constant 0 : i32
      %dma_start3A_482 = tpu.memref_slice %arg8[%dma_start3A_478, %dma_start3A_479, %dma_start3A_480, %dma_start3A_481] : memref<2x8x128x16xf32, #tpu.memory_space<vmem>> -> memref<1x1x128x16xf32, #tpu.memory_space<vmem>>
      %dma_start3A_483 = tpu.memref_squeeze %dma_start3A_482 : memref<1x1x128x16xf32, #tpu.memory_space<vmem>> -> memref<128x16xf32, #tpu.memory_space<vmem>>
      %dma_start3A_484 = arith.constant 0 : i32
      %dma_start3A_485 = tpu.memref_slice %arg7[%add3A_477, %dma_start3A_484] : memref<80x128xi32, #tpu.memory_space<vmem>> -> memref<1x128xi32, #tpu.memory_space<vmem>>
      %dma_start3A_486 = tpu.memref_squeeze %dma_start3A_485 : memref<1x128xi32, #tpu.memory_space<vmem>> -> memref<128xi32, #tpu.memory_space<vmem>>
      %dma_start3A_487 = arith.constant 0 : i32
      %dma_start3A_488 = arith.constant 0 : i32
      %dma_start3A_489 = tpu.memref_slice %arg10[%dma_start3A_487, %dma_start3A_488] : memref<10128x16xf32, #tpu.memory_space<vmem_shared>> -> memref<10128x16xf32, #tpu.memory_space<vmem_shared>>
      tpu.enqueue_indirect_dma source(%dma_start3A_483 : memref<128x16xf32, #tpu.memory_space<vmem>>) target(%dma_start3A_489 : memref<10128x16xf32, #tpu.memory_space<vmem_shared>>) offsets(%dma_start3A_486 : memref<128xi32, #tpu.memory_space<vmem>>) semaphore(%arg13 : memref<!tpu.dma_semaphore, #tpu.memory_space<semaphore_mem>>) {add = true}
      %mul3A_490 = arith.constant 2 : i32
      %mul3A_491 = arith.muli %mul3A_490, %scan3A_222 : i32
      %add3A_492 = arith.constant 1 : i32
      %add3A_493 = arith.addi %mul3A_491, %add3A_492 : i32
      %ge3A_494 = arith.constant 1 : i32
      %ge3A_495 = arith.cmpi sge, %add3A_493, %ge3A_494 : i32
      %convert_element_type3A_496 = arith.extui %ge3A_495 : i1 to i32
      %cond3A_497 = arith.constant 0 : i32
      %cond3A_498 = arith.cmpi ne, %convert_element_type3A_496, %cond3A_497 : i32
      scf.if %cond3A_498 {
        %sub3A = arith.constant 1 : i32
        %sub3A_763 = arith.subi %add3A_493, %sub3A : i32
        %mul3A_764 = arith.constant 8 : i32
        %mul3A_765 = arith.muli %sub3A_763, %mul3A_764 : i32
        %add3A_766 = arith.constant 0 : i32
        %add3A_767 = arith.addi %mul3A_765, %add3A_766 : i32
        %dma_wait3A_768 = arith.constant 0 : i32
        %dma_wait3A_769 = arith.constant 0 : i32
        %dma_wait3A_770 = arith.constant 0 : i32
        %dma_wait3A_771 = arith.constant 0 : i32
        %dma_wait3A_772 = tpu.memref_slice %arg8[%dma_wait3A_768, %dma_wait3A_769, %dma_wait3A_770, %dma_wait3A_771] : memref<2x8x128x16xf32, #tpu.memory_space<vmem>> -> memref<1x1x128x16xf32, #tpu.memory_space<vmem>>
        %dma_wait3A_773 = tpu.memref_squeeze %dma_wait3A_772 : memref<1x1x128x16xf32, #tpu.memory_space<vmem>> -> memref<128x16xf32, #tpu.memory_space<vmem>>
        %dma_wait3A_774 = arith.constant 0 : i32
        %dma_wait3A_775 = tpu.memref_slice %arg7[%add3A_767, %dma_wait3A_774] : memref<80x128xi32, #tpu.memory_space<vmem>> -> memref<1x128xi32, #tpu.memory_space<vmem>>
        %dma_wait3A_776 = tpu.memref_squeeze %dma_wait3A_775 : memref<1x128xi32, #tpu.memory_space<vmem>> -> memref<128xi32, #tpu.memory_space<vmem>>
        %dma_wait3A_777 = arith.constant 0 : i32
        %dma_wait3A_778 = arith.constant 0 : i32
        %dma_wait3A_779 = tpu.memref_slice %arg10[%dma_wait3A_777, %dma_wait3A_778] : memref<10128x16xf32, #tpu.memory_space<vmem_shared>> -> memref<10128x16xf32, #tpu.memory_space<vmem_shared>>
        tpu.wait_indirect_dma semaphore(%arg13 : memref<!tpu.dma_semaphore, #tpu.memory_space<semaphore_mem>>) src(%dma_wait3A_773 : memref<128x16xf32, #tpu.memory_space<vmem>>) dst(%dma_wait3A_779 : memref<10128x16xf32, #tpu.memory_space<vmem_shared>>)
        %sub3A_780 = arith.constant 1 : i32
        %sub3A_781 = arith.subi %add3A_493, %sub3A_780 : i32
        %mul3A_782 = arith.constant 8 : i32
        %mul3A_783 = arith.muli %sub3A_781, %mul3A_782 : i32
        %add3A_784 = arith.constant 1 : i32
        %add3A_785 = arith.addi %mul3A_783, %add3A_784 : i32
        %dma_wait3A_786 = arith.constant 0 : i32
        %dma_wait3A_787 = arith.constant 1 : i32
        %dma_wait3A_788 = arith.constant 0 : i32
        %dma_wait3A_789 = arith.constant 0 : i32
        %dma_wait3A_790 = tpu.memref_slice %arg8[%dma_wait3A_786, %dma_wait3A_787, %dma_wait3A_788, %dma_wait3A_789] : memref<2x8x128x16xf32, #tpu.memory_space<vmem>> -> memref<1x1x128x16xf32, #tpu.memory_space<vmem>>
        %dma_wait3A_791 = tpu.memref_squeeze %dma_wait3A_790 : memref<1x1x128x16xf32, #tpu.memory_space<vmem>> -> memref<128x16xf32, #tpu.memory_space<vmem>>
        %dma_wait3A_792 = arith.constant 0 : i32
        %dma_wait3A_793 = tpu.memref_slice %arg7[%add3A_785, %dma_wait3A_792] : memref<80x128xi32, #tpu.memory_space<vmem>> -> memref<1x128xi32, #tpu.memory_space<vmem>>
        %dma_wait3A_794 = tpu.memref_squeeze %dma_wait3A_793 : memref<1x128xi32, #tpu.memory_space<vmem>> -> memref<128xi32, #tpu.memory_space<vmem>>
        %dma_wait3A_795 = arith.constant 0 : i32
        %dma_wait3A_796 = arith.constant 0 : i32
        %dma_wait3A_797 = tpu.memref_slice %arg10[%dma_wait3A_795, %dma_wait3A_796] : memref<10128x16xf32, #tpu.memory_space<vmem_shared>> -> memref<10128x16xf32, #tpu.memory_space<vmem_shared>>
        tpu.wait_indirect_dma semaphore(%arg13 : memref<!tpu.dma_semaphore, #tpu.memory_space<semaphore_mem>>) src(%dma_wait3A_791 : memref<128x16xf32, #tpu.memory_space<vmem>>) dst(%dma_wait3A_797 : memref<10128x16xf32, #tpu.memory_space<vmem_shared>>)
        %sub3A_798 = arith.constant 1 : i32
        %sub3A_799 = arith.subi %add3A_493, %sub3A_798 : i32
        %mul3A_800 = arith.constant 8 : i32
        %mul3A_801 = arith.muli %sub3A_799, %mul3A_800 : i32
        %add3A_802 = arith.constant 2 : i32
        %add3A_803 = arith.addi %mul3A_801, %add3A_802 : i32
        %dma_wait3A_804 = arith.constant 0 : i32
        %dma_wait3A_805 = arith.constant 2 : i32
        %dma_wait3A_806 = arith.constant 0 : i32
        %dma_wait3A_807 = arith.constant 0 : i32
        %dma_wait3A_808 = tpu.memref_slice %arg8[%dma_wait3A_804, %dma_wait3A_805, %dma_wait3A_806, %dma_wait3A_807] : memref<2x8x128x16xf32, #tpu.memory_space<vmem>> -> memref<1x1x128x16xf32, #tpu.memory_space<vmem>>
        %dma_wait3A_809 = tpu.memref_squeeze %dma_wait3A_808 : memref<1x1x128x16xf32, #tpu.memory_space<vmem>> -> memref<128x16xf32, #tpu.memory_space<vmem>>
        %dma_wait3A_810 = arith.constant 0 : i32
        %dma_wait3A_811 = tpu.memref_slice %arg7[%add3A_803, %dma_wait3A_810] : memref<80x128xi32, #tpu.memory_space<vmem>> -> memref<1x128xi32, #tpu.memory_space<vmem>>
        %dma_wait3A_812 = tpu.memref_squeeze %dma_wait3A_811 : memref<1x128xi32, #tpu.memory_space<vmem>> -> memref<128xi32, #tpu.memory_space<vmem>>
        %dma_wait3A_813 = arith.constant 0 : i32
        %dma_wait3A_814 = arith.constant 0 : i32
        %dma_wait3A_815 = tpu.memref_slice %arg10[%dma_wait3A_813, %dma_wait3A_814] : memref<10128x16xf32, #tpu.memory_space<vmem_shared>> -> memref<10128x16xf32, #tpu.memory_space<vmem_shared>>
        tpu.wait_indirect_dma semaphore(%arg13 : memref<!tpu.dma_semaphore, #tpu.memory_space<semaphore_mem>>) src(%dma_wait3A_809 : memref<128x16xf32, #tpu.memory_space<vmem>>) dst(%dma_wait3A_815 : memref<10128x16xf32, #tpu.memory_space<vmem_shared>>)
        %sub3A_816 = arith.constant 1 : i32
        %sub3A_817 = arith.subi %add3A_493, %sub3A_816 : i32
        %mul3A_818 = arith.constant 8 : i32
        %mul3A_819 = arith.muli %sub3A_817, %mul3A_818 : i32
        %add3A_820 = arith.constant 3 : i32
        %add3A_821 = arith.addi %mul3A_819, %add3A_820 : i32
        %dma_wait3A_822 = arith.constant 0 : i32
        %dma_wait3A_823 = arith.constant 3 : i32
        %dma_wait3A_824 = arith.constant 0 : i32
        %dma_wait3A_825 = arith.constant 0 : i32
        %dma_wait3A_826 = tpu.memref_slice %arg8[%dma_wait3A_822, %dma_wait3A_823, %dma_wait3A_824, %dma_wait3A_825] : memref<2x8x128x16xf32, #tpu.memory_space<vmem>> -> memref<1x1x128x16xf32, #tpu.memory_space<vmem>>
        %dma_wait3A_827 = tpu.memref_squeeze %dma_wait3A_826 : memref<1x1x128x16xf32, #tpu.memory_space<vmem>> -> memref<128x16xf32, #tpu.memory_space<vmem>>
        %dma_wait3A_828 = arith.constant 0 : i32
        %dma_wait3A_829 = tpu.memref_slice %arg7[%add3A_821, %dma_wait3A_828] : memref<80x128xi32, #tpu.memory_space<vmem>> -> memref<1x128xi32, #tpu.memory_space<vmem>>
        %dma_wait3A_830 = tpu.memref_squeeze %dma_wait3A_829 : memref<1x128xi32, #tpu.memory_space<vmem>> -> memref<128xi32, #tpu.memory_space<vmem>>
        %dma_wait3A_831 = arith.constant 0 : i32
        %dma_wait3A_832 = arith.constant 0 : i32
        %dma_wait3A_833 = tpu.memref_slice %arg10[%dma_wait3A_831, %dma_wait3A_832] : memref<10128x16xf32, #tpu.memory_space<vmem_shared>> -> memref<10128x16xf32, #tpu.memory_space<vmem_shared>>
        tpu.wait_indirect_dma semaphore(%arg13 : memref<!tpu.dma_semaphore, #tpu.memory_space<semaphore_mem>>) src(%dma_wait3A_827 : memref<128x16xf32, #tpu.memory_space<vmem>>) dst(%dma_wait3A_833 : memref<10128x16xf32, #tpu.memory_space<vmem_shared>>)
        %sub3A_834 = arith.constant 1 : i32
        %sub3A_835 = arith.subi %add3A_493, %sub3A_834 : i32
        %mul3A_836 = arith.constant 8 : i32
        %mul3A_837 = arith.muli %sub3A_835, %mul3A_836 : i32
        %add3A_838 = arith.constant 4 : i32
        %add3A_839 = arith.addi %mul3A_837, %add3A_838 : i32
        %dma_wait3A_840 = arith.constant 0 : i32
        %dma_wait3A_841 = arith.constant 4 : i32
        %dma_wait3A_842 = arith.constant 0 : i32
        %dma_wait3A_843 = arith.constant 0 : i32
        %dma_wait3A_844 = tpu.memref_slice %arg8[%dma_wait3A_840, %dma_wait3A_841, %dma_wait3A_842, %dma_wait3A_843] : memref<2x8x128x16xf32, #tpu.memory_space<vmem>> -> memref<1x1x128x16xf32, #tpu.memory_space<vmem>>
        %dma_wait3A_845 = tpu.memref_squeeze %dma_wait3A_844 : memref<1x1x128x16xf32, #tpu.memory_space<vmem>> -> memref<128x16xf32, #tpu.memory_space<vmem>>
        %dma_wait3A_846 = arith.constant 0 : i32
        %dma_wait3A_847 = tpu.memref_slice %arg7[%add3A_839, %dma_wait3A_846] : memref<80x128xi32, #tpu.memory_space<vmem>> -> memref<1x128xi32, #tpu.memory_space<vmem>>
        %dma_wait3A_848 = tpu.memref_squeeze %dma_wait3A_847 : memref<1x128xi32, #tpu.memory_space<vmem>> -> memref<128xi32, #tpu.memory_space<vmem>>
        %dma_wait3A_849 = arith.constant 0 : i32
        %dma_wait3A_850 = arith.constant 0 : i32
        %dma_wait3A_851 = tpu.memref_slice %arg10[%dma_wait3A_849, %dma_wait3A_850] : memref<10128x16xf32, #tpu.memory_space<vmem_shared>> -> memref<10128x16xf32, #tpu.memory_space<vmem_shared>>
        tpu.wait_indirect_dma semaphore(%arg13 : memref<!tpu.dma_semaphore, #tpu.memory_space<semaphore_mem>>) src(%dma_wait3A_845 : memref<128x16xf32, #tpu.memory_space<vmem>>) dst(%dma_wait3A_851 : memref<10128x16xf32, #tpu.memory_space<vmem_shared>>)
        %sub3A_852 = arith.constant 1 : i32
        %sub3A_853 = arith.subi %add3A_493, %sub3A_852 : i32
        %mul3A_854 = arith.constant 8 : i32
        %mul3A_855 = arith.muli %sub3A_853, %mul3A_854 : i32
        %add3A_856 = arith.constant 5 : i32
        %add3A_857 = arith.addi %mul3A_855, %add3A_856 : i32
        %dma_wait3A_858 = arith.constant 0 : i32
        %dma_wait3A_859 = arith.constant 5 : i32
        %dma_wait3A_860 = arith.constant 0 : i32
        %dma_wait3A_861 = arith.constant 0 : i32
        %dma_wait3A_862 = tpu.memref_slice %arg8[%dma_wait3A_858, %dma_wait3A_859, %dma_wait3A_860, %dma_wait3A_861] : memref<2x8x128x16xf32, #tpu.memory_space<vmem>> -> memref<1x1x128x16xf32, #tpu.memory_space<vmem>>
        %dma_wait3A_863 = tpu.memref_squeeze %dma_wait3A_862 : memref<1x1x128x16xf32, #tpu.memory_space<vmem>> -> memref<128x16xf32, #tpu.memory_space<vmem>>
        %dma_wait3A_864 = arith.constant 0 : i32
        %dma_wait3A_865 = tpu.memref_slice %arg7[%add3A_857, %dma_wait3A_864] : memref<80x128xi32, #tpu.memory_space<vmem>> -> memref<1x128xi32, #tpu.memory_space<vmem>>
        %dma_wait3A_866 = tpu.memref_squeeze %dma_wait3A_865 : memref<1x128xi32, #tpu.memory_space<vmem>> -> memref<128xi32, #tpu.memory_space<vmem>>
        %dma_wait3A_867 = arith.constant 0 : i32
        %dma_wait3A_868 = arith.constant 0 : i32
        %dma_wait3A_869 = tpu.memref_slice %arg10[%dma_wait3A_867, %dma_wait3A_868] : memref<10128x16xf32, #tpu.memory_space<vmem_shared>> -> memref<10128x16xf32, #tpu.memory_space<vmem_shared>>
        tpu.wait_indirect_dma semaphore(%arg13 : memref<!tpu.dma_semaphore, #tpu.memory_space<semaphore_mem>>) src(%dma_wait3A_863 : memref<128x16xf32, #tpu.memory_space<vmem>>) dst(%dma_wait3A_869 : memref<10128x16xf32, #tpu.memory_space<vmem_shared>>)
        %sub3A_870 = arith.constant 1 : i32
        %sub3A_871 = arith.subi %add3A_493, %sub3A_870 : i32
        %mul3A_872 = arith.constant 8 : i32
        %mul3A_873 = arith.muli %sub3A_871, %mul3A_872 : i32
        %add3A_874 = arith.constant 6 : i32
        %add3A_875 = arith.addi %mul3A_873, %add3A_874 : i32
        %dma_wait3A_876 = arith.constant 0 : i32
        %dma_wait3A_877 = arith.constant 6 : i32
        %dma_wait3A_878 = arith.constant 0 : i32
        %dma_wait3A_879 = arith.constant 0 : i32
        %dma_wait3A_880 = tpu.memref_slice %arg8[%dma_wait3A_876, %dma_wait3A_877, %dma_wait3A_878, %dma_wait3A_879] : memref<2x8x128x16xf32, #tpu.memory_space<vmem>> -> memref<1x1x128x16xf32, #tpu.memory_space<vmem>>
        %dma_wait3A_881 = tpu.memref_squeeze %dma_wait3A_880 : memref<1x1x128x16xf32, #tpu.memory_space<vmem>> -> memref<128x16xf32, #tpu.memory_space<vmem>>
        %dma_wait3A_882 = arith.constant 0 : i32
        %dma_wait3A_883 = tpu.memref_slice %arg7[%add3A_875, %dma_wait3A_882] : memref<80x128xi32, #tpu.memory_space<vmem>> -> memref<1x128xi32, #tpu.memory_space<vmem>>
        %dma_wait3A_884 = tpu.memref_squeeze %dma_wait3A_883 : memref<1x128xi32, #tpu.memory_space<vmem>> -> memref<128xi32, #tpu.memory_space<vmem>>
        %dma_wait3A_885 = arith.constant 0 : i32
        %dma_wait3A_886 = arith.constant 0 : i32
        %dma_wait3A_887 = tpu.memref_slice %arg10[%dma_wait3A_885, %dma_wait3A_886] : memref<10128x16xf32, #tpu.memory_space<vmem_shared>> -> memref<10128x16xf32, #tpu.memory_space<vmem_shared>>
        tpu.wait_indirect_dma semaphore(%arg13 : memref<!tpu.dma_semaphore, #tpu.memory_space<semaphore_mem>>) src(%dma_wait3A_881 : memref<128x16xf32, #tpu.memory_space<vmem>>) dst(%dma_wait3A_887 : memref<10128x16xf32, #tpu.memory_space<vmem_shared>>)
        %sub3A_888 = arith.constant 1 : i32
        %sub3A_889 = arith.subi %add3A_493, %sub3A_888 : i32
        %mul3A_890 = arith.constant 8 : i32
        %mul3A_891 = arith.muli %sub3A_889, %mul3A_890 : i32
        %add3A_892 = arith.constant 7 : i32
        %add3A_893 = arith.addi %mul3A_891, %add3A_892 : i32
        %dma_wait3A_894 = arith.constant 0 : i32
        %dma_wait3A_895 = arith.constant 7 : i32
        %dma_wait3A_896 = arith.constant 0 : i32
        %dma_wait3A_897 = arith.constant 0 : i32
        %dma_wait3A_898 = tpu.memref_slice %arg8[%dma_wait3A_894, %dma_wait3A_895, %dma_wait3A_896, %dma_wait3A_897] : memref<2x8x128x16xf32, #tpu.memory_space<vmem>> -> memref<1x1x128x16xf32, #tpu.memory_space<vmem>>
        %dma_wait3A_899 = tpu.memref_squeeze %dma_wait3A_898 : memref<1x1x128x16xf32, #tpu.memory_space<vmem>> -> memref<128x16xf32, #tpu.memory_space<vmem>>
        %dma_wait3A_900 = arith.constant 0 : i32
        %dma_wait3A_901 = tpu.memref_slice %arg7[%add3A_893, %dma_wait3A_900] : memref<80x128xi32, #tpu.memory_space<vmem>> -> memref<1x128xi32, #tpu.memory_space<vmem>>
        %dma_wait3A_902 = tpu.memref_squeeze %dma_wait3A_901 : memref<1x128xi32, #tpu.memory_space<vmem>> -> memref<128xi32, #tpu.memory_space<vmem>>
        %dma_wait3A_903 = arith.constant 0 : i32
        %dma_wait3A_904 = arith.constant 0 : i32
        %dma_wait3A_905 = tpu.memref_slice %arg10[%dma_wait3A_903, %dma_wait3A_904] : memref<10128x16xf32, #tpu.memory_space<vmem_shared>> -> memref<10128x16xf32, #tpu.memory_space<vmem_shared>>
        tpu.wait_indirect_dma semaphore(%arg13 : memref<!tpu.dma_semaphore, #tpu.memory_space<semaphore_mem>>) src(%dma_wait3A_899 : memref<128x16xf32, #tpu.memory_space<vmem>>) dst(%dma_wait3A_905 : memref<10128x16xf32, #tpu.memory_space<vmem_shared>>)
      } else {
      }
      %add3A_499 = arith.constant 1 : i32
      %add3A_500 = arith.addi %add3A_493, %add3A_499 : i32
      %lt3A_501 = arith.constant 10 : i32
      %lt3A_502 = arith.cmpi slt, %add3A_500, %lt3A_501 : i32
      %convert_element_type3A_503 = arith.extui %lt3A_502 : i1 to i32
      %cond3A_504 = arith.constant 0 : i32
      %cond3A_505 = arith.cmpi ne, %convert_element_type3A_503, %cond3A_504 : i32
      scf.if %cond3A_505 {
        %add3A_763 = arith.constant 1 : i32
        %add3A_764 = arith.addi %add3A_493, %add3A_763 : i32
        %mul3A_765 = arith.constant 8 : i32
        %mul3A_766 = arith.muli %add3A_764, %mul3A_765 : i32
        %add3A_767 = arith.constant 0 : i32
        %add3A_768 = arith.addi %mul3A_766, %add3A_767 : i32
        %dma_start3A_769 = arith.constant 0 : i32
        %dma_start3A_770 = arith.constant 0 : i32
        %dma_start3A_771 = arith.constant 0 : i32
        %dma_start3A_772 = arith.constant 0 : i32
        %dma_start3A_773 = tpu.memref_slice %arg8[%dma_start3A_769, %dma_start3A_770, %dma_start3A_771, %dma_start3A_772] : memref<2x8x128x16xf32, #tpu.memory_space<vmem>> -> memref<1x1x128x16xf32, #tpu.memory_space<vmem>>
        %dma_start3A_774 = tpu.memref_squeeze %dma_start3A_773 : memref<1x1x128x16xf32, #tpu.memory_space<vmem>> -> memref<128x16xf32, #tpu.memory_space<vmem>>
        %dma_start3A_775 = arith.constant 0 : i32
        %dma_start3A_776 = tpu.memref_slice %arg6[%add3A_768, %dma_start3A_775] : memref<80x128xi32, #tpu.memory_space<vmem>> -> memref<1x128xi32, #tpu.memory_space<vmem>>
        %dma_start3A_777 = tpu.memref_squeeze %dma_start3A_776 : memref<1x128xi32, #tpu.memory_space<vmem>> -> memref<128xi32, #tpu.memory_space<vmem>>
        %dma_start3A_778 = arith.constant 0 : i32
        %dma_start3A_779 = arith.constant 0 : i32
        %dma_start3A_780 = tpu.memref_slice %arg4[%dma_start3A_778, %dma_start3A_779] : memref<10000x16xf32, #tpu.memory_space<hbm>> -> memref<10000x16xf32, #tpu.memory_space<hbm>>
        tpu.enqueue_indirect_dma source(%dma_start3A_780 : memref<10000x16xf32, #tpu.memory_space<hbm>>) target(%dma_start3A_774 : memref<128x16xf32, #tpu.memory_space<vmem>>) offsets(%dma_start3A_777 : memref<128xi32, #tpu.memory_space<vmem>>) semaphore(%arg11 : memref<!tpu.dma_semaphore, #tpu.memory_space<semaphore_mem>>)
        %add3A_781 = arith.constant 1 : i32
        %add3A_782 = arith.addi %add3A_493, %add3A_781 : i32
        %mul3A_783 = arith.constant 8 : i32
        %mul3A_784 = arith.muli %add3A_782, %mul3A_783 : i32
        %add3A_785 = arith.constant 1 : i32
        %add3A_786 = arith.addi %mul3A_784, %add3A_785 : i32
        %dma_start3A_787 = arith.constant 0 : i32
        %dma_start3A_788 = arith.constant 1 : i32
        %dma_start3A_789 = arith.constant 0 : i32
        %dma_start3A_790 = arith.constant 0 : i32
        %dma_start3A_791 = tpu.memref_slice %arg8[%dma_start3A_787, %dma_start3A_788, %dma_start3A_789, %dma_start3A_790] : memref<2x8x128x16xf32, #tpu.memory_space<vmem>> -> memref<1x1x128x16xf32, #tpu.memory_space<vmem>>
        %dma_start3A_792 = tpu.memref_squeeze %dma_start3A_791 : memref<1x1x128x16xf32, #tpu.memory_space<vmem>> -> memref<128x16xf32, #tpu.memory_space<vmem>>
        %dma_start3A_793 = arith.constant 0 : i32
        %dma_start3A_794 = tpu.memref_slice %arg6[%add3A_786, %dma_start3A_793] : memref<80x128xi32, #tpu.memory_space<vmem>> -> memref<1x128xi32, #tpu.memory_space<vmem>>
        %dma_start3A_795 = tpu.memref_squeeze %dma_start3A_794 : memref<1x128xi32, #tpu.memory_space<vmem>> -> memref<128xi32, #tpu.memory_space<vmem>>
        %dma_start3A_796 = arith.constant 0 : i32
        %dma_start3A_797 = arith.constant 0 : i32
        %dma_start3A_798 = tpu.memref_slice %arg4[%dma_start3A_796, %dma_start3A_797] : memref<10000x16xf32, #tpu.memory_space<hbm>> -> memref<10000x16xf32, #tpu.memory_space<hbm>>
        tpu.enqueue_indirect_dma source(%dma_start3A_798 : memref<10000x16xf32, #tpu.memory_space<hbm>>) target(%dma_start3A_792 : memref<128x16xf32, #tpu.memory_space<vmem>>) offsets(%dma_start3A_795 : memref<128xi32, #tpu.memory_space<vmem>>) semaphore(%arg11 : memref<!tpu.dma_semaphore, #tpu.memory_space<semaphore_mem>>)
        %add3A_799 = arith.constant 1 : i32
        %add3A_800 = arith.addi %add3A_493, %add3A_799 : i32
        %mul3A_801 = arith.constant 8 : i32
        %mul3A_802 = arith.muli %add3A_800, %mul3A_801 : i32
        %add3A_803 = arith.constant 2 : i32
        %add3A_804 = arith.addi %mul3A_802, %add3A_803 : i32
        %dma_start3A_805 = arith.constant 0 : i32
        %dma_start3A_806 = arith.constant 2 : i32
        %dma_start3A_807 = arith.constant 0 : i32
        %dma_start3A_808 = arith.constant 0 : i32
        %dma_start3A_809 = tpu.memref_slice %arg8[%dma_start3A_805, %dma_start3A_806, %dma_start3A_807, %dma_start3A_808] : memref<2x8x128x16xf32, #tpu.memory_space<vmem>> -> memref<1x1x128x16xf32, #tpu.memory_space<vmem>>
        %dma_start3A_810 = tpu.memref_squeeze %dma_start3A_809 : memref<1x1x128x16xf32, #tpu.memory_space<vmem>> -> memref<128x16xf32, #tpu.memory_space<vmem>>
        %dma_start3A_811 = arith.constant 0 : i32
        %dma_start3A_812 = tpu.memref_slice %arg6[%add3A_804, %dma_start3A_811] : memref<80x128xi32, #tpu.memory_space<vmem>> -> memref<1x128xi32, #tpu.memory_space<vmem>>
        %dma_start3A_813 = tpu.memref_squeeze %dma_start3A_812 : memref<1x128xi32, #tpu.memory_space<vmem>> -> memref<128xi32, #tpu.memory_space<vmem>>
        %dma_start3A_814 = arith.constant 0 : i32
        %dma_start3A_815 = arith.constant 0 : i32
        %dma_start3A_816 = tpu.memref_slice %arg4[%dma_start3A_814, %dma_start3A_815] : memref<10000x16xf32, #tpu.memory_space<hbm>> -> memref<10000x16xf32, #tpu.memory_space<hbm>>
        tpu.enqueue_indirect_dma source(%dma_start3A_816 : memref<10000x16xf32, #tpu.memory_space<hbm>>) target(%dma_start3A_810 : memref<128x16xf32, #tpu.memory_space<vmem>>) offsets(%dma_start3A_813 : memref<128xi32, #tpu.memory_space<vmem>>) semaphore(%arg11 : memref<!tpu.dma_semaphore, #tpu.memory_space<semaphore_mem>>)
        %add3A_817 = arith.constant 1 : i32
        %add3A_818 = arith.addi %add3A_493, %add3A_817 : i32
        %mul3A_819 = arith.constant 8 : i32
        %mul3A_820 = arith.muli %add3A_818, %mul3A_819 : i32
        %add3A_821 = arith.constant 3 : i32
        %add3A_822 = arith.addi %mul3A_820, %add3A_821 : i32
        %dma_start3A_823 = arith.constant 0 : i32
        %dma_start3A_824 = arith.constant 3 : i32
        %dma_start3A_825 = arith.constant 0 : i32
        %dma_start3A_826 = arith.constant 0 : i32
        %dma_start3A_827 = tpu.memref_slice %arg8[%dma_start3A_823, %dma_start3A_824, %dma_start3A_825, %dma_start3A_826] : memref<2x8x128x16xf32, #tpu.memory_space<vmem>> -> memref<1x1x128x16xf32, #tpu.memory_space<vmem>>
        %dma_start3A_828 = tpu.memref_squeeze %dma_start3A_827 : memref<1x1x128x16xf32, #tpu.memory_space<vmem>> -> memref<128x16xf32, #tpu.memory_space<vmem>>
        %dma_start3A_829 = arith.constant 0 : i32
        %dma_start3A_830 = tpu.memref_slice %arg6[%add3A_822, %dma_start3A_829] : memref<80x128xi32, #tpu.memory_space<vmem>> -> memref<1x128xi32, #tpu.memory_space<vmem>>
        %dma_start3A_831 = tpu.memref_squeeze %dma_start3A_830 : memref<1x128xi32, #tpu.memory_space<vmem>> -> memref<128xi32, #tpu.memory_space<vmem>>
        %dma_start3A_832 = arith.constant 0 : i32
        %dma_start3A_833 = arith.constant 0 : i32
        %dma_start3A_834 = tpu.memref_slice %arg4[%dma_start3A_832, %dma_start3A_833] : memref<10000x16xf32, #tpu.memory_space<hbm>> -> memref<10000x16xf32, #tpu.memory_space<hbm>>
        tpu.enqueue_indirect_dma source(%dma_start3A_834 : memref<10000x16xf32, #tpu.memory_space<hbm>>) target(%dma_start3A_828 : memref<128x16xf32, #tpu.memory_space<vmem>>) offsets(%dma_start3A_831 : memref<128xi32, #tpu.memory_space<vmem>>) semaphore(%arg11 : memref<!tpu.dma_semaphore, #tpu.memory_space<semaphore_mem>>)
        %add3A_835 = arith.constant 1 : i32
        %add3A_836 = arith.addi %add3A_493, %add3A_835 : i32
        %mul3A_837 = arith.constant 8 : i32
        %mul3A_838 = arith.muli %add3A_836, %mul3A_837 : i32
        %add3A_839 = arith.constant 4 : i32
        %add3A_840 = arith.addi %mul3A_838, %add3A_839 : i32
        %dma_start3A_841 = arith.constant 0 : i32
        %dma_start3A_842 = arith.constant 4 : i32
        %dma_start3A_843 = arith.constant 0 : i32
        %dma_start3A_844 = arith.constant 0 : i32
        %dma_start3A_845 = tpu.memref_slice %arg8[%dma_start3A_841, %dma_start3A_842, %dma_start3A_843, %dma_start3A_844] : memref<2x8x128x16xf32, #tpu.memory_space<vmem>> -> memref<1x1x128x16xf32, #tpu.memory_space<vmem>>
        %dma_start3A_846 = tpu.memref_squeeze %dma_start3A_845 : memref<1x1x128x16xf32, #tpu.memory_space<vmem>> -> memref<128x16xf32, #tpu.memory_space<vmem>>
        %dma_start3A_847 = arith.constant 0 : i32
        %dma_start3A_848 = tpu.memref_slice %arg6[%add3A_840, %dma_start3A_847] : memref<80x128xi32, #tpu.memory_space<vmem>> -> memref<1x128xi32, #tpu.memory_space<vmem>>
        %dma_start3A_849 = tpu.memref_squeeze %dma_start3A_848 : memref<1x128xi32, #tpu.memory_space<vmem>> -> memref<128xi32, #tpu.memory_space<vmem>>
        %dma_start3A_850 = arith.constant 0 : i32
        %dma_start3A_851 = arith.constant 0 : i32
        %dma_start3A_852 = tpu.memref_slice %arg4[%dma_start3A_850, %dma_start3A_851] : memref<10000x16xf32, #tpu.memory_space<hbm>> -> memref<10000x16xf32, #tpu.memory_space<hbm>>
        tpu.enqueue_indirect_dma source(%dma_start3A_852 : memref<10000x16xf32, #tpu.memory_space<hbm>>) target(%dma_start3A_846 : memref<128x16xf32, #tpu.memory_space<vmem>>) offsets(%dma_start3A_849 : memref<128xi32, #tpu.memory_space<vmem>>) semaphore(%arg11 : memref<!tpu.dma_semaphore, #tpu.memory_space<semaphore_mem>>)
        %add3A_853 = arith.constant 1 : i32
        %add3A_854 = arith.addi %add3A_493, %add3A_853 : i32
        %mul3A_855 = arith.constant 8 : i32
        %mul3A_856 = arith.muli %add3A_854, %mul3A_855 : i32
        %add3A_857 = arith.constant 5 : i32
        %add3A_858 = arith.addi %mul3A_856, %add3A_857 : i32
        %dma_start3A_859 = arith.constant 0 : i32
        %dma_start3A_860 = arith.constant 5 : i32
        %dma_start3A_861 = arith.constant 0 : i32
        %dma_start3A_862 = arith.constant 0 : i32
        %dma_start3A_863 = tpu.memref_slice %arg8[%dma_start3A_859, %dma_start3A_860, %dma_start3A_861, %dma_start3A_862] : memref<2x8x128x16xf32, #tpu.memory_space<vmem>> -> memref<1x1x128x16xf32, #tpu.memory_space<vmem>>
        %dma_start3A_864 = tpu.memref_squeeze %dma_start3A_863 : memref<1x1x128x16xf32, #tpu.memory_space<vmem>> -> memref<128x16xf32, #tpu.memory_space<vmem>>
        %dma_start3A_865 = arith.constant 0 : i32
        %dma_start3A_866 = tpu.memref_slice %arg6[%add3A_858, %dma_start3A_865] : memref<80x128xi32, #tpu.memory_space<vmem>> -> memref<1x128xi32, #tpu.memory_space<vmem>>
        %dma_start3A_867 = tpu.memref_squeeze %dma_start3A_866 : memref<1x128xi32, #tpu.memory_space<vmem>> -> memref<128xi32, #tpu.memory_space<vmem>>
        %dma_start3A_868 = arith.constant 0 : i32
        %dma_start3A_869 = arith.constant 0 : i32
        %dma_start3A_870 = tpu.memref_slice %arg4[%dma_start3A_868, %dma_start3A_869] : memref<10000x16xf32, #tpu.memory_space<hbm>> -> memref<10000x16xf32, #tpu.memory_space<hbm>>
        tpu.enqueue_indirect_dma source(%dma_start3A_870 : memref<10000x16xf32, #tpu.memory_space<hbm>>) target(%dma_start3A_864 : memref<128x16xf32, #tpu.memory_space<vmem>>) offsets(%dma_start3A_867 : memref<128xi32, #tpu.memory_space<vmem>>) semaphore(%arg11 : memref<!tpu.dma_semaphore, #tpu.memory_space<semaphore_mem>>)
        %add3A_871 = arith.constant 1 : i32
        %add3A_872 = arith.addi %add3A_493, %add3A_871 : i32
        %mul3A_873 = arith.constant 8 : i32
        %mul3A_874 = arith.muli %add3A_872, %mul3A_873 : i32
        %add3A_875 = arith.constant 6 : i32
        %add3A_876 = arith.addi %mul3A_874, %add3A_875 : i32
        %dma_start3A_877 = arith.constant 0 : i32
        %dma_start3A_878 = arith.constant 6 : i32
        %dma_start3A_879 = arith.constant 0 : i32
        %dma_start3A_880 = arith.constant 0 : i32
        %dma_start3A_881 = tpu.memref_slice %arg8[%dma_start3A_877, %dma_start3A_878, %dma_start3A_879, %dma_start3A_880] : memref<2x8x128x16xf32, #tpu.memory_space<vmem>> -> memref<1x1x128x16xf32, #tpu.memory_space<vmem>>
        %dma_start3A_882 = tpu.memref_squeeze %dma_start3A_881 : memref<1x1x128x16xf32, #tpu.memory_space<vmem>> -> memref<128x16xf32, #tpu.memory_space<vmem>>
        %dma_start3A_883 = arith.constant 0 : i32
        %dma_start3A_884 = tpu.memref_slice %arg6[%add3A_876, %dma_start3A_883] : memref<80x128xi32, #tpu.memory_space<vmem>> -> memref<1x128xi32, #tpu.memory_space<vmem>>
        %dma_start3A_885 = tpu.memref_squeeze %dma_start3A_884 : memref<1x128xi32, #tpu.memory_space<vmem>> -> memref<128xi32, #tpu.memory_space<vmem>>
        %dma_start3A_886 = arith.constant 0 : i32
        %dma_start3A_887 = arith.constant 0 : i32
        %dma_start3A_888 = tpu.memref_slice %arg4[%dma_start3A_886, %dma_start3A_887] : memref<10000x16xf32, #tpu.memory_space<hbm>> -> memref<10000x16xf32, #tpu.memory_space<hbm>>
        tpu.enqueue_indirect_dma source(%dma_start3A_888 : memref<10000x16xf32, #tpu.memory_space<hbm>>) target(%dma_start3A_882 : memref<128x16xf32, #tpu.memory_space<vmem>>) offsets(%dma_start3A_885 : memref<128xi32, #tpu.memory_space<vmem>>) semaphore(%arg11 : memref<!tpu.dma_semaphore, #tpu.memory_space<semaphore_mem>>)
        %add3A_889 = arith.constant 1 : i32
        %add3A_890 = arith.addi %add3A_493, %add3A_889 : i32
        %mul3A_891 = arith.constant 8 : i32
        %mul3A_892 = arith.muli %add3A_890, %mul3A_891 : i32
        %add3A_893 = arith.constant 7 : i32
        %add3A_894 = arith.addi %mul3A_892, %add3A_893 : i32
        %dma_start3A_895 = arith.constant 0 : i32
        %dma_start3A_896 = arith.constant 7 : i32
        %dma_start3A_897 = arith.constant 0 : i32
        %dma_start3A_898 = arith.constant 0 : i32
        %dma_start3A_899 = tpu.memref_slice %arg8[%dma_start3A_895, %dma_start3A_896, %dma_start3A_897, %dma_start3A_898] : memref<2x8x128x16xf32, #tpu.memory_space<vmem>> -> memref<1x1x128x16xf32, #tpu.memory_space<vmem>>
        %dma_start3A_900 = tpu.memref_squeeze %dma_start3A_899 : memref<1x1x128x16xf32, #tpu.memory_space<vmem>> -> memref<128x16xf32, #tpu.memory_space<vmem>>
        %dma_start3A_901 = arith.constant 0 : i32
        %dma_start3A_902 = tpu.memref_slice %arg6[%add3A_894, %dma_start3A_901] : memref<80x128xi32, #tpu.memory_space<vmem>> -> memref<1x128xi32, #tpu.memory_space<vmem>>
        %dma_start3A_903 = tpu.memref_squeeze %dma_start3A_902 : memref<1x128xi32, #tpu.memory_space<vmem>> -> memref<128xi32, #tpu.memory_space<vmem>>
        %dma_start3A_904 = arith.constant 0 : i32
        %dma_start3A_905 = arith.constant 0 : i32
        %dma_start3A_906 = tpu.memref_slice %arg4[%dma_start3A_904, %dma_start3A_905] : memref<10000x16xf32, #tpu.memory_space<hbm>> -> memref<10000x16xf32, #tpu.memory_space<hbm>>
        tpu.enqueue_indirect_dma source(%dma_start3A_906 : memref<10000x16xf32, #tpu.memory_space<hbm>>) target(%dma_start3A_900 : memref<128x16xf32, #tpu.memory_space<vmem>>) offsets(%dma_start3A_903 : memref<128xi32, #tpu.memory_space<vmem>>) semaphore(%arg11 : memref<!tpu.dma_semaphore, #tpu.memory_space<semaphore_mem>>)
      } else {
      }
      %mul3A_506 = arith.constant 8 : i32
      %mul3A_507 = arith.muli %add3A_493, %mul3A_506 : i32
      %add3A_508 = arith.constant 0 : i32
      %add3A_509 = arith.addi %mul3A_507, %add3A_508 : i32
      %dma_wait3A_510 = arith.constant 1 : i32
      %dma_wait3A_511 = arith.constant 0 : i32
      %dma_wait3A_512 = arith.constant 0 : i32
      %dma_wait3A_513 = arith.constant 0 : i32
      %dma_wait3A_514 = tpu.memref_slice %arg8[%dma_wait3A_510, %dma_wait3A_511, %dma_wait3A_512, %dma_wait3A_513] : memref<2x8x128x16xf32, #tpu.memory_space<vmem>> -> memref<1x1x128x16xf32, #tpu.memory_space<vmem>>
      %dma_wait3A_515 = tpu.memref_squeeze %dma_wait3A_514 : memref<1x1x128x16xf32, #tpu.memory_space<vmem>> -> memref<128x16xf32, #tpu.memory_space<vmem>>
      %dma_wait3A_516 = arith.constant 0 : i32
      %dma_wait3A_517 = tpu.memref_slice %arg6[%add3A_509, %dma_wait3A_516] : memref<80x128xi32, #tpu.memory_space<vmem>> -> memref<1x128xi32, #tpu.memory_space<vmem>>
      %dma_wait3A_518 = tpu.memref_squeeze %dma_wait3A_517 : memref<1x128xi32, #tpu.memory_space<vmem>> -> memref<128xi32, #tpu.memory_space<vmem>>
      %dma_wait3A_519 = arith.constant 0 : i32
      %dma_wait3A_520 = arith.constant 0 : i32
      %dma_wait3A_521 = tpu.memref_slice %arg4[%dma_wait3A_519, %dma_wait3A_520] : memref<10000x16xf32, #tpu.memory_space<hbm>> -> memref<10000x16xf32, #tpu.memory_space<hbm>>
      tpu.wait_indirect_dma semaphore(%arg12 : memref<!tpu.dma_semaphore, #tpu.memory_space<semaphore_mem>>) src(%dma_wait3A_521 : memref<10000x16xf32, #tpu.memory_space<hbm>>) dst(%dma_wait3A_515 : memref<128x16xf32, #tpu.memory_space<vmem>>)
      %mul3A_522 = arith.constant 8 : i32
      %mul3A_523 = arith.muli %add3A_493, %mul3A_522 : i32
      %add3A_524 = arith.constant 1 : i32
      %add3A_525 = arith.addi %mul3A_523, %add3A_524 : i32
      %dma_wait3A_526 = arith.constant 1 : i32
      %dma_wait3A_527 = arith.constant 1 : i32
      %dma_wait3A_528 = arith.constant 0 : i32
      %dma_wait3A_529 = arith.constant 0 : i32
      %dma_wait3A_530 = tpu.memref_slice %arg8[%dma_wait3A_526, %dma_wait3A_527, %dma_wait3A_528, %dma_wait3A_529] : memref<2x8x128x16xf32, #tpu.memory_space<vmem>> -> memref<1x1x128x16xf32, #tpu.memory_space<vmem>>
      %dma_wait3A_531 = tpu.memref_squeeze %dma_wait3A_530 : memref<1x1x128x16xf32, #tpu.memory_space<vmem>> -> memref<128x16xf32, #tpu.memory_space<vmem>>
      %dma_wait3A_532 = arith.constant 0 : i32
      %dma_wait3A_533 = tpu.memref_slice %arg6[%add3A_525, %dma_wait3A_532] : memref<80x128xi32, #tpu.memory_space<vmem>> -> memref<1x128xi32, #tpu.memory_space<vmem>>
      %dma_wait3A_534 = tpu.memref_squeeze %dma_wait3A_533 : memref<1x128xi32, #tpu.memory_space<vmem>> -> memref<128xi32, #tpu.memory_space<vmem>>
      %dma_wait3A_535 = arith.constant 0 : i32
      %dma_wait3A_536 = arith.constant 0 : i32
      %dma_wait3A_537 = tpu.memref_slice %arg4[%dma_wait3A_535, %dma_wait3A_536] : memref<10000x16xf32, #tpu.memory_space<hbm>> -> memref<10000x16xf32, #tpu.memory_space<hbm>>
      tpu.wait_indirect_dma semaphore(%arg12 : memref<!tpu.dma_semaphore, #tpu.memory_space<semaphore_mem>>) src(%dma_wait3A_537 : memref<10000x16xf32, #tpu.memory_space<hbm>>) dst(%dma_wait3A_531 : memref<128x16xf32, #tpu.memory_space<vmem>>)
      %mul3A_538 = arith.constant 8 : i32
      %mul3A_539 = arith.muli %add3A_493, %mul3A_538 : i32
      %add3A_540 = arith.constant 2 : i32
      %add3A_541 = arith.addi %mul3A_539, %add3A_540 : i32
      %dma_wait3A_542 = arith.constant 1 : i32
      %dma_wait3A_543 = arith.constant 2 : i32
      %dma_wait3A_544 = arith.constant 0 : i32
      %dma_wait3A_545 = arith.constant 0 : i32
      %dma_wait3A_546 = tpu.memref_slice %arg8[%dma_wait3A_542, %dma_wait3A_543, %dma_wait3A_544, %dma_wait3A_545] : memref<2x8x128x16xf32, #tpu.memory_space<vmem>> -> memref<1x1x128x16xf32, #tpu.memory_space<vmem>>
      %dma_wait3A_547 = tpu.memref_squeeze %dma_wait3A_546 : memref<1x1x128x16xf32, #tpu.memory_space<vmem>> -> memref<128x16xf32, #tpu.memory_space<vmem>>
      %dma_wait3A_548 = arith.constant 0 : i32
      %dma_wait3A_549 = tpu.memref_slice %arg6[%add3A_541, %dma_wait3A_548] : memref<80x128xi32, #tpu.memory_space<vmem>> -> memref<1x128xi32, #tpu.memory_space<vmem>>
      %dma_wait3A_550 = tpu.memref_squeeze %dma_wait3A_549 : memref<1x128xi32, #tpu.memory_space<vmem>> -> memref<128xi32, #tpu.memory_space<vmem>>
      %dma_wait3A_551 = arith.constant 0 : i32
      %dma_wait3A_552 = arith.constant 0 : i32
      %dma_wait3A_553 = tpu.memref_slice %arg4[%dma_wait3A_551, %dma_wait3A_552] : memref<10000x16xf32, #tpu.memory_space<hbm>> -> memref<10000x16xf32, #tpu.memory_space<hbm>>
      tpu.wait_indirect_dma semaphore(%arg12 : memref<!tpu.dma_semaphore, #tpu.memory_space<semaphore_mem>>) src(%dma_wait3A_553 : memref<10000x16xf32, #tpu.memory_space<hbm>>) dst(%dma_wait3A_547 : memref<128x16xf32, #tpu.memory_space<vmem>>)
      %mul3A_554 = arith.constant 8 : i32
      %mul3A_555 = arith.muli %add3A_493, %mul3A_554 : i32
      %add3A_556 = arith.constant 3 : i32
      %add3A_557 = arith.addi %mul3A_555, %add3A_556 : i32
      %dma_wait3A_558 = arith.constant 1 : i32
      %dma_wait3A_559 = arith.constant 3 : i32
      %dma_wait3A_560 = arith.constant 0 : i32
      %dma_wait3A_561 = arith.constant 0 : i32
      %dma_wait3A_562 = tpu.memref_slice %arg8[%dma_wait3A_558, %dma_wait3A_559, %dma_wait3A_560, %dma_wait3A_561] : memref<2x8x128x16xf32, #tpu.memory_space<vmem>> -> memref<1x1x128x16xf32, #tpu.memory_space<vmem>>
      %dma_wait3A_563 = tpu.memref_squeeze %dma_wait3A_562 : memref<1x1x128x16xf32, #tpu.memory_space<vmem>> -> memref<128x16xf32, #tpu.memory_space<vmem>>
      %dma_wait3A_564 = arith.constant 0 : i32
      %dma_wait3A_565 = tpu.memref_slice %arg6[%add3A_557, %dma_wait3A_564] : memref<80x128xi32, #tpu.memory_space<vmem>> -> memref<1x128xi32, #tpu.memory_space<vmem>>
      %dma_wait3A_566 = tpu.memref_squeeze %dma_wait3A_565 : memref<1x128xi32, #tpu.memory_space<vmem>> -> memref<128xi32, #tpu.memory_space<vmem>>
      %dma_wait3A_567 = arith.constant 0 : i32
      %dma_wait3A_568 = arith.constant 0 : i32
      %dma_wait3A_569 = tpu.memref_slice %arg4[%dma_wait3A_567, %dma_wait3A_568] : memref<10000x16xf32, #tpu.memory_space<hbm>> -> memref<10000x16xf32, #tpu.memory_space<hbm>>
      tpu.wait_indirect_dma semaphore(%arg12 : memref<!tpu.dma_semaphore, #tpu.memory_space<semaphore_mem>>) src(%dma_wait3A_569 : memref<10000x16xf32, #tpu.memory_space<hbm>>) dst(%dma_wait3A_563 : memref<128x16xf32, #tpu.memory_space<vmem>>)
      %mul3A_570 = arith.constant 8 : i32
      %mul3A_571 = arith.muli %add3A_493, %mul3A_570 : i32
      %add3A_572 = arith.constant 4 : i32
      %add3A_573 = arith.addi %mul3A_571, %add3A_572 : i32
      %dma_wait3A_574 = arith.constant 1 : i32
      %dma_wait3A_575 = arith.constant 4 : i32
      %dma_wait3A_576 = arith.constant 0 : i32
      %dma_wait3A_577 = arith.constant 0 : i32
      %dma_wait3A_578 = tpu.memref_slice %arg8[%dma_wait3A_574, %dma_wait3A_575, %dma_wait3A_576, %dma_wait3A_577] : memref<2x8x128x16xf32, #tpu.memory_space<vmem>> -> memref<1x1x128x16xf32, #tpu.memory_space<vmem>>
      %dma_wait3A_579 = tpu.memref_squeeze %dma_wait3A_578 : memref<1x1x128x16xf32, #tpu.memory_space<vmem>> -> memref<128x16xf32, #tpu.memory_space<vmem>>
      %dma_wait3A_580 = arith.constant 0 : i32
      %dma_wait3A_581 = tpu.memref_slice %arg6[%add3A_573, %dma_wait3A_580] : memref<80x128xi32, #tpu.memory_space<vmem>> -> memref<1x128xi32, #tpu.memory_space<vmem>>
      %dma_wait3A_582 = tpu.memref_squeeze %dma_wait3A_581 : memref<1x128xi32, #tpu.memory_space<vmem>> -> memref<128xi32, #tpu.memory_space<vmem>>
      %dma_wait3A_583 = arith.constant 0 : i32
      %dma_wait3A_584 = arith.constant 0 : i32
      %dma_wait3A_585 = tpu.memref_slice %arg4[%dma_wait3A_583, %dma_wait3A_584] : memref<10000x16xf32, #tpu.memory_space<hbm>> -> memref<10000x16xf32, #tpu.memory_space<hbm>>
      tpu.wait_indirect_dma semaphore(%arg12 : memref<!tpu.dma_semaphore, #tpu.memory_space<semaphore_mem>>) src(%dma_wait3A_585 : memref<10000x16xf32, #tpu.memory_space<hbm>>) dst(%dma_wait3A_579 : memref<128x16xf32, #tpu.memory_space<vmem>>)
      %mul3A_586 = arith.constant 8 : i32
      %mul3A_587 = arith.muli %add3A_493, %mul3A_586 : i32
      %add3A_588 = arith.constant 5 : i32
      %add3A_589 = arith.addi %mul3A_587, %add3A_588 : i32
      %dma_wait3A_590 = arith.constant 1 : i32
      %dma_wait3A_591 = arith.constant 5 : i32
      %dma_wait3A_592 = arith.constant 0 : i32
      %dma_wait3A_593 = arith.constant 0 : i32
      %dma_wait3A_594 = tpu.memref_slice %arg8[%dma_wait3A_590, %dma_wait3A_591, %dma_wait3A_592, %dma_wait3A_593] : memref<2x8x128x16xf32, #tpu.memory_space<vmem>> -> memref<1x1x128x16xf32, #tpu.memory_space<vmem>>
      %dma_wait3A_595 = tpu.memref_squeeze %dma_wait3A_594 : memref<1x1x128x16xf32, #tpu.memory_space<vmem>> -> memref<128x16xf32, #tpu.memory_space<vmem>>
      %dma_wait3A_596 = arith.constant 0 : i32
      %dma_wait3A_597 = tpu.memref_slice %arg6[%add3A_589, %dma_wait3A_596] : memref<80x128xi32, #tpu.memory_space<vmem>> -> memref<1x128xi32, #tpu.memory_space<vmem>>
      %dma_wait3A_598 = tpu.memref_squeeze %dma_wait3A_597 : memref<1x128xi32, #tpu.memory_space<vmem>> -> memref<128xi32, #tpu.memory_space<vmem>>
      %dma_wait3A_599 = arith.constant 0 : i32
      %dma_wait3A_600 = arith.constant 0 : i32
      %dma_wait3A_601 = tpu.memref_slice %arg4[%dma_wait3A_599, %dma_wait3A_600] : memref<10000x16xf32, #tpu.memory_space<hbm>> -> memref<10000x16xf32, #tpu.memory_space<hbm>>
      tpu.wait_indirect_dma semaphore(%arg12 : memref<!tpu.dma_semaphore, #tpu.memory_space<semaphore_mem>>) src(%dma_wait3A_601 : memref<10000x16xf32, #tpu.memory_space<hbm>>) dst(%dma_wait3A_595 : memref<128x16xf32, #tpu.memory_space<vmem>>)
      %mul3A_602 = arith.constant 8 : i32
      %mul3A_603 = arith.muli %add3A_493, %mul3A_602 : i32
      %add3A_604 = arith.constant 6 : i32
      %add3A_605 = arith.addi %mul3A_603, %add3A_604 : i32
      %dma_wait3A_606 = arith.constant 1 : i32
      %dma_wait3A_607 = arith.constant 6 : i32
      %dma_wait3A_608 = arith.constant 0 : i32
      %dma_wait3A_609 = arith.constant 0 : i32
      %dma_wait3A_610 = tpu.memref_slice %arg8[%dma_wait3A_606, %dma_wait3A_607, %dma_wait3A_608, %dma_wait3A_609] : memref<2x8x128x16xf32, #tpu.memory_space<vmem>> -> memref<1x1x128x16xf32, #tpu.memory_space<vmem>>
      %dma_wait3A_611 = tpu.memref_squeeze %dma_wait3A_610 : memref<1x1x128x16xf32, #tpu.memory_space<vmem>> -> memref<128x16xf32, #tpu.memory_space<vmem>>
      %dma_wait3A_612 = arith.constant 0 : i32
      %dma_wait3A_613 = tpu.memref_slice %arg6[%add3A_605, %dma_wait3A_612] : memref<80x128xi32, #tpu.memory_space<vmem>> -> memref<1x128xi32, #tpu.memory_space<vmem>>
      %dma_wait3A_614 = tpu.memref_squeeze %dma_wait3A_613 : memref<1x128xi32, #tpu.memory_space<vmem>> -> memref<128xi32, #tpu.memory_space<vmem>>
      %dma_wait3A_615 = arith.constant 0 : i32
      %dma_wait3A_616 = arith.constant 0 : i32
      %dma_wait3A_617 = tpu.memref_slice %arg4[%dma_wait3A_615, %dma_wait3A_616] : memref<10000x16xf32, #tpu.memory_space<hbm>> -> memref<10000x16xf32, #tpu.memory_space<hbm>>
      tpu.wait_indirect_dma semaphore(%arg12 : memref<!tpu.dma_semaphore, #tpu.memory_space<semaphore_mem>>) src(%dma_wait3A_617 : memref<10000x16xf32, #tpu.memory_space<hbm>>) dst(%dma_wait3A_611 : memref<128x16xf32, #tpu.memory_space<vmem>>)
      %mul3A_618 = arith.constant 8 : i32
      %mul3A_619 = arith.muli %add3A_493, %mul3A_618 : i32
      %add3A_620 = arith.constant 7 : i32
      %add3A_621 = arith.addi %mul3A_619, %add3A_620 : i32
      %dma_wait3A_622 = arith.constant 1 : i32
      %dma_wait3A_623 = arith.constant 7 : i32
      %dma_wait3A_624 = arith.constant 0 : i32
      %dma_wait3A_625 = arith.constant 0 : i32
      %dma_wait3A_626 = tpu.memref_slice %arg8[%dma_wait3A_622, %dma_wait3A_623, %dma_wait3A_624, %dma_wait3A_625] : memref<2x8x128x16xf32, #tpu.memory_space<vmem>> -> memref<1x1x128x16xf32, #tpu.memory_space<vmem>>
      %dma_wait3A_627 = tpu.memref_squeeze %dma_wait3A_626 : memref<1x1x128x16xf32, #tpu.memory_space<vmem>> -> memref<128x16xf32, #tpu.memory_space<vmem>>
      %dma_wait3A_628 = arith.constant 0 : i32
      %dma_wait3A_629 = tpu.memref_slice %arg6[%add3A_621, %dma_wait3A_628] : memref<80x128xi32, #tpu.memory_space<vmem>> -> memref<1x128xi32, #tpu.memory_space<vmem>>
      %dma_wait3A_630 = tpu.memref_squeeze %dma_wait3A_629 : memref<1x128xi32, #tpu.memory_space<vmem>> -> memref<128xi32, #tpu.memory_space<vmem>>
      %dma_wait3A_631 = arith.constant 0 : i32
      %dma_wait3A_632 = arith.constant 0 : i32
      %dma_wait3A_633 = tpu.memref_slice %arg4[%dma_wait3A_631, %dma_wait3A_632] : memref<10000x16xf32, #tpu.memory_space<hbm>> -> memref<10000x16xf32, #tpu.memory_space<hbm>>
      tpu.wait_indirect_dma semaphore(%arg12 : memref<!tpu.dma_semaphore, #tpu.memory_space<semaphore_mem>>) src(%dma_wait3A_633 : memref<10000x16xf32, #tpu.memory_space<hbm>>) dst(%dma_wait3A_627 : memref<128x16xf32, #tpu.memory_space<vmem>>)
      %mul3A_634 = arith.constant 8 : i32
      %mul3A_635 = arith.muli %add3A_493, %mul3A_634 : i32
      %add3A_636 = arith.constant 0 : i32
      %add3A_637 = arith.addi %mul3A_635, %add3A_636 : i32
      %dma_start3A_638 = arith.constant 1 : i32
      %dma_start3A_639 = arith.constant 0 : i32
      %dma_start3A_640 = arith.constant 0 : i32
      %dma_start3A_641 = arith.constant 0 : i32
      %dma_start3A_642 = tpu.memref_slice %arg8[%dma_start3A_638, %dma_start3A_639, %dma_start3A_640, %dma_start3A_641] : memref<2x8x128x16xf32, #tpu.memory_space<vmem>> -> memref<1x1x128x16xf32, #tpu.memory_space<vmem>>
      %dma_start3A_643 = tpu.memref_squeeze %dma_start3A_642 : memref<1x1x128x16xf32, #tpu.memory_space<vmem>> -> memref<128x16xf32, #tpu.memory_space<vmem>>
      %dma_start3A_644 = arith.constant 0 : i32
      %dma_start3A_645 = tpu.memref_slice %arg7[%add3A_637, %dma_start3A_644] : memref<80x128xi32, #tpu.memory_space<vmem>> -> memref<1x128xi32, #tpu.memory_space<vmem>>
      %dma_start3A_646 = tpu.memref_squeeze %dma_start3A_645 : memref<1x128xi32, #tpu.memory_space<vmem>> -> memref<128xi32, #tpu.memory_space<vmem>>
      %dma_start3A_647 = arith.constant 0 : i32
      %dma_start3A_648 = arith.constant 0 : i32
      %dma_start3A_649 = tpu.memref_slice %arg10[%dma_start3A_647, %dma_start3A_648] : memref<10128x16xf32, #tpu.memory_space<vmem_shared>> -> memref<10128x16xf32, #tpu.memory_space<vmem_shared>>
      tpu.enqueue_indirect_dma source(%dma_start3A_643 : memref<128x16xf32, #tpu.memory_space<vmem>>) target(%dma_start3A_649 : memref<10128x16xf32, #tpu.memory_space<vmem_shared>>) offsets(%dma_start3A_646 : memref<128xi32, #tpu.memory_space<vmem>>) semaphore(%arg14 : memref<!tpu.dma_semaphore, #tpu.memory_space<semaphore_mem>>) {add = true}
      %mul3A_650 = arith.constant 8 : i32
      %mul3A_651 = arith.muli %add3A_493, %mul3A_650 : i32
      %add3A_652 = arith.constant 1 : i32
      %add3A_653 = arith.addi %mul3A_651, %add3A_652 : i32
      %dma_start3A_654 = arith.constant 1 : i32
      %dma_start3A_655 = arith.constant 1 : i32
      %dma_start3A_656 = arith.constant 0 : i32
      %dma_start3A_657 = arith.constant 0 : i32
      %dma_start3A_658 = tpu.memref_slice %arg8[%dma_start3A_654, %dma_start3A_655, %dma_start3A_656, %dma_start3A_657] : memref<2x8x128x16xf32, #tpu.memory_space<vmem>> -> memref<1x1x128x16xf32, #tpu.memory_space<vmem>>
      %dma_start3A_659 = tpu.memref_squeeze %dma_start3A_658 : memref<1x1x128x16xf32, #tpu.memory_space<vmem>> -> memref<128x16xf32, #tpu.memory_space<vmem>>
      %dma_start3A_660 = arith.constant 0 : i32
      %dma_start3A_661 = tpu.memref_slice %arg7[%add3A_653, %dma_start3A_660] : memref<80x128xi32, #tpu.memory_space<vmem>> -> memref<1x128xi32, #tpu.memory_space<vmem>>
      %dma_start3A_662 = tpu.memref_squeeze %dma_start3A_661 : memref<1x128xi32, #tpu.memory_space<vmem>> -> memref<128xi32, #tpu.memory_space<vmem>>
      %dma_start3A_663 = arith.constant 0 : i32
      %dma_start3A_664 = arith.constant 0 : i32
      %dma_start3A_665 = tpu.memref_slice %arg10[%dma_start3A_663, %dma_start3A_664] : memref<10128x16xf32, #tpu.memory_space<vmem_shared>> -> memref<10128x16xf32, #tpu.memory_space<vmem_shared>>
      tpu.enqueue_indirect_dma source(%dma_start3A_659 : memref<128x16xf32, #tpu.memory_space<vmem>>) target(%dma_start3A_665 : memref<10128x16xf32, #tpu.memory_space<vmem_shared>>) offsets(%dma_start3A_662 : memref<128xi32, #tpu.memory_space<vmem>>) semaphore(%arg14 : memref<!tpu.dma_semaphore, #tpu.memory_space<semaphore_mem>>) {add = true}
      %mul3A_666 = arith.constant 8 : i32
      %mul3A_667 = arith.muli %add3A_493, %mul3A_666 : i32
      %add3A_668 = arith.constant 2 : i32
      %add3A_669 = arith.addi %mul3A_667, %add3A_668 : i32
      %dma_start3A_670 = arith.constant 1 : i32
      %dma_start3A_671 = arith.constant 2 : i32
      %dma_start3A_672 = arith.constant 0 : i32
      %dma_start3A_673 = arith.constant 0 : i32
      %dma_start3A_674 = tpu.memref_slice %arg8[%dma_start3A_670, %dma_start3A_671, %dma_start3A_672, %dma_start3A_673] : memref<2x8x128x16xf32, #tpu.memory_space<vmem>> -> memref<1x1x128x16xf32, #tpu.memory_space<vmem>>
      %dma_start3A_675 = tpu.memref_squeeze %dma_start3A_674 : memref<1x1x128x16xf32, #tpu.memory_space<vmem>> -> memref<128x16xf32, #tpu.memory_space<vmem>>
      %dma_start3A_676 = arith.constant 0 : i32
      %dma_start3A_677 = tpu.memref_slice %arg7[%add3A_669, %dma_start3A_676] : memref<80x128xi32, #tpu.memory_space<vmem>> -> memref<1x128xi32, #tpu.memory_space<vmem>>
      %dma_start3A_678 = tpu.memref_squeeze %dma_start3A_677 : memref<1x128xi32, #tpu.memory_space<vmem>> -> memref<128xi32, #tpu.memory_space<vmem>>
      %dma_start3A_679 = arith.constant 0 : i32
      %dma_start3A_680 = arith.constant 0 : i32
      %dma_start3A_681 = tpu.memref_slice %arg10[%dma_start3A_679, %dma_start3A_680] : memref<10128x16xf32, #tpu.memory_space<vmem_shared>> -> memref<10128x16xf32, #tpu.memory_space<vmem_shared>>
      tpu.enqueue_indirect_dma source(%dma_start3A_675 : memref<128x16xf32, #tpu.memory_space<vmem>>) target(%dma_start3A_681 : memref<10128x16xf32, #tpu.memory_space<vmem_shared>>) offsets(%dma_start3A_678 : memref<128xi32, #tpu.memory_space<vmem>>) semaphore(%arg14 : memref<!tpu.dma_semaphore, #tpu.memory_space<semaphore_mem>>) {add = true}
      %mul3A_682 = arith.constant 8 : i32
      %mul3A_683 = arith.muli %add3A_493, %mul3A_682 : i32
      %add3A_684 = arith.constant 3 : i32
      %add3A_685 = arith.addi %mul3A_683, %add3A_684 : i32
      %dma_start3A_686 = arith.constant 1 : i32
      %dma_start3A_687 = arith.constant 3 : i32
      %dma_start3A_688 = arith.constant 0 : i32
      %dma_start3A_689 = arith.constant 0 : i32
      %dma_start3A_690 = tpu.memref_slice %arg8[%dma_start3A_686, %dma_start3A_687, %dma_start3A_688, %dma_start3A_689] : memref<2x8x128x16xf32, #tpu.memory_space<vmem>> -> memref<1x1x128x16xf32, #tpu.memory_space<vmem>>
      %dma_start3A_691 = tpu.memref_squeeze %dma_start3A_690 : memref<1x1x128x16xf32, #tpu.memory_space<vmem>> -> memref<128x16xf32, #tpu.memory_space<vmem>>
      %dma_start3A_692 = arith.constant 0 : i32
      %dma_start3A_693 = tpu.memref_slice %arg7[%add3A_685, %dma_start3A_692] : memref<80x128xi32, #tpu.memory_space<vmem>> -> memref<1x128xi32, #tpu.memory_space<vmem>>
      %dma_start3A_694 = tpu.memref_squeeze %dma_start3A_693 : memref<1x128xi32, #tpu.memory_space<vmem>> -> memref<128xi32, #tpu.memory_space<vmem>>
      %dma_start3A_695 = arith.constant 0 : i32
      %dma_start3A_696 = arith.constant 0 : i32
      %dma_start3A_697 = tpu.memref_slice %arg10[%dma_start3A_695, %dma_start3A_696] : memref<10128x16xf32, #tpu.memory_space<vmem_shared>> -> memref<10128x16xf32, #tpu.memory_space<vmem_shared>>
      tpu.enqueue_indirect_dma source(%dma_start3A_691 : memref<128x16xf32, #tpu.memory_space<vmem>>) target(%dma_start3A_697 : memref<10128x16xf32, #tpu.memory_space<vmem_shared>>) offsets(%dma_start3A_694 : memref<128xi32, #tpu.memory_space<vmem>>) semaphore(%arg14 : memref<!tpu.dma_semaphore, #tpu.memory_space<semaphore_mem>>) {add = true}
      %mul3A_698 = arith.constant 8 : i32
      %mul3A_699 = arith.muli %add3A_493, %mul3A_698 : i32
      %add3A_700 = arith.constant 4 : i32
      %add3A_701 = arith.addi %mul3A_699, %add3A_700 : i32
      %dma_start3A_702 = arith.constant 1 : i32
      %dma_start3A_703 = arith.constant 4 : i32
      %dma_start3A_704 = arith.constant 0 : i32
      %dma_start3A_705 = arith.constant 0 : i32
      %dma_start3A_706 = tpu.memref_slice %arg8[%dma_start3A_702, %dma_start3A_703, %dma_start3A_704, %dma_start3A_705] : memref<2x8x128x16xf32, #tpu.memory_space<vmem>> -> memref<1x1x128x16xf32, #tpu.memory_space<vmem>>
      %dma_start3A_707 = tpu.memref_squeeze %dma_start3A_706 : memref<1x1x128x16xf32, #tpu.memory_space<vmem>> -> memref<128x16xf32, #tpu.memory_space<vmem>>
      %dma_start3A_708 = arith.constant 0 : i32
      %dma_start3A_709 = tpu.memref_slice %arg7[%add3A_701, %dma_start3A_708] : memref<80x128xi32, #tpu.memory_space<vmem>> -> memref<1x128xi32, #tpu.memory_space<vmem>>
      %dma_start3A_710 = tpu.memref_squeeze %dma_start3A_709 : memref<1x128xi32, #tpu.memory_space<vmem>> -> memref<128xi32, #tpu.memory_space<vmem>>
      %dma_start3A_711 = arith.constant 0 : i32
      %dma_start3A_712 = arith.constant 0 : i32
      %dma_start3A_713 = tpu.memref_slice %arg10[%dma_start3A_711, %dma_start3A_712] : memref<10128x16xf32, #tpu.memory_space<vmem_shared>> -> memref<10128x16xf32, #tpu.memory_space<vmem_shared>>
      tpu.enqueue_indirect_dma source(%dma_start3A_707 : memref<128x16xf32, #tpu.memory_space<vmem>>) target(%dma_start3A_713 : memref<10128x16xf32, #tpu.memory_space<vmem_shared>>) offsets(%dma_start3A_710 : memref<128xi32, #tpu.memory_space<vmem>>) semaphore(%arg14 : memref<!tpu.dma_semaphore, #tpu.memory_space<semaphore_mem>>) {add = true}
      %mul3A_714 = arith.constant 8 : i32
      %mul3A_715 = arith.muli %add3A_493, %mul3A_714 : i32
      %add3A_716 = arith.constant 5 : i32
      %add3A_717 = arith.addi %mul3A_715, %add3A_716 : i32
      %dma_start3A_718 = arith.constant 1 : i32
      %dma_start3A_719 = arith.constant 5 : i32
      %dma_start3A_720 = arith.constant 0 : i32
      %dma_start3A_721 = arith.constant 0 : i32
      %dma_start3A_722 = tpu.memref_slice %arg8[%dma_start3A_718, %dma_start3A_719, %dma_start3A_720, %dma_start3A_721] : memref<2x8x128x16xf32, #tpu.memory_space<vmem>> -> memref<1x1x128x16xf32, #tpu.memory_space<vmem>>
      %dma_start3A_723 = tpu.memref_squeeze %dma_start3A_722 : memref<1x1x128x16xf32, #tpu.memory_space<vmem>> -> memref<128x16xf32, #tpu.memory_space<vmem>>
      %dma_start3A_724 = arith.constant 0 : i32
      %dma_start3A_725 = tpu.memref_slice %arg7[%add3A_717, %dma_start3A_724] : memref<80x128xi32, #tpu.memory_space<vmem>> -> memref<1x128xi32, #tpu.memory_space<vmem>>
      %dma_start3A_726 = tpu.memref_squeeze %dma_start3A_725 : memref<1x128xi32, #tpu.memory_space<vmem>> -> memref<128xi32, #tpu.memory_space<vmem>>
      %dma_start3A_727 = arith.constant 0 : i32
      %dma_start3A_728 = arith.constant 0 : i32
      %dma_start3A_729 = tpu.memref_slice %arg10[%dma_start3A_727, %dma_start3A_728] : memref<10128x16xf32, #tpu.memory_space<vmem_shared>> -> memref<10128x16xf32, #tpu.memory_space<vmem_shared>>
      tpu.enqueue_indirect_dma source(%dma_start3A_723 : memref<128x16xf32, #tpu.memory_space<vmem>>) target(%dma_start3A_729 : memref<10128x16xf32, #tpu.memory_space<vmem_shared>>) offsets(%dma_start3A_726 : memref<128xi32, #tpu.memory_space<vmem>>) semaphore(%arg14 : memref<!tpu.dma_semaphore, #tpu.memory_space<semaphore_mem>>) {add = true}
      %mul3A_730 = arith.constant 8 : i32
      %mul3A_731 = arith.muli %add3A_493, %mul3A_730 : i32
      %add3A_732 = arith.constant 6 : i32
      %add3A_733 = arith.addi %mul3A_731, %add3A_732 : i32
      %dma_start3A_734 = arith.constant 1 : i32
      %dma_start3A_735 = arith.constant 6 : i32
      %dma_start3A_736 = arith.constant 0 : i32
      %dma_start3A_737 = arith.constant 0 : i32
      %dma_start3A_738 = tpu.memref_slice %arg8[%dma_start3A_734, %dma_start3A_735, %dma_start3A_736, %dma_start3A_737] : memref<2x8x128x16xf32, #tpu.memory_space<vmem>> -> memref<1x1x128x16xf32, #tpu.memory_space<vmem>>
      %dma_start3A_739 = tpu.memref_squeeze %dma_start3A_738 : memref<1x1x128x16xf32, #tpu.memory_space<vmem>> -> memref<128x16xf32, #tpu.memory_space<vmem>>
      %dma_start3A_740 = arith.constant 0 : i32
      %dma_start3A_741 = tpu.memref_slice %arg7[%add3A_733, %dma_start3A_740] : memref<80x128xi32, #tpu.memory_space<vmem>> -> memref<1x128xi32, #tpu.memory_space<vmem>>
      %dma_start3A_742 = tpu.memref_squeeze %dma_start3A_741 : memref<1x128xi32, #tpu.memory_space<vmem>> -> memref<128xi32, #tpu.memory_space<vmem>>
      %dma_start3A_743 = arith.constant 0 : i32
      %dma_start3A_744 = arith.constant 0 : i32
      %dma_start3A_745 = tpu.memref_slice %arg10[%dma_start3A_743, %dma_start3A_744] : memref<10128x16xf32, #tpu.memory_space<vmem_shared>> -> memref<10128x16xf32, #tpu.memory_space<vmem_shared>>
      tpu.enqueue_indirect_dma source(%dma_start3A_739 : memref<128x16xf32, #tpu.memory_space<vmem>>) target(%dma_start3A_745 : memref<10128x16xf32, #tpu.memory_space<vmem_shared>>) offsets(%dma_start3A_742 : memref<128xi32, #tpu.memory_space<vmem>>) semaphore(%arg14 : memref<!tpu.dma_semaphore, #tpu.memory_space<semaphore_mem>>) {add = true}
      %mul3A_746 = arith.constant 8 : i32
      %mul3A_747 = arith.muli %add3A_493, %mul3A_746 : i32
      %add3A_748 = arith.constant 7 : i32
      %add3A_749 = arith.addi %mul3A_747, %add3A_748 : i32
      %dma_start3A_750 = arith.constant 1 : i32
      %dma_start3A_751 = arith.constant 7 : i32
      %dma_start3A_752 = arith.constant 0 : i32
      %dma_start3A_753 = arith.constant 0 : i32
      %dma_start3A_754 = tpu.memref_slice %arg8[%dma_start3A_750, %dma_start3A_751, %dma_start3A_752, %dma_start3A_753] : memref<2x8x128x16xf32, #tpu.memory_space<vmem>> -> memref<1x1x128x16xf32, #tpu.memory_space<vmem>>
      %dma_start3A_755 = tpu.memref_squeeze %dma_start3A_754 : memref<1x1x128x16xf32, #tpu.memory_space<vmem>> -> memref<128x16xf32, #tpu.memory_space<vmem>>
      %dma_start3A_756 = arith.constant 0 : i32
      %dma_start3A_757 = tpu.memref_slice %arg7[%add3A_749, %dma_start3A_756] : memref<80x128xi32, #tpu.memory_space<vmem>> -> memref<1x128xi32, #tpu.memory_space<vmem>>
      %dma_start3A_758 = tpu.memref_squeeze %dma_start3A_757 : memref<1x128xi32, #tpu.memory_space<vmem>> -> memref<128xi32, #tpu.memory_space<vmem>>
      %dma_start3A_759 = arith.constant 0 : i32
      %dma_start3A_760 = arith.constant 0 : i32
      %dma_start3A_761 = tpu.memref_slice %arg10[%dma_start3A_759, %dma_start3A_760] : memref<10128x16xf32, #tpu.memory_space<vmem_shared>> -> memref<10128x16xf32, #tpu.memory_space<vmem_shared>>
      tpu.enqueue_indirect_dma source(%dma_start3A_755 : memref<128x16xf32, #tpu.memory_space<vmem>>) target(%dma_start3A_761 : memref<10128x16xf32, #tpu.memory_space<vmem_shared>>) offsets(%dma_start3A_758 : memref<128xi32, #tpu.memory_space<vmem>>) semaphore(%arg14 : memref<!tpu.dma_semaphore, #tpu.memory_space<semaphore_mem>>) {add = true}
      %scan3A_762 = arith.constant 0 : i32
      scf.yield %scan3A_762 : i32
    }
    %scan3A_113 = arith.constant 5 : i32
    %dma_wait3A = arith.constant 1 : i32
    %dma_wait3A_114 = arith.constant 0 : i32
    %dma_wait3A_115 = arith.constant 72 : i32
    %dma_wait3A_116 = arith.constant 0 : i32
    %dma_wait3A_117 = arith.constant 0 : i32
    %dma_wait3A_118 = tpu.memref_slice %arg8[%dma_wait3A, %dma_wait3A_114, %dma_wait3A_116, %dma_wait3A_117] : memref<2x8x128x16xf32, #tpu.memory_space<vmem>> -> memref<1x1x128x16xf32, #tpu.memory_space<vmem>>
    %dma_wait3A_119 = tpu.memref_squeeze %dma_wait3A_118 : memref<1x1x128x16xf32, #tpu.memory_space<vmem>> -> memref<128x16xf32, #tpu.memory_space<vmem>>
    %dma_wait3A_120 = arith.constant 0 : i32
    %dma_wait3A_121 = tpu.memref_slice %arg7[%dma_wait3A_115, %dma_wait3A_120] : memref<80x128xi32, #tpu.memory_space<vmem>> -> memref<1x128xi32, #tpu.memory_space<vmem>>
    %dma_wait3A_122 = tpu.memref_squeeze %dma_wait3A_121 : memref<1x128xi32, #tpu.memory_space<vmem>> -> memref<128xi32, #tpu.memory_space<vmem>>
    %dma_wait3A_123 = arith.constant 0 : i32
    %dma_wait3A_124 = arith.constant 0 : i32
    %dma_wait3A_125 = tpu.memref_slice %arg10[%dma_wait3A_123, %dma_wait3A_124] : memref<10128x16xf32, #tpu.memory_space<vmem_shared>> -> memref<10128x16xf32, #tpu.memory_space<vmem_shared>>
    tpu.wait_indirect_dma semaphore(%arg14 : memref<!tpu.dma_semaphore, #tpu.memory_space<semaphore_mem>>) src(%dma_wait3A_119 : memref<128x16xf32, #tpu.memory_space<vmem>>) dst(%dma_wait3A_125 : memref<10128x16xf32, #tpu.memory_space<vmem_shared>>)
    %dma_wait3A_126 = arith.constant 1 : i32
    %dma_wait3A_127 = arith.constant 1 : i32
    %dma_wait3A_128 = arith.constant 73 : i32
    %dma_wait3A_129 = arith.constant 0 : i32
    %dma_wait3A_130 = arith.constant 0 : i32
    %dma_wait3A_131 = tpu.memref_slice %arg8[%dma_wait3A_126, %dma_wait3A_127, %dma_wait3A_129, %dma_wait3A_130] : memref<2x8x128x16xf32, #tpu.memory_space<vmem>> -> memref<1x1x128x16xf32, #tpu.memory_space<vmem>>
    %dma_wait3A_132 = tpu.memref_squeeze %dma_wait3A_131 : memref<1x1x128x16xf32, #tpu.memory_space<vmem>> -> memref<128x16xf32, #tpu.memory_space<vmem>>
    %dma_wait3A_133 = arith.constant 0 : i32
    %dma_wait3A_134 = tpu.memref_slice %arg7[%dma_wait3A_128, %dma_wait3A_133] : memref<80x128xi32, #tpu.memory_space<vmem>> -> memref<1x128xi32, #tpu.memory_space<vmem>>
    %dma_wait3A_135 = tpu.memref_squeeze %dma_wait3A_134 : memref<1x128xi32, #tpu.memory_space<vmem>> -> memref<128xi32, #tpu.memory_space<vmem>>
    %dma_wait3A_136 = arith.constant 0 : i32
    %dma_wait3A_137 = arith.constant 0 : i32
    %dma_wait3A_138 = tpu.memref_slice %arg10[%dma_wait3A_136, %dma_wait3A_137] : memref<10128x16xf32, #tpu.memory_space<vmem_shared>> -> memref<10128x16xf32, #tpu.memory_space<vmem_shared>>
    tpu.wait_indirect_dma semaphore(%arg14 : memref<!tpu.dma_semaphore, #tpu.memory_space<semaphore_mem>>) src(%dma_wait3A_132 : memref<128x16xf32, #tpu.memory_space<vmem>>) dst(%dma_wait3A_138 : memref<10128x16xf32, #tpu.memory_space<vmem_shared>>)
    %dma_wait3A_139 = arith.constant 1 : i32
    %dma_wait3A_140 = arith.constant 2 : i32
    %dma_wait3A_141 = arith.constant 74 : i32
    %dma_wait3A_142 = arith.constant 0 : i32
    %dma_wait3A_143 = arith.constant 0 : i32
    %dma_wait3A_144 = tpu.memref_slice %arg8[%dma_wait3A_139, %dma_wait3A_140, %dma_wait3A_142, %dma_wait3A_143] : memref<2x8x128x16xf32, #tpu.memory_space<vmem>> -> memref<1x1x128x16xf32, #tpu.memory_space<vmem>>
    %dma_wait3A_145 = tpu.memref_squeeze %dma_wait3A_144 : memref<1x1x128x16xf32, #tpu.memory_space<vmem>> -> memref<128x16xf32, #tpu.memory_space<vmem>>
    %dma_wait3A_146 = arith.constant 0 : i32
    %dma_wait3A_147 = tpu.memref_slice %arg7[%dma_wait3A_141, %dma_wait3A_146] : memref<80x128xi32, #tpu.memory_space<vmem>> -> memref<1x128xi32, #tpu.memory_space<vmem>>
    %dma_wait3A_148 = tpu.memref_squeeze %dma_wait3A_147 : memref<1x128xi32, #tpu.memory_space<vmem>> -> memref<128xi32, #tpu.memory_space<vmem>>
    %dma_wait3A_149 = arith.constant 0 : i32
    %dma_wait3A_150 = arith.constant 0 : i32
    %dma_wait3A_151 = tpu.memref_slice %arg10[%dma_wait3A_149, %dma_wait3A_150] : memref<10128x16xf32, #tpu.memory_space<vmem_shared>> -> memref<10128x16xf32, #tpu.memory_space<vmem_shared>>
    tpu.wait_indirect_dma semaphore(%arg14 : memref<!tpu.dma_semaphore, #tpu.memory_space<semaphore_mem>>) src(%dma_wait3A_145 : memref<128x16xf32, #tpu.memory_space<vmem>>) dst(%dma_wait3A_151 : memref<10128x16xf32, #tpu.memory_space<vmem_shared>>)
    %dma_wait3A_152 = arith.constant 1 : i32
    %dma_wait3A_153 = arith.constant 3 : i32
    %dma_wait3A_154 = arith.constant 75 : i32
    %dma_wait3A_155 = arith.constant 0 : i32
    %dma_wait3A_156 = arith.constant 0 : i32
    %dma_wait3A_157 = tpu.memref_slice %arg8[%dma_wait3A_152, %dma_wait3A_153, %dma_wait3A_155, %dma_wait3A_156] : memref<2x8x128x16xf32, #tpu.memory_space<vmem>> -> memref<1x1x128x16xf32, #tpu.memory_space<vmem>>
    %dma_wait3A_158 = tpu.memref_squeeze %dma_wait3A_157 : memref<1x1x128x16xf32, #tpu.memory_space<vmem>> -> memref<128x16xf32, #tpu.memory_space<vmem>>
    %dma_wait3A_159 = arith.constant 0 : i32
    %dma_wait3A_160 = tpu.memref_slice %arg7[%dma_wait3A_154, %dma_wait3A_159] : memref<80x128xi32, #tpu.memory_space<vmem>> -> memref<1x128xi32, #tpu.memory_space<vmem>>
    %dma_wait3A_161 = tpu.memref_squeeze %dma_wait3A_160 : memref<1x128xi32, #tpu.memory_space<vmem>> -> memref<128xi32, #tpu.memory_space<vmem>>
    %dma_wait3A_162 = arith.constant 0 : i32
    %dma_wait3A_163 = arith.constant 0 : i32
    %dma_wait3A_164 = tpu.memref_slice %arg10[%dma_wait3A_162, %dma_wait3A_163] : memref<10128x16xf32, #tpu.memory_space<vmem_shared>> -> memref<10128x16xf32, #tpu.memory_space<vmem_shared>>
    tpu.wait_indirect_dma semaphore(%arg14 : memref<!tpu.dma_semaphore, #tpu.memory_space<semaphore_mem>>) src(%dma_wait3A_158 : memref<128x16xf32, #tpu.memory_space<vmem>>) dst(%dma_wait3A_164 : memref<10128x16xf32, #tpu.memory_space<vmem_shared>>)
    %dma_wait3A_165 = arith.constant 1 : i32
    %dma_wait3A_166 = arith.constant 4 : i32
    %dma_wait3A_167 = arith.constant 76 : i32
    %dma_wait3A_168 = arith.constant 0 : i32
    %dma_wait3A_169 = arith.constant 0 : i32
    %dma_wait3A_170 = tpu.memref_slice %arg8[%dma_wait3A_165, %dma_wait3A_166, %dma_wait3A_168, %dma_wait3A_169] : memref<2x8x128x16xf32, #tpu.memory_space<vmem>> -> memref<1x1x128x16xf32, #tpu.memory_space<vmem>>
    %dma_wait3A_171 = tpu.memref_squeeze %dma_wait3A_170 : memref<1x1x128x16xf32, #tpu.memory_space<vmem>> -> memref<128x16xf32, #tpu.memory_space<vmem>>
    %dma_wait3A_172 = arith.constant 0 : i32
    %dma_wait3A_173 = tpu.memref_slice %arg7[%dma_wait3A_167, %dma_wait3A_172] : memref<80x128xi32, #tpu.memory_space<vmem>> -> memref<1x128xi32, #tpu.memory_space<vmem>>
    %dma_wait3A_174 = tpu.memref_squeeze %dma_wait3A_173 : memref<1x128xi32, #tpu.memory_space<vmem>> -> memref<128xi32, #tpu.memory_space<vmem>>
    %dma_wait3A_175 = arith.constant 0 : i32
    %dma_wait3A_176 = arith.constant 0 : i32
    %dma_wait3A_177 = tpu.memref_slice %arg10[%dma_wait3A_175, %dma_wait3A_176] : memref<10128x16xf32, #tpu.memory_space<vmem_shared>> -> memref<10128x16xf32, #tpu.memory_space<vmem_shared>>
    tpu.wait_indirect_dma semaphore(%arg14 : memref<!tpu.dma_semaphore, #tpu.memory_space<semaphore_mem>>) src(%dma_wait3A_171 : memref<128x16xf32, #tpu.memory_space<vmem>>) dst(%dma_wait3A_177 : memref<10128x16xf32, #tpu.memory_space<vmem_shared>>)
    %dma_wait3A_178 = arith.constant 1 : i32
    %dma_wait3A_179 = arith.constant 5 : i32
    %dma_wait3A_180 = arith.constant 77 : i32
    %dma_wait3A_181 = arith.constant 0 : i32
    %dma_wait3A_182 = arith.constant 0 : i32
    %dma_wait3A_183 = tpu.memref_slice %arg8[%dma_wait3A_178, %dma_wait3A_179, %dma_wait3A_181, %dma_wait3A_182] : memref<2x8x128x16xf32, #tpu.memory_space<vmem>> -> memref<1x1x128x16xf32, #tpu.memory_space<vmem>>
    %dma_wait3A_184 = tpu.memref_squeeze %dma_wait3A_183 : memref<1x1x128x16xf32, #tpu.memory_space<vmem>> -> memref<128x16xf32, #tpu.memory_space<vmem>>
    %dma_wait3A_185 = arith.constant 0 : i32
    %dma_wait3A_186 = tpu.memref_slice %arg7[%dma_wait3A_180, %dma_wait3A_185] : memref<80x128xi32, #tpu.memory_space<vmem>> -> memref<1x128xi32, #tpu.memory_space<vmem>>
    %dma_wait3A_187 = tpu.memref_squeeze %dma_wait3A_186 : memref<1x128xi32, #tpu.memory_space<vmem>> -> memref<128xi32, #tpu.memory_space<vmem>>
    %dma_wait3A_188 = arith.constant 0 : i32
    %dma_wait3A_189 = arith.constant 0 : i32
    %dma_wait3A_190 = tpu.memref_slice %arg10[%dma_wait3A_188, %dma_wait3A_189] : memref<10128x16xf32, #tpu.memory_space<vmem_shared>> -> memref<10128x16xf32, #tpu.memory_space<vmem_shared>>
    tpu.wait_indirect_dma semaphore(%arg14 : memref<!tpu.dma_semaphore, #tpu.memory_space<semaphore_mem>>) src(%dma_wait3A_184 : memref<128x16xf32, #tpu.memory_space<vmem>>) dst(%dma_wait3A_190 : memref<10128x16xf32, #tpu.memory_space<vmem_shared>>)
    %dma_wait3A_191 = arith.constant 1 : i32
    %dma_wait3A_192 = arith.constant 6 : i32
    %dma_wait3A_193 = arith.constant 78 : i32
    %dma_wait3A_194 = arith.constant 0 : i32
    %dma_wait3A_195 = arith.constant 0 : i32
    %dma_wait3A_196 = tpu.memref_slice %arg8[%dma_wait3A_191, %dma_wait3A_192, %dma_wait3A_194, %dma_wait3A_195] : memref<2x8x128x16xf32, #tpu.memory_space<vmem>> -> memref<1x1x128x16xf32, #tpu.memory_space<vmem>>
    %dma_wait3A_197 = tpu.memref_squeeze %dma_wait3A_196 : memref<1x1x128x16xf32, #tpu.memory_space<vmem>> -> memref<128x16xf32, #tpu.memory_space<vmem>>
    %dma_wait3A_198 = arith.constant 0 : i32
    %dma_wait3A_199 = tpu.memref_slice %arg7[%dma_wait3A_193, %dma_wait3A_198] : memref<80x128xi32, #tpu.memory_space<vmem>> -> memref<1x128xi32, #tpu.memory_space<vmem>>
    %dma_wait3A_200 = tpu.memref_squeeze %dma_wait3A_199 : memref<1x128xi32, #tpu.memory_space<vmem>> -> memref<128xi32, #tpu.memory_space<vmem>>
    %dma_wait3A_201 = arith.constant 0 : i32
    %dma_wait3A_202 = arith.constant 0 : i32
    %dma_wait3A_203 = tpu.memref_slice %arg10[%dma_wait3A_201, %dma_wait3A_202] : memref<10128x16xf32, #tpu.memory_space<vmem_shared>> -> memref<10128x16xf32, #tpu.memory_space<vmem_shared>>
    tpu.wait_indirect_dma semaphore(%arg14 : memref<!tpu.dma_semaphore, #tpu.memory_space<semaphore_mem>>) src(%dma_wait3A_197 : memref<128x16xf32, #tpu.memory_space<vmem>>) dst(%dma_wait3A_203 : memref<10128x16xf32, #tpu.memory_space<vmem_shared>>)
    %dma_wait3A_204 = arith.constant 1 : i32
    %dma_wait3A_205 = arith.constant 7 : i32
    %dma_wait3A_206 = arith.constant 79 : i32
    %dma_wait3A_207 = arith.constant 0 : i32
    %dma_wait3A_208 = arith.constant 0 : i32
    %dma_wait3A_209 = tpu.memref_slice %arg8[%dma_wait3A_204, %dma_wait3A_205, %dma_wait3A_207, %dma_wait3A_208] : memref<2x8x128x16xf32, #tpu.memory_space<vmem>> -> memref<1x1x128x16xf32, #tpu.memory_space<vmem>>
    %dma_wait3A_210 = tpu.memref_squeeze %dma_wait3A_209 : memref<1x1x128x16xf32, #tpu.memory_space<vmem>> -> memref<128x16xf32, #tpu.memory_space<vmem>>
    %dma_wait3A_211 = arith.constant 0 : i32
    %dma_wait3A_212 = tpu.memref_slice %arg7[%dma_wait3A_206, %dma_wait3A_211] : memref<80x128xi32, #tpu.memory_space<vmem>> -> memref<1x128xi32, #tpu.memory_space<vmem>>
    %dma_wait3A_213 = tpu.memref_squeeze %dma_wait3A_212 : memref<1x128xi32, #tpu.memory_space<vmem>> -> memref<128xi32, #tpu.memory_space<vmem>>
    %dma_wait3A_214 = arith.constant 0 : i32
    %dma_wait3A_215 = arith.constant 0 : i32
    %dma_wait3A_216 = tpu.memref_slice %arg10[%dma_wait3A_214, %dma_wait3A_215] : memref<10128x16xf32, #tpu.memory_space<vmem_shared>> -> memref<10128x16xf32, #tpu.memory_space<vmem_shared>>
    tpu.wait_indirect_dma semaphore(%arg14 : memref<!tpu.dma_semaphore, #tpu.memory_space<semaphore_mem>>) src(%dma_wait3A_210 : memref<128x16xf32, #tpu.memory_space<vmem>>) dst(%dma_wait3A_216 : memref<10128x16xf32, #tpu.memory_space<vmem_shared>>)
    %barrier3A_217 = arith.constant 0 : index
    tpu.barrier barrier_id(%barrier3A_217)
    %mul3A_218 = arith.constant 625 : i32
    %mul3A_219 = arith.muli %arg1, %mul3A_218 : i32
    %mul3A_220 = arith.constant 625 : i32
    %mul3A_221 = arith.muli %arg1, %mul3A_220 : i32
    "tpu.region"() ({
      %run_scoped3A = tpu.sem_alloc : memref<!tpu.dma_semaphore, #tpu.memory_space<semaphore_mem>>
      %dma_start3A_222 = arith.constant 0 : i32
      %dma_start3A_223 = tpu.memref_slice %arg5[%arg0, %mul3A_221, %dma_start3A_222] : memref<2x10000x16xf32, #tpu.memory_space<hbm>> -> memref<1x625x16xf32, #tpu.memory_space<hbm>>
      %dma_start3A_224 = tpu.memref_squeeze %dma_start3A_223 : memref<1x625x16xf32, #tpu.memory_space<hbm>> -> memref<625x16xf32, #tpu.memory_space<hbm>>
      %dma_start3A_225 = arith.constant 0 : i32
      %dma_start3A_226 = tpu.memref_slice %arg10[%mul3A_219, %dma_start3A_225] : memref<10128x16xf32, #tpu.memory_space<vmem_shared>> -> memref<625x16xf32, #tpu.memory_space<vmem_shared>>
      tpu.enqueue_dma source(%dma_start3A_226 : memref<625x16xf32, #tpu.memory_space<vmem_shared>>) target(%dma_start3A_224 : memref<625x16xf32, #tpu.memory_space<hbm>>) target_semaphore(%run_scoped3A : memref<!tpu.dma_semaphore, #tpu.memory_space<semaphore_mem>>)
      %dma_wait3A_227 = arith.constant 0 : i32
      %dma_wait3A_228 = tpu.memref_slice %arg5[%arg0, %mul3A_221, %dma_wait3A_227] : memref<2x10000x16xf32, #tpu.memory_space<hbm>> -> memref<1x625x16xf32, #tpu.memory_space<hbm>>
      %dma_wait3A_229 = tpu.memref_squeeze %dma_wait3A_228 : memref<1x625x16xf32, #tpu.memory_space<hbm>> -> memref<625x16xf32, #tpu.memory_space<hbm>>
      %dma_wait3A_230 = arith.constant 0 : i32
      %dma_wait3A_231 = tpu.memref_slice %arg10[%mul3A_219, %dma_wait3A_230] : memref<10128x16xf32, #tpu.memory_space<vmem_shared>> -> memref<625x16xf32, #tpu.memory_space<vmem_shared>>
      tpu.wait_dma2 semaphore(%run_scoped3A : memref<!tpu.dma_semaphore, #tpu.memory_space<semaphore_mem>>) src(%dma_wait3A_231 : memref<625x16xf32, #tpu.memory_space<vmem_shared>>) dst(%dma_wait3A_229 : memref<625x16xf32, #tpu.memory_space<hbm>>)
      tpu.yield
    }) : () -> ()
    return
  }
}

module attributes {stable_mosaic.version = 14 : i64} {
  func.func @_dense1_body(%arg0: memref<1250x1024xf32, #tpu.memory_space<vmem>>, %arg1: memref<1024x128xf32, #tpu.memory_space<vmem>>, %arg2: memref<2x1250x128xf32, #tpu.memory_space<vmem>>, %arg3: memref<1250x128xf32, #tpu.memory_space<vmem>>, %arg4: memref<1250x128xf32, #tpu.memory_space<vmem>>) attributes {dimension_semantics = [], scalar_prefetch = 0 : i64, scratch_operands = 0 : i64, tpu.core_type = #tpu.core_type<tc>} {
    %get3A = arith.constant 0 : index
    %get3A_0 = arith.constant 0 : index
    %get3A_1 = arith.constant 0 : index
    %get3A_2 = vector.load %arg2[%get3A, %get3A_0, %get3A_1] : memref<2x1250x128xf32, #tpu.memory_space<vmem>>, vector<1x1250x128xf32>
    %get3A_3 = vector.shape_cast %get3A_2 : vector<1x1250x128xf32> to vector<1250x128xf32>
    %get3A_4 = arith.constant 1 : index
    %get3A_5 = arith.constant 0 : index
    %get3A_6 = arith.constant 0 : index
    %get3A_7 = vector.load %arg2[%get3A_4, %get3A_5, %get3A_6] : memref<2x1250x128xf32, #tpu.memory_space<vmem>>, vector<1x1250x128xf32>
    %get3A_8 = vector.shape_cast %get3A_7 : vector<1x1250x128xf32> to vector<1250x128xf32>
    %add3A = arith.addf %get3A_3, %get3A_8 : vector<1250x128xf32>
    %sub3A = arith.constant 1.000000e+00 : f32
    %sub3A_9 = vector.broadcast %sub3A : f32 to vector<1250x128xf32>
    %sub3A_10 = arith.subf %add3A, %sub3A_9 : vector<1250x128xf32>
    %rsqrt3A = math.rsqrt %sub3A_10 : vector<1250x128xf32>
    %get3A_11 = arith.constant 0 : index
    %get3A_12 = arith.constant 0 : index
    %get3A_13 = vector.load %arg0[%get3A_11, %get3A_12] : memref<1250x1024xf32, #tpu.memory_space<vmem>>, vector<1250x1024xf32>
    %get3A_14 = arith.constant 0 : index
    %get3A_15 = arith.constant 0 : index
    %get3A_16 = vector.load %arg1[%get3A_14, %get3A_15] : memref<1024x128xf32, #tpu.memory_space<vmem>>, vector<1024x128xf32>
    %dot_general3A = arith.constant dense<0.000000e+00> : vector<1250x128xf32>
    %dot_general3A_17 = tpu.matmul %get3A_13, %get3A_16, %dot_general3A {dimension_numbers = #tpu.dot_dimension_numbers<[1], [0], [0], [1], [0, 0, 1, 1], [], []>, transpose_lhs_hint = false} : vector<1250x1024xf32>, vector<1024x128xf32>, vector<1250x128xf32> -> vector<1250x128xf32>
    %swap3A = arith.constant 0 : index
    %swap3A_18 = arith.constant 0 : index
    %swap3A_19 = vector.load %arg3[%swap3A, %swap3A_18] : memref<1250x128xf32, #tpu.memory_space<vmem>>, vector<1250x128xf32>
    tpu.vector_store %arg3[%swap3A, %swap3A_18], %rsqrt3A {strides = array<i32>} : memref<1250x128xf32, #tpu.memory_space<vmem>>, vector<1250x128xf32>,
    %mul3A = arith.mulf %dot_general3A_17, %rsqrt3A : vector<1250x128xf32>
    %swap3A_20 = arith.constant 0 : index
    %swap3A_21 = arith.constant 0 : index
    %swap3A_22 = vector.load %arg4[%swap3A_20, %swap3A_21] : memref<1250x128xf32, #tpu.memory_space<vmem>>, vector<1250x128xf32>
    tpu.vector_store %arg4[%swap3A_20, %swap3A_21], %mul3A {strides = array<i32>} : memref<1250x128xf32, #tpu.memory_space<vmem>>, vector<1250x128xf32>,
    return
  }
}

module attributes {stable_mosaic.version = 14 : i64} {
  func.func @_dense2_body(%arg0: memref<2x1250x128xf32, #tpu.memory_space<vmem>>, %arg1: memref<1250x128xf32, #tpu.memory_space<vmem>>, %arg2: memref<1250x128xf32, #tpu.memory_space<vmem>>, %arg3: memref<1x128xf32, #tpu.memory_space<vmem>>, %arg4: memref<128x128xf32, #tpu.memory_space<vmem>>, %arg5: memref<1250x128xf32, #tpu.memory_space<vmem>>) attributes {dimension_semantics = [], scalar_prefetch = 0 : i64, scratch_operands = 0 : i64, tpu.core_type = #tpu.core_type<tc>} {
    %get3A = arith.constant 0 : index
    %get3A_0 = arith.constant 0 : index
    %get3A_1 = arith.constant 0 : index
    %get3A_2 = vector.load %arg0[%get3A, %get3A_0, %get3A_1] : memref<2x1250x128xf32, #tpu.memory_space<vmem>>, vector<1x1250x128xf32>
    %get3A_3 = vector.shape_cast %get3A_2 : vector<1x1250x128xf32> to vector<1250x128xf32>
    %get3A_4 = arith.constant 1 : index
    %get3A_5 = arith.constant 0 : index
    %get3A_6 = arith.constant 0 : index
    %get3A_7 = vector.load %arg0[%get3A_4, %get3A_5, %get3A_6] : memref<2x1250x128xf32, #tpu.memory_space<vmem>>, vector<1x1250x128xf32>
    %get3A_8 = vector.shape_cast %get3A_7 : vector<1x1250x128xf32> to vector<1250x128xf32>
    %add3A = arith.addf %get3A_3, %get3A_8 : vector<1250x128xf32>
    %get3A_9 = arith.constant 0 : index
    %get3A_10 = arith.constant 0 : index
    %get3A_11 = vector.load %arg1[%get3A_9, %get3A_10] : memref<1250x128xf32, #tpu.memory_space<vmem>>, vector<1250x128xf32>
    %sub3A = arith.subf %add3A, %get3A_11 : vector<1250x128xf32>
    %get3A_12 = arith.constant 0 : index
    %get3A_13 = arith.constant 0 : index
    %get3A_14 = vector.load %arg2[%get3A_12, %get3A_13] : memref<1250x128xf32, #tpu.memory_space<vmem>>, vector<1250x128xf32>
    %mul3A = arith.mulf %get3A_14, %sub3A : vector<1250x128xf32>
    %get3A_15 = arith.constant 0 : index
    %get3A_16 = arith.constant 0 : index
    %get3A_17 = vector.load %arg3[%get3A_15, %get3A_16] : memref<1x128xf32, #tpu.memory_space<vmem>>, vector<1x128xf32>
    %add3A_18 = vector.broadcast %get3A_17 : vector<1x128xf32> to vector<1250x128xf32>
    %add3A_19 = arith.addf %mul3A, %add3A_18 : vector<1250x128xf32>
    %max3A = arith.constant 0.000000e+00 : f32
    %max3A_20 = vector.broadcast %max3A : f32 to vector<1250x128xf32>
    %max3A_21 = arith.maximumf %add3A_19, %max3A_20 : vector<1250x128xf32>
    %get3A_22 = arith.constant 0 : index
    %get3A_23 = arith.constant 0 : index
    %get3A_24 = vector.load %arg4[%get3A_22, %get3A_23] : memref<128x128xf32, #tpu.memory_space<vmem>>, vector<128x128xf32>
    %dot_general3A = arith.constant dense<0.000000e+00> : vector<1250x128xf32>
    %dot_general3A_25 = tpu.matmul %max3A_21, %get3A_24, %dot_general3A {dimension_numbers = #tpu.dot_dimension_numbers<[1], [0], [0], [1], [0, 0, 1, 1], [], []>, transpose_lhs_hint = false} : vector<1250x128xf32>, vector<128x128xf32>, vector<1250x128xf32> -> vector<1250x128xf32>
    %get3A_26 = arith.constant 0 : index
    %get3A_27 = arith.constant 0 : index
    %get3A_28 = vector.load %arg2[%get3A_26, %get3A_27] : memref<1250x128xf32, #tpu.memory_space<vmem>>, vector<1250x128xf32>
    %mul3A_29 = arith.mulf %dot_general3A_25, %get3A_28 : vector<1250x128xf32>
    %swap3A = arith.constant 0 : index
    %swap3A_30 = arith.constant 0 : index
    %swap3A_31 = vector.load %arg5[%swap3A, %swap3A_30] : memref<1250x128xf32, #tpu.memory_space<vmem>>, vector<1250x128xf32>
    tpu.vector_store %arg5[%swap3A, %swap3A_30], %mul3A_29 {strides = array<i32>} : memref<1250x128xf32, #tpu.memory_space<vmem>>, vector<1250x128xf32>,
    return
  }
}

module attributes {stable_mosaic.version = 14 : i64} {
  func.func @_dense3_body(%arg0: memref<2x1250x128xf32, #tpu.memory_space<vmem>>, %arg1: memref<1250x128xf32, #tpu.memory_space<vmem>>, %arg2: memref<1250x128xf32, #tpu.memory_space<vmem>>, %arg3: memref<1x8xf32, #tpu.memory_space<vmem>>, %arg4: memref<1250x64xf32, #tpu.memory_space<vmem>>) attributes {dimension_semantics = [], scalar_prefetch = 0 : i64, scratch_operands = 0 : i64, tpu.core_type = #tpu.core_type<tc>} {
    %get3A = arith.constant 0 : index
    %get3A_0 = arith.constant 0 : index
    %get3A_1 = vector.load %arg2[%get3A, %get3A_0] : memref<1250x128xf32, #tpu.memory_space<vmem>>, vector<1250x128xf32>
    %get3A_2 = arith.constant 0 : index
    %get3A_3 = arith.constant 0 : index
    %get3A_4 = arith.constant 0 : index
    %get3A_5 = vector.load %arg0[%get3A_2, %get3A_3, %get3A_4] : memref<2x1250x128xf32, #tpu.memory_space<vmem>>, vector<1x1250x128xf32>
    %get3A_6 = vector.shape_cast %get3A_5 : vector<1x1250x128xf32> to vector<1250x128xf32>
    %get3A_7 = arith.constant 1 : index
    %get3A_8 = arith.constant 0 : index
    %get3A_9 = arith.constant 0 : index
    %get3A_10 = vector.load %arg0[%get3A_7, %get3A_8, %get3A_9] : memref<2x1250x128xf32, #tpu.memory_space<vmem>>, vector<1x1250x128xf32>
    %get3A_11 = vector.shape_cast %get3A_10 : vector<1x1250x128xf32> to vector<1250x128xf32>
    %add3A = arith.addf %get3A_6, %get3A_11 : vector<1250x128xf32>
    %get3A_12 = arith.constant 0 : index
    %get3A_13 = arith.constant 0 : index
    %get3A_14 = vector.load %arg1[%get3A_12, %get3A_13] : memref<1250x128xf32, #tpu.memory_space<vmem>>, vector<1250x128xf32>
    %sub3A = arith.subf %add3A, %get3A_14 : vector<1250x128xf32>
    %mul3A = arith.mulf %get3A_1, %sub3A : vector<1250x128xf32>
    %reshape3A = vector.shape_cast %mul3A : vector<1250x128xf32> to vector<1250x8x16xf32>
    %slice3A = vector.extract_strided_slice %reshape3A {offsets = [0, 0, 0], sizes = [1250, 8, 8], strides = [1, 1, 1]} : vector<1250x8x16xf32> to vector<1250x8x8xf32>
    %get3A_15 = arith.constant 0 : index
    %get3A_16 = arith.constant 0 : index
    %get3A_17 = vector.load %arg3[%get3A_15, %get3A_16] : memref<1x8xf32, #tpu.memory_space<vmem>>, vector<1x8xf32>
    %reshape3A_18 = vector.shape_cast %get3A_17 : vector<1x8xf32> to vector<1x1x8xf32>
    %add3A_19 = vector.broadcast %reshape3A_18 : vector<1x1x8xf32> to vector<1250x8x8xf32>
    %add3A_20 = arith.addf %slice3A, %add3A_19 : vector<1250x8x8xf32>
    %reduce_max3A = arith.constant dense<0xFF800000> : vector<1250x8xf32>
    %reduce_max3A_21 = vector.multi_reduction <maximumf>, %add3A_20, %reduce_max3A [2] : vector<1250x8x8xf32> to vector<1250x8xf32>
    %broadcast_in_dim3A = vector.shape_cast %reduce_max3A_21 : vector<1250x8xf32> to vector<1250x8x1xf32>
    %sub3A_22 = vector.broadcast %broadcast_in_dim3A : vector<1250x8x1xf32> to vector<1250x8x8xf32>
    %sub3A_23 = arith.subf %add3A_20, %sub3A_22 : vector<1250x8x8xf32>
    %exp3A = math.exp %sub3A_23 : vector<1250x8x8xf32>
    %reduce_sum3A = arith.constant dense<0.000000e+00> : vector<1250x8xf32>
    %reduce_sum3A_24 = vector.multi_reduction <add>, %exp3A, %reduce_sum3A [2] : vector<1250x8x8xf32> to vector<1250x8xf32>
    %broadcast_in_dim3A_25 = vector.shape_cast %reduce_sum3A_24 : vector<1250x8xf32> to vector<1250x8x1xf32>
    %log3A = math.log %broadcast_in_dim3A_25 : vector<1250x8x1xf32>
    %add3A_26 = arith.addf %log3A, %broadcast_in_dim3A : vector<1250x8x1xf32>
    %sub3A_27 = vector.broadcast %add3A_26 : vector<1250x8x1xf32> to vector<1250x8x8xf32>
    %sub3A_28 = arith.subf %add3A_20, %sub3A_27 : vector<1250x8x8xf32>
    %reshape3A_29 = vector.shape_cast %sub3A_28 : vector<1250x8x8xf32> to vector<1250x64xf32>
    %swap3A = arith.constant 0 : index
    %swap3A_30 = arith.constant 0 : index
    %swap3A_31 = vector.load %arg4[%swap3A, %swap3A_30] : memref<1250x64xf32, #tpu.memory_space<vmem>>, vector<1250x64xf32>
    tpu.vector_store %arg4[%swap3A, %swap3A_30], %reshape3A_29 {strides = array<i32>} : memref<1250x64xf32, #tpu.memory_space<vmem>>, vector<1250x64xf32>,
    return
  }
}

</mosaic_0001>

<sc_bundles>
// kernel: kernel.11.cloned.1.call-start
scs
__scs_entry_jumppad:
0x0: {  	(pc) =	sbr.rel $0x88, $3  }
0x1: {  	(tag) =	ssettag $0x0;
	lr =	simm.s32 $0x1  }
0x2: {  	[smem:$0x3F9B] =	sst lr;
	_ =	strace $0xD0000000  }
0x3: {  	_ = 	snop  }
0x4: {  	_ = 	snop  }
0x5: {  	_ = 	snop  }
0x6: {  	_ = 	snop  }
0x7: {  	_ = 	snop  }
__scs_overlays_trampoline_lowered:
0x8: {  	[smem:$0x3FAA] =	sst s0  }
0x9: {  	[smem:$0x3FAB] =	sst s1  }
0xa: {  	[smem:$0x3FAC] =	sst s2  }
0xb: {  	[smem:$0x3FAD] =	sst s3  }
0xc: {  	[smem:$0x3FAE] =	sst s4  }
0xd: {  	[smem:$0x3FAF] =	sst s5  }
0xe: {  	[smem:$0x3FB0] =	sst s6  }
0xf: {  	[smem:$0x3FB1] =	sst s7  }
0x10: {  	[smem:$0x3FB2] =	sst s8  }
0x11: {  	[smem:$0x3FB3] =	sst s9;
	s0 =	simm.s32 @!p0 $0x0  }
0x12: {  	s1 =	sld [smem:$0x3F99];
	s0 =	simm.s32 @p0 $0x1  }
0x13: {  	[smem:$0x3FB4] =	sst s0;
	s0 =	simm.s32 @!p1 $0x0  }
0x14: {  	s2 =	sld [smem:$0x3F98];
	s0 =	simm.s32 @p1 $0x1  }
0x15: {  	[smem:$0x3FB5] =	sst s0;
	s0 =	simm.s32 @!p2 $0x0  }
0x16: {  	s3 =	sld [smem:$0x3FDB];
	s0 =	simm.s32 @p2 $0x1  }
0x17: {  	s4 =	simm.s32 $0x1BF5;
	[smem:$0x3FB7] =	sst s0  }
0x18: {  	s0 =	sld [smem:$0x3F9A];
	_ =	swait.ge [sflag:s4], $0x0  }
0x19: {  	s7 =	sld [smem:$0x3F9B]  }
0x1a: {  	s8 =	sadd.s32 $0xFFFFE003, lr  }
0x1b: {  	s9 =	sadd.s32 $0xFFFFFEF7, lr;
	s5 =	simm.s32 $0xFFFFFFFF;
	p2 =	slt.u32 s8, $0xFFFFF086  }
0x1c: {  	p1 =	slt.u32 s9, $0xF7A;
	s5 =	simm.s32 @!p2 $0x0  }
0x1d: {  	s5 =	simm.s32 @p1 $0x1;
	p0 =	seq.s32 s7, s2  }
0x1e: {  	s7 =	smul.u32 @!p0 $0xF7A, s2;
	p2 =	seq.s32 @!p0 s5, $0x0  }
0x1f: {  	s9 =	smul.u32 $0xF7A, s1;
	s8 =	simm.s32 @!p0 $0x1BF5;
	p2 =	por !p2, p0  }
0x20: {  	[sflag:s8] =	ssyncset.s32 @!p0 $0xFFFFF086;
	s6 =	sadd.s32 @!p0 s3, s7;
	s7 =	simm.s32 @!p0 $0x108  }
0x21: {  	s3 =	sadd.s32 s3, s9;
	s6 =	sadd.s32 @!p0 $0x88, s6;
	s7 =	simm.s32 @p2 $0x1082  }
0x22: {  	[simem:s7], [sflag:s8] =	dma.local @!p0 [hbm:s6], $0xF7A  }
0x23: {  	s9 =	sor.u32 $0xD0000000, s2;
	s6 =	simm.s32 $0x108;
	_ =	swait.ge @!p0 [sflag:s8], $0x0  }
0x24: {  	s3 =	sadd.s32 $0x88, s3;
	s6 =	simm.s32 @!p1 $0x1082;
	[sflag:s4] =	ssyncset.s32 $0xFFFFF086  }
0x25: {  	[simem:s6], [sflag:s4] =	dma.local [hbm:s3], $0xF7A  }
0x26: {  	[smem:$0x3F9B] =	sst s1;
	(tag) =	ssettag s2;
	_ =	strace s9  }
0x27: {  	s1 =	sld [smem:$0x3FAB]  }
0x28: {  	s2 =	sld [smem:$0x3FAC]  }
0x29: {  	s4 =	sld [smem:$0x3FAE]  }
0x2a: {  	p0 =	seq.s32 s5, $0x0;
	s5 =	sld [smem:$0x3FAF]  }
0x2b: {  	s6 =	sld [smem:$0x3FB0]  }
0x2c: {  	s7 =	sld [smem:$0x3FB1]  }
0x2d: {  	s3 =	simm.s32 $0x108;
	s8 =	sld [smem:$0x3FB2]  }
0x2e: {  	s3 =	simm.s32 @!p0 $0x1082;
	s9 =	sld [smem:$0x3FB3]  }
0x2f: {  	lr =	sadd.s32 s0, s3;
	s0 =	sld [smem:$0x3FAA]  }
0x30: {  	s3 =	sld [smem:$0x3FAD]  }
0x31: {  	[smem:$0x3FB6] =	sst s10  }
0x32: {  	s10 =	sld [smem:$0x3FB4];
	_ =	sdelay $0x3  }
0x33: {  	p0 =	seq.s32 s10, $0x1;
	s10 =	sld [smem:$0x3FB6];
	_ =	sdelay $0x3  }
0x34: {  	[smem:$0x3FB6] =	sst s10  }
0x35: {  	s10 =	sld [smem:$0x3FB5];
	_ =	sdelay $0x3  }
0x36: {  	p1 =	seq.s32 s10, $0x1;
	s10 =	sld [smem:$0x3FB6];
	_ =	sdelay $0x3  }
0x37: {  	[smem:$0x3FB6] =	sst s10  }
0x38: {  	s10 =	sld [smem:$0x3FB7]  }
0x39: {  	_ = 	snop;
	(pc) =	sbr.ind lr, $3  }
0x3a: {  	_ = 	snop  }
0x3b: {  	_ = 	snop  }
0x3c: {  	p2 =	seq.s32 s10, $0x1;
	s10 =	sld [smem:$0x3FB6]  }
0x3d: {  	_ =	shalt  }
0x3e: {  	_ =	shalt  }
0x3f: {  	_ =	shalt  }
0x40: {  	_ =	shalt  }
0x41: {  	_ =	shalt  }
0x42: {  	_ =	shalt  }
0x43: {  	_ =	shalt  }
0x44: {  	_ =	shalt  }
0x45: {  	_ =	shalt  }
0x46: {  	_ =	shalt  }
0x47: {  	_ =	shalt  }
0x48: {  	_ =	shalt  }
0x49: {  	_ =	shalt  }
0x4a: {  	_ =	shalt  }
0x4b: {  	_ =	shalt  }
0x4c: {  	_ =	shalt  }
0x4d: {  	_ =	shalt  }
0x4e: {  	_ =	shalt  }
0x4f: {  	_ =	shalt  }
0x50: {  	_ =	shalt  }
0x51: {  	_ =	shalt  }
0x52: {  	_ =	shalt  }
0x53: {  	_ =	shalt  }
0x54: {  	_ =	shalt  }
0x55: {  	_ =	shalt  }
0x56: {  	_ =	shalt  }
0x57: {  	_ =	shalt  }
0x58: {  	_ =	shalt  }
0x59: {  	_ =	shalt  }
0x5a: {  	_ =	shalt  }
0x5b: {  	_ =	shalt  }
0x5c: {  	_ =	shalt  }
0x5d: {  	_ =	shalt  }
0x5e: {  	_ =	shalt  }
0x5f: {  	_ =	shalt  }
0x60: {  	_ =	shalt  }
0x61: {  	_ =	shalt  }
0x62: {  	_ =	shalt  }
0x63: {  	_ =	shalt  }
0x64: {  	_ =	shalt  }
0x65: {  	_ =	shalt  }
0x66: {  	_ =	shalt  }
0x67: {  	_ =	shalt  }
0x68: {  	_ =	shalt  }
0x69: {  	_ =	shalt  }
0x6a: {  	_ =	shalt  }
0x6b: {  	_ =	shalt  }
0x6c: {  	_ =	shalt  }
0x6d: {  	_ =	shalt  }
0x6e: {  	_ =	shalt  }
0x6f: {  	_ =	shalt  }
0x70: {  	_ =	shalt  }
0x71: {  	_ =	shalt  }
0x72: {  	_ =	shalt  }
0x73: {  	_ =	shalt  }
0x74: {  	_ =	shalt  }
0x75: {  	_ =	shalt  }
0x76: {  	_ =	shalt  }
0x77: {  	_ =	shalt  }
0x78: {  	_ =	shalt  }
0x79: {  	_ =	shalt  }
0x7a: {  	_ =	shalt  }
0x7b: {  	_ =	shalt  }
0x7c: {  	_ =	shalt  }
0x7d: {  	_ =	shalt  }
0x7e: {  	_ =	shalt  }
0x7f: {  	_ =	shalt  }
0x80: {  	_ =	shalt  }
0x81: {  	_ =	shalt  }
0x82: {  	_ =	shalt  }
0x83: {  	_ =	shalt  }
0x84: {  	_ =	shalt  }
0x85: {  	_ =	shalt  }
0x86: {  	_ =	shalt  }
0x87: {  	_ =	shalt  }
.Lfunc_end0:
.L_simem_size_0:
called_computation.1_lowered:
.L_overlay_start_0:
0x88: {  	s2 =	sld [smem:$0x3FD9]  }
0x89: {  	s3 =	sld [smem:$0x3FFE];
	_ =	sdelay $0x1  }
0x8a: {  	s1 =	srdreg.scid  }
0x8b: {  	s0 =	sand.u32 $0x1, s1  }
0x8c: {  	s16 =	sshll.u32 s0, $0xA;
	s2 =	sadd.s32 s3, s2  }
0x8d: {  	s2 =	sadd.s32 s2, s16  }
0x8e: {  	[smem:$0x3FC2] =	sst s2  }
0x8f: {  	_ = 	snop  }
0x90: {  	(tm) =	ssettm $0x1  }
0x91: {  	s17 =	sld [smem:$0x3FFB];
	_ =	sdelay $0x3  }
0x92: {  	_ =	strace s17  }
0x93: {  	s2 =	sld [smem:$0x3FFC];
	_ =	sdelay $0x3  }
0x94: {  	_ =	strace s2  }
0x95: {  	s2 =	sld [smem:$0x3FFD];
	_ =	sdelay $0x3  }
0x96: {  	_ =	strace s2  }
0x97: {  	_ =	strace $0x8FFFFFFF  }
0x98: {  	s18 =	sld [smem:$0x3FDB];
	_ =	sdelay $0x1  }
0x99: {  	s19 =	simm.s32 $_scs_section_size  }
0x9a: {  	s4 =	simm.s32 $_size__tile_overlayer_lowered;
	s5 =	simm.s32 $_tile_overlayer_lowered  }
0x9b: {  	s22 =	simm.s32 $0x1BFF;
	s21 =	sshll.u32 s5, $0x1;
	s2 =	sadd.s32 s19, s18  }
0x9c: {  	s6 =	simm.s32 $0x0;
	s20 =	sshll.u32 s4, $0x1;
	s4 =	sadd.s32 s21, s2  }
0x9d: {  	[timem:s6], [sflag:s22] =	dma.local [hbm:s4], s20  }
0x9e: {  	_ =	swait.ge [sflag:s22], s20  }
0x9f: {  	s3 =	ssub.s32 $0x0, s20;
	[sflag:s22] =	ssyncset.done $0x0  }
0xa0: {  	[sflag:s22] =	ssyncadd.s32 s3;
	_ =	sdelay $0x1  }
0xa1: {  	s23 =	simm.s32 $0x1B8B  }
0xa2: {  	_ =	swait.ge [sflag:s23], $0x1  }
0xa3: {  	[sflag:s23] =	ssyncset.done $0x0  }
0xa4: {  	s25 =	simm.s32 $0x1B8E;
	s24 =	sld [smem:$0x3FFE];
	[sflag:s23] =	ssyncadd.s32 $0xFFFFFFFF  }
0xa5: {  	s26 =	simm.s32 $execute0_lowered;
	[smem:$0x3FD2] =	sst s25  }
0xa6: {  	s4 =	sshll.u32 s26, $0x1;
	_ =	strace $0x80000049;
	[dreg:$0x1] =	wrdreg $0xFFFFFFFF  }
0xa7: {  	s28 =	simm.s32 $_size_execute0_lowered;
	s2 =	sadd.s32 s2, s4;
	[dreg:$0x0] =	wrdreg $0x0  }
0xa8: {  	s4 =	sshll.u32 s28, $0x1;
	[dreg:$0x2] =	wrdreg s2  }
0xa9: {  	[dreg:$0x3] =	wrdreg s4  }
0xaa: {  	[dreg:$0x4] =	wrdreg $0xC0  }
0xab: {  	_ =	task [dreg:s6], $0x5FFFF  }
0xac: {  	[dreg:$0x1] =	wrdreg $0xFFFFFFFF  }
0xad: {  	[dreg:$0x0] =	wrdreg $0x60  }
0xae: {  	[dreg:$0x2] =	wrdreg s24  }
0xaf: {  	[dreg:$0x3] =	wrdreg $0xF7100  }
0xb0: {  	[dreg:$0x4] =	wrdreg $0x9  }
0xb1: {  	_ =	task.clear_ibuf [dreg:s6], $0x5FFFF;
	_ =	strace $0x90000049  }
0xb2: {  	s29 =	simm.s32 $0x9;
	_ =	strace $0x8000004B  }
0xb3: {  	_ =	swait.ge [sflag:s29], $0x1  }
0xb4: {  	[sflag:s29] =	ssyncadd.s32 $0xFFFFFFFF  }
0xb5: {  	_ =	strace $0x9000004B  }
0xb6: {  	_ =	sfence  }
0xb7: {  	s30 =	sld [smem:$0x0];
	_ =	sdelay $0x2  }
0xb8: {  	s31 =	sshll.u32 s1, $0xD;
	s1 =	sshrl.u32 s1, $0x2  }
0xb9: {  	s3 =	sand.u32 $0x4000, s31;
	s1 =	sadd.s32 s1, s30  }
0xba: {  	s0 =	sor.u32 s3, s0;
	s1 =	sshll.u32 s1, $0x11  }
0xbb: {  	s0 =	sor.u32 s1, s0  }
0xbc: {  	s0 =	sadd.s32 $0x8F2B, s0  }
0xbd: {  	[sflag:s0] =	ssyncadd.remote.s32 $0x1  }
0xbe: {  	_ =	sfence.sel $0xFFFF  }
0xbf: {  	[dreg:$0x0] =	wrdreg $0xFFFFFFFF;
	(pc) =	sbr.abs _section_cstart, $3  }
0xc0: {  	[dreg:$0x1] =	wrdreg $0xFFFFFFFF  }
0xc1: {  	_ =	task.clear_ibuf [dreg:s6], $0x2FFFF;
	_ =	strace $0x9FFFFFFF  }
0xc2: {  	(tm) =	ssettm $0x7FFFFFFF  }
0xc3: {  	_ =	shalt  }
tec
execute0_lowered:
.L_overlay_start_1:
0x0: {  	(tag) =	ssettag $0x1  }
0x1: {  	s0 =	rddreg [dreg:$0x0]  }
0x2: {  	s2 =	rddreg [dreg:$0x1]  }
0x3: {  	s1 =	srdreg.scid;
	s4 =	stileid.u32  }
0x4: {  	s6 =	simm.s32 $0x0;
	s7 =	simm.s32 $0x5;
	s14 =	simm.s32 $0x80  }
0x5: {  	s30 =	simm.s32 $0x9000;
	s31 =	simm.s32 $0x9800;
	s12 =	simm.s32 $0xA800  }
0x6: {  	s17 =	simm.s32 $0xB000;
	s19 =	simm.s32 $0xB800;
	s28 =	simm.s32 $0x3  }
0x7: {  	s29 =	simm.s32 $0x6800;
	s1 =	sand.u32 $0x1, s1;
	s3 =	sshll.u32 s4, $0x1  }
0x8: {  	s5 =	smul.u32 $0x2710, s4;
	[smem:$0x7FF] =	sst s6;
	s3 =	sor.u32 s1, s3  }
0x9: {  	s20 =	smul.u32 $0x27100, s1;
	_ =	strace $0x8000004A;
	s1 =	ssub.s32 $0x2, s1  }
0xa: {  	s3 =	smul.u32 $0x500, s3;
	s22 =	sshrl.u32 s1, $0x1;
	s24 =	sshrl.u32 s5, $0x3  }
0xb: {  	s6 =	sadd.s32 s5, s2;
	s4 =	sadd.s32 s5, s20;
	s1 =	ssub.s32 s1, s22  }
0xc: {  	s5 =	simm.s32 $0x0;
	[dreg:$0x6] =	wrdreg s6;
	s22 =	simm.s32 $0x5000  }
0xd: {  	s3 =	sadd.s32 s3, s0;
	s21 =	sshrl.u32 s4, $0x3;
	s4 =	sadd.s32 $0x16000, s0  }
0xe: {  	s26 =	smax.u32 s1, $0x1;
	s1 =	simm.s32 $0x2;
	s0 =	sadd.s32 s21, s0  }
0xf: {  	s23 =	sadd.s32 $0x2000, s3;
	s3 =	sadd.s32 $0xC000, s3;
	[dreg:$0x8] =	wrdreg s26  }
0x10: {  	s25 =	sadd.s32 s4, s24;
	s21 =	simm.s32 $0xC000;
	[dreg:$0x3] =	wrdreg s23  }
0x11: {  	s24 =	simm.s32 $0x5800;
	s26 =	simm.s32 $0x6000;
	[dreg:$0x4] =	wrdreg s3  }
0x12: {  	[dreg:$0x5] =	wrdreg s25;
	s0 =	sadd.s32 $0x1B000, s0;
	s23 =	simm.s32 $0xC800  }
0x13: {  	s25 =	simm.s32 $0x1;
	[dreg:$0x7] =	wrdreg s0;
	s0 =	simm.s32 $0xA000  }
.LBB2_1:
0x14: {  	[dreg:$0x9] =	wrdreg s5  }
0x15: {  	s3 =	simm.s32 $0x0;
	s15 =	rddreg [dreg:$0x3]  }
0x16: {  	[tilespmem:s3], [sflag:$0x5] =	stream.linear.gather [hbm4b:s15+s3], $0x2800, $0x38;
	[tilespmem:$0x11EA0] =	vst v63  }
0x17: {  	_ =	swait.ge [sflag:s7], $0x2800  }
0x18: {  	[sflag:s7] =	ssyncset.done $0x0  }
0x19: {  	s8 =	simm.s32 $0x2800;
	s16 =	rddreg [dreg:$0x4];
	[sflag:s7] =	ssyncadd.s32 $0xFFFFD800  }
0x1a: {  	[tilespmem:s8], [sflag:$0x5] =	stream.linear.gather [hbm4b:s16+s3], $0x2800, $0x38;
	[tilespmem:$0x11EA0] =	vst v63  }
0x1b: {  	_ =	swait.ge [sflag:s7], $0x2800  }
0x1c: {  	[sflag:s7] =	ssyncset.done $0x0  }
0x1d: {  	s20 =	simm.s32 $0xD000;
	s18 =	rddreg [dreg:$0x5];
	[sflag:s7] =	ssyncadd.s32 $0xFFFFD800  }
0x1e: {  	[tilespmem:s20], [sflag:$0x5] =	stream.linear.gather [hbm4b:s18+s3], $0x2710, $0x38;
	[tilespmem:$0x11EA0] =	vst v63  }
0x1f: {  	_ =	swait.ge [sflag:s7], $0x2710  }
0x20: {  	[sflag:s7] =	ssyncset.done $0x0  }
0x21: {  	[sflag:s7] =	ssyncadd.s32 $0xFFFFD8F0  }
0x22: {  	[spmem:s6] =	stream.linear.scatter [tilespmem:s20], [sflag:$0x5], $0x2710, $0x38;
	[tilespmem:$0x11EA0] =	vst v63  }
0x23: {  	_ =	swait.ge [sflag:s7], $0x2710  }
0x24: {  	[sflag:s7] =	ssyncset.done $0x0  }
0x25: {  	[sflag:s7] =	ssyncadd.s32 $0xFFFFD8F0  }
0x26: {  	s5 =	simm.s32 $0x5000;
	[bflag:$0x0] =	sbarrier.arrive $0xFFFF  }
0x27: {  	[tilespmem:s5], [sflag:$0x1] =	stream.indirect.gather [hbm4b:s4+s14], $0x10, s3, s14, $0xb8;
	[tilespmem:$0x11EA0] =	vst v63  }
0x28: {  	s6 =	simm.s32 $0x5800  }
0x29: {  	[tilespmem:s6], [sflag:$0x1] =	stream.indirect.gather [hbm4b:s4+s14], $0x10, s14, s14, $0xb8;
	[tilespmem:$0x11EA0] =	vst v63  }
0x2a: {  	s8 =	simm.s32 $0x100;
	s7 =	simm.s32 $0x6000  }
0x2b: {  	[tilespmem:s7], [sflag:$0x1] =	stream.indirect.gather [hbm4b:s4+s14], $0x10, s8, s14, $0xb8;
	[tilespmem:$0x11EA0] =	vst v63  }
0x2c: {  	s9 =	simm.s32 $0x180;
	s8 =	simm.s32 $0x6800  }
0x2d: {  	[tilespmem:s8], [sflag:$0x1] =	stream.indirect.gather [hbm4b:s4+s14], $0x10, s9, s14, $0xb8;
	[tilespmem:$0x11EA0] =	vst v63  }
0x2e: {  	s10 =	simm.s32 $0x200;
	s9 =	simm.s32 $0x7000  }
0x2f: {  	[tilespmem:s9], [sflag:$0x1] =	stream.indirect.gather [hbm4b:s4+s14], $0x10, s10, s14, $0xb8;
	[tilespmem:$0x11EA0] =	vst v63  }
0x30: {  	s11 =	simm.s32 $0x280;
	p0 =	por $0x1, $0x1;
	s10 =	simm.s32 $0x7800  }
0x31: {  	[tilespmem:s10], [sflag:$0x1] =	stream.indirect.gather [hbm4b:s4+s14], $0x10, s11, s14, $0xb8;
	[tilespmem:$0x11EA0] =	vst v63  }
0x32: {  	s13 =	simm.s32 $0x300;
	p0 =	por p0, p0;
	s11 =	simm.s32 $0x8000  }
0x33: {  	[tilespmem:s11], [sflag:$0x1] =	stream.indirect.gather [hbm4b:s4+s14], $0x10, s13, s14, $0xb8;
	[tilespmem:$0x11EA0] =	vst v63  }
0x34: {  	s15 =	simm.s32 $0x380;
	s3 =	simm.s32 @!p0 $0x4;
	s13 =	simm.s32 $0x8800  }
0x35: {  	[tilespmem:s13], [sflag:$0x1] =	stream.indirect.gather [hbm4b:s4+s14], $0x10, s15, s14, $0xb8;
	[tilespmem:$0x11EA0] =	vst v63  }
0x36: {  	_ =	swait.ge @!p0 [sflag:s3], $0x800  }
0x37: {  	[sflag:s3] =	ssyncset.done @!p0 $0x0  }
0x38: {  	[sflag:s3] =	ssyncadd.s32 @!p0 $0xFFFFF800  }
0x39: {  	_ =	swait.ge @!p0 [sflag:s3], $0x800  }
0x3a: {  	[sflag:s3] =	ssyncset.done @!p0 $0x0  }
0x3b: {  	[sflag:s3] =	ssyncadd.s32 @!p0 $0xFFFFF800  }
0x3c: {  	_ =	swait.ge @!p0 [sflag:s3], $0x800  }
0x3d: {  	[sflag:s3] =	ssyncset.done @!p0 $0x0  }
0x3e: {  	[sflag:s3] =	ssyncadd.s32 @!p0 $0xFFFFF800  }
0x3f: {  	_ =	swait.ge @!p0 [sflag:s3], $0x800  }
0x40: {  	[sflag:s3] =	ssyncset.done @!p0 $0x0  }
0x41: {  	[sflag:s3] =	ssyncadd.s32 @!p0 $0xFFFFF800  }
0x42: {  	_ =	swait.ge @!p0 [sflag:s3], $0x800  }
0x43: {  	[sflag:s3] =	ssyncset.done @!p0 $0x0  }
0x44: {  	[sflag:s3] =	ssyncadd.s32 @!p0 $0xFFFFF800  }
0x45: {  	_ =	swait.ge @!p0 [sflag:s3], $0x800  }
0x46: {  	[sflag:s3] =	ssyncset.done @!p0 $0x0  }
0x47: {  	[sflag:s3] =	ssyncadd.s32 @!p0 $0xFFFFF800  }
0x48: {  	_ =	swait.ge @!p0 [sflag:s3], $0x800  }
0x49: {  	[sflag:s3] =	ssyncset.done @!p0 $0x0  }
0x4a: {  	[sflag:s3] =	ssyncadd.s32 @!p0 $0xFFFFF800  }
0x4b: {  	_ =	swait.ge @!p0 [sflag:s3], $0x800  }
0x4c: {  	[sflag:s3] =	ssyncset.done @!p0 $0x0  }
0x4d: {  	s16 =	simm.s32 $0x400;
	[sflag:s3] =	ssyncadd.s32 @!p0 $0xFFFFF800  }
0x4e: {  	[tilespmem:s30], [sflag:$0x2] =	stream.indirect.gather [hbm4b:s4+s14], $0x10, s16, s14, $0xb8;
	[tilespmem:$0x11EA0] =	vst v63  }
0x4f: {  	s18 =	simm.s32 $0x480  }
0x50: {  	[tilespmem:s31], [sflag:$0x2] =	stream.indirect.gather [hbm4b:s4+s14], $0x10, s18, s14, $0xb8;
	[tilespmem:$0x11EA0] =	vst v63  }
0x51: {  	s20 =	simm.s32 $0x500  }
0x52: {  	[tilespmem:s0], [sflag:$0x2] =	stream.indirect.gather [hbm4b:s4+s14], $0x10, s20, s14, $0xb8;
	[tilespmem:$0x11EA0] =	vst v63  }
0x53: {  	s15 =	simm.s32 $0x580  }
0x54: {  	[tilespmem:s12], [sflag:$0x2] =	stream.indirect.gather [hbm4b:s4+s14], $0x10, s15, s14, $0xb8;
	[tilespmem:$0x11EA0] =	vst v63  }
0x55: {  	s16 =	simm.s32 $0x600  }
0x56: {  	[tilespmem:s17], [sflag:$0x2] =	stream.indirect.gather [hbm4b:s4+s14], $0x10, s16, s14, $0xb8;
	[tilespmem:$0x11EA0] =	vst v63  }
0x57: {  	s18 =	simm.s32 $0x680  }
0x58: {  	[tilespmem:s19], [sflag:$0x2] =	stream.indirect.gather [hbm4b:s4+s14], $0x10, s18, s14, $0xb8;
	[tilespmem:$0x11EA0] =	vst v63  }
0x59: {  	s20 =	simm.s32 $0x700  }
0x5a: {  	[tilespmem:s21], [sflag:$0x2] =	stream.indirect.gather [hbm4b:s4+s14], $0x10, s20, s14, $0xb8;
	[tilespmem:$0x11EA0] =	vst v63  }
0x5b: {  	s15 =	simm.s32 $0x780  }
0x5c: {  	[tilespmem:s23], [sflag:$0x2] =	stream.indirect.gather [hbm4b:s4+s14], $0x10, s15, s14, $0xb8;
	[tilespmem:$0x11EA0] =	vst v63  }
0x5d: {  	_ =	swait.ge [sflag:s25], $0x800  }
0x5e: {  	[sflag:s25] =	ssyncset.done $0x0  }
0x5f: {  	[sflag:s25] =	ssyncadd.s32 $0xFFFFF800  }
0x60: {  	_ =	swait.ge [sflag:s25], $0x800  }
0x61: {  	[sflag:s25] =	ssyncset.done $0x0  }
0x62: {  	[sflag:s25] =	ssyncadd.s32 $0xFFFFF800  }
0x63: {  	_ =	swait.ge [sflag:s25], $0x800  }
0x64: {  	[sflag:s25] =	ssyncset.done $0x0  }
0x65: {  	[sflag:s25] =	ssyncadd.s32 $0xFFFFF800  }
0x66: {  	_ =	swait.ge [sflag:s25], $0x800  }
0x67: {  	[sflag:s25] =	ssyncset.done $0x0  }
0x68: {  	[sflag:s25] =	ssyncadd.s32 $0xFFFFF800  }
0x69: {  	_ =	swait.ge [sflag:s25], $0x800  }
0x6a: {  	[sflag:s25] =	ssyncset.done $0x0  }
0x6b: {  	[sflag:s25] =	ssyncadd.s32 $0xFFFFF800  }
0x6c: {  	_ =	swait.ge [sflag:s25], $0x800  }
0x6d: {  	[sflag:s25] =	ssyncset.done $0x0  }
0x6e: {  	[sflag:s25] =	ssyncadd.s32 $0xFFFFF800  }
0x6f: {  	_ =	swait.ge [sflag:s25], $0x800  }
0x70: {  	[sflag:s25] =	ssyncset.done $0x0  }
0x71: {  	[sflag:s25] =	ssyncadd.s32 $0xFFFFF800  }
0x72: {  	_ =	swait.ge [sflag:s25], $0x800  }
0x73: {  	[sflag:s25] =	ssyncset.done $0x0  }
0x74: {  	s16 =	simm.s32 $0x2800;
	[sflag:s25] =	ssyncadd.s32 $0xFFFFF800  }
0x75: {  	[spmem:s2] =	stream.indirect.scatter.add.f32 [tilespmem:s5], [sflag:$0x3], $0x10, s16, s14, $0xb8;
	[tilespmem:$0x11EA0] =	vst v63  }
0x76: {  	s18 =	simm.s32 $0x2880  }
0x77: {  	[spmem:s2] =	stream.indirect.scatter.add.f32 [tilespmem:s6], [sflag:$0x3], $0x10, s18, s14, $0xb8;
	[tilespmem:$0x11EA0] =	vst v63  }
0x78: {  	s20 =	simm.s32 $0x2900  }
0x79: {  	[spmem:s2] =	stream.indirect.scatter.add.f32 [tilespmem:s7], [sflag:$0x3], $0x10, s20, s14, $0xb8;
	[tilespmem:$0x11EA0] =	vst v63  }
0x7a: {  	s5 =	simm.s32 $0x2980  }
0x7b: {  	[spmem:s2] =	stream.indirect.scatter.add.f32 [tilespmem:s8], [sflag:$0x3], $0x10, s5, s14, $0xb8;
	[tilespmem:$0x11EA0] =	vst v63  }
0x7c: {  	s6 =	simm.s32 $0x2A00  }
0x7d: {  	[spmem:s2] =	stream.indirect.scatter.add.f32 [tilespmem:s9], [sflag:$0x3], $0x10, s6, s14, $0xb8;
	[tilespmem:$0x11EA0] =	vst v63  }
0x7e: {  	s7 =	simm.s32 $0x2A80  }
0x7f: {  	[spmem:s2] =	stream.indirect.scatter.add.f32 [tilespmem:s10], [sflag:$0x3], $0x10, s7, s14, $0xb8;
	[tilespmem:$0x11EA0] =	vst v63  }
0x80: {  	s8 =	simm.s32 $0x2B00  }
0x81: {  	[spmem:s2] =	stream.indirect.scatter.add.f32 [tilespmem:s11], [sflag:$0x3], $0x10, s8, s14, $0xb8;
	[tilespmem:$0x11EA0] =	vst v63  }
0x82: {  	s9 =	simm.s32 $0x2B80  }
0x83: {  	[spmem:s2] =	stream.indirect.scatter.add.f32 [tilespmem:s13], [sflag:$0x3], $0x10, s9, s14, $0xb8;
	[tilespmem:$0x11EA0] =	vst v63  }
0x84: {  	_ =	swait.ge [sflag:s28], $0x800  }
0x85: {  	[sflag:s28] =	ssyncset.done $0x0  }
0x86: {  	[sflag:s28] =	ssyncadd.s32 $0xFFFFF800  }
0x87: {  	_ =	swait.ge [sflag:s28], $0x800  }
0x88: {  	[sflag:s28] =	ssyncset.done $0x0  }
0x89: {  	[sflag:s28] =	ssyncadd.s32 $0xFFFFF800  }
0x8a: {  	_ =	swait.ge [sflag:s28], $0x800  }
0x8b: {  	[sflag:s28] =	ssyncset.done $0x0  }
0x8c: {  	[sflag:s28] =	ssyncadd.s32 $0xFFFFF800  }
0x8d: {  	_ =	swait.ge [sflag:s28], $0x800  }
0x8e: {  	[sflag:s28] =	ssyncset.done $0x0  }
0x8f: {  	[sflag:s28] =	ssyncadd.s32 $0xFFFFF800  }
0x90: {  	_ =	swait.ge [sflag:s28], $0x800  }
0x91: {  	[sflag:s28] =	ssyncset.done $0x0  }
0x92: {  	[sflag:s28] =	ssyncadd.s32 $0xFFFFF800  }
0x93: {  	_ =	swait.ge [sflag:s28], $0x800  }
0x94: {  	[sflag:s28] =	ssyncset.done $0x0  }
0x95: {  	[sflag:s28] =	ssyncadd.s32 $0xFFFFF800  }
0x96: {  	_ =	swait.ge [sflag:s28], $0x800  }
0x97: {  	[sflag:s28] =	ssyncset.done $0x0  }
0x98: {  	[sflag:s28] =	ssyncadd.s32 $0xFFFFF800  }
0x99: {  	p0 =	por $0x0, $0x0;
	_ =	swait.ge [sflag:s28], $0x800  }
0x9a: {  	s3 =	simm.s32 @!p0 $0x80;
	[sflag:s28] =	ssyncset.done $0x0  }
0x9b: {  	s6 =	simm.s32 @!p0 $0x5000;
	s7 =	simm.s32 @!p0 $0x800;
	[sflag:s28] =	ssyncadd.s32 $0xFFFFF800  }
0x9c: {  	[tilespmem:s6], [sflag:$0x1] =	stream.indirect.gather @!p0 [hbm4b:s4+s3], $0x10, s7, s3, $0xb8;
	[tilespmem:$0x11EA0] =	vst v63  }
0x9d: {  	s6 =	simm.s32 @!p0 $0x880;
	s7 =	simm.s32 @!p0 $0x5800  }
0x9e: {  	[tilespmem:s7], [sflag:$0x1] =	stream.indirect.gather @!p0 [hbm4b:s4+s3], $0x10, s6, s3, $0xb8;
	[tilespmem:$0x11EA0] =	vst v63  }
0x9f: {  	s6 =	simm.s32 @!p0 $0x900;
	s7 =	simm.s32 @!p0 $0x6000  }
0xa0: {  	[tilespmem:s7], [sflag:$0x1] =	stream.indirect.gather @!p0 [hbm4b:s4+s3], $0x10, s6, s3, $0xb8;
	[tilespmem:$0x11EA0] =	vst v63  }
0xa1: {  	s6 =	simm.s32 @!p0 $0x980;
	s7 =	simm.s32 @!p0 $0x6800  }
0xa2: {  	[tilespmem:s7], [sflag:$0x1] =	stream.indirect.gather @!p0 [hbm4b:s4+s3], $0x10, s6, s3, $0xb8;
	[tilespmem:$0x11EA0] =	vst v63  }
0xa3: {  	s6 =	simm.s32 @!p0 $0xA00;
	s7 =	simm.s32 @!p0 $0x7000  }
0xa4: {  	[tilespmem:s7], [sflag:$0x1] =	stream.indirect.gather @!p0 [hbm4b:s4+s3], $0x10, s6, s3, $0xb8;
	[tilespmem:$0x11EA0] =	vst v63  }
0xa5: {  	s6 =	simm.s32 @!p0 $0xA80;
	s7 =	simm.s32 @!p0 $0x7800  }
0xa6: {  	[tilespmem:s7], [sflag:$0x1] =	stream.indirect.gather @!p0 [hbm4b:s4+s3], $0x10, s6, s3, $0xb8;
	[tilespmem:$0x11EA0] =	vst v63  }
0xa7: {  	s6 =	simm.s32 @!p0 $0xB00;
	s7 =	simm.s32 @!p0 $0x8000  }
0xa8: {  	[tilespmem:s7], [sflag:$0x1] =	stream.indirect.gather @!p0 [hbm4b:s4+s3], $0x10, s6, s3, $0xb8;
	[tilespmem:$0x11EA0] =	vst v63  }
0xa9: {  	s6 =	simm.s32 @!p0 $0xB80;
	s7 =	simm.s32 @!p0 $0x8800  }
0xaa: {  	[tilespmem:s7], [sflag:$0x1] =	stream.indirect.gather @!p0 [hbm4b:s4+s3], $0x10, s6, s3, $0xb8;
	[tilespmem:$0x11EA0] =	vst v63  }
0xab: {  	_ =	swait.ge [sflag:s1], $0x800  }
0xac: {  	[sflag:s1] =	ssyncset.done $0x0  }
0xad: {  	[sflag:s1] =	ssyncadd.s32 $0xFFFFF800  }
0xae: {  	_ =	swait.ge [sflag:s1], $0x800  }
0xaf: {  	[sflag:s1] =	ssyncset.done $0x0  }
0xb0: {  	[sflag:s1] =	ssyncadd.s32 $0xFFFFF800  }
0xb1: {  	_ =	swait.ge [sflag:s1], $0x800  }
0xb2: {  	[sflag:s1] =	ssyncset.done $0x0  }
0xb3: {  	[sflag:s1] =	ssyncadd.s32 $0xFFFFF800  }
0xb4: {  	_ =	swait.ge [sflag:s1], $0x800  }
0xb5: {  	[sflag:s1] =	ssyncset.done $0x0  }
0xb6: {  	[sflag:s1] =	ssyncadd.s32 $0xFFFFF800  }
0xb7: {  	_ =	swait.ge [sflag:s1], $0x800  }
0xb8: {  	[sflag:s1] =	ssyncset.done $0x0  }
0xb9: {  	[sflag:s1] =	ssyncadd.s32 $0xFFFFF800  }
0xba: {  	_ =	swait.ge [sflag:s1], $0x800  }
0xbb: {  	[sflag:s1] =	ssyncset.done $0x0  }
0xbc: {  	[sflag:s1] =	ssyncadd.s32 $0xFFFFF800  }
0xbd: {  	_ =	swait.ge [sflag:s1], $0x800  }
0xbe: {  	[sflag:s1] =	ssyncset.done $0x0  }
0xbf: {  	[sflag:s1] =	ssyncadd.s32 $0xFFFFF800  }
0xc0: {  	_ =	swait.ge [sflag:s1], $0x800  }
0xc1: {  	[sflag:s1] =	ssyncset.done $0x0  }
0xc2: {  	s10 =	simm.s32 $0x2C00;
	[sflag:s1] =	ssyncadd.s32 $0xFFFFF800  }
0xc3: {  	[spmem:s2] =	stream.indirect.scatter.add.f32 [tilespmem:s30], [sflag:$0x4], $0x10, s10, s14, $0xb8;
	[tilespmem:$0x11EA0] =	vst v63  }
0xc4: {  	s11 =	simm.s32 $0x2C80  }
0xc5: {  	[spmem:s2] =	stream.indirect.scatter.add.f32 [tilespmem:s31], [sflag:$0x4], $0x10, s11, s14, $0xb8;
	[tilespmem:$0x11EA0] =	vst v63  }
0xc6: {  	s13 =	simm.s32 $0x2D00  }
0xc7: {  	[spmem:s2] =	stream.indirect.scatter.add.f32 [tilespmem:s0], [sflag:$0x4], $0x10, s13, s14, $0xb8;
	[tilespmem:$0x11EA0] =	vst v63  }
0xc8: {  	s15 =	simm.s32 $0x2D80  }
0xc9: {  	[spmem:s2] =	stream.indirect.scatter.add.f32 [tilespmem:s12], [sflag:$0x4], $0x10, s15, s14, $0xb8;
	[tilespmem:$0x11EA0] =	vst v63  }
0xca: {  	p6 =	por $0x0, $0x0;
	s16 =	simm.s32 $0x2E00  }
0xcb: {  	[spmem:s2] =	stream.indirect.scatter.add.f32 [tilespmem:s17], [sflag:$0x4], $0x10, s16, s14, $0xb8;
	[tilespmem:$0x11EA0] =	vst v63  }
0xcc: {  	s18 =	simm.s32 $0x2E80;
	s20 =	simm.s32 $0x2F00;
	s9 =	simm.s32 $0x2F80  }
0xcd: {  	[spmem:s2] =	stream.indirect.scatter.add.f32 [tilespmem:s19], [sflag:$0x4], $0x10, s18, s14, $0xb8;
	[tilespmem:$0x11EA0] =	vst v63  }
0xce: {  	s6 =	simm.s32 $0x2000;
	s7 =	simm.s32 $0x4000;
	p0 =	por p6, p6  }
0xcf: {  	[spmem:s2] =	stream.indirect.scatter.add.f32 [tilespmem:s21], [sflag:$0x4], $0x10, s20, s14, $0xb8;
	[tilespmem:$0x11EA0] =	vst v63  }
.LBB2_2:
0xd0: {  	p2 =	seq.s32 s7, $0x0  }
0xd1: {  	s8 =	simm.s32 @!p0 $0x4;
	s3 =	smov.u32 s7;
	s7 =	sadd.s32 $0x2000, s7  }
0xd2: {  	[spmem:s2] =	stream.indirect.scatter.add.f32 [tilespmem:s23], [sflag:$0x4], $0x10, s9, s14, $0xb8;
	[tilespmem:$0x11EA0] =	vst v63  }
0xd3: {  	p1 =	sne.s32 s7, $0xA000;
	_ =	swait.ge @!p0 [sflag:s8], $0x800  }
0xd4: {  	[sflag:s8] =	ssyncset.done @!p0 $0x0  }
0xd5: {  	[sflag:s8] =	ssyncadd.s32 @!p0 $0xFFFFF800  }
0xd6: {  	_ =	swait.ge @!p0 [sflag:s8], $0x800  }
0xd7: {  	[sflag:s8] =	ssyncset.done @!p0 $0x0  }
0xd8: {  	[sflag:s8] =	ssyncadd.s32 @!p0 $0xFFFFF800  }
0xd9: {  	_ =	swait.ge @!p0 [sflag:s8], $0x800  }
0xda: {  	[sflag:s8] =	ssyncset.done @!p0 $0x0  }
0xdb: {  	[sflag:s8] =	ssyncadd.s32 @!p0 $0xFFFFF800  }
0xdc: {  	_ =	swait.ge @!p0 [sflag:s8], $0x800  }
0xdd: {  	[sflag:s8] =	ssyncset.done @!p0 $0x0  }
0xde: {  	[sflag:s8] =	ssyncadd.s32 @!p0 $0xFFFFF800  }
0xdf: {  	_ =	swait.ge @!p0 [sflag:s8], $0x800  }
0xe0: {  	[sflag:s8] =	ssyncset.done @!p0 $0x0  }
0xe1: {  	[sflag:s8] =	ssyncadd.s32 @!p0 $0xFFFFF800  }
0xe2: {  	_ =	swait.ge @!p0 [sflag:s8], $0x800  }
0xe3: {  	[sflag:s8] =	ssyncset.done @!p0 $0x0  }
0xe4: {  	[sflag:s8] =	ssyncadd.s32 @!p0 $0xFFFFF800  }
0xe5: {  	_ =	swait.ge @!p0 [sflag:s8], $0x800  }
0xe6: {  	[sflag:s8] =	ssyncset.done @!p0 $0x0  }
0xe7: {  	[sflag:s8] =	ssyncadd.s32 @!p0 $0xFFFFF800  }
0xe8: {  	_ =	swait.ge @!p0 [sflag:s8], $0x800  }
0xe9: {  	s10 =	sshra.s32 s6, $0x2;
	[sflag:s8] =	ssyncset.done @!p0 $0x0  }
0xea: {  	s9 =	sadd.s32 $0x2F80, s10;
	[sflag:s8] =	ssyncadd.s32 @!p0 $0xFFFFF800;
	s8 =	sadd.s32 $0x400, s10  }
0xeb: {  	[tilespmem:s30], [sflag:$0x2] =	stream.indirect.gather [hbm4b:s4+s14], $0x10, s8, s14, $0xb8;
	[tilespmem:$0x11EA0] =	vst v63  }
0xec: {  	p0 =	por p2, p2;
	s8 =	sadd.s32 $0x480, s10  }
0xed: {  	[tilespmem:s31], [sflag:$0x2] =	stream.indirect.gather [hbm4b:s4+s14], $0x10, s8, s14, $0xb8;
	[tilespmem:$0x11EA0] =	vst v63  }
0xee: {  	s8 =	sadd.s32 $0x500, s10  }
0xef: {  	[tilespmem:s0], [sflag:$0x2] =	stream.indirect.gather [hbm4b:s4+s14], $0x10, s8, s14, $0xb8;
	[tilespmem:$0x11EA0] =	vst v63  }
0xf0: {  	s8 =	sadd.s32 $0x580, s10  }
0xf1: {  	[tilespmem:s12], [sflag:$0x2] =	stream.indirect.gather [hbm4b:s4+s14], $0x10, s8, s14, $0xb8;
	[tilespmem:$0x11EA0] =	vst v63  }
0xf2: {  	s8 =	sadd.s32 $0x600, s10  }
0xf3: {  	[tilespmem:s17], [sflag:$0x2] =	stream.indirect.gather [hbm4b:s4+s14], $0x10, s8, s14, $0xb8;
	[tilespmem:$0x11EA0] =	vst v63  }
0xf4: {  	s8 =	sadd.s32 $0x680, s10  }
0xf5: {  	[tilespmem:s19], [sflag:$0x2] =	stream.indirect.gather [hbm4b:s4+s14], $0x10, s8, s14, $0xb8;
	[tilespmem:$0x11EA0] =	vst v63  }
0xf6: {  	s8 =	sadd.s32 $0x700, s10  }
0xf7: {  	[tilespmem:s21], [sflag:$0x2] =	stream.indirect.gather [hbm4b:s4+s14], $0x10, s8, s14, $0xb8;
	[tilespmem:$0x11EA0] =	vst v63  }
0xf8: {  	s8 =	sadd.s32 $0x780, s10  }
0xf9: {  	[tilespmem:s23], [sflag:$0x2] =	stream.indirect.gather [hbm4b:s4+s14], $0x10, s8, s14, $0xb8;
	[tilespmem:$0x11EA0] =	vst v63  }
0xfa: {  	_ =	swait.ge [sflag:s25], $0x800  }
0xfb: {  	[sflag:s25] =	ssyncset.done $0x0  }
0xfc: {  	[sflag:s25] =	ssyncadd.s32 $0xFFFFF800  }
0xfd: {  	_ =	swait.ge [sflag:s25], $0x800  }
0xfe: {  	[sflag:s25] =	ssyncset.done $0x0  }
0xff: {  	[sflag:s25] =	ssyncadd.s32 $0xFFFFF800  }
0x100: {  	_ =	swait.ge [sflag:s25], $0x800  }
0x101: {  	[sflag:s25] =	ssyncset.done $0x0  }
0x102: {  	[sflag:s25] =	ssyncadd.s32 $0xFFFFF800  }
0x103: {  	_ =	swait.ge [sflag:s25], $0x800  }
0x104: {  	[sflag:s25] =	ssyncset.done $0x0  }
0x105: {  	[sflag:s25] =	ssyncadd.s32 $0xFFFFF800  }
0x106: {  	_ =	swait.ge [sflag:s25], $0x800  }
0x107: {  	[sflag:s25] =	ssyncset.done $0x0  }
0x108: {  	[sflag:s25] =	ssyncadd.s32 $0xFFFFF800  }
0x109: {  	_ =	swait.ge [sflag:s25], $0x800  }
0x10a: {  	[sflag:s25] =	ssyncset.done $0x0  }
0x10b: {  	[sflag:s25] =	ssyncadd.s32 $0xFFFFF800  }
0x10c: {  	_ =	swait.ge [sflag:s25], $0x800  }
0x10d: {  	[sflag:s25] =	ssyncset.done $0x0  }
0x10e: {  	[sflag:s25] =	ssyncadd.s32 $0xFFFFF800  }
0x10f: {  	_ =	swait.ge [sflag:s25], $0x800  }
0x110: {  	[sflag:s25] =	ssyncset.done $0x0  }
0x111: {  	s8 =	sadd.s32 $0x2800, s10;
	[sflag:s25] =	ssyncadd.s32 $0xFFFFF800  }
0x112: {  	[spmem:s2] =	stream.indirect.scatter.add.f32 [tilespmem:s22], [sflag:$0x3], $0x10, s8, s14, $0xb8;
	[tilespmem:$0x11EA0] =	vst v63  }
0x113: {  	s8 =	sadd.s32 $0x2880, s10  }
0x114: {  	[spmem:s2] =	stream.indirect.scatter.add.f32 [tilespmem:s24], [sflag:$0x3], $0x10, s8, s14, $0xb8;
	[tilespmem:$0x11EA0] =	vst v63  }
0x115: {  	s8 =	sadd.s32 $0x2900, s10  }
0x116: {  	[spmem:s2] =	stream.indirect.scatter.add.f32 [tilespmem:s26], [sflag:$0x3], $0x10, s8, s14, $0xb8;
	[tilespmem:$0x11EA0] =	vst v63  }
0x117: {  	s8 =	sadd.s32 $0x2980, s10  }
0x118: {  	[spmem:s2] =	stream.indirect.scatter.add.f32 [tilespmem:s29], [sflag:$0x3], $0x10, s8, s14, $0xb8;
	[tilespmem:$0x11EA0] =	vst v63  }
0x119: {  	s5 =	simm.s32 $0x7000;
	s8 =	sadd.s32 $0x2A00, s10  }
0x11a: {  	[spmem:s2] =	stream.indirect.scatter.add.f32 [tilespmem:s5], [sflag:$0x3], $0x10, s8, s14, $0xb8;
	[tilespmem:$0x11EA0] =	vst v63  }
0x11b: {  	s8 =	sadd.s32 $0x2A80, s10;
	s5 =	simm.s32 $0x7800  }
0x11c: {  	[spmem:s2] =	stream.indirect.scatter.add.f32 [tilespmem:s5], [sflag:$0x3], $0x10, s8, s14, $0xb8;
	[tilespmem:$0x11EA0] =	vst v63  }
0x11d: {  	s8 =	sadd.s32 $0x2B00, s10;
	s5 =	simm.s32 $0x8000  }
0x11e: {  	[spmem:s2] =	stream.indirect.scatter.add.f32 [tilespmem:s5], [sflag:$0x3], $0x10, s8, s14, $0xb8;
	[tilespmem:$0x11EA0] =	vst v63  }
0x11f: {  	s8 =	sadd.s32 $0x2B80, s10;
	s5 =	simm.s32 $0x8800  }
0x120: {  	[spmem:s2] =	stream.indirect.scatter.add.f32 [tilespmem:s5], [sflag:$0x3], $0x10, s8, s14, $0xb8;
	[tilespmem:$0x11EA0] =	vst v63  }
0x121: {  	_ =	swait.ge [sflag:s28], $0x800  }
0x122: {  	[sflag:s28] =	ssyncset.done $0x0  }
0x123: {  	[sflag:s28] =	ssyncadd.s32 $0xFFFFF800  }
0x124: {  	_ =	swait.ge [sflag:s28], $0x800  }
0x125: {  	[sflag:s28] =	ssyncset.done $0x0  }
0x126: {  	[sflag:s28] =	ssyncadd.s32 $0xFFFFF800  }
0x127: {  	_ =	swait.ge [sflag:s28], $0x800  }
0x128: {  	[sflag:s28] =	ssyncset.done $0x0  }
0x129: {  	[sflag:s28] =	ssyncadd.s32 $0xFFFFF800  }
0x12a: {  	_ =	swait.ge [sflag:s28], $0x800  }
0x12b: {  	[sflag:s28] =	ssyncset.done $0x0  }
0x12c: {  	[sflag:s28] =	ssyncadd.s32 $0xFFFFF800  }
0x12d: {  	_ =	swait.ge [sflag:s28], $0x800  }
0x12e: {  	[sflag:s28] =	ssyncset.done $0x0  }
0x12f: {  	[sflag:s28] =	ssyncadd.s32 $0xFFFFF800  }
0x130: {  	_ =	swait.ge [sflag:s28], $0x800  }
0x131: {  	[sflag:s28] =	ssyncset.done $0x0  }
0x132: {  	[sflag:s28] =	ssyncadd.s32 $0xFFFFF800  }
0x133: {  	_ =	swait.ge [sflag:s28], $0x800  }
0x134: {  	[sflag:s28] =	ssyncset.done $0x0  }
0x135: {  	[sflag:s28] =	ssyncadd.s32 $0xFFFFF800  }
0x136: {  	p2 =	seq.s32 s6, $0x8000;
	_ =	swait.ge [sflag:s28], $0x800  }
0x137: {  	s6 =	sshra.s32 @!p2 s6, $0x2;
	s8 =	simm.s32 @!p2 $0x80;
	[sflag:s28] =	ssyncset.done $0x0  }
0x138: {  	s11 =	sadd.s32 @!p2 $0x880, s6;
	s5 =	simm.s32 @!p2 $0x5000;
	[sflag:s28] =	ssyncadd.s32 $0xFFFFF800  }
0x139: {  	s13 =	sadd.s32 @!p2 $0x800, s6;
	s15 =	sadd.s32 @!p2 $0x900, s6;
	s16 =	sadd.s32 @!p2 $0x980, s6  }
0x13a: {  	[tilespmem:s5], [sflag:$0x1] =	stream.indirect.gather @!p2 [hbm4b:s4+s8], $0x10, s13, s8, $0xb8;
	[tilespmem:$0x11EA0] =	vst v63  }
0x13b: {  	s18 =	sadd.s32 @!p2 $0xA80, s6;
	s5 =	simm.s32 @!p2 $0x5800;
	s13 =	sadd.s32 @!p2 $0xA00, s6  }
0x13c: {  	[tilespmem:s5], [sflag:$0x1] =	stream.indirect.gather @!p2 [hbm4b:s4+s8], $0x10, s11, s8, $0xb8;
	[tilespmem:$0x11EA0] =	vst v63  }
0x13d: {  	s20 =	sadd.s32 @!p2 $0xB80, s6;
	s5 =	simm.s32 @!p2 $0x6000;
	s11 =	sadd.s32 @!p2 $0xB00, s6  }
0x13e: {  	[tilespmem:s5], [sflag:$0x1] =	stream.indirect.gather @!p2 [hbm4b:s4+s8], $0x10, s15, s8, $0xb8;
	[tilespmem:$0x11EA0] =	vst v63  }
0x13f: {  	s6 =	smov.u32 s3;
	s5 =	simm.s32 @!p2 $0x6800  }
0x140: {  	[tilespmem:s5], [sflag:$0x1] =	stream.indirect.gather @!p2 [hbm4b:s4+s8], $0x10, s16, s8, $0xb8;
	[tilespmem:$0x11EA0] =	vst v63  }
0x141: {  	s3 =	simm.s32 @!p2 $0x7000;
	s5 =	simm.s32 @!p2 $0x7800  }
0x142: {  	[tilespmem:s3], [sflag:$0x1] =	stream.indirect.gather @!p2 [hbm4b:s4+s8], $0x10, s13, s8, $0xb8;
	[tilespmem:$0x11EA0] =	vst v63  }
0x143: {  	s3 =	simm.s32 @!p2 $0x8000  }
0x144: {  	[tilespmem:s5], [sflag:$0x1] =	stream.indirect.gather @!p2 [hbm4b:s4+s8], $0x10, s18, s8, $0xb8;
	[tilespmem:$0x11EA0] =	vst v63  }
0x145: {  	s5 =	simm.s32 @!p2 $0x8800  }
0x146: {  	[tilespmem:s3], [sflag:$0x1] =	stream.indirect.gather @!p2 [hbm4b:s4+s8], $0x10, s11, s8, $0xb8;
	[tilespmem:$0x11EA0] =	vst v63  }
0x147: {  	_ = 	snop  }
0x148: {  	[tilespmem:s5], [sflag:$0x1] =	stream.indirect.gather @!p2 [hbm4b:s4+s8], $0x10, s20, s8, $0xb8;
	[tilespmem:$0x11EA0] =	vst v63  }
0x149: {  	_ =	swait.ge [sflag:s1], $0x800  }
0x14a: {  	[sflag:s1] =	ssyncset.done $0x0  }
0x14b: {  	[sflag:s1] =	ssyncadd.s32 $0xFFFFF800  }
0x14c: {  	_ =	swait.ge [sflag:s1], $0x800  }
0x14d: {  	[sflag:s1] =	ssyncset.done $0x0  }
0x14e: {  	[sflag:s1] =	ssyncadd.s32 $0xFFFFF800  }
0x14f: {  	_ =	swait.ge [sflag:s1], $0x800  }
0x150: {  	[sflag:s1] =	ssyncset.done $0x0  }
0x151: {  	[sflag:s1] =	ssyncadd.s32 $0xFFFFF800  }
0x152: {  	_ =	swait.ge [sflag:s1], $0x800  }
0x153: {  	[sflag:s1] =	ssyncset.done $0x0  }
0x154: {  	[sflag:s1] =	ssyncadd.s32 $0xFFFFF800  }
0x155: {  	_ =	swait.ge [sflag:s1], $0x800  }
0x156: {  	[sflag:s1] =	ssyncset.done $0x0  }
0x157: {  	[sflag:s1] =	ssyncadd.s32 $0xFFFFF800  }
0x158: {  	_ =	swait.ge [sflag:s1], $0x800  }
0x159: {  	[sflag:s1] =	ssyncset.done $0x0  }
0x15a: {  	[sflag:s1] =	ssyncadd.s32 $0xFFFFF800  }
0x15b: {  	_ =	swait.ge [sflag:s1], $0x800  }
0x15c: {  	[sflag:s1] =	ssyncset.done $0x0  }
0x15d: {  	[sflag:s1] =	ssyncadd.s32 $0xFFFFF800  }
0x15e: {  	_ =	swait.ge [sflag:s1], $0x800  }
0x15f: {  	s3 =	sadd.s32 $0x2C00, s10;
	[sflag:s1] =	ssyncset.done $0x0  }
0x160: {  	[sflag:s1] =	ssyncadd.s32 $0xFFFFF800  }
0x161: {  	[spmem:s2] =	stream.indirect.scatter.add.f32 [tilespmem:s30], [sflag:$0x4], $0x10, s3, s14, $0xb8;
	[tilespmem:$0x11EA0] =	vst v63  }
0x162: {  	s5 =	sadd.s32 $0x2D00, s10;
	s3 =	sadd.s32 $0x2C80, s10  }
0x163: {  	[spmem:s2] =	stream.indirect.scatter.add.f32 [tilespmem:s31], [sflag:$0x4], $0x10, s3, s14, $0xb8;
	[tilespmem:$0x11EA0] =	vst v63  }
0x164: {  	_ = 	snop  }
0x165: {  	[spmem:s2] =	stream.indirect.scatter.add.f32 [tilespmem:s0], [sflag:$0x4], $0x10, s5, s14, $0xb8;
	[tilespmem:$0x11EA0] =	vst v63  }
0x166: {  	s3 =	sadd.s32 $0x2D80, s10  }
0x167: {  	[spmem:s2] =	stream.indirect.scatter.add.f32 [tilespmem:s12], [sflag:$0x4], $0x10, s3, s14, $0xb8;
	[tilespmem:$0x11EA0] =	vst v63  }
0x168: {  	s3 =	sadd.s32 $0x2E00, s10  }
0x169: {  	[spmem:s2] =	stream.indirect.scatter.add.f32 [tilespmem:s17], [sflag:$0x4], $0x10, s3, s14, $0xb8;
	[tilespmem:$0x11EA0] =	vst v63  }
.Ltmp0:
0x16a: {  	_ = 	snop;
	(pc) =	sbr.rel @p1 .LBB2_2-.Ltmp0, $4  }
0x16b: {  	s3 =	sadd.s32 $0x2E80, s10  }
0x16c: {  	[spmem:s2] =	stream.indirect.scatter.add.f32 [tilespmem:s19], [sflag:$0x4], $0x10, s3, s14, $0xb8;
	[tilespmem:$0x11EA0] =	vst v63  }
0x16d: {  	s3 =	sadd.s32 $0x2F00, s10  }
0x16e: {  	[spmem:s2] =	stream.indirect.scatter.add.f32 [tilespmem:s21], [sflag:$0x4], $0x10, s3, s14, $0xb8;
	[tilespmem:$0x11EA0] =	vst v63  }
0x16f: {  	s5 =	simm.s32 @!p0 $0x4  }
0x170: {  	[spmem:s2] =	stream.indirect.scatter.add.f32 [tilespmem:s23], [sflag:$0x4], $0x10, s9, s14, $0xb8;
	[tilespmem:$0x11EA0] =	vst v63  }
0x171: {  	_ =	swait.ge @!p0 [sflag:s5], $0x800  }
0x172: {  	[sflag:s5] =	ssyncset.done @!p0 $0x0  }
0x173: {  	[sflag:s5] =	ssyncadd.s32 @!p0 $0xFFFFF800  }
0x174: {  	_ =	swait.ge @!p0 [sflag:s5], $0x800  }
0x175: {  	[sflag:s5] =	ssyncset.done @!p0 $0x0  }
0x176: {  	[sflag:s5] =	ssyncadd.s32 @!p0 $0xFFFFF800  }
0x177: {  	_ =	swait.ge @!p0 [sflag:s5], $0x800  }
0x178: {  	[sflag:s5] =	ssyncset.done @!p0 $0x0  }
0x179: {  	[sflag:s5] =	ssyncadd.s32 @!p0 $0xFFFFF800  }
0x17a: {  	_ =	swait.ge @!p0 [sflag:s5], $0x800  }
0x17b: {  	[sflag:s5] =	ssyncset.done @!p0 $0x0  }
0x17c: {  	[sflag:s5] =	ssyncadd.s32 @!p0 $0xFFFFF800  }
0x17d: {  	_ =	swait.ge @!p0 [sflag:s5], $0x800  }
0x17e: {  	[sflag:s5] =	ssyncset.done @!p0 $0x0  }
0x17f: {  	[sflag:s5] =	ssyncadd.s32 @!p0 $0xFFFFF800  }
0x180: {  	_ =	swait.ge @!p0 [sflag:s5], $0x800  }
0x181: {  	[sflag:s5] =	ssyncset.done @!p0 $0x0  }
0x182: {  	[sflag:s5] =	ssyncadd.s32 @!p0 $0xFFFFF800  }
0x183: {  	_ =	swait.ge @!p0 [sflag:s5], $0x800  }
0x184: {  	[sflag:s5] =	ssyncset.done @!p0 $0x0  }
0x185: {  	[sflag:s5] =	ssyncadd.s32 @!p0 $0xFFFFF800  }
0x186: {  	_ =	swait.ge @!p0 [sflag:s5], $0x800  }
0x187: {  	s3 =	sshra.s32 s6, $0x2;
	[sflag:s5] =	ssyncset.done @!p0 $0x0  }
0x188: {  	s20 =	sadd.s32 $0x400, s3;
	[sflag:s5] =	ssyncadd.s32 @!p0 $0xFFFFF800  }
0x189: {  	[tilespmem:s30], [sflag:$0x2] =	stream.indirect.gather [hbm4b:s4+s14], $0x10, s20, s14, $0xb8;
	[tilespmem:$0x11EA0] =	vst v63  }
0x18a: {  	s7 =	sadd.s32 $0x480, s3  }
0x18b: {  	[tilespmem:s31], [sflag:$0x2] =	stream.indirect.gather [hbm4b:s4+s14], $0x10, s7, s14, $0xb8;
	[tilespmem:$0x11EA0] =	vst v63  }
0x18c: {  	s8 =	sadd.s32 $0x500, s3  }
0x18d: {  	[tilespmem:s0], [sflag:$0x2] =	stream.indirect.gather [hbm4b:s4+s14], $0x10, s8, s14, $0xb8;
	[tilespmem:$0x11EA0] =	vst v63  }
0x18e: {  	s9 =	sadd.s32 $0x580, s3  }
0x18f: {  	[tilespmem:s12], [sflag:$0x2] =	stream.indirect.gather [hbm4b:s4+s14], $0x10, s9, s14, $0xb8;
	[tilespmem:$0x11EA0] =	vst v63  }
0x190: {  	s10 =	sadd.s32 $0x600, s3  }
0x191: {  	[tilespmem:s17], [sflag:$0x2] =	stream.indirect.gather [hbm4b:s4+s14], $0x10, s10, s14, $0xb8;
	[tilespmem:$0x11EA0] =	vst v63  }
0x192: {  	s11 =	sadd.s32 $0x680, s3  }
0x193: {  	[tilespmem:s19], [sflag:$0x2] =	stream.indirect.gather [hbm4b:s4+s14], $0x10, s11, s14, $0xb8;
	[tilespmem:$0x11EA0] =	vst v63  }
0x194: {  	s13 =	sadd.s32 $0x700, s3  }
0x195: {  	[tilespmem:s21], [sflag:$0x2] =	stream.indirect.gather [hbm4b:s4+s14], $0x10, s13, s14, $0xb8;
	[tilespmem:$0x11EA0] =	vst v63  }
0x196: {  	s15 =	sadd.s32 $0x780, s3  }
0x197: {  	[tilespmem:s23], [sflag:$0x2] =	stream.indirect.gather [hbm4b:s4+s14], $0x10, s15, s14, $0xb8;
	[tilespmem:$0x11EA0] =	vst v63  }
0x198: {  	_ =	swait.ge [sflag:s25], $0x800  }
0x199: {  	[sflag:s25] =	ssyncset.done $0x0  }
0x19a: {  	[sflag:s25] =	ssyncadd.s32 $0xFFFFF800  }
0x19b: {  	_ =	swait.ge [sflag:s25], $0x800  }
0x19c: {  	[sflag:s25] =	ssyncset.done $0x0  }
0x19d: {  	[sflag:s25] =	ssyncadd.s32 $0xFFFFF800  }
0x19e: {  	_ =	swait.ge [sflag:s25], $0x800  }
0x19f: {  	[sflag:s25] =	ssyncset.done $0x0  }
0x1a0: {  	[sflag:s25] =	ssyncadd.s32 $0xFFFFF800  }
0x1a1: {  	_ =	swait.ge [sflag:s25], $0x800  }
0x1a2: {  	[sflag:s25] =	ssyncset.done $0x0  }
0x1a3: {  	[sflag:s25] =	ssyncadd.s32 $0xFFFFF800  }
0x1a4: {  	_ =	swait.ge [sflag:s25], $0x800  }
0x1a5: {  	[sflag:s25] =	ssyncset.done $0x0  }
0x1a6: {  	[sflag:s25] =	ssyncadd.s32 $0xFFFFF800  }
0x1a7: {  	_ =	swait.ge [sflag:s25], $0x800  }
0x1a8: {  	[sflag:s25] =	ssyncset.done $0x0  }
0x1a9: {  	[sflag:s25] =	ssyncadd.s32 $0xFFFFF800  }
0x1aa: {  	_ =	swait.ge [sflag:s25], $0x800  }
0x1ab: {  	[sflag:s25] =	ssyncset.done $0x0  }
0x1ac: {  	[sflag:s25] =	ssyncadd.s32 $0xFFFFF800  }
0x1ad: {  	_ =	swait.ge [sflag:s25], $0x800  }
0x1ae: {  	[sflag:s25] =	ssyncset.done $0x0  }
0x1af: {  	s16 =	sadd.s32 $0x2800, s3;
	[sflag:s25] =	ssyncadd.s32 $0xFFFFF800  }
0x1b0: {  	[spmem:s2] =	stream.indirect.scatter.add.f32 [tilespmem:s22], [sflag:$0x3], $0x10, s16, s14, $0xb8;
	[tilespmem:$0x11EA0] =	vst v63  }
0x1b1: {  	s18 =	sadd.s32 $0x2880, s3  }
0x1b2: {  	[spmem:s2] =	stream.indirect.scatter.add.f32 [tilespmem:s24], [sflag:$0x3], $0x10, s18, s14, $0xb8;
	[tilespmem:$0x11EA0] =	vst v63  }
0x1b3: {  	s20 =	sadd.s32 $0x2900, s3  }
0x1b4: {  	[spmem:s2] =	stream.indirect.scatter.add.f32 [tilespmem:s26], [sflag:$0x3], $0x10, s20, s14, $0xb8;
	[tilespmem:$0x11EA0] =	vst v63  }
0x1b5: {  	s7 =	sadd.s32 $0x2980, s3  }
0x1b6: {  	[spmem:s2] =	stream.indirect.scatter.add.f32 [tilespmem:s29], [sflag:$0x3], $0x10, s7, s14, $0xb8;
	[tilespmem:$0x11EA0] =	vst v63  }
0x1b7: {  	s8 =	sadd.s32 $0x2A00, s3;
	s7 =	simm.s32 $0x7000  }
0x1b8: {  	[spmem:s2] =	stream.indirect.scatter.add.f32 [tilespmem:s7], [sflag:$0x3], $0x10, s8, s14, $0xb8;
	[tilespmem:$0x11EA0] =	vst v63  }
0x1b9: {  	s9 =	sadd.s32 $0x2A80, s3;
	s10 =	simm.s32 $0x7800  }
0x1ba: {  	[spmem:s2] =	stream.indirect.scatter.add.f32 [tilespmem:s10], [sflag:$0x3], $0x10, s9, s14, $0xb8;
	[tilespmem:$0x11EA0] =	vst v63  }
0x1bb: {  	s11 =	sadd.s32 $0x2B00, s3;
	s13 =	simm.s32 $0x8000  }
0x1bc: {  	[spmem:s2] =	stream.indirect.scatter.add.f32 [tilespmem:s13], [sflag:$0x3], $0x10, s11, s14, $0xb8;
	[tilespmem:$0x11EA0] =	vst v63  }
0x1bd: {  	s15 =	sadd.s32 $0x2B80, s3;
	s16 =	simm.s32 $0x8800  }
0x1be: {  	[spmem:s2] =	stream.indirect.scatter.add.f32 [tilespmem:s16], [sflag:$0x3], $0x10, s15, s14, $0xb8;
	[tilespmem:$0x11EA0] =	vst v63  }
0x1bf: {  	_ =	swait.ge [sflag:s28], $0x800  }
0x1c0: {  	[sflag:s28] =	ssyncset.done $0x0  }
0x1c1: {  	[sflag:s28] =	ssyncadd.s32 $0xFFFFF800  }
0x1c2: {  	_ =	swait.ge [sflag:s28], $0x800  }
0x1c3: {  	[sflag:s28] =	ssyncset.done $0x0  }
0x1c4: {  	[sflag:s28] =	ssyncadd.s32 $0xFFFFF800  }
0x1c5: {  	_ =	swait.ge [sflag:s28], $0x800  }
0x1c6: {  	[sflag:s28] =	ssyncset.done $0x0  }
0x1c7: {  	[sflag:s28] =	ssyncadd.s32 $0xFFFFF800  }
0x1c8: {  	_ =	swait.ge [sflag:s28], $0x800  }
0x1c9: {  	[sflag:s28] =	ssyncset.done $0x0  }
0x1ca: {  	[sflag:s28] =	ssyncadd.s32 $0xFFFFF800  }
0x1cb: {  	_ =	swait.ge [sflag:s28], $0x800  }
0x1cc: {  	[sflag:s28] =	ssyncset.done $0x0  }
0x1cd: {  	[sflag:s28] =	ssyncadd.s32 $0xFFFFF800  }
0x1ce: {  	_ =	swait.ge [sflag:s28], $0x800  }
0x1cf: {  	[sflag:s28] =	ssyncset.done $0x0  }
0x1d0: {  	[sflag:s28] =	ssyncadd.s32 $0xFFFFF800  }
0x1d1: {  	_ =	swait.ge [sflag:s28], $0x800  }
0x1d2: {  	[sflag:s28] =	ssyncset.done $0x0  }
0x1d3: {  	[sflag:s28] =	ssyncadd.s32 $0xFFFFF800  }
0x1d4: {  	p0 =	seq.s32 s6, $0x8000;
	_ =	swait.ge [sflag:s28], $0x800  }
0x1d5: {  	s5 =	sshra.s32 @!p0 s6, $0x2;
	s6 =	simm.s32 @!p0 $0x80;
	[sflag:s28] =	ssyncset.done $0x0  }
0x1d6: {  	s7 =	simm.s32 @!p0 $0x5000;
	s8 =	sadd.s32 @!p0 $0x800, s5;
	[sflag:s28] =	ssyncadd.s32 $0xFFFFF800  }
0x1d7: {  	[tilespmem:s7], [sflag:$0x1] =	stream.indirect.gather @!p0 [hbm4b:s4+s6], $0x10, s8, s6, $0xb8;
	[tilespmem:$0x11EA0] =	vst v63  }
0x1d8: {  	s7 =	sadd.s32 @!p0 $0x880, s5;
	s8 =	simm.s32 @!p0 $0x5800  }
0x1d9: {  	[tilespmem:s8], [sflag:$0x1] =	stream.indirect.gather @!p0 [hbm4b:s4+s6], $0x10, s7, s6, $0xb8;
	[tilespmem:$0x11EA0] =	vst v63  }
0x1da: {  	s7 =	sadd.s32 @!p0 $0x900, s5;
	s8 =	simm.s32 @!p0 $0x6000  }
0x1db: {  	[tilespmem:s8], [sflag:$0x1] =	stream.indirect.gather @!p0 [hbm4b:s4+s6], $0x10, s7, s6, $0xb8;
	[tilespmem:$0x11EA0] =	vst v63  }
0x1dc: {  	s7 =	sadd.s32 @!p0 $0x980, s5;
	s8 =	simm.s32 @!p0 $0x6800  }
0x1dd: {  	[tilespmem:s8], [sflag:$0x1] =	stream.indirect.gather @!p0 [hbm4b:s4+s6], $0x10, s7, s6, $0xb8;
	[tilespmem:$0x11EA0] =	vst v63  }
0x1de: {  	s7 =	sadd.s32 @!p0 $0xA00, s5;
	s8 =	simm.s32 @!p0 $0x7000  }
0x1df: {  	[tilespmem:s8], [sflag:$0x1] =	stream.indirect.gather @!p0 [hbm4b:s4+s6], $0x10, s7, s6, $0xb8;
	[tilespmem:$0x11EA0] =	vst v63  }
0x1e0: {  	s7 =	sadd.s32 @!p0 $0xA80, s5;
	s8 =	simm.s32 @!p0 $0x7800  }
0x1e1: {  	[tilespmem:s8], [sflag:$0x1] =	stream.indirect.gather @!p0 [hbm4b:s4+s6], $0x10, s7, s6, $0xb8;
	[tilespmem:$0x11EA0] =	vst v63  }
0x1e2: {  	s7 =	sadd.s32 @!p0 $0xB00, s5;
	s8 =	simm.s32 @!p0 $0x8000  }
0x1e3: {  	[tilespmem:s8], [sflag:$0x1] =	stream.indirect.gather @!p0 [hbm4b:s4+s6], $0x10, s7, s6, $0xb8;
	[tilespmem:$0x11EA0] =	vst v63  }
0x1e4: {  	s5 =	sadd.s32 @!p0 $0xB80, s5;
	s7 =	simm.s32 @!p0 $0x8800  }
0x1e5: {  	[tilespmem:s7], [sflag:$0x1] =	stream.indirect.gather @!p0 [hbm4b:s4+s6], $0x10, s5, s6, $0xb8;
	[tilespmem:$0x11EA0] =	vst v63  }
0x1e6: {  	_ =	swait.ge [sflag:s1], $0x800  }
0x1e7: {  	[sflag:s1] =	ssyncset.done $0x0  }
0x1e8: {  	[sflag:s1] =	ssyncadd.s32 $0xFFFFF800  }
0x1e9: {  	_ =	swait.ge [sflag:s1], $0x800  }
0x1ea: {  	[sflag:s1] =	ssyncset.done $0x0  }
0x1eb: {  	[sflag:s1] =	ssyncadd.s32 $0xFFFFF800  }
0x1ec: {  	_ =	swait.ge [sflag:s1], $0x800  }
0x1ed: {  	[sflag:s1] =	ssyncset.done $0x0  }
0x1ee: {  	[sflag:s1] =	ssyncadd.s32 $0xFFFFF800  }
0x1ef: {  	_ =	swait.ge [sflag:s1], $0x800  }
0x1f0: {  	[sflag:s1] =	ssyncset.done $0x0  }
0x1f1: {  	[sflag:s1] =	ssyncadd.s32 $0xFFFFF800  }
0x1f2: {  	_ =	swait.ge [sflag:s1], $0x800  }
0x1f3: {  	[sflag:s1] =	ssyncset.done $0x0  }
0x1f4: {  	[sflag:s1] =	ssyncadd.s32 $0xFFFFF800  }
0x1f5: {  	_ =	swait.ge [sflag:s1], $0x800  }
0x1f6: {  	[sflag:s1] =	ssyncset.done $0x0  }
0x1f7: {  	[sflag:s1] =	ssyncadd.s32 $0xFFFFF800  }
0x1f8: {  	_ =	swait.ge [sflag:s1], $0x800  }
0x1f9: {  	[sflag:s1] =	ssyncset.done $0x0  }
0x1fa: {  	[sflag:s1] =	ssyncadd.s32 $0xFFFFF800  }
0x1fb: {  	_ =	swait.ge [sflag:s1], $0x800  }
0x1fc: {  	[sflag:s1] =	ssyncset.done $0x0  }
0x1fd: {  	s18 =	sadd.s32 $0x2C00, s3;
	[sflag:s1] =	ssyncadd.s32 $0xFFFFF800  }
0x1fe: {  	[spmem:s2] =	stream.indirect.scatter.add.f32 [tilespmem:s30], [sflag:$0x4], $0x10, s18, s14, $0xb8;
	[tilespmem:$0x11EA0] =	vst v63  }
0x1ff: {  	s20 =	sadd.s32 $0x2C80, s3  }
0x200: {  	[spmem:s2] =	stream.indirect.scatter.add.f32 [tilespmem:s31], [sflag:$0x4], $0x10, s20, s14, $0xb8;
	[tilespmem:$0x11EA0] =	vst v63  }
0x201: {  	s6 =	sadd.s32 $0x2D00, s3  }
0x202: {  	[spmem:s2] =	stream.indirect.scatter.add.f32 [tilespmem:s0], [sflag:$0x4], $0x10, s6, s14, $0xb8;
	[tilespmem:$0x11EA0] =	vst v63  }
0x203: {  	s7 =	sadd.s32 $0x2D80, s3  }
0x204: {  	[spmem:s2] =	stream.indirect.scatter.add.f32 [tilespmem:s12], [sflag:$0x4], $0x10, s7, s14, $0xb8;
	[tilespmem:$0x11EA0] =	vst v63  }
0x205: {  	s8 =	sadd.s32 $0x2E00, s3  }
0x206: {  	[spmem:s2] =	stream.indirect.scatter.add.f32 [tilespmem:s17], [sflag:$0x4], $0x10, s8, s14, $0xb8;
	[tilespmem:$0x11EA0] =	vst v63  }
0x207: {  	s9 =	sadd.s32 $0x2E80, s3  }
0x208: {  	[spmem:s2] =	stream.indirect.scatter.add.f32 [tilespmem:s19], [sflag:$0x4], $0x10, s9, s14, $0xb8;
	[tilespmem:$0x11EA0] =	vst v63  }
0x209: {  	s10 =	sadd.s32 $0x2F00, s3  }
0x20a: {  	[spmem:s2] =	stream.indirect.scatter.add.f32 [tilespmem:s21], [sflag:$0x4], $0x10, s10, s14, $0xb8;
	[tilespmem:$0x11EA0] =	vst v63  }
0x20b: {  	s11 =	simm.s32 $0x4;
	s3 =	sadd.s32 $0x2F80, s3  }
0x20c: {  	[spmem:s2] =	stream.indirect.scatter.add.f32 [tilespmem:s23], [sflag:$0x4], $0x10, s3, s14, $0xb8;
	[tilespmem:$0x11EA0] =	vst v63  }
0x20d: {  	_ =	swait.ge [sflag:s11], $0x800  }
0x20e: {  	[sflag:s11] =	ssyncset.done $0x0  }
0x20f: {  	[sflag:s11] =	ssyncadd.s32 $0xFFFFF800  }
0x210: {  	_ =	swait.ge [sflag:s11], $0x800  }
0x211: {  	[sflag:s11] =	ssyncset.done $0x0  }
0x212: {  	[sflag:s11] =	ssyncadd.s32 $0xFFFFF800  }
0x213: {  	_ =	swait.ge [sflag:s11], $0x800  }
0x214: {  	[sflag:s11] =	ssyncset.done $0x0  }
0x215: {  	[sflag:s11] =	ssyncadd.s32 $0xFFFFF800  }
0x216: {  	_ =	swait.ge [sflag:s11], $0x800  }
0x217: {  	[sflag:s11] =	ssyncset.done $0x0  }
0x218: {  	[sflag:s11] =	ssyncadd.s32 $0xFFFFF800  }
0x219: {  	_ =	swait.ge [sflag:s11], $0x800  }
0x21a: {  	[sflag:s11] =	ssyncset.done $0x0  }
0x21b: {  	[sflag:s11] =	ssyncadd.s32 $0xFFFFF800  }
0x21c: {  	_ =	swait.ge [sflag:s11], $0x800  }
0x21d: {  	[sflag:s11] =	ssyncset.done $0x0  }
0x21e: {  	[sflag:s11] =	ssyncadd.s32 $0xFFFFF800  }
0x21f: {  	_ =	swait.ge [sflag:s11], $0x800  }
0x220: {  	[sflag:s11] =	ssyncset.done $0x0  }
0x221: {  	[sflag:s11] =	ssyncadd.s32 $0xFFFFF800  }
0x222: {  	_ =	swait.ge [sflag:s11], $0x800  }
0x223: {  	[sflag:s11] =	ssyncset.done $0x0  }
0x224: {  	[sflag:s11] =	ssyncadd.s32 $0xFFFFF800  }
0x225: {  	s13 =	stileid.u32;
	[bflag:$0x0] =	sbarrier.arrive $0xFFFF  }
0x226: {  	s7 =	simm.s32 $0x5;
	s3 =	sshll.u32 s13, $0x6;
	s6 =	rddreg [dreg:$0x6]  }
0x227: {  	s3 =	sor.u32 $0x1C05, s3;
	s16 =	rddreg [dreg:$0x7];
	s15 =	sshrl.u32 s6, $0x3  }
0x228: {  	[hbm:s16], [sflag:s3] =	dma.local [spmem:s15], $0x4E2  }
0x229: {  	_ =	swait.ge [sflag:s7], $0x4E2  }
0x22a: {  	s18 =	rddreg [dreg:$0x9]  }
0x22b: {  	s20 =	rddreg [dreg:$0x8];
	s5 =	sadd.s32 $0x1, s18  }
0x22c: {  	p0 =	sne.s32 s5, s20  }
.Ltmp1:
0x22d: {  	_ = 	snop;
	(pc) =	sbr.rel @p0 .LBB2_1-.Ltmp1, $3  }
0x22e: {  	_ =	sdelay $0x1  }
0x22f: {  	[sflag:s7] =	ssyncset.done $0x0  }
0x230: {  	[sflag:s7] =	ssyncadd.s32 $0xFFFFFB1E  }
0x231: {  	_ =	sfence.sel $0x180000  }
0x232: {  	[bflag:$0x0] =	sbarrier.arrive $0xFFFF  }
0x233: {  	_ =	strace $0x9000004A  }
0x234: {  	s0 =	stileid.u32;
	[bflag:$0x2] =	sbarrier.arrive $0xFFFF  }
0x235: {  	p0 =	sne.s32 s0, $0x0;
	s0 =	rddreg [dreg:$0x2]  }
0x236: {  	s0 =	sadd.s32 @!p0 $0x100000, s0  }
0x237: {  	[sflag:s0] =	ssyncadd.tile.s32 @!p0 $0x1;
	_ =	shalt  }
.Lfunc_end2:
_tile_overlayer_lowered:
.L_overlay_start_2:
0x238: {  	(tag) =	ssettag $0x2  }
0x239: {  	s0 =	rddreg [dreg:$0x0];
	s2 =	stileid.u32  }
0x23a: {  	s1 =	rddreg [dreg:$0x1];
	p0 =	sne.s32 s2, $0x0  }
0x23b: {  	s3 =	rddreg [dreg:$0x2];
	[bflag:$0x3] =	sbarrier.arrive $0xFFFF;
	s2 =	simm.s32 @!p0 $0x1C05  }
0x23c: {  	[timem:s3], [sflag:s2] =	dma.local @!p0 [hbm:s0], s1  }
0x23d: {  	s0 =	simm.s32 @!p0 $0x5  }
0x23e: {  	_ =	swait.ge @!p0 [sflag:s0], s1  }
0x23f: {  	s1 =	ssub.s32 @!p0 $0x0, s1;
	[sflag:s0] =	ssyncset.done @!p0 $0x0  }
0x240: {  	[sflag:s0] =	ssyncadd.s32 @!p0 s1  }
0x241: {  	[bflag:$0x3] =	sbarrier.arrive $0xFFFF  }
0x242: {  	_ =	shalt  }

// kernel: kernel.14.cloned.1.call-start
scs
__scs_entry_jumppad:
0x0: {  	(pc) =	sbr.rel $0x88, $3  }
0x1: {  	(tag) =	ssettag $0x0;
	lr =	simm.s32 $0x1  }
0x2: {  	[smem:$0x3F9B] =	sst lr;
	_ =	strace $0xD0000000  }
0x3: {  	_ = 	snop  }
0x4: {  	_ = 	snop  }
0x5: {  	_ = 	snop  }
0x6: {  	_ = 	snop  }
0x7: {  	_ = 	snop  }
__scs_overlays_trampoline_lowered:
0x8: {  	[smem:$0x3FAA] =	sst s0  }
0x9: {  	[smem:$0x3FAB] =	sst s1  }
0xa: {  	[smem:$0x3FAC] =	sst s2  }
0xb: {  	[smem:$0x3FAD] =	sst s3  }
0xc: {  	[smem:$0x3FAE] =	sst s4  }
0xd: {  	[smem:$0x3FAF] =	sst s5  }
0xe: {  	[smem:$0x3FB0] =	sst s6  }
0xf: {  	[smem:$0x3FB1] =	sst s7  }
0x10: {  	[smem:$0x3FB2] =	sst s8  }
0x11: {  	[smem:$0x3FB3] =	sst s9;
	s0 =	simm.s32 @!p0 $0x0  }
0x12: {  	s1 =	sld [smem:$0x3F99];
	s0 =	simm.s32 @p0 $0x1  }
0x13: {  	[smem:$0x3FB4] =	sst s0;
	s0 =	simm.s32 @!p1 $0x0  }
0x14: {  	s2 =	sld [smem:$0x3F98];
	s0 =	simm.s32 @p1 $0x1  }
0x15: {  	[smem:$0x3FB5] =	sst s0;
	s0 =	simm.s32 @!p2 $0x0  }
0x16: {  	s3 =	sld [smem:$0x3FDB];
	s0 =	simm.s32 @p2 $0x1  }
0x17: {  	s4 =	simm.s32 $0x1BF5;
	[smem:$0x3FB7] =	sst s0  }
0x18: {  	s0 =	sld [smem:$0x3F9A];
	_ =	swait.ge [sflag:s4], $0x0  }
0x19: {  	s7 =	sld [smem:$0x3F9B]  }
0x1a: {  	s8 =	sadd.s32 $0xFFFFE003, lr  }
0x1b: {  	s9 =	sadd.s32 $0xFFFFFEF7, lr;
	s5 =	simm.s32 $0xFFFFFFFF;
	p2 =	slt.u32 s8, $0xFFFFF086  }
0x1c: {  	p1 =	slt.u32 s9, $0xF7A;
	s5 =	simm.s32 @!p2 $0x0  }
0x1d: {  	s5 =	simm.s32 @p1 $0x1;
	p0 =	seq.s32 s7, s2  }
0x1e: {  	s7 =	smul.u32 @!p0 $0xF7A, s2;
	p2 =	seq.s32 @!p0 s5, $0x0  }
0x1f: {  	s9 =	smul.u32 $0xF7A, s1;
	s8 =	simm.s32 @!p0 $0x1BF5;
	p2 =	por !p2, p0  }
0x20: {  	[sflag:s8] =	ssyncset.s32 @!p0 $0xFFFFF086;
	s6 =	sadd.s32 @!p0 s3, s7;
	s7 =	simm.s32 @!p0 $0x108  }
0x21: {  	s3 =	sadd.s32 s3, s9;
	s6 =	sadd.s32 @!p0 $0x88, s6;
	s7 =	simm.s32 @p2 $0x1082  }
0x22: {  	[simem:s7], [sflag:s8] =	dma.local @!p0 [hbm:s6], $0xF7A  }
0x23: {  	s9 =	sor.u32 $0xD0000000, s2;
	s6 =	simm.s32 $0x108;
	_ =	swait.ge @!p0 [sflag:s8], $0x0  }
0x24: {  	s3 =	sadd.s32 $0x88, s3;
	s6 =	simm.s32 @!p1 $0x1082;
	[sflag:s4] =	ssyncset.s32 $0xFFFFF086  }
0x25: {  	[simem:s6], [sflag:s4] =	dma.local [hbm:s3], $0xF7A  }
0x26: {  	[smem:$0x3F9B] =	sst s1;
	(tag) =	ssettag s2;
	_ =	strace s9  }
0x27: {  	s1 =	sld [smem:$0x3FAB]  }
0x28: {  	s2 =	sld [smem:$0x3FAC]  }
0x29: {  	s4 =	sld [smem:$0x3FAE]  }
0x2a: {  	p0 =	seq.s32 s5, $0x0;
	s5 =	sld [smem:$0x3FAF]  }
0x2b: {  	s6 =	sld [smem:$0x3FB0]  }
0x2c: {  	s7 =	sld [smem:$0x3FB1]  }
0x2d: {  	s3 =	simm.s32 $0x108;
	s8 =	sld [smem:$0x3FB2]  }
0x2e: {  	s3 =	simm.s32 @!p0 $0x1082;
	s9 =	sld [smem:$0x3FB3]  }
0x2f: {  	lr =	sadd.s32 s0, s3;
	s0 =	sld [smem:$0x3FAA]  }
0x30: {  	s3 =	sld [smem:$0x3FAD]  }
0x31: {  	[smem:$0x3FB6] =	sst s10  }
0x32: {  	s10 =	sld [smem:$0x3FB4];
	_ =	sdelay $0x3  }
0x33: {  	p0 =	seq.s32 s10, $0x1;
	s10 =	sld [smem:$0x3FB6];
	_ =	sdelay $0x3  }
0x34: {  	[smem:$0x3FB6] =	sst s10  }
0x35: {  	s10 =	sld [smem:$0x3FB5];
	_ =	sdelay $0x3  }
0x36: {  	p1 =	seq.s32 s10, $0x1;
	s10 =	sld [smem:$0x3FB6];
	_ =	sdelay $0x3  }
0x37: {  	[smem:$0x3FB6] =	sst s10  }
0x38: {  	s10 =	sld [smem:$0x3FB7]  }
0x39: {  	_ = 	snop;
	(pc) =	sbr.ind lr, $3  }
0x3a: {  	_ = 	snop  }
0x3b: {  	_ = 	snop  }
0x3c: {  	p2 =	seq.s32 s10, $0x1;
	s10 =	sld [smem:$0x3FB6]  }
0x3d: {  	_ =	shalt  }
0x3e: {  	_ =	shalt  }
0x3f: {  	_ =	shalt  }
0x40: {  	_ =	shalt  }
0x41: {  	_ =	shalt  }
0x42: {  	_ =	shalt  }
0x43: {  	_ =	shalt  }
0x44: {  	_ =	shalt  }
0x45: {  	_ =	shalt  }
0x46: {  	_ =	shalt  }
0x47: {  	_ =	shalt  }
0x48: {  	_ =	shalt  }
0x49: {  	_ =	shalt  }
0x4a: {  	_ =	shalt  }
0x4b: {  	_ =	shalt  }
0x4c: {  	_ =	shalt  }
0x4d: {  	_ =	shalt  }
0x4e: {  	_ =	shalt  }
0x4f: {  	_ =	shalt  }
0x50: {  	_ =	shalt  }
0x51: {  	_ =	shalt  }
0x52: {  	_ =	shalt  }
0x53: {  	_ =	shalt  }
0x54: {  	_ =	shalt  }
0x55: {  	_ =	shalt  }
0x56: {  	_ =	shalt  }
0x57: {  	_ =	shalt  }
0x58: {  	_ =	shalt  }
0x59: {  	_ =	shalt  }
0x5a: {  	_ =	shalt  }
0x5b: {  	_ =	shalt  }
0x5c: {  	_ =	shalt  }
0x5d: {  	_ =	shalt  }
0x5e: {  	_ =	shalt  }
0x5f: {  	_ =	shalt  }
0x60: {  	_ =	shalt  }
0x61: {  	_ =	shalt  }
0x62: {  	_ =	shalt  }
0x63: {  	_ =	shalt  }
0x64: {  	_ =	shalt  }
0x65: {  	_ =	shalt  }
0x66: {  	_ =	shalt  }
0x67: {  	_ =	shalt  }
0x68: {  	_ =	shalt  }
0x69: {  	_ =	shalt  }
0x6a: {  	_ =	shalt  }
0x6b: {  	_ =	shalt  }
0x6c: {  	_ =	shalt  }
0x6d: {  	_ =	shalt  }
0x6e: {  	_ =	shalt  }
0x6f: {  	_ =	shalt  }
0x70: {  	_ =	shalt  }
0x71: {  	_ =	shalt  }
0x72: {  	_ =	shalt  }
0x73: {  	_ =	shalt  }
0x74: {  	_ =	shalt  }
0x75: {  	_ =	shalt  }
0x76: {  	_ =	shalt  }
0x77: {  	_ =	shalt  }
0x78: {  	_ =	shalt  }
0x79: {  	_ =	shalt  }
0x7a: {  	_ =	shalt  }
0x7b: {  	_ =	shalt  }
0x7c: {  	_ =	shalt  }
0x7d: {  	_ =	shalt  }
0x7e: {  	_ =	shalt  }
0x7f: {  	_ =	shalt  }
0x80: {  	_ =	shalt  }
0x81: {  	_ =	shalt  }
0x82: {  	_ =	shalt  }
0x83: {  	_ =	shalt  }
0x84: {  	_ =	shalt  }
0x85: {  	_ =	shalt  }
0x86: {  	_ =	shalt  }
0x87: {  	_ =	shalt  }
.Lfunc_end0:
.L_simem_size_0:
called_computation.2_lowered:
.L_overlay_start_0:
0x88: {  	s2 =	sld [smem:$0x3FD9]  }
0x89: {  	s3 =	sld [smem:$0x3FFE];
	_ =	sdelay $0x1  }
0x8a: {  	s1 =	srdreg.scid  }
0x8b: {  	s0 =	sand.u32 $0x1, s1  }
0x8c: {  	s16 =	sshll.u32 s0, $0xA;
	s2 =	sadd.s32 s3, s2  }
0x8d: {  	s2 =	sadd.s32 s2, s16  }
0x8e: {  	[smem:$0x3FC2] =	sst s2  }
0x8f: {  	_ = 	snop  }
0x90: {  	(tm) =	ssettm $0x1  }
0x91: {  	s17 =	sld [smem:$0x3FFB];
	_ =	sdelay $0x3  }
0x92: {  	_ =	strace s17  }
0x93: {  	s2 =	sld [smem:$0x3FFC];
	_ =	sdelay $0x3  }
0x94: {  	_ =	strace s2  }
0x95: {  	s2 =	sld [smem:$0x3FFD];
	_ =	sdelay $0x3  }
0x96: {  	_ =	strace s2  }
0x97: {  	_ =	strace $0x8FFFFFFF  }
0x98: {  	s18 =	sld [smem:$0x3FDB];
	_ =	sdelay $0x1  }
0x99: {  	s19 =	simm.s32 $_scs_section_size  }
0x9a: {  	s4 =	simm.s32 $_size__tile_overlayer_lowered;
	s5 =	simm.s32 $_tile_overlayer_lowered  }
0x9b: {  	s22 =	simm.s32 $0x1BFF;
	s21 =	sshll.u32 s5, $0x1;
	s2 =	sadd.s32 s19, s18  }
0x9c: {  	s6 =	simm.s32 $0x0;
	s20 =	sshll.u32 s4, $0x1;
	s4 =	sadd.s32 s21, s2  }
0x9d: {  	[timem:s6], [sflag:s22] =	dma.local [hbm:s4], s20  }
0x9e: {  	_ =	swait.ge [sflag:s22], s20  }
0x9f: {  	s3 =	ssub.s32 $0x0, s20;
	[sflag:s22] =	ssyncset.done $0x0  }
0xa0: {  	[sflag:s22] =	ssyncadd.s32 s3;
	_ =	sdelay $0x1  }
0xa1: {  	s23 =	simm.s32 $0x1B8B  }
0xa2: {  	_ =	swait.ge [sflag:s23], $0x1  }
0xa3: {  	[sflag:s23] =	ssyncset.done $0x0  }
0xa4: {  	s25 =	simm.s32 $0x1B8E;
	s24 =	sld [smem:$0x3FFE];
	[sflag:s23] =	ssyncadd.s32 $0xFFFFFFFF  }
0xa5: {  	s26 =	simm.s32 $execute0_lowered;
	[smem:$0x3FD2] =	sst s25  }
0xa6: {  	s4 =	sshll.u32 s26, $0x1;
	_ =	strace $0x8000004C;
	[dreg:$0x1] =	wrdreg $0xFFFFFFFF  }
0xa7: {  	s28 =	simm.s32 $_size_execute0_lowered;
	s2 =	sadd.s32 s2, s4;
	[dreg:$0x0] =	wrdreg $0x0  }
0xa8: {  	s4 =	sshll.u32 s28, $0x1;
	[dreg:$0x2] =	wrdreg s2  }
0xa9: {  	[dreg:$0x3] =	wrdreg s4  }
0xaa: {  	[dreg:$0x4] =	wrdreg $0xC0  }
0xab: {  	_ =	task [dreg:s6], $0x5FFFF  }
0xac: {  	[dreg:$0x1] =	wrdreg $0xFFFFFFFF  }
0xad: {  	[dreg:$0x0] =	wrdreg $0x60  }
0xae: {  	[dreg:$0x2] =	wrdreg s24  }
0xaf: {  	[dreg:$0x3] =	wrdreg $0xF7100  }
0xb0: {  	[dreg:$0x4] =	wrdreg $0x9  }
0xb1: {  	_ =	task.clear_ibuf [dreg:s6], $0x5FFFF;
	_ =	strace $0x9000004C  }
0xb2: {  	s29 =	simm.s32 $0x9;
	_ =	strace $0x8000004E  }
0xb3: {  	_ =	swait.ge [sflag:s29], $0x1  }
0xb4: {  	[sflag:s29] =	ssyncadd.s32 $0xFFFFFFFF  }
0xb5: {  	_ =	strace $0x9000004E  }
0xb6: {  	_ =	sfence  }
0xb7: {  	s30 =	sld [smem:$0x0];
	_ =	sdelay $0x2  }
0xb8: {  	s31 =	sshll.u32 s1, $0xD;
	s1 =	sshrl.u32 s1, $0x2  }
0xb9: {  	s3 =	sand.u32 $0x4000, s31;
	s1 =	sadd.s32 s1, s30  }
0xba: {  	s0 =	sor.u32 s3, s0;
	s1 =	sshll.u32 s1, $0x11  }
0xbb: {  	s0 =	sor.u32 s1, s0  }
0xbc: {  	s0 =	sadd.s32 $0x8F2B, s0  }
0xbd: {  	[sflag:s0] =	ssyncadd.remote.s32 $0x1  }
0xbe: {  	_ =	sfence.sel $0xFFFF  }
0xbf: {  	[dreg:$0x0] =	wrdreg $0xFFFFFFFF;
	(pc) =	sbr.abs _section_cstart, $3  }
0xc0: {  	[dreg:$0x1] =	wrdreg $0xFFFFFFFF  }
0xc1: {  	_ =	task.clear_ibuf [dreg:s6], $0x2FFFF;
	_ =	strace $0x9FFFFFFF  }
0xc2: {  	(tm) =	ssettm $0x7FFFFFFF  }
0xc3: {  	_ =	shalt  }
tec
execute0_lowered:
.L_overlay_start_1:
0x0: {  	(tag) =	ssettag $0x1  }
0x1: {  	s0 =	rddreg [dreg:$0x0]  }
0x2: {  	s2 =	rddreg [dreg:$0x1]  }
0x3: {  	s1 =	srdreg.scid;
	s4 =	stileid.u32  }
0x4: {  	s6 =	simm.s32 $0x0;
	s7 =	simm.s32 $0x5;
	s14 =	simm.s32 $0x80  }
0x5: {  	s30 =	simm.s32 $0x9000;
	s31 =	simm.s32 $0x9800;
	s12 =	simm.s32 $0xA800  }
0x6: {  	s17 =	simm.s32 $0xB000;
	s19 =	simm.s32 $0xB800;
	s28 =	simm.s32 $0x3  }
0x7: {  	s29 =	simm.s32 $0x6800;
	s1 =	sand.u32 $0x1, s1;
	s3 =	sshll.u32 s4, $0x1  }
0x8: {  	s5 =	smul.u32 $0x2710, s4;
	[smem:$0x7FF] =	sst s6;
	s3 =	sor.u32 s1, s3  }
0x9: {  	s20 =	smul.u32 $0x27100, s1;
	_ =	strace $0x8000004D;
	s1 =	ssub.s32 $0x2, s1  }
0xa: {  	s3 =	smul.u32 $0x500, s3;
	s22 =	sshrl.u32 s1, $0x1;
	s24 =	sshrl.u32 s5, $0x3  }
0xb: {  	s6 =	sadd.s32 s5, s2;
	s4 =	sadd.s32 s5, s20;
	s1 =	ssub.s32 s1, s22  }
0xc: {  	s5 =	simm.s32 $0x0;
	[dreg:$0x6] =	wrdreg s6;
	s22 =	simm.s32 $0x5000  }
0xd: {  	s3 =	sadd.s32 s3, s0;
	s21 =	sshrl.u32 s4, $0x3;
	s4 =	sadd.s32 $0x16000, s0  }
0xe: {  	s26 =	smax.u32 s1, $0x1;
	s1 =	simm.s32 $0x2;
	s0 =	sadd.s32 s21, s0  }
0xf: {  	s23 =	sadd.s32 $0x2000, s3;
	s3 =	sadd.s32 $0xC000, s3;
	[dreg:$0x8] =	wrdreg s26  }
0x10: {  	s25 =	sadd.s32 s4, s24;
	s21 =	simm.s32 $0xC000;
	[dreg:$0x3] =	wrdreg s23  }
0x11: {  	s24 =	simm.s32 $0x5800;
	s26 =	simm.s32 $0x6000;
	[dreg:$0x4] =	wrdreg s3  }
0x12: {  	[dreg:$0x5] =	wrdreg s25;
	s0 =	sadd.s32 $0x1B000, s0;
	s23 =	simm.s32 $0xC800  }
0x13: {  	s25 =	simm.s32 $0x1;
	[dreg:$0x7] =	wrdreg s0;
	s0 =	simm.s32 $0xA000  }
.LBB2_1:
0x14: {  	[dreg:$0x9] =	wrdreg s5  }
0x15: {  	s3 =	simm.s32 $0x0;
	s15 =	rddreg [dreg:$0x3]  }
0x16: {  	[tilespmem:s3], [sflag:$0x5] =	stream.linear.gather [hbm4b:s15+s3], $0x2800, $0x38;
	[tilespmem:$0x11EA0] =	vst v63  }
0x17: {  	_ =	swait.ge [sflag:s7], $0x2800  }
0x18: {  	[sflag:s7] =	ssyncset.done $0x0  }
0x19: {  	s8 =	simm.s32 $0x2800;
	s16 =	rddreg [dreg:$0x4];
	[sflag:s7] =	ssyncadd.s32 $0xFFFFD800  }
0x1a: {  	[tilespmem:s8], [sflag:$0x5] =	stream.linear.gather [hbm4b:s16+s3], $0x2800, $0x38;
	[tilespmem:$0x11EA0] =	vst v63  }
0x1b: {  	_ =	swait.ge [sflag:s7], $0x2800  }
0x1c: {  	[sflag:s7] =	ssyncset.done $0x0  }
0x1d: {  	s20 =	simm.s32 $0xD000;
	s18 =	rddreg [dreg:$0x5];
	[sflag:s7] =	ssyncadd.s32 $0xFFFFD800  }
0x1e: {  	[tilespmem:s20], [sflag:$0x5] =	stream.linear.gather [hbm4b:s18+s3], $0x2710, $0x38;
	[tilespmem:$0x11EA0] =	vst v63  }
0x1f: {  	_ =	swait.ge [sflag:s7], $0x2710  }
0x20: {  	[sflag:s7] =	ssyncset.done $0x0  }
0x21: {  	[sflag:s7] =	ssyncadd.s32 $0xFFFFD8F0  }
0x22: {  	[spmem:s6] =	stream.linear.scatter [tilespmem:s20], [sflag:$0x5], $0x2710, $0x38;
	[tilespmem:$0x11EA0] =	vst v63  }
0x23: {  	_ =	swait.ge [sflag:s7], $0x2710  }
0x24: {  	[sflag:s7] =	ssyncset.done $0x0  }
0x25: {  	[sflag:s7] =	ssyncadd.s32 $0xFFFFD8F0  }
0x26: {  	s5 =	simm.s32 $0x5000;
	[bflag:$0x0] =	sbarrier.arrive $0xFFFF  }
0x27: {  	[tilespmem:s5], [sflag:$0x1] =	stream.indirect.gather [hbm4b:s4+s14], $0x10, s3, s14, $0xb8;
	[tilespmem:$0x11EA0] =	vst v63  }
0x28: {  	s6 =	simm.s32 $0x5800  }
0x29: {  	[tilespmem:s6], [sflag:$0x1] =	stream.indirect.gather [hbm4b:s4+s14], $0x10, s14, s14, $0xb8;
	[tilespmem:$0x11EA0] =	vst v63  }
0x2a: {  	s8 =	simm.s32 $0x100;
	s7 =	simm.s32 $0x6000  }
0x2b: {  	[tilespmem:s7], [sflag:$0x1] =	stream.indirect.gather [hbm4b:s4+s14], $0x10, s8, s14, $0xb8;
	[tilespmem:$0x11EA0] =	vst v63  }
0x2c: {  	s9 =	simm.s32 $0x180;
	s8 =	simm.s32 $0x6800  }
0x2d: {  	[tilespmem:s8], [sflag:$0x1] =	stream.indirect.gather [hbm4b:s4+s14], $0x10, s9, s14, $0xb8;
	[tilespmem:$0x11EA0] =	vst v63  }
0x2e: {  	s10 =	simm.s32 $0x200;
	s9 =	simm.s32 $0x7000  }
0x2f: {  	[tilespmem:s9], [sflag:$0x1] =	stream.indirect.gather [hbm4b:s4+s14], $0x10, s10, s14, $0xb8;
	[tilespmem:$0x11EA0] =	vst v63  }
0x30: {  	s11 =	simm.s32 $0x280;
	p0 =	por $0x1, $0x1;
	s10 =	simm.s32 $0x7800  }
0x31: {  	[tilespmem:s10], [sflag:$0x1] =	stream.indirect.gather [hbm4b:s4+s14], $0x10, s11, s14, $0xb8;
	[tilespmem:$0x11EA0] =	vst v63  }
0x32: {  	s13 =	simm.s32 $0x300;
	p0 =	por p0, p0;
	s11 =	simm.s32 $0x8000  }
0x33: {  	[tilespmem:s11], [sflag:$0x1] =	stream.indirect.gather [hbm4b:s4+s14], $0x10, s13, s14, $0xb8;
	[tilespmem:$0x11EA0] =	vst v63  }
0x34: {  	s15 =	simm.s32 $0x380;
	s3 =	simm.s32 @!p0 $0x4;
	s13 =	simm.s32 $0x8800  }
0x35: {  	[tilespmem:s13], [sflag:$0x1] =	stream.indirect.gather [hbm4b:s4+s14], $0x10, s15, s14, $0xb8;
	[tilespmem:$0x11EA0] =	vst v63  }
0x36: {  	_ =	swait.ge @!p0 [sflag:s3], $0x800  }
0x37: {  	[sflag:s3] =	ssyncset.done @!p0 $0x0  }
0x38: {  	[sflag:s3] =	ssyncadd.s32 @!p0 $0xFFFFF800  }
0x39: {  	_ =	swait.ge @!p0 [sflag:s3], $0x800  }
0x3a: {  	[sflag:s3] =	ssyncset.done @!p0 $0x0  }
0x3b: {  	[sflag:s3] =	ssyncadd.s32 @!p0 $0xFFFFF800  }
0x3c: {  	_ =	swait.ge @!p0 [sflag:s3], $0x800  }
0x3d: {  	[sflag:s3] =	ssyncset.done @!p0 $0x0  }
0x3e: {  	[sflag:s3] =	ssyncadd.s32 @!p0 $0xFFFFF800  }
0x3f: {  	_ =	swait.ge @!p0 [sflag:s3], $0x800  }
0x40: {  	[sflag:s3] =	ssyncset.done @!p0 $0x0  }
0x41: {  	[sflag:s3] =	ssyncadd.s32 @!p0 $0xFFFFF800  }
0x42: {  	_ =	swait.ge @!p0 [sflag:s3], $0x800  }
0x43: {  	[sflag:s3] =	ssyncset.done @!p0 $0x0  }
0x44: {  	[sflag:s3] =	ssyncadd.s32 @!p0 $0xFFFFF800  }
0x45: {  	_ =	swait.ge @!p0 [sflag:s3], $0x800  }
0x46: {  	[sflag:s3] =	ssyncset.done @!p0 $0x0  }
0x47: {  	[sflag:s3] =	ssyncadd.s32 @!p0 $0xFFFFF800  }
0x48: {  	_ =	swait.ge @!p0 [sflag:s3], $0x800  }
0x49: {  	[sflag:s3] =	ssyncset.done @!p0 $0x0  }
0x4a: {  	[sflag:s3] =	ssyncadd.s32 @!p0 $0xFFFFF800  }
0x4b: {  	_ =	swait.ge @!p0 [sflag:s3], $0x800  }
0x4c: {  	[sflag:s3] =	ssyncset.done @!p0 $0x0  }
0x4d: {  	s16 =	simm.s32 $0x400;
	[sflag:s3] =	ssyncadd.s32 @!p0 $0xFFFFF800  }
0x4e: {  	[tilespmem:s30], [sflag:$0x2] =	stream.indirect.gather [hbm4b:s4+s14], $0x10, s16, s14, $0xb8;
	[tilespmem:$0x11EA0] =	vst v63  }
0x4f: {  	s18 =	simm.s32 $0x480  }
0x50: {  	[tilespmem:s31], [sflag:$0x2] =	stream.indirect.gather [hbm4b:s4+s14], $0x10, s18, s14, $0xb8;
	[tilespmem:$0x11EA0] =	vst v63  }
0x51: {  	s20 =	simm.s32 $0x500  }
0x52: {  	[tilespmem:s0], [sflag:$0x2] =	stream.indirect.gather [hbm4b:s4+s14], $0x10, s20, s14, $0xb8;
	[tilespmem:$0x11EA0] =	vst v63  }
0x53: {  	s15 =	simm.s32 $0x580  }
0x54: {  	[tilespmem:s12], [sflag:$0x2] =	stream.indirect.gather [hbm4b:s4+s14], $0x10, s15, s14, $0xb8;
	[tilespmem:$0x11EA0] =	vst v63  }
0x55: {  	s16 =	simm.s32 $0x600  }
0x56: {  	[tilespmem:s17], [sflag:$0x2] =	stream.indirect.gather [hbm4b:s4+s14], $0x10, s16, s14, $0xb8;
	[tilespmem:$0x11EA0] =	vst v63  }
0x57: {  	s18 =	simm.s32 $0x680  }
0x58: {  	[tilespmem:s19], [sflag:$0x2] =	stream.indirect.gather [hbm4b:s4+s14], $0x10, s18, s14, $0xb8;
	[tilespmem:$0x11EA0] =	vst v63  }
0x59: {  	s20 =	simm.s32 $0x700  }
0x5a: {  	[tilespmem:s21], [sflag:$0x2] =	stream.indirect.gather [hbm4b:s4+s14], $0x10, s20, s14, $0xb8;
	[tilespmem:$0x11EA0] =	vst v63  }
0x5b: {  	s15 =	simm.s32 $0x780  }
0x5c: {  	[tilespmem:s23], [sflag:$0x2] =	stream.indirect.gather [hbm4b:s4+s14], $0x10, s15, s14, $0xb8;
	[tilespmem:$0x11EA0] =	vst v63  }
0x5d: {  	_ =	swait.ge [sflag:s25], $0x800  }
0x5e: {  	[sflag:s25] =	ssyncset.done $0x0  }
0x5f: {  	[sflag:s25] =	ssyncadd.s32 $0xFFFFF800  }
0x60: {  	_ =	swait.ge [sflag:s25], $0x800  }
0x61: {  	[sflag:s25] =	ssyncset.done $0x0  }
0x62: {  	[sflag:s25] =	ssyncadd.s32 $0xFFFFF800  }
0x63: {  	_ =	swait.ge [sflag:s25], $0x800  }
0x64: {  	[sflag:s25] =	ssyncset.done $0x0  }
0x65: {  	[sflag:s25] =	ssyncadd.s32 $0xFFFFF800  }
0x66: {  	_ =	swait.ge [sflag:s25], $0x800  }
0x67: {  	[sflag:s25] =	ssyncset.done $0x0  }
0x68: {  	[sflag:s25] =	ssyncadd.s32 $0xFFFFF800  }
0x69: {  	_ =	swait.ge [sflag:s25], $0x800  }
0x6a: {  	[sflag:s25] =	ssyncset.done $0x0  }
0x6b: {  	[sflag:s25] =	ssyncadd.s32 $0xFFFFF800  }
0x6c: {  	_ =	swait.ge [sflag:s25], $0x800  }
0x6d: {  	[sflag:s25] =	ssyncset.done $0x0  }
0x6e: {  	[sflag:s25] =	ssyncadd.s32 $0xFFFFF800  }
0x6f: {  	_ =	swait.ge [sflag:s25], $0x800  }
0x70: {  	[sflag:s25] =	ssyncset.done $0x0  }
0x71: {  	[sflag:s25] =	ssyncadd.s32 $0xFFFFF800  }
0x72: {  	_ =	swait.ge [sflag:s25], $0x800  }
0x73: {  	[sflag:s25] =	ssyncset.done $0x0  }
0x74: {  	s16 =	simm.s32 $0x2800;
	[sflag:s25] =	ssyncadd.s32 $0xFFFFF800  }
0x75: {  	[spmem:s2] =	stream.indirect.scatter.add.f32 [tilespmem:s5], [sflag:$0x3], $0x10, s16, s14, $0xb8;
	[tilespmem:$0x11EA0] =	vst v63  }
0x76: {  	s18 =	simm.s32 $0x2880  }
0x77: {  	[spmem:s2] =	stream.indirect.scatter.add.f32 [tilespmem:s6], [sflag:$0x3], $0x10, s18, s14, $0xb8;
	[tilespmem:$0x11EA0] =	vst v63  }
0x78: {  	s20 =	simm.s32 $0x2900  }
0x79: {  	[spmem:s2] =	stream.indirect.scatter.add.f32 [tilespmem:s7], [sflag:$0x3], $0x10, s20, s14, $0xb8;
	[tilespmem:$0x11EA0] =	vst v63  }
0x7a: {  	s5 =	simm.s32 $0x2980  }
0x7b: {  	[spmem:s2] =	stream.indirect.scatter.add.f32 [tilespmem:s8], [sflag:$0x3], $0x10, s5, s14, $0xb8;
	[tilespmem:$0x11EA0] =	vst v63  }
0x7c: {  	s6 =	simm.s32 $0x2A00  }
0x7d: {  	[spmem:s2] =	stream.indirect.scatter.add.f32 [tilespmem:s9], [sflag:$0x3], $0x10, s6, s14, $0xb8;
	[tilespmem:$0x11EA0] =	vst v63  }
0x7e: {  	s7 =	simm.s32 $0x2A80  }
0x7f: {  	[spmem:s2] =	stream.indirect.scatter.add.f32 [tilespmem:s10], [sflag:$0x3], $0x10, s7, s14, $0xb8;
	[tilespmem:$0x11EA0] =	vst v63  }
0x80: {  	s8 =	simm.s32 $0x2B00  }
0x81: {  	[spmem:s2] =	stream.indirect.scatter.add.f32 [tilespmem:s11], [sflag:$0x3], $0x10, s8, s14, $0xb8;
	[tilespmem:$0x11EA0] =	vst v63  }
0x82: {  	s9 =	simm.s32 $0x2B80  }
0x83: {  	[spmem:s2] =	stream.indirect.scatter.add.f32 [tilespmem:s13], [sflag:$0x3], $0x10, s9, s14, $0xb8;
	[tilespmem:$0x11EA0] =	vst v63  }
0x84: {  	_ =	swait.ge [sflag:s28], $0x800  }
0x85: {  	[sflag:s28] =	ssyncset.done $0x0  }
0x86: {  	[sflag:s28] =	ssyncadd.s32 $0xFFFFF800  }
0x87: {  	_ =	swait.ge [sflag:s28], $0x800  }
0x88: {  	[sflag:s28] =	ssyncset.done $0x0  }
0x89: {  	[sflag:s28] =	ssyncadd.s32 $0xFFFFF800  }
0x8a: {  	_ =	swait.ge [sflag:s28], $0x800  }
0x8b: {  	[sflag:s28] =	ssyncset.done $0x0  }
0x8c: {  	[sflag:s28] =	ssyncadd.s32 $0xFFFFF800  }
0x8d: {  	_ =	swait.ge [sflag:s28], $0x800  }
0x8e: {  	[sflag:s28] =	ssyncset.done $0x0  }
0x8f: {  	[sflag:s28] =	ssyncadd.s32 $0xFFFFF800  }
0x90: {  	_ =	swait.ge [sflag:s28], $0x800  }
0x91: {  	[sflag:s28] =	ssyncset.done $0x0  }
0x92: {  	[sflag:s28] =	ssyncadd.s32 $0xFFFFF800  }
0x93: {  	_ =	swait.ge [sflag:s28], $0x800  }
0x94: {  	[sflag:s28] =	ssyncset.done $0x0  }
0x95: {  	[sflag:s28] =	ssyncadd.s32 $0xFFFFF800  }
0x96: {  	_ =	swait.ge [sflag:s28], $0x800  }
0x97: {  	[sflag:s28] =	ssyncset.done $0x0  }
0x98: {  	[sflag:s28] =	ssyncadd.s32 $0xFFFFF800  }
0x99: {  	p0 =	por $0x0, $0x0;
	_ =	swait.ge [sflag:s28], $0x800  }
0x9a: {  	s3 =	simm.s32 @!p0 $0x80;
	[sflag:s28] =	ssyncset.done $0x0  }
0x9b: {  	s6 =	simm.s32 @!p0 $0x5000;
	s7 =	simm.s32 @!p0 $0x800;
	[sflag:s28] =	ssyncadd.s32 $0xFFFFF800  }
0x9c: {  	[tilespmem:s6], [sflag:$0x1] =	stream.indirect.gather @!p0 [hbm4b:s4+s3], $0x10, s7, s3, $0xb8;
	[tilespmem:$0x11EA0] =	vst v63  }
0x9d: {  	s6 =	simm.s32 @!p0 $0x880;
	s7 =	simm.s32 @!p0 $0x5800  }
0x9e: {  	[tilespmem:s7], [sflag:$0x1] =	stream.indirect.gather @!p0 [hbm4b:s4+s3], $0x10, s6, s3, $0xb8;
	[tilespmem:$0x11EA0] =	vst v63  }
0x9f: {  	s6 =	simm.s32 @!p0 $0x900;
	s7 =	simm.s32 @!p0 $0x6000  }
0xa0: {  	[tilespmem:s7], [sflag:$0x1] =	stream.indirect.gather @!p0 [hbm4b:s4+s3], $0x10, s6, s3, $0xb8;
	[tilespmem:$0x11EA0] =	vst v63  }
0xa1: {  	s6 =	simm.s32 @!p0 $0x980;
	s7 =	simm.s32 @!p0 $0x6800  }
0xa2: {  	[tilespmem:s7], [sflag:$0x1] =	stream.indirect.gather @!p0 [hbm4b:s4+s3], $0x10, s6, s3, $0xb8;
	[tilespmem:$0x11EA0] =	vst v63  }
0xa3: {  	s6 =	simm.s32 @!p0 $0xA00;
	s7 =	simm.s32 @!p0 $0x7000  }
0xa4: {  	[tilespmem:s7], [sflag:$0x1] =	stream.indirect.gather @!p0 [hbm4b:s4+s3], $0x10, s6, s3, $0xb8;
	[tilespmem:$0x11EA0] =	vst v63  }
0xa5: {  	s6 =	simm.s32 @!p0 $0xA80;
	s7 =	simm.s32 @!p0 $0x7800  }
0xa6: {  	[tilespmem:s7], [sflag:$0x1] =	stream.indirect.gather @!p0 [hbm4b:s4+s3], $0x10, s6, s3, $0xb8;
	[tilespmem:$0x11EA0] =	vst v63  }
0xa7: {  	s6 =	simm.s32 @!p0 $0xB00;
	s7 =	simm.s32 @!p0 $0x8000  }
0xa8: {  	[tilespmem:s7], [sflag:$0x1] =	stream.indirect.gather @!p0 [hbm4b:s4+s3], $0x10, s6, s3, $0xb8;
	[tilespmem:$0x11EA0] =	vst v63  }
0xa9: {  	s6 =	simm.s32 @!p0 $0xB80;
	s7 =	simm.s32 @!p0 $0x8800  }
0xaa: {  	[tilespmem:s7], [sflag:$0x1] =	stream.indirect.gather @!p0 [hbm4b:s4+s3], $0x10, s6, s3, $0xb8;
	[tilespmem:$0x11EA0] =	vst v63  }
0xab: {  	_ =	swait.ge [sflag:s1], $0x800  }
0xac: {  	[sflag:s1] =	ssyncset.done $0x0  }
0xad: {  	[sflag:s1] =	ssyncadd.s32 $0xFFFFF800  }
0xae: {  	_ =	swait.ge [sflag:s1], $0x800  }
0xaf: {  	[sflag:s1] =	ssyncset.done $0x0  }
0xb0: {  	[sflag:s1] =	ssyncadd.s32 $0xFFFFF800  }
0xb1: {  	_ =	swait.ge [sflag:s1], $0x800  }
0xb2: {  	[sflag:s1] =	ssyncset.done $0x0  }
0xb3: {  	[sflag:s1] =	ssyncadd.s32 $0xFFFFF800  }
0xb4: {  	_ =	swait.ge [sflag:s1], $0x800  }
0xb5: {  	[sflag:s1] =	ssyncset.done $0x0  }
0xb6: {  	[sflag:s1] =	ssyncadd.s32 $0xFFFFF800  }
0xb7: {  	_ =	swait.ge [sflag:s1], $0x800  }
0xb8: {  	[sflag:s1] =	ssyncset.done $0x0  }
0xb9: {  	[sflag:s1] =	ssyncadd.s32 $0xFFFFF800  }
0xba: {  	_ =	swait.ge [sflag:s1], $0x800  }
0xbb: {  	[sflag:s1] =	ssyncset.done $0x0  }
0xbc: {  	[sflag:s1] =	ssyncadd.s32 $0xFFFFF800  }
0xbd: {  	_ =	swait.ge [sflag:s1], $0x800  }
0xbe: {  	[sflag:s1] =	ssyncset.done $0x0  }
0xbf: {  	[sflag:s1] =	ssyncadd.s32 $0xFFFFF800  }
0xc0: {  	_ =	swait.ge [sflag:s1], $0x800  }
0xc1: {  	[sflag:s1] =	ssyncset.done $0x0  }
0xc2: {  	s10 =	simm.s32 $0x2C00;
	[sflag:s1] =	ssyncadd.s32 $0xFFFFF800  }
0xc3: {  	[spmem:s2] =	stream.indirect.scatter.add.f32 [tilespmem:s30], [sflag:$0x4], $0x10, s10, s14, $0xb8;
	[tilespmem:$0x11EA0] =	vst v63  }
0xc4: {  	s11 =	simm.s32 $0x2C80  }
0xc5: {  	[spmem:s2] =	stream.indirect.scatter.add.f32 [tilespmem:s31], [sflag:$0x4], $0x10, s11, s14, $0xb8;
	[tilespmem:$0x11EA0] =	vst v63  }
0xc6: {  	s13 =	simm.s32 $0x2D00  }
0xc7: {  	[spmem:s2] =	stream.indirect.scatter.add.f32 [tilespmem:s0], [sflag:$0x4], $0x10, s13, s14, $0xb8;
	[tilespmem:$0x11EA0] =	vst v63  }
0xc8: {  	s15 =	simm.s32 $0x2D80  }
0xc9: {  	[spmem:s2] =	stream.indirect.scatter.add.f32 [tilespmem:s12], [sflag:$0x4], $0x10, s15, s14, $0xb8;
	[tilespmem:$0x11EA0] =	vst v63  }
0xca: {  	p6 =	por $0x0, $0x0;
	s16 =	simm.s32 $0x2E00  }
0xcb: {  	[spmem:s2] =	stream.indirect.scatter.add.f32 [tilespmem:s17], [sflag:$0x4], $0x10, s16, s14, $0xb8;
	[tilespmem:$0x11EA0] =	vst v63  }
0xcc: {  	s18 =	simm.s32 $0x2E80;
	s20 =	simm.s32 $0x2F00;
	s9 =	simm.s32 $0x2F80  }
0xcd: {  	[spmem:s2] =	stream.indirect.scatter.add.f32 [tilespmem:s19], [sflag:$0x4], $0x10, s18, s14, $0xb8;
	[tilespmem:$0x11EA0] =	vst v63  }
0xce: {  	s6 =	simm.s32 $0x2000;
	s7 =	simm.s32 $0x4000;
	p0 =	por p6, p6  }
0xcf: {  	[spmem:s2] =	stream.indirect.scatter.add.f32 [tilespmem:s21], [sflag:$0x4], $0x10, s20, s14, $0xb8;
	[tilespmem:$0x11EA0] =	vst v63  }
.LBB2_2:
0xd0: {  	p2 =	seq.s32 s7, $0x0  }
0xd1: {  	s8 =	simm.s32 @!p0 $0x4;
	s3 =	smov.u32 s7;
	s7 =	sadd.s32 $0x2000, s7  }
0xd2: {  	[spmem:s2] =	stream.indirect.scatter.add.f32 [tilespmem:s23], [sflag:$0x4], $0x10, s9, s14, $0xb8;
	[tilespmem:$0x11EA0] =	vst v63  }
0xd3: {  	p1 =	sne.s32 s7, $0xA000;
	_ =	swait.ge @!p0 [sflag:s8], $0x800  }
0xd4: {  	[sflag:s8] =	ssyncset.done @!p0 $0x0  }
0xd5: {  	[sflag:s8] =	ssyncadd.s32 @!p0 $0xFFFFF800  }
0xd6: {  	_ =	swait.ge @!p0 [sflag:s8], $0x800  }
0xd7: {  	[sflag:s8] =	ssyncset.done @!p0 $0x0  }
0xd8: {  	[sflag:s8] =	ssyncadd.s32 @!p0 $0xFFFFF800  }
0xd9: {  	_ =	swait.ge @!p0 [sflag:s8], $0x800  }
0xda: {  	[sflag:s8] =	ssyncset.done @!p0 $0x0  }
0xdb: {  	[sflag:s8] =	ssyncadd.s32 @!p0 $0xFFFFF800  }
0xdc: {  	_ =	swait.ge @!p0 [sflag:s8], $0x800  }
0xdd: {  	[sflag:s8] =	ssyncset.done @!p0 $0x0  }
0xde: {  	[sflag:s8] =	ssyncadd.s32 @!p0 $0xFFFFF800  }
0xdf: {  	_ =	swait.ge @!p0 [sflag:s8], $0x800  }
0xe0: {  	[sflag:s8] =	ssyncset.done @!p0 $0x0  }
0xe1: {  	[sflag:s8] =	ssyncadd.s32 @!p0 $0xFFFFF800  }
0xe2: {  	_ =	swait.ge @!p0 [sflag:s8], $0x800  }
0xe3: {  	[sflag:s8] =	ssyncset.done @!p0 $0x0  }
0xe4: {  	[sflag:s8] =	ssyncadd.s32 @!p0 $0xFFFFF800  }
0xe5: {  	_ =	swait.ge @!p0 [sflag:s8], $0x800  }
0xe6: {  	[sflag:s8] =	ssyncset.done @!p0 $0x0  }
0xe7: {  	[sflag:s8] =	ssyncadd.s32 @!p0 $0xFFFFF800  }
0xe8: {  	_ =	swait.ge @!p0 [sflag:s8], $0x800  }
0xe9: {  	s10 =	sshra.s32 s6, $0x2;
	[sflag:s8] =	ssyncset.done @!p0 $0x0  }
0xea: {  	s9 =	sadd.s32 $0x2F80, s10;
	[sflag:s8] =	ssyncadd.s32 @!p0 $0xFFFFF800;
	s8 =	sadd.s32 $0x400, s10  }
0xeb: {  	[tilespmem:s30], [sflag:$0x2] =	stream.indirect.gather [hbm4b:s4+s14], $0x10, s8, s14, $0xb8;
	[tilespmem:$0x11EA0] =	vst v63  }
0xec: {  	p0 =	por p2, p2;
	s8 =	sadd.s32 $0x480, s10  }
0xed: {  	[tilespmem:s31], [sflag:$0x2] =	stream.indirect.gather [hbm4b:s4+s14], $0x10, s8, s14, $0xb8;
	[tilespmem:$0x11EA0] =	vst v63  }
0xee: {  	s8 =	sadd.s32 $0x500, s10  }
0xef: {  	[tilespmem:s0], [sflag:$0x2] =	stream.indirect.gather [hbm4b:s4+s14], $0x10, s8, s14, $0xb8;
	[tilespmem:$0x11EA0] =	vst v63  }
0xf0: {  	s8 =	sadd.s32 $0x580, s10  }
0xf1: {  	[tilespmem:s12], [sflag:$0x2] =	stream.indirect.gather [hbm4b:s4+s14], $0x10, s8, s14, $0xb8;
	[tilespmem:$0x11EA0] =	vst v63  }
0xf2: {  	s8 =	sadd.s32 $0x600, s10  }
0xf3: {  	[tilespmem:s17], [sflag:$0x2] =	stream.indirect.gather [hbm4b:s4+s14], $0x10, s8, s14, $0xb8;
	[tilespmem:$0x11EA0] =	vst v63  }
0xf4: {  	s8 =	sadd.s32 $0x680, s10  }
0xf5: {  	[tilespmem:s19], [sflag:$0x2] =	stream.indirect.gather [hbm4b:s4+s14], $0x10, s8, s14, $0xb8;
	[tilespmem:$0x11EA0] =	vst v63  }
0xf6: {  	s8 =	sadd.s32 $0x700, s10  }
0xf7: {  	[tilespmem:s21], [sflag:$0x2] =	stream.indirect.gather [hbm4b:s4+s14], $0x10, s8, s14, $0xb8;
	[tilespmem:$0x11EA0] =	vst v63  }
0xf8: {  	s8 =	sadd.s32 $0x780, s10  }
0xf9: {  	[tilespmem:s23], [sflag:$0x2] =	stream.indirect.gather [hbm4b:s4+s14], $0x10, s8, s14, $0xb8;
	[tilespmem:$0x11EA0] =	vst v63  }
0xfa: {  	_ =	swait.ge [sflag:s25], $0x800  }
0xfb: {  	[sflag:s25] =	ssyncset.done $0x0  }
0xfc: {  	[sflag:s25] =	ssyncadd.s32 $0xFFFFF800  }
0xfd: {  	_ =	swait.ge [sflag:s25], $0x800  }
0xfe: {  	[sflag:s25] =	ssyncset.done $0x0  }
0xff: {  	[sflag:s25] =	ssyncadd.s32 $0xFFFFF800  }
0x100: {  	_ =	swait.ge [sflag:s25], $0x800  }
0x101: {  	[sflag:s25] =	ssyncset.done $0x0  }
0x102: {  	[sflag:s25] =	ssyncadd.s32 $0xFFFFF800  }
0x103: {  	_ =	swait.ge [sflag:s25], $0x800  }
0x104: {  	[sflag:s25] =	ssyncset.done $0x0  }
0x105: {  	[sflag:s25] =	ssyncadd.s32 $0xFFFFF800  }
0x106: {  	_ =	swait.ge [sflag:s25], $0x800  }
0x107: {  	[sflag:s25] =	ssyncset.done $0x0  }
0x108: {  	[sflag:s25] =	ssyncadd.s32 $0xFFFFF800  }
0x109: {  	_ =	swait.ge [sflag:s25], $0x800  }
0x10a: {  	[sflag:s25] =	ssyncset.done $0x0  }
0x10b: {  	[sflag:s25] =	ssyncadd.s32 $0xFFFFF800  }
0x10c: {  	_ =	swait.ge [sflag:s25], $0x800  }
0x10d: {  	[sflag:s25] =	ssyncset.done $0x0  }
0x10e: {  	[sflag:s25] =	ssyncadd.s32 $0xFFFFF800  }
0x10f: {  	_ =	swait.ge [sflag:s25], $0x800  }
0x110: {  	[sflag:s25] =	ssyncset.done $0x0  }
0x111: {  	s8 =	sadd.s32 $0x2800, s10;
	[sflag:s25] =	ssyncadd.s32 $0xFFFFF800  }
0x112: {  	[spmem:s2] =	stream.indirect.scatter.add.f32 [tilespmem:s22], [sflag:$0x3], $0x10, s8, s14, $0xb8;
	[tilespmem:$0x11EA0] =	vst v63  }
0x113: {  	s8 =	sadd.s32 $0x2880, s10  }
0x114: {  	[spmem:s2] =	stream.indirect.scatter.add.f32 [tilespmem:s24], [sflag:$0x3], $0x10, s8, s14, $0xb8;
	[tilespmem:$0x11EA0] =	vst v63  }
0x115: {  	s8 =	sadd.s32 $0x2900, s10  }
0x116: {  	[spmem:s2] =	stream.indirect.scatter.add.f32 [tilespmem:s26], [sflag:$0x3], $0x10, s8, s14, $0xb8;
	[tilespmem:$0x11EA0] =	vst v63  }
0x117: {  	s8 =	sadd.s32 $0x2980, s10  }
0x118: {  	[spmem:s2] =	stream.indirect.scatter.add.f32 [tilespmem:s29], [sflag:$0x3], $0x10, s8, s14, $0xb8;
	[tilespmem:$0x11EA0] =	vst v63  }
0x119: {  	s5 =	simm.s32 $0x7000;
	s8 =	sadd.s32 $0x2A00, s10  }
0x11a: {  	[spmem:s2] =	stream.indirect.scatter.add.f32 [tilespmem:s5], [sflag:$0x3], $0x10, s8, s14, $0xb8;
	[tilespmem:$0x11EA0] =	vst v63  }
0x11b: {  	s8 =	sadd.s32 $0x2A80, s10;
	s5 =	simm.s32 $0x7800  }
0x11c: {  	[spmem:s2] =	stream.indirect.scatter.add.f32 [tilespmem:s5], [sflag:$0x3], $0x10, s8, s14, $0xb8;
	[tilespmem:$0x11EA0] =	vst v63  }
0x11d: {  	s8 =	sadd.s32 $0x2B00, s10;
	s5 =	simm.s32 $0x8000  }
0x11e: {  	[spmem:s2] =	stream.indirect.scatter.add.f32 [tilespmem:s5], [sflag:$0x3], $0x10, s8, s14, $0xb8;
	[tilespmem:$0x11EA0] =	vst v63  }
0x11f: {  	s8 =	sadd.s32 $0x2B80, s10;
	s5 =	simm.s32 $0x8800  }
0x120: {  	[spmem:s2] =	stream.indirect.scatter.add.f32 [tilespmem:s5], [sflag:$0x3], $0x10, s8, s14, $0xb8;
	[tilespmem:$0x11EA0] =	vst v63  }
0x121: {  	_ =	swait.ge [sflag:s28], $0x800  }
0x122: {  	[sflag:s28] =	ssyncset.done $0x0  }
0x123: {  	[sflag:s28] =	ssyncadd.s32 $0xFFFFF800  }
0x124: {  	_ =	swait.ge [sflag:s28], $0x800  }
0x125: {  	[sflag:s28] =	ssyncset.done $0x0  }
0x126: {  	[sflag:s28] =	ssyncadd.s32 $0xFFFFF800  }
0x127: {  	_ =	swait.ge [sflag:s28], $0x800  }
0x128: {  	[sflag:s28] =	ssyncset.done $0x0  }
0x129: {  	[sflag:s28] =	ssyncadd.s32 $0xFFFFF800  }
0x12a: {  	_ =	swait.ge [sflag:s28], $0x800  }
0x12b: {  	[sflag:s28] =	ssyncset.done $0x0  }
0x12c: {  	[sflag:s28] =	ssyncadd.s32 $0xFFFFF800  }
0x12d: {  	_ =	swait.ge [sflag:s28], $0x800  }
0x12e: {  	[sflag:s28] =	ssyncset.done $0x0  }
0x12f: {  	[sflag:s28] =	ssyncadd.s32 $0xFFFFF800  }
0x130: {  	_ =	swait.ge [sflag:s28], $0x800  }
0x131: {  	[sflag:s28] =	ssyncset.done $0x0  }
0x132: {  	[sflag:s28] =	ssyncadd.s32 $0xFFFFF800  }
0x133: {  	_ =	swait.ge [sflag:s28], $0x800  }
0x134: {  	[sflag:s28] =	ssyncset.done $0x0  }
0x135: {  	[sflag:s28] =	ssyncadd.s32 $0xFFFFF800  }
0x136: {  	p2 =	seq.s32 s6, $0x8000;
	_ =	swait.ge [sflag:s28], $0x800  }
0x137: {  	s6 =	sshra.s32 @!p2 s6, $0x2;
	s8 =	simm.s32 @!p2 $0x80;
	[sflag:s28] =	ssyncset.done $0x0  }
0x138: {  	s11 =	sadd.s32 @!p2 $0x880, s6;
	s5 =	simm.s32 @!p2 $0x5000;
	[sflag:s28] =	ssyncadd.s32 $0xFFFFF800  }
0x139: {  	s13 =	sadd.s32 @!p2 $0x800, s6;
	s15 =	sadd.s32 @!p2 $0x900, s6;
	s16 =	sadd.s32 @!p2 $0x980, s6  }
0x13a: {  	[tilespmem:s5], [sflag:$0x1] =	stream.indirect.gather @!p2 [hbm4b:s4+s8], $0x10, s13, s8, $0xb8;
	[tilespmem:$0x11EA0] =	vst v63  }
0x13b: {  	s18 =	sadd.s32 @!p2 $0xA80, s6;
	s5 =	simm.s32 @!p2 $0x5800;
	s13 =	sadd.s32 @!p2 $0xA00, s6  }
0x13c: {  	[tilespmem:s5], [sflag:$0x1] =	stream.indirect.gather @!p2 [hbm4b:s4+s8], $0x10, s11, s8, $0xb8;
	[tilespmem:$0x11EA0] =	vst v63  }
0x13d: {  	s20 =	sadd.s32 @!p2 $0xB80, s6;
	s5 =	simm.s32 @!p2 $0x6000;
	s11 =	sadd.s32 @!p2 $0xB00, s6  }
0x13e: {  	[tilespmem:s5], [sflag:$0x1] =	stream.indirect.gather @!p2 [hbm4b:s4+s8], $0x10, s15, s8, $0xb8;
	[tilespmem:$0x11EA0] =	vst v63  }
0x13f: {  	s6 =	smov.u32 s3;
	s5 =	simm.s32 @!p2 $0x6800  }
0x140: {  	[tilespmem:s5], [sflag:$0x1] =	stream.indirect.gather @!p2 [hbm4b:s4+s8], $0x10, s16, s8, $0xb8;
	[tilespmem:$0x11EA0] =	vst v63  }
0x141: {  	s3 =	simm.s32 @!p2 $0x7000;
	s5 =	simm.s32 @!p2 $0x7800  }
0x142: {  	[tilespmem:s3], [sflag:$0x1] =	stream.indirect.gather @!p2 [hbm4b:s4+s8], $0x10, s13, s8, $0xb8;
	[tilespmem:$0x11EA0] =	vst v63  }
0x143: {  	s3 =	simm.s32 @!p2 $0x8000  }
0x144: {  	[tilespmem:s5], [sflag:$0x1] =	stream.indirect.gather @!p2 [hbm4b:s4+s8], $0x10, s18, s8, $0xb8;
	[tilespmem:$0x11EA0] =	vst v63  }
0x145: {  	s5 =	simm.s32 @!p2 $0x8800  }
0x146: {  	[tilespmem:s3], [sflag:$0x1] =	stream.indirect.gather @!p2 [hbm4b:s4+s8], $0x10, s11, s8, $0xb8;
	[tilespmem:$0x11EA0] =	vst v63  }
0x147: {  	_ = 	snop  }
0x148: {  	[tilespmem:s5], [sflag:$0x1] =	stream.indirect.gather @!p2 [hbm4b:s4+s8], $0x10, s20, s8, $0xb8;
	[tilespmem:$0x11EA0] =	vst v63  }
0x149: {  	_ =	swait.ge [sflag:s1], $0x800  }
0x14a: {  	[sflag:s1] =	ssyncset.done $0x0  }
0x14b: {  	[sflag:s1] =	ssyncadd.s32 $0xFFFFF800  }
0x14c: {  	_ =	swait.ge [sflag:s1], $0x800  }
0x14d: {  	[sflag:s1] =	ssyncset.done $0x0  }
0x14e: {  	[sflag:s1] =	ssyncadd.s32 $0xFFFFF800  }
0x14f: {  	_ =	swait.ge [sflag:s1], $0x800  }
0x150: {  	[sflag:s1] =	ssyncset.done $0x0  }
0x151: {  	[sflag:s1] =	ssyncadd.s32 $0xFFFFF800  }
0x152: {  	_ =	swait.ge [sflag:s1], $0x800  }
0x153: {  	[sflag:s1] =	ssyncset.done $0x0  }
0x154: {  	[sflag:s1] =	ssyncadd.s32 $0xFFFFF800  }
0x155: {  	_ =	swait.ge [sflag:s1], $0x800  }
0x156: {  	[sflag:s1] =	ssyncset.done $0x0  }
0x157: {  	[sflag:s1] =	ssyncadd.s32 $0xFFFFF800  }
0x158: {  	_ =	swait.ge [sflag:s1], $0x800  }
0x159: {  	[sflag:s1] =	ssyncset.done $0x0  }
0x15a: {  	[sflag:s1] =	ssyncadd.s32 $0xFFFFF800  }
0x15b: {  	_ =	swait.ge [sflag:s1], $0x800  }
0x15c: {  	[sflag:s1] =	ssyncset.done $0x0  }
0x15d: {  	[sflag:s1] =	ssyncadd.s32 $0xFFFFF800  }
0x15e: {  	_ =	swait.ge [sflag:s1], $0x800  }
0x15f: {  	s3 =	sadd.s32 $0x2C00, s10;
	[sflag:s1] =	ssyncset.done $0x0  }
0x160: {  	[sflag:s1] =	ssyncadd.s32 $0xFFFFF800  }
0x161: {  	[spmem:s2] =	stream.indirect.scatter.add.f32 [tilespmem:s30], [sflag:$0x4], $0x10, s3, s14, $0xb8;
	[tilespmem:$0x11EA0] =	vst v63  }
0x162: {  	s5 =	sadd.s32 $0x2D00, s10;
	s3 =	sadd.s32 $0x2C80, s10  }
0x163: {  	[spmem:s2] =	stream.indirect.scatter.add.f32 [tilespmem:s31], [sflag:$0x4], $0x10, s3, s14, $0xb8;
	[tilespmem:$0x11EA0] =	vst v63  }
0x164: {  	_ = 	snop  }
0x165: {  	[spmem:s2] =	stream.indirect.scatter.add.f32 [tilespmem:s0], [sflag:$0x4], $0x10, s5, s14, $0xb8;
	[tilespmem:$0x11EA0] =	vst v63  }
0x166: {  	s3 =	sadd.s32 $0x2D80, s10  }
0x167: {  	[spmem:s2] =	stream.indirect.scatter.add.f32 [tilespmem:s12], [sflag:$0x4], $0x10, s3, s14, $0xb8;
	[tilespmem:$0x11EA0] =	vst v63  }
0x168: {  	s3 =	sadd.s32 $0x2E00, s10  }
0x169: {  	[spmem:s2] =	stream.indirect.scatter.add.f32 [tilespmem:s17], [sflag:$0x4], $0x10, s3, s14, $0xb8;
	[tilespmem:$0x11EA0] =	vst v63  }
.Ltmp0:
0x16a: {  	_ = 	snop;
	(pc) =	sbr.rel @p1 .LBB2_2-.Ltmp0, $4  }
0x16b: {  	s3 =	sadd.s32 $0x2E80, s10  }
0x16c: {  	[spmem:s2] =	stream.indirect.scatter.add.f32 [tilespmem:s19], [sflag:$0x4], $0x10, s3, s14, $0xb8;
	[tilespmem:$0x11EA0] =	vst v63  }
0x16d: {  	s3 =	sadd.s32 $0x2F00, s10  }
0x16e: {  	[spmem:s2] =	stream.indirect.scatter.add.f32 [tilespmem:s21], [sflag:$0x4], $0x10, s3, s14, $0xb8;
	[tilespmem:$0x11EA0] =	vst v63  }
0x16f: {  	s5 =	simm.s32 @!p0 $0x4  }
0x170: {  	[spmem:s2] =	stream.indirect.scatter.add.f32 [tilespmem:s23], [sflag:$0x4], $0x10, s9, s14, $0xb8;
	[tilespmem:$0x11EA0] =	vst v63  }
0x171: {  	_ =	swait.ge @!p0 [sflag:s5], $0x800  }
0x172: {  	[sflag:s5] =	ssyncset.done @!p0 $0x0  }
0x173: {  	[sflag:s5] =	ssyncadd.s32 @!p0 $0xFFFFF800  }
0x174: {  	_ =	swait.ge @!p0 [sflag:s5], $0x800  }
0x175: {  	[sflag:s5] =	ssyncset.done @!p0 $0x0  }
0x176: {  	[sflag:s5] =	ssyncadd.s32 @!p0 $0xFFFFF800  }
0x177: {  	_ =	swait.ge @!p0 [sflag:s5], $0x800  }
0x178: {  	[sflag:s5] =	ssyncset.done @!p0 $0x0  }
0x179: {  	[sflag:s5] =	ssyncadd.s32 @!p0 $0xFFFFF800  }
0x17a: {  	_ =	swait.ge @!p0 [sflag:s5], $0x800  }
0x17b: {  	[sflag:s5] =	ssyncset.done @!p0 $0x0  }
0x17c: {  	[sflag:s5] =	ssyncadd.s32 @!p0 $0xFFFFF800  }
0x17d: {  	_ =	swait.ge @!p0 [sflag:s5], $0x800  }
0x17e: {  	[sflag:s5] =	ssyncset.done @!p0 $0x0  }
0x17f: {  	[sflag:s5] =	ssyncadd.s32 @!p0 $0xFFFFF800  }
0x180: {  	_ =	swait.ge @!p0 [sflag:s5], $0x800  }
0x181: {  	[sflag:s5] =	ssyncset.done @!p0 $0x0  }
0x182: {  	[sflag:s5] =	ssyncadd.s32 @!p0 $0xFFFFF800  }
0x183: {  	_ =	swait.ge @!p0 [sflag:s5], $0x800  }
0x184: {  	[sflag:s5] =	ssyncset.done @!p0 $0x0  }
0x185: {  	[sflag:s5] =	ssyncadd.s32 @!p0 $0xFFFFF800  }
0x186: {  	_ =	swait.ge @!p0 [sflag:s5], $0x800  }
0x187: {  	s3 =	sshra.s32 s6, $0x2;
	[sflag:s5] =	ssyncset.done @!p0 $0x0  }
0x188: {  	s20 =	sadd.s32 $0x400, s3;
	[sflag:s5] =	ssyncadd.s32 @!p0 $0xFFFFF800  }
0x189: {  	[tilespmem:s30], [sflag:$0x2] =	stream.indirect.gather [hbm4b:s4+s14], $0x10, s20, s14, $0xb8;
	[tilespmem:$0x11EA0] =	vst v63  }
0x18a: {  	s7 =	sadd.s32 $0x480, s3  }
0x18b: {  	[tilespmem:s31], [sflag:$0x2] =	stream.indirect.gather [hbm4b:s4+s14], $0x10, s7, s14, $0xb8;
	[tilespmem:$0x11EA0] =	vst v63  }
0x18c: {  	s8 =	sadd.s32 $0x500, s3  }
0x18d: {  	[tilespmem:s0], [sflag:$0x2] =	stream.indirect.gather [hbm4b:s4+s14], $0x10, s8, s14, $0xb8;
	[tilespmem:$0x11EA0] =	vst v63  }
0x18e: {  	s9 =	sadd.s32 $0x580, s3  }
0x18f: {  	[tilespmem:s12], [sflag:$0x2] =	stream.indirect.gather [hbm4b:s4+s14], $0x10, s9, s14, $0xb8;
	[tilespmem:$0x11EA0] =	vst v63  }
0x190: {  	s10 =	sadd.s32 $0x600, s3  }
0x191: {  	[tilespmem:s17], [sflag:$0x2] =	stream.indirect.gather [hbm4b:s4+s14], $0x10, s10, s14, $0xb8;
	[tilespmem:$0x11EA0] =	vst v63  }
0x192: {  	s11 =	sadd.s32 $0x680, s3  }
0x193: {  	[tilespmem:s19], [sflag:$0x2] =	stream.indirect.gather [hbm4b:s4+s14], $0x10, s11, s14, $0xb8;
	[tilespmem:$0x11EA0] =	vst v63  }
0x194: {  	s13 =	sadd.s32 $0x700, s3  }
0x195: {  	[tilespmem:s21], [sflag:$0x2] =	stream.indirect.gather [hbm4b:s4+s14], $0x10, s13, s14, $0xb8;
	[tilespmem:$0x11EA0] =	vst v63  }
0x196: {  	s15 =	sadd.s32 $0x780, s3  }
0x197: {  	[tilespmem:s23], [sflag:$0x2] =	stream.indirect.gather [hbm4b:s4+s14], $0x10, s15, s14, $0xb8;
	[tilespmem:$0x11EA0] =	vst v63  }
0x198: {  	_ =	swait.ge [sflag:s25], $0x800  }
0x199: {  	[sflag:s25] =	ssyncset.done $0x0  }
0x19a: {  	[sflag:s25] =	ssyncadd.s32 $0xFFFFF800  }
0x19b: {  	_ =	swait.ge [sflag:s25], $0x800  }
0x19c: {  	[sflag:s25] =	ssyncset.done $0x0  }
0x19d: {  	[sflag:s25] =	ssyncadd.s32 $0xFFFFF800  }
0x19e: {  	_ =	swait.ge [sflag:s25], $0x800  }
0x19f: {  	[sflag:s25] =	ssyncset.done $0x0  }
0x1a0: {  	[sflag:s25] =	ssyncadd.s32 $0xFFFFF800  }
0x1a1: {  	_ =	swait.ge [sflag:s25], $0x800  }
0x1a2: {  	[sflag:s25] =	ssyncset.done $0x0  }
0x1a3: {  	[sflag:s25] =	ssyncadd.s32 $0xFFFFF800  }
0x1a4: {  	_ =	swait.ge [sflag:s25], $0x800  }
0x1a5: {  	[sflag:s25] =	ssyncset.done $0x0  }
0x1a6: {  	[sflag:s25] =	ssyncadd.s32 $0xFFFFF800  }
0x1a7: {  	_ =	swait.ge [sflag:s25], $0x800  }
0x1a8: {  	[sflag:s25] =	ssyncset.done $0x0  }
0x1a9: {  	[sflag:s25] =	ssyncadd.s32 $0xFFFFF800  }
0x1aa: {  	_ =	swait.ge [sflag:s25], $0x800  }
0x1ab: {  	[sflag:s25] =	ssyncset.done $0x0  }
0x1ac: {  	[sflag:s25] =	ssyncadd.s32 $0xFFFFF800  }
0x1ad: {  	_ =	swait.ge [sflag:s25], $0x800  }
0x1ae: {  	[sflag:s25] =	ssyncset.done $0x0  }
0x1af: {  	s16 =	sadd.s32 $0x2800, s3;
	[sflag:s25] =	ssyncadd.s32 $0xFFFFF800  }
0x1b0: {  	[spmem:s2] =	stream.indirect.scatter.add.f32 [tilespmem:s22], [sflag:$0x3], $0x10, s16, s14, $0xb8;
	[tilespmem:$0x11EA0] =	vst v63  }
0x1b1: {  	s18 =	sadd.s32 $0x2880, s3  }
0x1b2: {  	[spmem:s2] =	stream.indirect.scatter.add.f32 [tilespmem:s24], [sflag:$0x3], $0x10, s18, s14, $0xb8;
	[tilespmem:$0x11EA0] =	vst v63  }
0x1b3: {  	s20 =	sadd.s32 $0x2900, s3  }
0x1b4: {  	[spmem:s2] =	stream.indirect.scatter.add.f32 [tilespmem:s26], [sflag:$0x3], $0x10, s20, s14, $0xb8;
	[tilespmem:$0x11EA0] =	vst v63  }
0x1b5: {  	s7 =	sadd.s32 $0x2980, s3  }
0x1b6: {  	[spmem:s2] =	stream.indirect.scatter.add.f32 [tilespmem:s29], [sflag:$0x3], $0x10, s7, s14, $0xb8;
	[tilespmem:$0x11EA0] =	vst v63  }
0x1b7: {  	s8 =	sadd.s32 $0x2A00, s3;
	s7 =	simm.s32 $0x7000  }
0x1b8: {  	[spmem:s2] =	stream.indirect.scatter.add.f32 [tilespmem:s7], [sflag:$0x3], $0x10, s8, s14, $0xb8;
	[tilespmem:$0x11EA0] =	vst v63  }
0x1b9: {  	s9 =	sadd.s32 $0x2A80, s3;
	s10 =	simm.s32 $0x7800  }
0x1ba: {  	[spmem:s2] =	stream.indirect.scatter.add.f32 [tilespmem:s10], [sflag:$0x3], $0x10, s9, s14, $0xb8;
	[tilespmem:$0x11EA0] =	vst v63  }
0x1bb: {  	s11 =	sadd.s32 $0x2B00, s3;
	s13 =	simm.s32 $0x8000  }
0x1bc: {  	[spmem:s2] =	stream.indirect.scatter.add.f32 [tilespmem:s13], [sflag:$0x3], $0x10, s11, s14, $0xb8;
	[tilespmem:$0x11EA0] =	vst v63  }
0x1bd: {  	s15 =	sadd.s32 $0x2B80, s3;
	s16 =	simm.s32 $0x8800  }
0x1be: {  	[spmem:s2] =	stream.indirect.scatter.add.f32 [tilespmem:s16], [sflag:$0x3], $0x10, s15, s14, $0xb8;
	[tilespmem:$0x11EA0] =	vst v63  }
0x1bf: {  	_ =	swait.ge [sflag:s28], $0x800  }
0x1c0: {  	[sflag:s28] =	ssyncset.done $0x0  }
0x1c1: {  	[sflag:s28] =	ssyncadd.s32 $0xFFFFF800  }
0x1c2: {  	_ =	swait.ge [sflag:s28], $0x800  }
0x1c3: {  	[sflag:s28] =	ssyncset.done $0x0  }
0x1c4: {  	[sflag:s28] =	ssyncadd.s32 $0xFFFFF800  }
0x1c5: {  	_ =	swait.ge [sflag:s28], $0x800  }
0x1c6: {  	[sflag:s28] =	ssyncset.done $0x0  }
0x1c7: {  	[sflag:s28] =	ssyncadd.s32 $0xFFFFF800  }
0x1c8: {  	_ =	swait.ge [sflag:s28], $0x800  }
0x1c9: {  	[sflag:s28] =	ssyncset.done $0x0  }
0x1ca: {  	[sflag:s28] =	ssyncadd.s32 $0xFFFFF800  }
0x1cb: {  	_ =	swait.ge [sflag:s28], $0x800  }
0x1cc: {  	[sflag:s28] =	ssyncset.done $0x0  }
0x1cd: {  	[sflag:s28] =	ssyncadd.s32 $0xFFFFF800  }
0x1ce: {  	_ =	swait.ge [sflag:s28], $0x800  }
0x1cf: {  	[sflag:s28] =	ssyncset.done $0x0  }
0x1d0: {  	[sflag:s28] =	ssyncadd.s32 $0xFFFFF800  }
0x1d1: {  	_ =	swait.ge [sflag:s28], $0x800  }
0x1d2: {  	[sflag:s28] =	ssyncset.done $0x0  }
0x1d3: {  	[sflag:s28] =	ssyncadd.s32 $0xFFFFF800  }
0x1d4: {  	p0 =	seq.s32 s6, $0x8000;
	_ =	swait.ge [sflag:s28], $0x800  }
0x1d5: {  	s5 =	sshra.s32 @!p0 s6, $0x2;
	s6 =	simm.s32 @!p0 $0x80;
	[sflag:s28] =	ssyncset.done $0x0  }
0x1d6: {  	s7 =	simm.s32 @!p0 $0x5000;
	s8 =	sadd.s32 @!p0 $0x800, s5;
	[sflag:s28] =	ssyncadd.s32 $0xFFFFF800  }
0x1d7: {  	[tilespmem:s7], [sflag:$0x1] =	stream.indirect.gather @!p0 [hbm4b:s4+s6], $0x10, s8, s6, $0xb8;
	[tilespmem:$0x11EA0] =	vst v63  }
0x1d8: {  	s7 =	sadd.s32 @!p0 $0x880, s5;
	s8 =	simm.s32 @!p0 $0x5800  }
0x1d9: {  	[tilespmem:s8], [sflag:$0x1] =	stream.indirect.gather @!p0 [hbm4b:s4+s6], $0x10, s7, s6, $0xb8;
	[tilespmem:$0x11EA0] =	vst v63  }
0x1da: {  	s7 =	sadd.s32 @!p0 $0x900, s5;
	s8 =	simm.s32 @!p0 $0x6000  }
0x1db: {  	[tilespmem:s8], [sflag:$0x1] =	stream.indirect.gather @!p0 [hbm4b:s4+s6], $0x10, s7, s6, $0xb8;
	[tilespmem:$0x11EA0] =	vst v63  }
0x1dc: {  	s7 =	sadd.s32 @!p0 $0x980, s5;
	s8 =	simm.s32 @!p0 $0x6800  }
0x1dd: {  	[tilespmem:s8], [sflag:$0x1] =	stream.indirect.gather @!p0 [hbm4b:s4+s6], $0x10, s7, s6, $0xb8;
	[tilespmem:$0x11EA0] =	vst v63  }
0x1de: {  	s7 =	sadd.s32 @!p0 $0xA00, s5;
	s8 =	simm.s32 @!p0 $0x7000  }
0x1df: {  	[tilespmem:s8], [sflag:$0x1] =	stream.indirect.gather @!p0 [hbm4b:s4+s6], $0x10, s7, s6, $0xb8;
	[tilespmem:$0x11EA0] =	vst v63  }
0x1e0: {  	s7 =	sadd.s32 @!p0 $0xA80, s5;
	s8 =	simm.s32 @!p0 $0x7800  }
0x1e1: {  	[tilespmem:s8], [sflag:$0x1] =	stream.indirect.gather @!p0 [hbm4b:s4+s6], $0x10, s7, s6, $0xb8;
	[tilespmem:$0x11EA0] =	vst v63  }
0x1e2: {  	s7 =	sadd.s32 @!p0 $0xB00, s5;
	s8 =	simm.s32 @!p0 $0x8000  }
0x1e3: {  	[tilespmem:s8], [sflag:$0x1] =	stream.indirect.gather @!p0 [hbm4b:s4+s6], $0x10, s7, s6, $0xb8;
	[tilespmem:$0x11EA0] =	vst v63  }
0x1e4: {  	s5 =	sadd.s32 @!p0 $0xB80, s5;
	s7 =	simm.s32 @!p0 $0x8800  }
0x1e5: {  	[tilespmem:s7], [sflag:$0x1] =	stream.indirect.gather @!p0 [hbm4b:s4+s6], $0x10, s5, s6, $0xb8;
	[tilespmem:$0x11EA0] =	vst v63  }
0x1e6: {  	_ =	swait.ge [sflag:s1], $0x800  }
0x1e7: {  	[sflag:s1] =	ssyncset.done $0x0  }
0x1e8: {  	[sflag:s1] =	ssyncadd.s32 $0xFFFFF800  }
0x1e9: {  	_ =	swait.ge [sflag:s1], $0x800  }
0x1ea: {  	[sflag:s1] =	ssyncset.done $0x0  }
0x1eb: {  	[sflag:s1] =	ssyncadd.s32 $0xFFFFF800  }
0x1ec: {  	_ =	swait.ge [sflag:s1], $0x800  }
0x1ed: {  	[sflag:s1] =	ssyncset.done $0x0  }
0x1ee: {  	[sflag:s1] =	ssyncadd.s32 $0xFFFFF800  }
0x1ef: {  	_ =	swait.ge [sflag:s1], $0x800  }
0x1f0: {  	[sflag:s1] =	ssyncset.done $0x0  }
0x1f1: {  	[sflag:s1] =	ssyncadd.s32 $0xFFFFF800  }
0x1f2: {  	_ =	swait.ge [sflag:s1], $0x800  }
0x1f3: {  	[sflag:s1] =	ssyncset.done $0x0  }
0x1f4: {  	[sflag:s1] =	ssyncadd.s32 $0xFFFFF800  }
0x1f5: {  	_ =	swait.ge [sflag:s1], $0x800  }
0x1f6: {  	[sflag:s1] =	ssyncset.done $0x0  }
0x1f7: {  	[sflag:s1] =	ssyncadd.s32 $0xFFFFF800  }
0x1f8: {  	_ =	swait.ge [sflag:s1], $0x800  }
0x1f9: {  	[sflag:s1] =	ssyncset.done $0x0  }
0x1fa: {  	[sflag:s1] =	ssyncadd.s32 $0xFFFFF800  }
0x1fb: {  	_ =	swait.ge [sflag:s1], $0x800  }
0x1fc: {  	[sflag:s1] =	ssyncset.done $0x0  }
0x1fd: {  	s18 =	sadd.s32 $0x2C00, s3;
	[sflag:s1] =	ssyncadd.s32 $0xFFFFF800  }
0x1fe: {  	[spmem:s2] =	stream.indirect.scatter.add.f32 [tilespmem:s30], [sflag:$0x4], $0x10, s18, s14, $0xb8;
	[tilespmem:$0x11EA0] =	vst v63  }
0x1ff: {  	s20 =	sadd.s32 $0x2C80, s3  }
0x200: {  	[spmem:s2] =	stream.indirect.scatter.add.f32 [tilespmem:s31], [sflag:$0x4], $0x10, s20, s14, $0xb8;
	[tilespmem:$0x11EA0] =	vst v63  }
0x201: {  	s6 =	sadd.s32 $0x2D00, s3  }
0x202: {  	[spmem:s2] =	stream.indirect.scatter.add.f32 [tilespmem:s0], [sflag:$0x4], $0x10, s6, s14, $0xb8;
	[tilespmem:$0x11EA0] =	vst v63  }
0x203: {  	s7 =	sadd.s32 $0x2D80, s3  }
0x204: {  	[spmem:s2] =	stream.indirect.scatter.add.f32 [tilespmem:s12], [sflag:$0x4], $0x10, s7, s14, $0xb8;
	[tilespmem:$0x11EA0] =	vst v63  }
0x205: {  	s8 =	sadd.s32 $0x2E00, s3  }
0x206: {  	[spmem:s2] =	stream.indirect.scatter.add.f32 [tilespmem:s17], [sflag:$0x4], $0x10, s8, s14, $0xb8;
	[tilespmem:$0x11EA0] =	vst v63  }
0x207: {  	s9 =	sadd.s32 $0x2E80, s3  }
0x208: {  	[spmem:s2] =	stream.indirect.scatter.add.f32 [tilespmem:s19], [sflag:$0x4], $0x10, s9, s14, $0xb8;
	[tilespmem:$0x11EA0] =	vst v63  }
0x209: {  	s10 =	sadd.s32 $0x2F00, s3  }
0x20a: {  	[spmem:s2] =	stream.indirect.scatter.add.f32 [tilespmem:s21], [sflag:$0x4], $0x10, s10, s14, $0xb8;
	[tilespmem:$0x11EA0] =	vst v63  }
0x20b: {  	s11 =	simm.s32 $0x4;
	s3 =	sadd.s32 $0x2F80, s3  }
0x20c: {  	[spmem:s2] =	stream.indirect.scatter.add.f32 [tilespmem:s23], [sflag:$0x4], $0x10, s3, s14, $0xb8;
	[tilespmem:$0x11EA0] =	vst v63  }
0x20d: {  	_ =	swait.ge [sflag:s11], $0x800  }
0x20e: {  	[sflag:s11] =	ssyncset.done $0x0  }
0x20f: {  	[sflag:s11] =	ssyncadd.s32 $0xFFFFF800  }
0x210: {  	_ =	swait.ge [sflag:s11], $0x800  }
0x211: {  	[sflag:s11] =	ssyncset.done $0x0  }
0x212: {  	[sflag:s11] =	ssyncadd.s32 $0xFFFFF800  }
0x213: {  	_ =	swait.ge [sflag:s11], $0x800  }
0x214: {  	[sflag:s11] =	ssyncset.done $0x0  }
0x215: {  	[sflag:s11] =	ssyncadd.s32 $0xFFFFF800  }
0x216: {  	_ =	swait.ge [sflag:s11], $0x800  }
0x217: {  	[sflag:s11] =	ssyncset.done $0x0  }
0x218: {  	[sflag:s11] =	ssyncadd.s32 $0xFFFFF800  }
0x219: {  	_ =	swait.ge [sflag:s11], $0x800  }
0x21a: {  	[sflag:s11] =	ssyncset.done $0x0  }
0x21b: {  	[sflag:s11] =	ssyncadd.s32 $0xFFFFF800  }
0x21c: {  	_ =	swait.ge [sflag:s11], $0x800  }
0x21d: {  	[sflag:s11] =	ssyncset.done $0x0  }
0x21e: {  	[sflag:s11] =	ssyncadd.s32 $0xFFFFF800  }
0x21f: {  	_ =	swait.ge [sflag:s11], $0x800  }
0x220: {  	[sflag:s11] =	ssyncset.done $0x0  }
0x221: {  	[sflag:s11] =	ssyncadd.s32 $0xFFFFF800  }
0x222: {  	_ =	swait.ge [sflag:s11], $0x800  }
0x223: {  	[sflag:s11] =	ssyncset.done $0x0  }
0x224: {  	[sflag:s11] =	ssyncadd.s32 $0xFFFFF800  }
0x225: {  	s13 =	stileid.u32;
	[bflag:$0x0] =	sbarrier.arrive $0xFFFF  }
0x226: {  	s7 =	simm.s32 $0x5;
	s3 =	sshll.u32 s13, $0x6;
	s6 =	rddreg [dreg:$0x6]  }
0x227: {  	s3 =	sor.u32 $0x1C05, s3;
	s16 =	rddreg [dreg:$0x7];
	s15 =	sshrl.u32 s6, $0x3  }
0x228: {  	[hbm:s16], [sflag:s3] =	dma.local [spmem:s15], $0x4E2  }
0x229: {  	_ =	swait.ge [sflag:s7], $0x4E2  }
0x22a: {  	s18 =	rddreg [dreg:$0x9]  }
0x22b: {  	s20 =	rddreg [dreg:$0x8];
	s5 =	sadd.s32 $0x1, s18  }
0x22c: {  	p0 =	sne.s32 s5, s20  }
.Ltmp1:
0x22d: {  	_ = 	snop;
	(pc) =	sbr.rel @p0 .LBB2_1-.Ltmp1, $3  }
0x22e: {  	_ =	sdelay $0x1  }
0x22f: {  	[sflag:s7] =	ssyncset.done $0x0  }
0x230: {  	[sflag:s7] =	ssyncadd.s32 $0xFFFFFB1E  }
0x231: {  	_ =	sfence.sel $0x180000  }
0x232: {  	[bflag:$0x0] =	sbarrier.arrive $0xFFFF  }
0x233: {  	_ =	strace $0x9000004D  }
0x234: {  	s0 =	stileid.u32;
	[bflag:$0x2] =	sbarrier.arrive $0xFFFF  }
0x235: {  	p0 =	sne.s32 s0, $0x0;
	s0 =	rddreg [dreg:$0x2]  }
0x236: {  	s0 =	sadd.s32 @!p0 $0x100000, s0  }
0x237: {  	[sflag:s0] =	ssyncadd.tile.s32 @!p0 $0x1;
	_ =	shalt  }
.Lfunc_end2:
_tile_overlayer_lowered:
.L_overlay_start_2:
0x238: {  	(tag) =	ssettag $0x2  }
0x239: {  	s0 =	rddreg [dreg:$0x0];
	s2 =	stileid.u32  }
0x23a: {  	s1 =	rddreg [dreg:$0x1];
	p0 =	sne.s32 s2, $0x0  }
0x23b: {  	s3 =	rddreg [dreg:$0x2];
	[bflag:$0x3] =	sbarrier.arrive $0xFFFF;
	s2 =	simm.s32 @!p0 $0x1C05  }
0x23c: {  	[timem:s3], [sflag:s2] =	dma.local @!p0 [hbm:s0], s1  }
0x23d: {  	s0 =	simm.s32 @!p0 $0x5  }
0x23e: {  	_ =	swait.ge @!p0 [sflag:s0], s1  }
0x23f: {  	s1 =	ssub.s32 @!p0 $0x0, s1;
	[sflag:s0] =	ssyncset.done @!p0 $0x0  }
0x240: {  	[sflag:s0] =	ssyncadd.s32 @!p0 s1  }
0x241: {  	[bflag:$0x3] =	sbarrier.arrive $0xFFFF  }
0x242: {  	_ =	shalt  }

// kernel: kernel.8.cloned.1.call-start
scs
__scs_entry_jumppad:
0x0: {  	(pc) =	sbr.rel $0x88, $3  }
0x1: {  	(tag) =	ssettag $0x0;
	lr =	simm.s32 $0x1  }
0x2: {  	[smem:$0x3F9B] =	sst lr;
	_ =	strace $0xD0000000  }
0x3: {  	_ = 	snop  }
0x4: {  	_ = 	snop  }
0x5: {  	_ = 	snop  }
0x6: {  	_ = 	snop  }
0x7: {  	_ = 	snop  }
__scs_overlays_trampoline_lowered:
0x8: {  	[smem:$0x3FAA] =	sst s0  }
0x9: {  	[smem:$0x3FAB] =	sst s1  }
0xa: {  	[smem:$0x3FAC] =	sst s2  }
0xb: {  	[smem:$0x3FAD] =	sst s3  }
0xc: {  	[smem:$0x3FAE] =	sst s4  }
0xd: {  	[smem:$0x3FAF] =	sst s5  }
0xe: {  	[smem:$0x3FB0] =	sst s6  }
0xf: {  	[smem:$0x3FB1] =	sst s7  }
0x10: {  	[smem:$0x3FB2] =	sst s8  }
0x11: {  	[smem:$0x3FB3] =	sst s9;
	s0 =	simm.s32 @!p0 $0x0  }
0x12: {  	s1 =	sld [smem:$0x3F99];
	s0 =	simm.s32 @p0 $0x1  }
0x13: {  	[smem:$0x3FB4] =	sst s0;
	s0 =	simm.s32 @!p1 $0x0  }
0x14: {  	s2 =	sld [smem:$0x3F98];
	s0 =	simm.s32 @p1 $0x1  }
0x15: {  	[smem:$0x3FB5] =	sst s0;
	s0 =	simm.s32 @!p2 $0x0  }
0x16: {  	s3 =	sld [smem:$0x3FDB];
	s0 =	simm.s32 @p2 $0x1  }
0x17: {  	s4 =	simm.s32 $0x1BF5;
	[smem:$0x3FB7] =	sst s0  }
0x18: {  	s0 =	sld [smem:$0x3F9A];
	_ =	swait.ge [sflag:s4], $0x0  }
0x19: {  	s7 =	sld [smem:$0x3F9B]  }
0x1a: {  	s8 =	sadd.s32 $0xFFFFE003, lr  }
0x1b: {  	s9 =	sadd.s32 $0xFFFFFEF7, lr;
	s5 =	simm.s32 $0xFFFFFFFF;
	p2 =	slt.u32 s8, $0xFFFFF086  }
0x1c: {  	p1 =	slt.u32 s9, $0xF7A;
	s5 =	simm.s32 @!p2 $0x0  }
0x1d: {  	s5 =	simm.s32 @p1 $0x1;
	p0 =	seq.s32 s7, s2  }
0x1e: {  	s7 =	smul.u32 @!p0 $0xF7A, s2;
	p2 =	seq.s32 @!p0 s5, $0x0  }
0x1f: {  	s9 =	smul.u32 $0xF7A, s1;
	s8 =	simm.s32 @!p0 $0x1BF5;
	p2 =	por !p2, p0  }
0x20: {  	[sflag:s8] =	ssyncset.s32 @!p0 $0xFFFFF086;
	s6 =	sadd.s32 @!p0 s3, s7;
	s7 =	simm.s32 @!p0 $0x108  }
0x21: {  	s3 =	sadd.s32 s3, s9;
	s6 =	sadd.s32 @!p0 $0x88, s6;
	s7 =	simm.s32 @p2 $0x1082  }
0x22: {  	[simem:s7], [sflag:s8] =	dma.local @!p0 [hbm:s6], $0xF7A  }
0x23: {  	s9 =	sor.u32 $0xD0000000, s2;
	s6 =	simm.s32 $0x108;
	_ =	swait.ge @!p0 [sflag:s8], $0x0  }
0x24: {  	s3 =	sadd.s32 $0x88, s3;
	s6 =	simm.s32 @!p1 $0x1082;
	[sflag:s4] =	ssyncset.s32 $0xFFFFF086  }
0x25: {  	[simem:s6], [sflag:s4] =	dma.local [hbm:s3], $0xF7A  }
0x26: {  	[smem:$0x3F9B] =	sst s1;
	(tag) =	ssettag s2;
	_ =	strace s9  }
0x27: {  	s1 =	sld [smem:$0x3FAB]  }
0x28: {  	s2 =	sld [smem:$0x3FAC]  }
0x29: {  	s4 =	sld [smem:$0x3FAE]  }
0x2a: {  	p0 =	seq.s32 s5, $0x0;
	s5 =	sld [smem:$0x3FAF]  }
0x2b: {  	s6 =	sld [smem:$0x3FB0]  }
0x2c: {  	s7 =	sld [smem:$0x3FB1]  }
0x2d: {  	s3 =	simm.s32 $0x108;
	s8 =	sld [smem:$0x3FB2]  }
0x2e: {  	s3 =	simm.s32 @!p0 $0x1082;
	s9 =	sld [smem:$0x3FB3]  }
0x2f: {  	lr =	sadd.s32 s0, s3;
	s0 =	sld [smem:$0x3FAA]  }
0x30: {  	s3 =	sld [smem:$0x3FAD]  }
0x31: {  	[smem:$0x3FB6] =	sst s10  }
0x32: {  	s10 =	sld [smem:$0x3FB4];
	_ =	sdelay $0x3  }
0x33: {  	p0 =	seq.s32 s10, $0x1;
	s10 =	sld [smem:$0x3FB6];
	_ =	sdelay $0x3  }
0x34: {  	[smem:$0x3FB6] =	sst s10  }
0x35: {  	s10 =	sld [smem:$0x3FB5];
	_ =	sdelay $0x3  }
0x36: {  	p1 =	seq.s32 s10, $0x1;
	s10 =	sld [smem:$0x3FB6];
	_ =	sdelay $0x3  }
0x37: {  	[smem:$0x3FB6] =	sst s10  }
0x38: {  	s10 =	sld [smem:$0x3FB7]  }
0x39: {  	_ = 	snop;
	(pc) =	sbr.ind lr, $3  }
0x3a: {  	_ = 	snop  }
0x3b: {  	_ = 	snop  }
0x3c: {  	p2 =	seq.s32 s10, $0x1;
	s10 =	sld [smem:$0x3FB6]  }
0x3d: {  	_ =	shalt  }
0x3e: {  	_ =	shalt  }
0x3f: {  	_ =	shalt  }
0x40: {  	_ =	shalt  }
0x41: {  	_ =	shalt  }
0x42: {  	_ =	shalt  }
0x43: {  	_ =	shalt  }
0x44: {  	_ =	shalt  }
0x45: {  	_ =	shalt  }
0x46: {  	_ =	shalt  }
0x47: {  	_ =	shalt  }
0x48: {  	_ =	shalt  }
0x49: {  	_ =	shalt  }
0x4a: {  	_ =	shalt  }
0x4b: {  	_ =	shalt  }
0x4c: {  	_ =	shalt  }
0x4d: {  	_ =	shalt  }
0x4e: {  	_ =	shalt  }
0x4f: {  	_ =	shalt  }
0x50: {  	_ =	shalt  }
0x51: {  	_ =	shalt  }
0x52: {  	_ =	shalt  }
0x53: {  	_ =	shalt  }
0x54: {  	_ =	shalt  }
0x55: {  	_ =	shalt  }
0x56: {  	_ =	shalt  }
0x57: {  	_ =	shalt  }
0x58: {  	_ =	shalt  }
0x59: {  	_ =	shalt  }
0x5a: {  	_ =	shalt  }
0x5b: {  	_ =	shalt  }
0x5c: {  	_ =	shalt  }
0x5d: {  	_ =	shalt  }
0x5e: {  	_ =	shalt  }
0x5f: {  	_ =	shalt  }
0x60: {  	_ =	shalt  }
0x61: {  	_ =	shalt  }
0x62: {  	_ =	shalt  }
0x63: {  	_ =	shalt  }
0x64: {  	_ =	shalt  }
0x65: {  	_ =	shalt  }
0x66: {  	_ =	shalt  }
0x67: {  	_ =	shalt  }
0x68: {  	_ =	shalt  }
0x69: {  	_ =	shalt  }
0x6a: {  	_ =	shalt  }
0x6b: {  	_ =	shalt  }
0x6c: {  	_ =	shalt  }
0x6d: {  	_ =	shalt  }
0x6e: {  	_ =	shalt  }
0x6f: {  	_ =	shalt  }
0x70: {  	_ =	shalt  }
0x71: {  	_ =	shalt  }
0x72: {  	_ =	shalt  }
0x73: {  	_ =	shalt  }
0x74: {  	_ =	shalt  }
0x75: {  	_ =	shalt  }
0x76: {  	_ =	shalt  }
0x77: {  	_ =	shalt  }
0x78: {  	_ =	shalt  }
0x79: {  	_ =	shalt  }
0x7a: {  	_ =	shalt  }
0x7b: {  	_ =	shalt  }
0x7c: {  	_ =	shalt  }
0x7d: {  	_ =	shalt  }
0x7e: {  	_ =	shalt  }
0x7f: {  	_ =	shalt  }
0x80: {  	_ =	shalt  }
0x81: {  	_ =	shalt  }
0x82: {  	_ =	shalt  }
0x83: {  	_ =	shalt  }
0x84: {  	_ =	shalt  }
0x85: {  	_ =	shalt  }
0x86: {  	_ =	shalt  }
0x87: {  	_ =	shalt  }
.Lfunc_end0:
.L_simem_size_0:
called_computation_lowered:
.L_overlay_start_0:
0x88: {  	s2 =	sld [smem:$0x3FD9]  }
0x89: {  	s3 =	sld [smem:$0x3FFE];
	_ =	sdelay $0x1  }
0x8a: {  	s1 =	srdreg.scid  }
0x8b: {  	s0 =	sand.u32 $0x1, s1  }
0x8c: {  	s16 =	sshll.u32 s0, $0xA;
	s2 =	sadd.s32 s3, s2  }
0x8d: {  	s2 =	sadd.s32 s2, s16  }
0x8e: {  	[smem:$0x3FC2] =	sst s2  }
0x8f: {  	_ = 	snop  }
0x90: {  	(tm) =	ssettm $0x1  }
0x91: {  	s17 =	sld [smem:$0x3FFB];
	_ =	sdelay $0x3  }
0x92: {  	_ =	strace s17  }
0x93: {  	s2 =	sld [smem:$0x3FFC];
	_ =	sdelay $0x3  }
0x94: {  	_ =	strace s2  }
0x95: {  	s2 =	sld [smem:$0x3FFD];
	_ =	sdelay $0x3  }
0x96: {  	_ =	strace s2  }
0x97: {  	_ =	strace $0x8FFFFFFF  }
0x98: {  	s18 =	sld [smem:$0x3FDB];
	_ =	sdelay $0x1  }
0x99: {  	s19 =	simm.s32 $_scs_section_size  }
0x9a: {  	s4 =	simm.s32 $_size__tile_overlayer_lowered;
	s5 =	simm.s32 $_tile_overlayer_lowered  }
0x9b: {  	s22 =	simm.s32 $0x1BFF;
	s21 =	sshll.u32 s5, $0x1;
	s2 =	sadd.s32 s19, s18  }
0x9c: {  	s6 =	simm.s32 $0x0;
	s20 =	sshll.u32 s4, $0x1;
	s4 =	sadd.s32 s21, s2  }
0x9d: {  	[timem:s6], [sflag:s22] =	dma.local [hbm:s4], s20  }
0x9e: {  	_ =	swait.ge [sflag:s22], s20  }
0x9f: {  	s3 =	ssub.s32 $0x0, s20;
	[sflag:s22] =	ssyncset.done $0x0  }
0xa0: {  	[sflag:s22] =	ssyncadd.s32 s3;
	_ =	sdelay $0x1  }
0xa1: {  	s23 =	simm.s32 $0x1B8B  }
0xa2: {  	_ =	swait.ge [sflag:s23], $0x1  }
0xa3: {  	[sflag:s23] =	ssyncset.done $0x0  }
0xa4: {  	s25 =	simm.s32 $0x1B8E;
	s24 =	sld [smem:$0x3FFE];
	[sflag:s23] =	ssyncadd.s32 $0xFFFFFFFF  }
0xa5: {  	s26 =	simm.s32 $execute0_lowered;
	[smem:$0x3FD2] =	sst s25  }
0xa6: {  	s4 =	sshll.u32 s26, $0x1;
	_ =	strace $0x80000046;
	[dreg:$0x1] =	wrdreg $0xFFFFFFFF  }
0xa7: {  	s28 =	simm.s32 $_size_execute0_lowered;
	s2 =	sadd.s32 s2, s4;
	[dreg:$0x0] =	wrdreg $0x0  }
0xa8: {  	s4 =	sshll.u32 s28, $0x1;
	[dreg:$0x2] =	wrdreg s2  }
0xa9: {  	[dreg:$0x3] =	wrdreg s4  }
0xaa: {  	[dreg:$0x4] =	wrdreg $0xC0  }
0xab: {  	_ =	task [dreg:s6], $0x5FFFF  }
0xac: {  	[dreg:$0x1] =	wrdreg $0xFFFFFFFF  }
0xad: {  	[dreg:$0x0] =	wrdreg $0x60  }
0xae: {  	[dreg:$0x2] =	wrdreg s24  }
0xaf: {  	[dreg:$0x3] =	wrdreg $0x4F100  }
0xb0: {  	[dreg:$0x4] =	wrdreg $0x9  }
0xb1: {  	_ =	task.clear_ibuf [dreg:s6], $0x5FFFF;
	_ =	strace $0x90000046  }
0xb2: {  	s29 =	simm.s32 $0x9;
	_ =	strace $0x80000048  }
0xb3: {  	_ =	swait.ge [sflag:s29], $0x1  }
0xb4: {  	[sflag:s29] =	ssyncadd.s32 $0xFFFFFFFF  }
0xb5: {  	_ =	strace $0x90000048  }
0xb6: {  	_ =	sfence  }
0xb7: {  	s30 =	sld [smem:$0x0];
	_ =	sdelay $0x2  }
0xb8: {  	s31 =	sshll.u32 s1, $0xD;
	s1 =	sshrl.u32 s1, $0x2  }
0xb9: {  	s3 =	sand.u32 $0x4000, s31;
	s1 =	sadd.s32 s1, s30  }
0xba: {  	s0 =	sor.u32 s3, s0;
	s1 =	sshll.u32 s1, $0x11  }
0xbb: {  	s0 =	sor.u32 s1, s0  }
0xbc: {  	s0 =	sadd.s32 $0x8F2B, s0  }
0xbd: {  	[sflag:s0] =	ssyncadd.remote.s32 $0x1  }
0xbe: {  	_ =	sfence.sel $0xFFFF  }
0xbf: {  	[dreg:$0x0] =	wrdreg $0xFFFFFFFF;
	(pc) =	sbr.abs _section_cstart, $3  }
0xc0: {  	[dreg:$0x1] =	wrdreg $0xFFFFFFFF  }
0xc1: {  	_ =	task.clear_ibuf [dreg:s6], $0x2FFFF;
	_ =	strace $0x9FFFFFFF  }
0xc2: {  	(tm) =	ssettm $0x7FFFFFFF  }
0xc3: {  	_ =	shalt  }
tec
execute0_lowered:
.L_overlay_start_1:
0x0: {  	(tag) =	ssettag $0x1  }
0x1: {  	s1 =	srdreg.scid;
	s4 =	rddreg [dreg:$0x0]  }
0x2: {  	s0 =	stileid.u32;
	s2 =	rddreg [dreg:$0x1];
	s3 =	simm.s32 $0x0  }
0x3: {  	s10 =	simm.s32 $0x80;
	s11 =	simm.s32 $0x1;
	s5 =	sand.u32 $0x1, s1  }
0x4: {  	s6 =	smul.u32 $0x2710, s0;
	s7 =	sshll.u32 s0, $0x1;
	s1 =	rddreg [dreg:$0x2]  }
0x5: {  	[smem:$0x7FF] =	sst s3;
	s12 =	sshll.u32 s0, $0x6;
	s8 =	smul.u32 $0x27100, s5  }
0x6: {  	s7 =	sor.u32 s5, s7;
	_ =	strace $0x80000047;
	s5 =	ssub.s32 $0x2, s5  }
0x7: {  	s12 =	sor.u32 $0x1C02, s12;
	s7 =	smul.u32 $0x500, s7;
	s31 =	sshrl.u32 s5, $0x1  }
0x8: {  	s8 =	sadd.s32 s6, s8;
	s9 =	ssub.s32 s5, s31;
	s5 =	sadd.s32 s6, s2  }
0x9: {  	s8 =	sshrl.u32 s8, $0x3;
	s7 =	sadd.s32 s7, s4;
	s13 =	sshrl.u32 s5, $0x3  }
0xa: {  	s8 =	sadd.s32 s8, s4;
	s4 =	sadd.s32 $0xC000, s7;
	s7 =	smax.u32 s9, $0x1  }
0xb: {  	v0 =	vimm.f32 $1.000000000e+00;
	s9 =	simm.s32 $0x2800;
	s6 =	sadd.s32 $0x16000, s8;
	s8 =	simm.s32 $0x2  }
.LBB2_1:
0xc: {  	s14 =	simm.s32 $0x40;
	s15 =	simm.s32 $0x0  }
.LBB2_2:
0xd: {  	p0 =	sne.s32 s14, $0x9C00;
	[tilespmem:s15+$0x2800] =	vst v0;
	s15 =	smov.u32 s14;
	s14 =	sadd.s32 $0x40, s14  }
.Ltmp0:
0xe: {  	(pc) =	sbr.rel @p0 .LBB2_2-.Ltmp0, $2  }
0xf: {  	_ =	sdelay $0x2  }
0x10: {  	s15 =	sshra.s32 s15, $0x2  }
0x11: {  	[tilespmem:s15+$0x2800] =	vst v0;
	s14 =	simm.s32 $0x0  }
0x12: {  	[tilespmem:s14], [sflag:$0x2] =	stream.linear.gather [hbm4b:s4+s14], $0x2800, $0x38;
	[tilespmem:$0x76A0] =	vst v63  }
0x13: {  	_ =	swait.ge [sflag:s8], $0x2800  }
0x14: {  	[sflag:s8] =	ssyncset.done $0x0  }
0x15: {  	[sflag:s8] =	ssyncadd.s32 $0xFFFFD800  }
0x16: {  	[spmem:s5] =	stream.linear.scatter [tilespmem:s9], [sflag:$0x2], $0x2710, $0x38;
	[tilespmem:$0x76A0] =	vst v63  }
0x17: {  	_ =	swait.ge [sflag:s8], $0x2710  }
0x18: {  	[sflag:s8] =	ssyncset.done $0x0  }
0x19: {  	[sflag:s8] =	ssyncadd.s32 $0xFFFFD8F0  }
0x1a: {  	[bflag:$0x0] =	sbarrier.arrive $0xFFFF  }
.LBB2_4:
0x1b: {  	p0 =	sne.s32 s14, $0x9E00  }
.Ltmp1:
0x1c: {  	_ = 	snop;
	(pc) =	sbr.rel @p0 .LBB2_4-.Ltmp1, $3  }
0x1d: {  	_ =	sdelay $0x1  }
0x1e: {  	s15 =	sshra.s32 s14, $0x2;
	s14 =	sadd.s32 $0x200, s14  }
0x1f: {  	[spmem:s2] =	stream.indirect.scatter.add.f32 [tilespmem:s9], [sflag:$0x1], $0x10, s15, s10, $0xb8;
	[tilespmem:$0x76A0] =	vst v63  }
0x20: {  	_ =	swait.ge [sflag:s11], $0x800  }
0x21: {  	s14 =	simm.s32 $0x4F;
	[sflag:s11] =	ssyncset.done $0x0  }
.LBB2_6:
0x22: {  	p0 =	sne.s32 s14, $0x1;
	s14 =	sadd.s32 $0xFFFFFFFF, s14;
	[sflag:s11] =	ssyncadd.s32 $0xFFFFF800  }
.Ltmp2:
0x23: {  	(pc) =	sbr.rel @p0 .LBB2_6-.Ltmp2, $3  }
0x24: {  	_ =	sdelay $0x1  }
0x25: {  	_ =	swait.ge [sflag:s11], $0x800  }
0x26: {  	[sflag:s11] =	ssyncset.done $0x0  }
0x27: {  	s3 =	sadd.s32 $0x1, s3  }
0x28: {  	[sflag:s11] =	ssyncadd.s32 $0xFFFFF800;
	p0 =	sne.s32 s3, s7  }
.Ltmp3:
0x29: {  	[bflag:$0x0] =	sbarrier.arrive $0xFFFF;
	(pc) =	sbr.rel @p0 .LBB2_1-.Ltmp3, $4  }
0x2a: {  	[hbm:s6], [sflag:s12] =	dma.local [spmem:s13], $0x4E2  }
0x2b: {  	_ =	swait.ge [sflag:s8], $0x4E2  }
0x2c: {  	[sflag:s8] =	ssyncset.done $0x0  }
0x2d: {  	[sflag:s8] =	ssyncadd.s32 $0xFFFFFB1E  }
0x2e: {  	_ =	sfence.sel $0x180000  }
0x2f: {  	[bflag:$0x0] =	sbarrier.arrive $0xFFFF  }
0x30: {  	p0 =	sne.s32 s0, $0x0;
	_ =	strace $0x90000047  }
0x31: {  	s0 =	sadd.s32 @!p0 $0x100000, s1;
	[bflag:$0x2] =	sbarrier.arrive $0xFFFF  }
0x32: {  	[sflag:s0] =	ssyncadd.tile.s32 @!p0 $0x1;
	_ =	shalt  }
.Lfunc_end2:
_tile_overlayer_lowered:
.L_overlay_start_2:
0x33: {  	(tag) =	ssettag $0x2  }
0x34: {  	s0 =	rddreg [dreg:$0x0];
	s2 =	stileid.u32  }
0x35: {  	s1 =	rddreg [dreg:$0x1];
	p0 =	sne.s32 s2, $0x0  }
0x36: {  	s3 =	rddreg [dreg:$0x2];
	[bflag:$0x3] =	sbarrier.arrive $0xFFFF;
	s2 =	simm.s32 @!p0 $0x1C02  }
0x37: {  	[timem:s3], [sflag:s2] =	dma.local @!p0 [hbm:s0], s1  }
0x38: {  	s0 =	simm.s32 @!p0 $0x2  }
0x39: {  	_ =	swait.ge @!p0 [sflag:s0], s1  }
0x3a: {  	s1 =	ssub.s32 @!p0 $0x0, s1;
	[sflag:s0] =	ssyncset.done @!p0 $0x0  }
0x3b: {  	[sflag:s0] =	ssyncadd.s32 @!p0 s1  }
0x3c: {  	[bflag:$0x3] =	sbarrier.arrive $0xFFFF  }
0x3d: {  	_ =	shalt  }

</sc_bundles>
